<compile_context>
chip_gen: v7x
topology: tpu7x:2x2x1
jax: 0.10.2.dev20260603
libtpu: 0.0.44.dev20260713+nightly
codegen_flags: <defaults>
</compile_context>

<pallas_src>
import functools

import jax
import jax.numpy as jnp
from jax import lax
from jax.experimental import pallas as pl
from jax.experimental.pallas import tpu as pltpu
from jax.experimental.pallas import tpu_sc as plsc

PAD_ID = 0

_NC = 2
_NS = 16
_NW = _NC * _NS
_L = 16
_BB = 16
_SB = 40


@functools.cache
def _make_gather(v, d, max_pos, batch, seq):
  assert batch % (_NW * _BB) == 0 and seq % _SB == 0 and _SB % 8 == 0
  bbp = _BB + 1
  b_per_w = batch // _NW
  nb = b_per_w // _BB
  ns = seq // _SB
  ntok = _BB * _SB
  mesh = plsc.VectorSubcoreMesh(core_axis_name="c", subcore_axis_name="s")

  @functools.partial(
      pl.kernel,
      out_type=jax.ShapeDtypeStruct((seq * d, batch), jnp.float32),
      mesh=mesh,
      scratch_types=[
          pltpu.VMEM((_BB, _SB), jnp.int32),
          pltpu.VMEM((ntok, d), jnp.float32),
          pltpu.VMEM((_SB * d, bbp), jnp.float32),
          pltpu.VMEM((max_pos, d), jnp.float32),
          pltpu.SemaphoreType.DMA,
          pltpu.SemaphoreType.DMA,
      ],
      compiler_params=pltpu.CompilerParams(
          use_tc_tiling_on_sc=False, needs_layout_passes=False
      ),
  )
  def gather_k(tok_hbm, table_hbm, pos_hbm, out_hbm,
               idxb, rows, outs, posbuf, gs, ws):
    wid = lax.axis_index("s") * _NC + lax.axis_index("c")
    b_base = wid * b_per_w
    iota16 = lax.iota(jnp.int32, _L)

    pltpu.sync_copy(pos_hbm, posbuf)

    def drain_write():
      pltpu.make_async_copy(
          outs.at[:, pl.ds(0, _BB)],
          out_hbm.at[pl.ds(0, _SB * d), pl.ds(0, _BB)],
          ws,
      ).wait()

    def block(bi, si, drain_first):
      b0 = b_base + bi * _BB
      s0 = si * _SB
      pltpu.sync_copy(
          tok_hbm.at[pl.ds(b0, _BB), pl.ds(s0, _SB)], idxb
      )
      for i in range(_BB):
        pltpu.async_copy(
            table_hbm.at[idxb.at[i]], rows.at[pl.ds(i * _SB, _SB)], gs
        )
      if drain_first:
        drain_write()
      pltpu.make_async_copy(table_hbm.at[pl.ds(0, ntok)], rows, gs).wait()

      @plsc.parallel_loop(0, _SB, unroll=4)
      def srow(sl):
        tvec = plsc.load_gather(idxb, [iota16, jnp.full((_L,), sl, jnp.int32)])
        mvec = jnp.where(tvec != PAD_ID, 1.0, 0.0).astype(jnp.float32)
        pos4 = [posbuf[s0 + sl, pl.ds(jg * _L, _L)] for jg in range(d // _L)]
        rbase = sl * d
        rvecs = [iota16 + (rbase + jg * _L) for jg in range(d // _L)]
        for b in range(_BB):
          m = jnp.full((_L,), mvec[b])
          cvec = jnp.full((_L,), b, jnp.int32)
          trow = b * _SB + sl
          for jg in range(d // _L):
            val = rows[trow, pl.ds(jg * _L, _L)] * m + pos4[jg]
            plsc.store_scatter(outs, [rvecs[jg], cvec], val)

      pltpu.async_copy(
          outs.at[:, pl.ds(0, _BB)],
          out_hbm.at[pl.ds(s0 * d, _SB * d), pl.ds(b0, _BB)],
          ws,
      )

    def outer(i):
      block(lax.div(i, ns), lax.rem(i, ns), True)

    block(0, 0, False)
    pl.loop(1, nb * ns)(outer)
    drain_write()

  return gather_k


def kernel(tokens, embed_weight, pos_weight):
  batch, seq = tokens.shape
  v, d = embed_weight.shape
  max_pos = pos_weight.shape[0]
  tok32 = tokens.astype(jnp.int32)
  out_t = _make_gather(v, d, max_pos, batch, seq)(
      tok32, embed_weight, pos_weight
  )
  return out_t.reshape(seq, d, batch).transpose(2, 0, 1)

# --- scband reference (transcript-rebuilt; emitter-appended) ---
"""Pipeline reference for scband-child-decoder-base-5265629905638 (READ-ONLY COPY).

The authoritative reference and input builder live on the scoring server;
editing this copy changes nothing except your own understanding.
"""

import jax, jax.numpy as jnp
import numpy as np

VOCAB = 1000000
EMBED_DIM = 64
BATCH = 4096
SEQ = 200
MAX_POS = 256
PAD_ID = 0

def setup_inputs(seed: int = 0) -> dict:
    key = jax.random.key(seed)
    k1, k2, k3 = jax.random.split(key, 3)
    tokens = jax.random.randint(k1, (BATCH, SEQ), 0, VOCAB, dtype=jnp.int64)
    embed_weight = jax.random.normal(k2, (VOCAB, EMBED_DIM), dtype=jnp.float32)
    pos_weight = jax.random.normal(k3, (MAX_POS, EMBED_DIM), dtype=jnp.float32)
    return {"tokens": tokens, "embed_weight": embed_weight, "pos_weight": pos_weight}

def reference(tokens, embed_weight, pos_weight):
    # ChildDecoderBase._embed_tokens: token embedding lookup with padding_idx=0
    emb = jnp.take(embed_weight, tokens, axis=0)
    pad_mask = (tokens != PAD_ID)[..., None].astype(emb.dtype)
    emb = emb * pad_mask  # emulate nn.Embedding padding_idx (zero vector for PAD)
    # embed_positions: learned positional embedding added to token embedding
    pos_ids = jnp.arange(tokens.shape[1])
    pos = jnp.take(pos_weight, pos_ids, axis=0)
    return emb + pos[None, :, :]

if __name__ == "__main__":
    import jax
    _d = setup_inputs()
    print(jax.jit(kernel)(*tuple(_d.values())))

</pallas_src>

<mosaic_0001>
#map = affine_map<(d0, d1) -> (0, 0)>
module attributes {stable_mosaic.version = 14 : i64} {
  func.func @gather_k(%arg0: i32, %arg1: i32, %arg2: memref<4096x200xi32, #tpu.memory_space<hbm>>, %arg3: memref<1000000x64xf32, #tpu.memory_space<hbm>>, %arg4: memref<256x64xf32, #tpu.memory_space<hbm>>, %arg5: memref<12800x4096xf32, #tpu.memory_space<hbm>>, %arg6: memref<16x40xi32, #tpu.memory_space<vmem>>, %arg7: memref<640x64xf32, #tpu.memory_space<vmem>>, %arg8: memref<2560x17xf32, #tpu.memory_space<vmem>>, %arg9: memref<256x64xf32, #tpu.memory_space<vmem>>, %arg10: memref<!tpu.dma_semaphore, #tpu.memory_space<semaphore_mem>>, %arg11: memref<!tpu.dma_semaphore, #tpu.memory_space<semaphore_mem>>) attributes {dimension_semantics = [#tpu.dimension_semantics<core_parallel>, #tpu.dimension_semantics<subcore_parallel>], iteration_bounds = array<i64: 2, 16>, scalar_prefetch = 0 : i64, scratch_operands = 6 : i64, tpu.core_type = #tpu.core_type<sc_vector_subcore>, window_params = [{transform_indices = #map}, {transform_indices = #map}, {transform_indices = #map}, {transform_indices = #map}]} {
    %mul3A = arith.constant 2 : i32
    %mul3A_0 = arith.muli %arg1, %mul3A : i32
    %add3A = arith.addi %mul3A_0, %arg0 : i32
    %mul3A_1 = arith.constant 128 : i32
    %mul3A_2 = arith.muli %add3A, %mul3A_1 : i32
    %iota3A = tpu.iota {dimensions = array<i32: 0>} : vector<16xi32>
    "tpu.region"() ({
      %run_scoped3A = tpu.sem_alloc : memref<!tpu.dma_semaphore, #tpu.memory_space<semaphore_mem>>
      tpu.enqueue_dma source(%arg4 : memref<256x64xf32, #tpu.memory_space<hbm>>) target(%arg9 : memref<256x64xf32, #tpu.memory_space<vmem>>) target_semaphore(%run_scoped3A : memref<!tpu.dma_semaphore, #tpu.memory_space<semaphore_mem>>)
      tpu.wait_dma2 semaphore(%run_scoped3A : memref<!tpu.dma_semaphore, #tpu.memory_space<semaphore_mem>>) src(%arg4 : memref<256x64xf32, #tpu.memory_space<hbm>>) dst(%arg9 : memref<256x64xf32, #tpu.memory_space<vmem>>)
      tpu.yield
    }) : () -> ()
    %add3A_3 = arith.constant 0 : i32
    %add3A_4 = arith.addi %mul3A_2, %add3A_3 : i32
    "tpu.region"() ({
      %run_scoped3A = tpu.sem_alloc : memref<!tpu.dma_semaphore, #tpu.memory_space<semaphore_mem>>
      %dma_start3A_197 = arith.constant 0 : i32
      %dma_start3A_198 = tpu.memref_slice %arg2[%add3A_4, %dma_start3A_197] : memref<4096x200xi32, #tpu.memory_space<hbm>> -> memref<16x40xi32, #tpu.memory_space<hbm>>
      %dma_start3A_199 = arith.constant 0 : i32
      %dma_start3A_200 = tpu.memref_slice %arg2[%add3A_4, %dma_start3A_199] : memref<4096x200xi32, #tpu.memory_space<hbm>> -> memref<16x40xi32, #tpu.memory_space<hbm>>
      tpu.enqueue_dma source(%dma_start3A_200 : memref<16x40xi32, #tpu.memory_space<hbm>>) target(%arg6 : memref<16x40xi32, #tpu.memory_space<vmem>>) target_semaphore(%run_scoped3A : memref<!tpu.dma_semaphore, #tpu.memory_space<semaphore_mem>>)
      %dma_wait3A_201 = arith.constant 0 : i32
      %dma_wait3A_202 = tpu.memref_slice %arg2[%add3A_4, %dma_wait3A_201] : memref<4096x200xi32, #tpu.memory_space<hbm>> -> memref<16x40xi32, #tpu.memory_space<hbm>>
      %dma_wait3A_203 = arith.constant 0 : i32
      %dma_wait3A_204 = tpu.memref_slice %arg2[%add3A_4, %dma_wait3A_203] : memref<4096x200xi32, #tpu.memory_space<hbm>> -> memref<16x40xi32, #tpu.memory_space<hbm>>
      tpu.wait_dma2 semaphore(%run_scoped3A : memref<!tpu.dma_semaphore, #tpu.memory_space<semaphore_mem>>) src(%dma_wait3A_204 : memref<16x40xi32, #tpu.memory_space<hbm>>) dst(%arg6 : memref<16x40xi32, #tpu.memory_space<vmem>>)
      tpu.yield
    }) : () -> ()
    %dma_start3A = arith.constant 0 : i32
    %dma_start3A_5 = arith.constant 0 : i32
    %dma_start3A_6 = arith.constant 0 : i32
    %dma_start3A_7 = tpu.memref_slice %arg7[%dma_start3A_5, %dma_start3A_6] : memref<640x64xf32, #tpu.memory_space<vmem>> -> memref<40x64xf32, #tpu.memory_space<vmem>>
    %dma_start3A_8 = arith.constant 0 : i32
    %dma_start3A_9 = tpu.memref_slice %arg6[%dma_start3A, %dma_start3A_8] : memref<16x40xi32, #tpu.memory_space<vmem>> -> memref<1x40xi32, #tpu.memory_space<vmem>>
    %dma_start3A_10 = tpu.memref_squeeze %dma_start3A_9 : memref<1x40xi32, #tpu.memory_space<vmem>> -> memref<40xi32, #tpu.memory_space<vmem>>
    %dma_start3A_11 = arith.constant 0 : i32
    %dma_start3A_12 = arith.constant 0 : i32
    %dma_start3A_13 = tpu.memref_slice %arg3[%dma_start3A_11, %dma_start3A_12] : memref<1000000x64xf32, #tpu.memory_space<hbm>> -> memref<1000000x64xf32, #tpu.memory_space<hbm>>
    tpu.enqueue_indirect_dma source(%dma_start3A_13 : memref<1000000x64xf32, #tpu.memory_space<hbm>>) target(%dma_start3A_7 : memref<40x64xf32, #tpu.memory_space<vmem>>) offsets(%dma_start3A_10 : memref<40xi32, #tpu.memory_space<vmem>>) semaphore(%arg10 : memref<!tpu.dma_semaphore, #tpu.memory_space<semaphore_mem>>)
    %dma_start3A_14 = arith.constant 1 : i32
    %dma_start3A_15 = arith.constant 40 : i32
    %dma_start3A_16 = arith.constant 0 : i32
    %dma_start3A_17 = tpu.memref_slice %arg7[%dma_start3A_15, %dma_start3A_16] : memref<640x64xf32, #tpu.memory_space<vmem>> -> memref<40x64xf32, #tpu.memory_space<vmem>>
    %dma_start3A_18 = arith.constant 0 : i32
    %dma_start3A_19 = tpu.memref_slice %arg6[%dma_start3A_14, %dma_start3A_18] : memref<16x40xi32, #tpu.memory_space<vmem>> -> memref<1x40xi32, #tpu.memory_space<vmem>>
    %dma_start3A_20 = tpu.memref_squeeze %dma_start3A_19 : memref<1x40xi32, #tpu.memory_space<vmem>> -> memref<40xi32, #tpu.memory_space<vmem>>
    %dma_start3A_21 = arith.constant 0 : i32
    %dma_start3A_22 = arith.constant 0 : i32
    %dma_start3A_23 = tpu.memref_slice %arg3[%dma_start3A_21, %dma_start3A_22] : memref<1000000x64xf32, #tpu.memory_space<hbm>> -> memref<1000000x64xf32, #tpu.memory_space<hbm>>
    tpu.enqueue_indirect_dma source(%dma_start3A_23 : memref<1000000x64xf32, #tpu.memory_space<hbm>>) target(%dma_start3A_17 : memref<40x64xf32, #tpu.memory_space<vmem>>) offsets(%dma_start3A_20 : memref<40xi32, #tpu.memory_space<vmem>>) semaphore(%arg10 : memref<!tpu.dma_semaphore, #tpu.memory_space<semaphore_mem>>)
    %dma_start3A_24 = arith.constant 2 : i32
    %dma_start3A_25 = arith.constant 80 : i32
    %dma_start3A_26 = arith.constant 0 : i32
    %dma_start3A_27 = tpu.memref_slice %arg7[%dma_start3A_25, %dma_start3A_26] : memref<640x64xf32, #tpu.memory_space<vmem>> -> memref<40x64xf32, #tpu.memory_space<vmem>>
    %dma_start3A_28 = arith.constant 0 : i32
    %dma_start3A_29 = tpu.memref_slice %arg6[%dma_start3A_24, %dma_start3A_28] : memref<16x40xi32, #tpu.memory_space<vmem>> -> memref<1x40xi32, #tpu.memory_space<vmem>>
    %dma_start3A_30 = tpu.memref_squeeze %dma_start3A_29 : memref<1x40xi32, #tpu.memory_space<vmem>> -> memref<40xi32, #tpu.memory_space<vmem>>
    %dma_start3A_31 = arith.constant 0 : i32
    %dma_start3A_32 = arith.constant 0 : i32
    %dma_start3A_33 = tpu.memref_slice %arg3[%dma_start3A_31, %dma_start3A_32] : memref<1000000x64xf32, #tpu.memory_space<hbm>> -> memref<1000000x64xf32, #tpu.memory_space<hbm>>
    tpu.enqueue_indirect_dma source(%dma_start3A_33 : memref<1000000x64xf32, #tpu.memory_space<hbm>>) target(%dma_start3A_27 : memref<40x64xf32, #tpu.memory_space<vmem>>) offsets(%dma_start3A_30 : memref<40xi32, #tpu.memory_space<vmem>>) semaphore(%arg10 : memref<!tpu.dma_semaphore, #tpu.memory_space<semaphore_mem>>)
    %dma_start3A_34 = arith.constant 3 : i32
    %dma_start3A_35 = arith.constant 120 : i32
    %dma_start3A_36 = arith.constant 0 : i32
    %dma_start3A_37 = tpu.memref_slice %arg7[%dma_start3A_35, %dma_start3A_36] : memref<640x64xf32, #tpu.memory_space<vmem>> -> memref<40x64xf32, #tpu.memory_space<vmem>>
    %dma_start3A_38 = arith.constant 0 : i32
    %dma_start3A_39 = tpu.memref_slice %arg6[%dma_start3A_34, %dma_start3A_38] : memref<16x40xi32, #tpu.memory_space<vmem>> -> memref<1x40xi32, #tpu.memory_space<vmem>>
    %dma_start3A_40 = tpu.memref_squeeze %dma_start3A_39 : memref<1x40xi32, #tpu.memory_space<vmem>> -> memref<40xi32, #tpu.memory_space<vmem>>
    %dma_start3A_41 = arith.constant 0 : i32
    %dma_start3A_42 = arith.constant 0 : i32
    %dma_start3A_43 = tpu.memref_slice %arg3[%dma_start3A_41, %dma_start3A_42] : memref<1000000x64xf32, #tpu.memory_space<hbm>> -> memref<1000000x64xf32, #tpu.memory_space<hbm>>
    tpu.enqueue_indirect_dma source(%dma_start3A_43 : memref<1000000x64xf32, #tpu.memory_space<hbm>>) target(%dma_start3A_37 : memref<40x64xf32, #tpu.memory_space<vmem>>) offsets(%dma_start3A_40 : memref<40xi32, #tpu.memory_space<vmem>>) semaphore(%arg10 : memref<!tpu.dma_semaphore, #tpu.memory_space<semaphore_mem>>)
    %dma_start3A_44 = arith.constant 4 : i32
    %dma_start3A_45 = arith.constant 160 : i32
    %dma_start3A_46 = arith.constant 0 : i32
    %dma_start3A_47 = tpu.memref_slice %arg7[%dma_start3A_45, %dma_start3A_46] : memref<640x64xf32, #tpu.memory_space<vmem>> -> memref<40x64xf32, #tpu.memory_space<vmem>>
    %dma_start3A_48 = arith.constant 0 : i32
    %dma_start3A_49 = tpu.memref_slice %arg6[%dma_start3A_44, %dma_start3A_48] : memref<16x40xi32, #tpu.memory_space<vmem>> -> memref<1x40xi32, #tpu.memory_space<vmem>>
    %dma_start3A_50 = tpu.memref_squeeze %dma_start3A_49 : memref<1x40xi32, #tpu.memory_space<vmem>> -> memref<40xi32, #tpu.memory_space<vmem>>
    %dma_start3A_51 = arith.constant 0 : i32
    %dma_start3A_52 = arith.constant 0 : i32
    %dma_start3A_53 = tpu.memref_slice %arg3[%dma_start3A_51, %dma_start3A_52] : memref<1000000x64xf32, #tpu.memory_space<hbm>> -> memref<1000000x64xf32, #tpu.memory_space<hbm>>
    tpu.enqueue_indirect_dma source(%dma_start3A_53 : memref<1000000x64xf32, #tpu.memory_space<hbm>>) target(%dma_start3A_47 : memref<40x64xf32, #tpu.memory_space<vmem>>) offsets(%dma_start3A_50 : memref<40xi32, #tpu.memory_space<vmem>>) semaphore(%arg10 : memref<!tpu.dma_semaphore, #tpu.memory_space<semaphore_mem>>)
    %dma_start3A_54 = arith.constant 5 : i32
    %dma_start3A_55 = arith.constant 200 : i32
    %dma_start3A_56 = arith.constant 0 : i32
    %dma_start3A_57 = tpu.memref_slice %arg7[%dma_start3A_55, %dma_start3A_56] : memref<640x64xf32, #tpu.memory_space<vmem>> -> memref<40x64xf32, #tpu.memory_space<vmem>>
    %dma_start3A_58 = arith.constant 0 : i32
    %dma_start3A_59 = tpu.memref_slice %arg6[%dma_start3A_54, %dma_start3A_58] : memref<16x40xi32, #tpu.memory_space<vmem>> -> memref<1x40xi32, #tpu.memory_space<vmem>>
    %dma_start3A_60 = tpu.memref_squeeze %dma_start3A_59 : memref<1x40xi32, #tpu.memory_space<vmem>> -> memref<40xi32, #tpu.memory_space<vmem>>
    %dma_start3A_61 = arith.constant 0 : i32
    %dma_start3A_62 = arith.constant 0 : i32
    %dma_start3A_63 = tpu.memref_slice %arg3[%dma_start3A_61, %dma_start3A_62] : memref<1000000x64xf32, #tpu.memory_space<hbm>> -> memref<1000000x64xf32, #tpu.memory_space<hbm>>
    tpu.enqueue_indirect_dma source(%dma_start3A_63 : memref<1000000x64xf32, #tpu.memory_space<hbm>>) target(%dma_start3A_57 : memref<40x64xf32, #tpu.memory_space<vmem>>) offsets(%dma_start3A_60 : memref<40xi32, #tpu.memory_space<vmem>>) semaphore(%arg10 : memref<!tpu.dma_semaphore, #tpu.memory_space<semaphore_mem>>)
    %dma_start3A_64 = arith.constant 6 : i32
    %dma_start3A_65 = arith.constant 240 : i32
    %dma_start3A_66 = arith.constant 0 : i32
    %dma_start3A_67 = tpu.memref_slice %arg7[%dma_start3A_65, %dma_start3A_66] : memref<640x64xf32, #tpu.memory_space<vmem>> -> memref<40x64xf32, #tpu.memory_space<vmem>>
    %dma_start3A_68 = arith.constant 0 : i32
    %dma_start3A_69 = tpu.memref_slice %arg6[%dma_start3A_64, %dma_start3A_68] : memref<16x40xi32, #tpu.memory_space<vmem>> -> memref<1x40xi32, #tpu.memory_space<vmem>>
    %dma_start3A_70 = tpu.memref_squeeze %dma_start3A_69 : memref<1x40xi32, #tpu.memory_space<vmem>> -> memref<40xi32, #tpu.memory_space<vmem>>
    %dma_start3A_71 = arith.constant 0 : i32
    %dma_start3A_72 = arith.constant 0 : i32
    %dma_start3A_73 = tpu.memref_slice %arg3[%dma_start3A_71, %dma_start3A_72] : memref<1000000x64xf32, #tpu.memory_space<hbm>> -> memref<1000000x64xf32, #tpu.memory_space<hbm>>
    tpu.enqueue_indirect_dma source(%dma_start3A_73 : memref<1000000x64xf32, #tpu.memory_space<hbm>>) target(%dma_start3A_67 : memref<40x64xf32, #tpu.memory_space<vmem>>) offsets(%dma_start3A_70 : memref<40xi32, #tpu.memory_space<vmem>>) semaphore(%arg10 : memref<!tpu.dma_semaphore, #tpu.memory_space<semaphore_mem>>)
    %dma_start3A_74 = arith.constant 7 : i32
    %dma_start3A_75 = arith.constant 280 : i32
    %dma_start3A_76 = arith.constant 0 : i32
    %dma_start3A_77 = tpu.memref_slice %arg7[%dma_start3A_75, %dma_start3A_76] : memref<640x64xf32, #tpu.memory_space<vmem>> -> memref<40x64xf32, #tpu.memory_space<vmem>>
    %dma_start3A_78 = arith.constant 0 : i32
    %dma_start3A_79 = tpu.memref_slice %arg6[%dma_start3A_74, %dma_start3A_78] : memref<16x40xi32, #tpu.memory_space<vmem>> -> memref<1x40xi32, #tpu.memory_space<vmem>>
    %dma_start3A_80 = tpu.memref_squeeze %dma_start3A_79 : memref<1x40xi32, #tpu.memory_space<vmem>> -> memref<40xi32, #tpu.memory_space<vmem>>
    %dma_start3A_81 = arith.constant 0 : i32
    %dma_start3A_82 = arith.constant 0 : i32
    %dma_start3A_83 = tpu.memref_slice %arg3[%dma_start3A_81, %dma_start3A_82] : memref<1000000x64xf32, #tpu.memory_space<hbm>> -> memref<1000000x64xf32, #tpu.memory_space<hbm>>
    tpu.enqueue_indirect_dma source(%dma_start3A_83 : memref<1000000x64xf32, #tpu.memory_space<hbm>>) target(%dma_start3A_77 : memref<40x64xf32, #tpu.memory_space<vmem>>) offsets(%dma_start3A_80 : memref<40xi32, #tpu.memory_space<vmem>>) semaphore(%arg10 : memref<!tpu.dma_semaphore, #tpu.memory_space<semaphore_mem>>)
    %dma_start3A_84 = arith.constant 8 : i32
    %dma_start3A_85 = arith.constant 320 : i32
    %dma_start3A_86 = arith.constant 0 : i32
    %dma_start3A_87 = tpu.memref_slice %arg7[%dma_start3A_85, %dma_start3A_86] : memref<640x64xf32, #tpu.memory_space<vmem>> -> memref<40x64xf32, #tpu.memory_space<vmem>>
    %dma_start3A_88 = arith.constant 0 : i32
    %dma_start3A_89 = tpu.memref_slice %arg6[%dma_start3A_84, %dma_start3A_88] : memref<16x40xi32, #tpu.memory_space<vmem>> -> memref<1x40xi32, #tpu.memory_space<vmem>>
    %dma_start3A_90 = tpu.memref_squeeze %dma_start3A_89 : memref<1x40xi32, #tpu.memory_space<vmem>> -> memref<40xi32, #tpu.memory_space<vmem>>
    %dma_start3A_91 = arith.constant 0 : i32
    %dma_start3A_92 = arith.constant 0 : i32
    %dma_start3A_93 = tpu.memref_slice %arg3[%dma_start3A_91, %dma_start3A_92] : memref<1000000x64xf32, #tpu.memory_space<hbm>> -> memref<1000000x64xf32, #tpu.memory_space<hbm>>
    tpu.enqueue_indirect_dma source(%dma_start3A_93 : memref<1000000x64xf32, #tpu.memory_space<hbm>>) target(%dma_start3A_87 : memref<40x64xf32, #tpu.memory_space<vmem>>) offsets(%dma_start3A_90 : memref<40xi32, #tpu.memory_space<vmem>>) semaphore(%arg10 : memref<!tpu.dma_semaphore, #tpu.memory_space<semaphore_mem>>)
    %dma_start3A_94 = arith.constant 9 : i32
    %dma_start3A_95 = arith.constant 360 : i32
    %dma_start3A_96 = arith.constant 0 : i32
    %dma_start3A_97 = tpu.memref_slice %arg7[%dma_start3A_95, %dma_start3A_96] : memref<640x64xf32, #tpu.memory_space<vmem>> -> memref<40x64xf32, #tpu.memory_space<vmem>>
    %dma_start3A_98 = arith.constant 0 : i32
    %dma_start3A_99 = tpu.memref_slice %arg6[%dma_start3A_94, %dma_start3A_98] : memref<16x40xi32, #tpu.memory_space<vmem>> -> memref<1x40xi32, #tpu.memory_space<vmem>>
    %dma_start3A_100 = tpu.memref_squeeze %dma_start3A_99 : memref<1x40xi32, #tpu.memory_space<vmem>> -> memref<40xi32, #tpu.memory_space<vmem>>
    %dma_start3A_101 = arith.constant 0 : i32
    %dma_start3A_102 = arith.constant 0 : i32
    %dma_start3A_103 = tpu.memref_slice %arg3[%dma_start3A_101, %dma_start3A_102] : memref<1000000x64xf32, #tpu.memory_space<hbm>> -> memref<1000000x64xf32, #tpu.memory_space<hbm>>
    tpu.enqueue_indirect_dma source(%dma_start3A_103 : memref<1000000x64xf32, #tpu.memory_space<hbm>>) target(%dma_start3A_97 : memref<40x64xf32, #tpu.memory_space<vmem>>) offsets(%dma_start3A_100 : memref<40xi32, #tpu.memory_space<vmem>>) semaphore(%arg10 : memref<!tpu.dma_semaphore, #tpu.memory_space<semaphore_mem>>)
    %dma_start3A_104 = arith.constant 10 : i32
    %dma_start3A_105 = arith.constant 400 : i32
    %dma_start3A_106 = arith.constant 0 : i32
    %dma_start3A_107 = tpu.memref_slice %arg7[%dma_start3A_105, %dma_start3A_106] : memref<640x64xf32, #tpu.memory_space<vmem>> -> memref<40x64xf32, #tpu.memory_space<vmem>>
    %dma_start3A_108 = arith.constant 0 : i32
    %dma_start3A_109 = tpu.memref_slice %arg6[%dma_start3A_104, %dma_start3A_108] : memref<16x40xi32, #tpu.memory_space<vmem>> -> memref<1x40xi32, #tpu.memory_space<vmem>>
    %dma_start3A_110 = tpu.memref_squeeze %dma_start3A_109 : memref<1x40xi32, #tpu.memory_space<vmem>> -> memref<40xi32, #tpu.memory_space<vmem>>
    %dma_start3A_111 = arith.constant 0 : i32
    %dma_start3A_112 = arith.constant 0 : i32
    %dma_start3A_113 = tpu.memref_slice %arg3[%dma_start3A_111, %dma_start3A_112] : memref<1000000x64xf32, #tpu.memory_space<hbm>> -> memref<1000000x64xf32, #tpu.memory_space<hbm>>
    tpu.enqueue_indirect_dma source(%dma_start3A_113 : memref<1000000x64xf32, #tpu.memory_space<hbm>>) target(%dma_start3A_107 : memref<40x64xf32, #tpu.memory_space<vmem>>) offsets(%dma_start3A_110 : memref<40xi32, #tpu.memory_space<vmem>>) semaphore(%arg10 : memref<!tpu.dma_semaphore, #tpu.memory_space<semaphore_mem>>)
    %dma_start3A_114 = arith.constant 11 : i32
    %dma_start3A_115 = arith.constant 440 : i32
    %dma_start3A_116 = arith.constant 0 : i32
    %dma_start3A_117 = tpu.memref_slice %arg7[%dma_start3A_115, %dma_start3A_116] : memref<640x64xf32, #tpu.memory_space<vmem>> -> memref<40x64xf32, #tpu.memory_space<vmem>>
    %dma_start3A_118 = arith.constant 0 : i32
    %dma_start3A_119 = tpu.memref_slice %arg6[%dma_start3A_114, %dma_start3A_118] : memref<16x40xi32, #tpu.memory_space<vmem>> -> memref<1x40xi32, #tpu.memory_space<vmem>>
    %dma_start3A_120 = tpu.memref_squeeze %dma_start3A_119 : memref<1x40xi32, #tpu.memory_space<vmem>> -> memref<40xi32, #tpu.memory_space<vmem>>
    %dma_start3A_121 = arith.constant 0 : i32
    %dma_start3A_122 = arith.constant 0 : i32
    %dma_start3A_123 = tpu.memref_slice %arg3[%dma_start3A_121, %dma_start3A_122] : memref<1000000x64xf32, #tpu.memory_space<hbm>> -> memref<1000000x64xf32, #tpu.memory_space<hbm>>
    tpu.enqueue_indirect_dma source(%dma_start3A_123 : memref<1000000x64xf32, #tpu.memory_space<hbm>>) target(%dma_start3A_117 : memref<40x64xf32, #tpu.memory_space<vmem>>) offsets(%dma_start3A_120 : memref<40xi32, #tpu.memory_space<vmem>>) semaphore(%arg10 : memref<!tpu.dma_semaphore, #tpu.memory_space<semaphore_mem>>)
    %dma_start3A_124 = arith.constant 12 : i32
    %dma_start3A_125 = arith.constant 480 : i32
    %dma_start3A_126 = arith.constant 0 : i32
    %dma_start3A_127 = tpu.memref_slice %arg7[%dma_start3A_125, %dma_start3A_126] : memref<640x64xf32, #tpu.memory_space<vmem>> -> memref<40x64xf32, #tpu.memory_space<vmem>>
    %dma_start3A_128 = arith.constant 0 : i32
    %dma_start3A_129 = tpu.memref_slice %arg6[%dma_start3A_124, %dma_start3A_128] : memref<16x40xi32, #tpu.memory_space<vmem>> -> memref<1x40xi32, #tpu.memory_space<vmem>>
    %dma_start3A_130 = tpu.memref_squeeze %dma_start3A_129 : memref<1x40xi32, #tpu.memory_space<vmem>> -> memref<40xi32, #tpu.memory_space<vmem>>
    %dma_start3A_131 = arith.constant 0 : i32
    %dma_start3A_132 = arith.constant 0 : i32
    %dma_start3A_133 = tpu.memref_slice %arg3[%dma_start3A_131, %dma_start3A_132] : memref<1000000x64xf32, #tpu.memory_space<hbm>> -> memref<1000000x64xf32, #tpu.memory_space<hbm>>
    tpu.enqueue_indirect_dma source(%dma_start3A_133 : memref<1000000x64xf32, #tpu.memory_space<hbm>>) target(%dma_start3A_127 : memref<40x64xf32, #tpu.memory_space<vmem>>) offsets(%dma_start3A_130 : memref<40xi32, #tpu.memory_space<vmem>>) semaphore(%arg10 : memref<!tpu.dma_semaphore, #tpu.memory_space<semaphore_mem>>)
    %dma_start3A_134 = arith.constant 13 : i32
    %dma_start3A_135 = arith.constant 520 : i32
    %dma_start3A_136 = arith.constant 0 : i32
    %dma_start3A_137 = tpu.memref_slice %arg7[%dma_start3A_135, %dma_start3A_136] : memref<640x64xf32, #tpu.memory_space<vmem>> -> memref<40x64xf32, #tpu.memory_space<vmem>>
    %dma_start3A_138 = arith.constant 0 : i32
    %dma_start3A_139 = tpu.memref_slice %arg6[%dma_start3A_134, %dma_start3A_138] : memref<16x40xi32, #tpu.memory_space<vmem>> -> memref<1x40xi32, #tpu.memory_space<vmem>>
    %dma_start3A_140 = tpu.memref_squeeze %dma_start3A_139 : memref<1x40xi32, #tpu.memory_space<vmem>> -> memref<40xi32, #tpu.memory_space<vmem>>
    %dma_start3A_141 = arith.constant 0 : i32
    %dma_start3A_142 = arith.constant 0 : i32
    %dma_start3A_143 = tpu.memref_slice %arg3[%dma_start3A_141, %dma_start3A_142] : memref<1000000x64xf32, #tpu.memory_space<hbm>> -> memref<1000000x64xf32, #tpu.memory_space<hbm>>
    tpu.enqueue_indirect_dma source(%dma_start3A_143 : memref<1000000x64xf32, #tpu.memory_space<hbm>>) target(%dma_start3A_137 : memref<40x64xf32, #tpu.memory_space<vmem>>) offsets(%dma_start3A_140 : memref<40xi32, #tpu.memory_space<vmem>>) semaphore(%arg10 : memref<!tpu.dma_semaphore, #tpu.memory_space<semaphore_mem>>)
    %dma_start3A_144 = arith.constant 14 : i32
    %dma_start3A_145 = arith.constant 560 : i32
    %dma_start3A_146 = arith.constant 0 : i32
    %dma_start3A_147 = tpu.memref_slice %arg7[%dma_start3A_145, %dma_start3A_146] : memref<640x64xf32, #tpu.memory_space<vmem>> -> memref<40x64xf32, #tpu.memory_space<vmem>>
    %dma_start3A_148 = arith.constant 0 : i32
    %dma_start3A_149 = tpu.memref_slice %arg6[%dma_start3A_144, %dma_start3A_148] : memref<16x40xi32, #tpu.memory_space<vmem>> -> memref<1x40xi32, #tpu.memory_space<vmem>>
    %dma_start3A_150 = tpu.memref_squeeze %dma_start3A_149 : memref<1x40xi32, #tpu.memory_space<vmem>> -> memref<40xi32, #tpu.memory_space<vmem>>
    %dma_start3A_151 = arith.constant 0 : i32
    %dma_start3A_152 = arith.constant 0 : i32
    %dma_start3A_153 = tpu.memref_slice %arg3[%dma_start3A_151, %dma_start3A_152] : memref<1000000x64xf32, #tpu.memory_space<hbm>> -> memref<1000000x64xf32, #tpu.memory_space<hbm>>
    tpu.enqueue_indirect_dma source(%dma_start3A_153 : memref<1000000x64xf32, #tpu.memory_space<hbm>>) target(%dma_start3A_147 : memref<40x64xf32, #tpu.memory_space<vmem>>) offsets(%dma_start3A_150 : memref<40xi32, #tpu.memory_space<vmem>>) semaphore(%arg10 : memref<!tpu.dma_semaphore, #tpu.memory_space<semaphore_mem>>)
    %dma_start3A_154 = arith.constant 15 : i32
    %dma_start3A_155 = arith.constant 600 : i32
    %dma_start3A_156 = arith.constant 0 : i32
    %dma_start3A_157 = tpu.memref_slice %arg7[%dma_start3A_155, %dma_start3A_156] : memref<640x64xf32, #tpu.memory_space<vmem>> -> memref<40x64xf32, #tpu.memory_space<vmem>>
    %dma_start3A_158 = arith.constant 0 : i32
    %dma_start3A_159 = tpu.memref_slice %arg6[%dma_start3A_154, %dma_start3A_158] : memref<16x40xi32, #tpu.memory_space<vmem>> -> memref<1x40xi32, #tpu.memory_space<vmem>>
    %dma_start3A_160 = tpu.memref_squeeze %dma_start3A_159 : memref<1x40xi32, #tpu.memory_space<vmem>> -> memref<40xi32, #tpu.memory_space<vmem>>
    %dma_start3A_161 = arith.constant 0 : i32
    %dma_start3A_162 = arith.constant 0 : i32
    %dma_start3A_163 = tpu.memref_slice %arg3[%dma_start3A_161, %dma_start3A_162] : memref<1000000x64xf32, #tpu.memory_space<hbm>> -> memref<1000000x64xf32, #tpu.memory_space<hbm>>
    tpu.enqueue_indirect_dma source(%dma_start3A_163 : memref<1000000x64xf32, #tpu.memory_space<hbm>>) target(%dma_start3A_157 : memref<40x64xf32, #tpu.memory_space<vmem>>) offsets(%dma_start3A_160 : memref<40xi32, #tpu.memory_space<vmem>>) semaphore(%arg10 : memref<!tpu.dma_semaphore, #tpu.memory_space<semaphore_mem>>)
    %dma_wait3A = arith.constant 0 : i32
    %dma_wait3A_164 = arith.constant 0 : i32
    %dma_wait3A_165 = tpu.memref_slice %arg3[%dma_wait3A, %dma_wait3A_164] : memref<1000000x64xf32, #tpu.memory_space<hbm>> -> memref<640x64xf32, #tpu.memory_space<hbm>>
    %dma_wait3A_166 = arith.constant 0 : i32
    %dma_wait3A_167 = arith.constant 0 : i32
    %dma_wait3A_168 = tpu.memref_slice %arg3[%dma_wait3A_166, %dma_wait3A_167] : memref<1000000x64xf32, #tpu.memory_space<hbm>> -> memref<640x64xf32, #tpu.memory_space<hbm>>
    tpu.wait_dma2 semaphore(%arg10 : memref<!tpu.dma_semaphore, #tpu.memory_space<semaphore_mem>>) src(%dma_wait3A_168 : memref<640x64xf32, #tpu.memory_space<hbm>>) dst(%arg7 : memref<640x64xf32, #tpu.memory_space<vmem>>)
    %parallel_loop3A = arith.constant 0 : i32
    %parallel_loop3A_169 = arith.constant 40 : i32
    %parallel_loop3A_170 = arith.constant 1 : i32
    scf.for %parallel_loop3A_197 = %parallel_loop3A to %parallel_loop3A_169 step %parallel_loop3A_170  : i32 {
      %parallel_loop3A_198 = vector.broadcast %parallel_loop3A_197 : i32 to vector<16xi32>
      %parallel_loop3A_199 = tpu.vector_load_idx %arg6[%iota3A, %parallel_loop3A_198] : memref<16x40xi32, #tpu.memory_space<vmem>>[vector<16xi32>, vector<16xi32>], vector<16xi32>,
      %parallel_loop3A_200 = arith.constant 0 : i32
      %parallel_loop3A_201 = vector.broadcast %parallel_loop3A_200 : i32 to vector<16xi32>
      %parallel_loop3A_202 = arith.cmpi ne, %parallel_loop3A_199, %parallel_loop3A_201 : vector<16xi32>
      %parallel_loop3A_203 = arith.constant 1.000000e+00 : f32
      %parallel_loop3A_204 = arith.constant 0.000000e+00 : f32
      %parallel_loop3A_205 = vector.broadcast %parallel_loop3A_203 : f32 to vector<16xf32>
      %parallel_loop3A_206 = vector.broadcast %parallel_loop3A_204 : f32 to vector<16xf32>
      %parallel_loop3A_207 = arith.select %parallel_loop3A_202, %parallel_loop3A_205, %parallel_loop3A_206 : vector<16xi1>, vector<16xf32>
      %parallel_loop3A_208 = arith.constant 0 : i32
      %parallel_loop3A_209 = arith.addi %parallel_loop3A_208, %parallel_loop3A_197 : i32
      %parallel_loop3A_210 = arith.index_cast %parallel_loop3A_209 : i32 to index
      %parallel_loop3A_211 = arith.constant 0 : index
      %parallel_loop3A_212 = tpu.vector_load %arg9[%parallel_loop3A_210, %parallel_loop3A_211] {strides = array<i32>} : memref<256x64xf32, #tpu.memory_space<vmem>>, vector<16xf32>,
      %parallel_loop3A_213 = arith.constant 0 : i32
      %parallel_loop3A_214 = arith.addi %parallel_loop3A_213, %parallel_loop3A_197 : i32
      %parallel_loop3A_215 = arith.index_cast %parallel_loop3A_214 : i32 to index
      %parallel_loop3A_216 = arith.constant 16 : index
      %parallel_loop3A_217 = tpu.vector_load %arg9[%parallel_loop3A_215, %parallel_loop3A_216] {strides = array<i32>} : memref<256x64xf32, #tpu.memory_space<vmem>>, vector<16xf32>,
      %parallel_loop3A_218 = arith.constant 0 : i32
      %parallel_loop3A_219 = arith.addi %parallel_loop3A_218, %parallel_loop3A_197 : i32
      %parallel_loop3A_220 = arith.index_cast %parallel_loop3A_219 : i32 to index
      %parallel_loop3A_221 = arith.constant 32 : index
      %parallel_loop3A_222 = tpu.vector_load %arg9[%parallel_loop3A_220, %parallel_loop3A_221] {strides = array<i32>} : memref<256x64xf32, #tpu.memory_space<vmem>>, vector<16xf32>,
      %parallel_loop3A_223 = arith.constant 0 : i32
      %parallel_loop3A_224 = arith.addi %parallel_loop3A_223, %parallel_loop3A_197 : i32
      %parallel_loop3A_225 = arith.index_cast %parallel_loop3A_224 : i32 to index
      %parallel_loop3A_226 = arith.constant 48 : index
      %parallel_loop3A_227 = tpu.vector_load %arg9[%parallel_loop3A_225, %parallel_loop3A_226] {strides = array<i32>} : memref<256x64xf32, #tpu.memory_space<vmem>>, vector<16xf32>,
      %parallel_loop3A_228 = arith.constant 64 : i32
      %parallel_loop3A_229 = arith.muli %parallel_loop3A_197, %parallel_loop3A_228 : i32
      %parallel_loop3A_230 = arith.constant 0 : i32
      %parallel_loop3A_231 = arith.addi %parallel_loop3A_229, %parallel_loop3A_230 : i32
      %parallel_loop3A_232 = vector.broadcast %parallel_loop3A_231 : i32 to vector<16xi32>
      %parallel_loop3A_233 = arith.addi %iota3A, %parallel_loop3A_232 : vector<16xi32>
      %parallel_loop3A_234 = arith.constant 16 : i32
      %parallel_loop3A_235 = arith.addi %parallel_loop3A_229, %parallel_loop3A_234 : i32
      %parallel_loop3A_236 = vector.broadcast %parallel_loop3A_235 : i32 to vector<16xi32>
      %parallel_loop3A_237 = arith.addi %iota3A, %parallel_loop3A_236 : vector<16xi32>
      %parallel_loop3A_238 = arith.constant 32 : i32
      %parallel_loop3A_239 = arith.addi %parallel_loop3A_229, %parallel_loop3A_238 : i32
      %parallel_loop3A_240 = vector.broadcast %parallel_loop3A_239 : i32 to vector<16xi32>
      %parallel_loop3A_241 = arith.addi %iota3A, %parallel_loop3A_240 : vector<16xi32>
      %parallel_loop3A_242 = arith.constant 48 : i32
      %parallel_loop3A_243 = arith.addi %parallel_loop3A_229, %parallel_loop3A_242 : i32
      %parallel_loop3A_244 = vector.broadcast %parallel_loop3A_243 : i32 to vector<16xi32>
      %parallel_loop3A_245 = arith.addi %iota3A, %parallel_loop3A_244 : vector<16xi32>
      %parallel_loop3A_246 = vector.extract_strided_slice %parallel_loop3A_207 {offsets = [0], sizes = [1], strides = [1]} : vector<16xf32> to vector<1xf32>
      %parallel_loop3A_247 = vector.extract %parallel_loop3A_246[0] : f32 from vector<1xf32>
      %parallel_loop3A_248 = vector.broadcast %parallel_loop3A_247 : f32 to vector<16xf32>
      %parallel_loop3A_249 = arith.constant 0 : i32
      %parallel_loop3A_250 = vector.broadcast %parallel_loop3A_249 : i32 to vector<16xi32>
      %parallel_loop3A_251 = arith.constant 0 : i32
      %parallel_loop3A_252 = arith.addi %parallel_loop3A_251, %parallel_loop3A_197 : i32
      %parallel_loop3A_253 = arith.index_cast %parallel_loop3A_252 : i32 to index
      %parallel_loop3A_254 = arith.constant 0 : index
      %parallel_loop3A_255 = tpu.vector_load %arg7[%parallel_loop3A_253, %parallel_loop3A_254] {strides = array<i32>} : memref<640x64xf32, #tpu.memory_space<vmem>>, vector<16xf32>,
      %parallel_loop3A_256 = arith.mulf %parallel_loop3A_255, %parallel_loop3A_248 : vector<16xf32>
      %parallel_loop3A_257 = arith.addf %parallel_loop3A_256, %parallel_loop3A_212 : vector<16xf32>
      tpu.vector_store_idx %arg8[%parallel_loop3A_233, %parallel_loop3A_250], %parallel_loop3A_257 : memref<2560x17xf32, #tpu.memory_space<vmem>>[vector<16xi32>, vector<16xi32>], vector<16xf32>,
      %parallel_loop3A_258 = arith.index_cast %parallel_loop3A_252 : i32 to index
      %parallel_loop3A_259 = arith.constant 16 : index
      %parallel_loop3A_260 = tpu.vector_load %arg7[%parallel_loop3A_258, %parallel_loop3A_259] {strides = array<i32>} : memref<640x64xf32, #tpu.memory_space<vmem>>, vector<16xf32>,
      %parallel_loop3A_261 = arith.mulf %parallel_loop3A_260, %parallel_loop3A_248 : vector<16xf32>
      %parallel_loop3A_262 = arith.addf %parallel_loop3A_261, %parallel_loop3A_217 : vector<16xf32>
      tpu.vector_store_idx %arg8[%parallel_loop3A_237, %parallel_loop3A_250], %parallel_loop3A_262 : memref<2560x17xf32, #tpu.memory_space<vmem>>[vector<16xi32>, vector<16xi32>], vector<16xf32>,
      %parallel_loop3A_263 = arith.index_cast %parallel_loop3A_252 : i32 to index
      %parallel_loop3A_264 = arith.constant 32 : index
      %parallel_loop3A_265 = tpu.vector_load %arg7[%parallel_loop3A_263, %parallel_loop3A_264] {strides = array<i32>} : memref<640x64xf32, #tpu.memory_space<vmem>>, vector<16xf32>,
      %parallel_loop3A_266 = arith.mulf %parallel_loop3A_265, %parallel_loop3A_248 : vector<16xf32>
      %parallel_loop3A_267 = arith.addf %parallel_loop3A_266, %parallel_loop3A_222 : vector<16xf32>
      tpu.vector_store_idx %arg8[%parallel_loop3A_241, %parallel_loop3A_250], %parallel_loop3A_267 : memref<2560x17xf32, #tpu.memory_space<vmem>>[vector<16xi32>, vector<16xi32>], vector<16xf32>,
      %parallel_loop3A_268 = arith.index_cast %parallel_loop3A_252 : i32 to index
      %parallel_loop3A_269 = arith.constant 48 : index
      %parallel_loop3A_270 = tpu.vector_load %arg7[%parallel_loop3A_268, %parallel_loop3A_269] {strides = array<i32>} : memref<640x64xf32, #tpu.memory_space<vmem>>, vector<16xf32>,
      %parallel_loop3A_271 = arith.mulf %parallel_loop3A_270, %parallel_loop3A_248 : vector<16xf32>
      %parallel_loop3A_272 = arith.addf %parallel_loop3A_271, %parallel_loop3A_227 : vector<16xf32>
      tpu.vector_store_idx %arg8[%parallel_loop3A_245, %parallel_loop3A_250], %parallel_loop3A_272 : memref<2560x17xf32, #tpu.memory_space<vmem>>[vector<16xi32>, vector<16xi32>], vector<16xf32>,
      %parallel_loop3A_273 = vector.extract_strided_slice %parallel_loop3A_207 {offsets = [1], sizes = [1], strides = [1]} : vector<16xf32> to vector<1xf32>
      %parallel_loop3A_274 = vector.extract %parallel_loop3A_273[0] : f32 from vector<1xf32>
      %parallel_loop3A_275 = vector.broadcast %parallel_loop3A_274 : f32 to vector<16xf32>
      %parallel_loop3A_276 = arith.constant 1 : i32
      %parallel_loop3A_277 = vector.broadcast %parallel_loop3A_276 : i32 to vector<16xi32>
      %parallel_loop3A_278 = arith.constant 40 : i32
      %parallel_loop3A_279 = arith.addi %parallel_loop3A_278, %parallel_loop3A_197 : i32
      %parallel_loop3A_280 = arith.index_cast %parallel_loop3A_279 : i32 to index
      %parallel_loop3A_281 = arith.constant 0 : index
      %parallel_loop3A_282 = tpu.vector_load %arg7[%parallel_loop3A_280, %parallel_loop3A_281] {strides = array<i32>} : memref<640x64xf32, #tpu.memory_space<vmem>>, vector<16xf32>,
      %parallel_loop3A_283 = arith.mulf %parallel_loop3A_282, %parallel_loop3A_275 : vector<16xf32>
      %parallel_loop3A_284 = arith.addf %parallel_loop3A_283, %parallel_loop3A_212 : vector<16xf32>
      tpu.vector_store_idx %arg8[%parallel_loop3A_233, %parallel_loop3A_277], %parallel_loop3A_284 : memref<2560x17xf32, #tpu.memory_space<vmem>>[vector<16xi32>, vector<16xi32>], vector<16xf32>,
      %parallel_loop3A_285 = arith.index_cast %parallel_loop3A_279 : i32 to index
      %parallel_loop3A_286 = arith.constant 16 : index
      %parallel_loop3A_287 = tpu.vector_load %arg7[%parallel_loop3A_285, %parallel_loop3A_286] {strides = array<i32>} : memref<640x64xf32, #tpu.memory_space<vmem>>, vector<16xf32>,
      %parallel_loop3A_288 = arith.mulf %parallel_loop3A_287, %parallel_loop3A_275 : vector<16xf32>
      %parallel_loop3A_289 = arith.addf %parallel_loop3A_288, %parallel_loop3A_217 : vector<16xf32>
      tpu.vector_store_idx %arg8[%parallel_loop3A_237, %parallel_loop3A_277], %parallel_loop3A_289 : memref<2560x17xf32, #tpu.memory_space<vmem>>[vector<16xi32>, vector<16xi32>], vector<16xf32>,
      %parallel_loop3A_290 = arith.index_cast %parallel_loop3A_279 : i32 to index
      %parallel_loop3A_291 = arith.constant 32 : index
      %parallel_loop3A_292 = tpu.vector_load %arg7[%parallel_loop3A_290, %parallel_loop3A_291] {strides = array<i32>} : memref<640x64xf32, #tpu.memory_space<vmem>>, vector<16xf32>,
      %parallel_loop3A_293 = arith.mulf %parallel_loop3A_292, %parallel_loop3A_275 : vector<16xf32>
      %parallel_loop3A_294 = arith.addf %parallel_loop3A_293, %parallel_loop3A_222 : vector<16xf32>
      tpu.vector_store_idx %arg8[%parallel_loop3A_241, %parallel_loop3A_277], %parallel_loop3A_294 : memref<2560x17xf32, #tpu.memory_space<vmem>>[vector<16xi32>, vector<16xi32>], vector<16xf32>,
      %parallel_loop3A_295 = arith.index_cast %parallel_loop3A_279 : i32 to index
      %parallel_loop3A_296 = arith.constant 48 : index
      %parallel_loop3A_297 = tpu.vector_load %arg7[%parallel_loop3A_295, %parallel_loop3A_296] {strides = array<i32>} : memref<640x64xf32, #tpu.memory_space<vmem>>, vector<16xf32>,
      %parallel_loop3A_298 = arith.mulf %parallel_loop3A_297, %parallel_loop3A_275 : vector<16xf32>
      %parallel_loop3A_299 = arith.addf %parallel_loop3A_298, %parallel_loop3A_227 : vector<16xf32>
      tpu.vector_store_idx %arg8[%parallel_loop3A_245, %parallel_loop3A_277], %parallel_loop3A_299 : memref<2560x17xf32, #tpu.memory_space<vmem>>[vector<16xi32>, vector<16xi32>], vector<16xf32>,
      %parallel_loop3A_300 = vector.extract_strided_slice %parallel_loop3A_207 {offsets = [2], sizes = [1], strides = [1]} : vector<16xf32> to vector<1xf32>
      %parallel_loop3A_301 = vector.extract %parallel_loop3A_300[0] : f32 from vector<1xf32>
      %parallel_loop3A_302 = vector.broadcast %parallel_loop3A_301 : f32 to vector<16xf32>
      %parallel_loop3A_303 = arith.constant 2 : i32
      %parallel_loop3A_304 = vector.broadcast %parallel_loop3A_303 : i32 to vector<16xi32>
      %parallel_loop3A_305 = arith.constant 80 : i32
      %parallel_loop3A_306 = arith.addi %parallel_loop3A_305, %parallel_loop3A_197 : i32
      %parallel_loop3A_307 = arith.index_cast %parallel_loop3A_306 : i32 to index
      %parallel_loop3A_308 = arith.constant 0 : index
      %parallel_loop3A_309 = tpu.vector_load %arg7[%parallel_loop3A_307, %parallel_loop3A_308] {strides = array<i32>} : memref<640x64xf32, #tpu.memory_space<vmem>>, vector<16xf32>,
      %parallel_loop3A_310 = arith.mulf %parallel_loop3A_309, %parallel_loop3A_302 : vector<16xf32>
      %parallel_loop3A_311 = arith.addf %parallel_loop3A_310, %parallel_loop3A_212 : vector<16xf32>
      tpu.vector_store_idx %arg8[%parallel_loop3A_233, %parallel_loop3A_304], %parallel_loop3A_311 : memref<2560x17xf32, #tpu.memory_space<vmem>>[vector<16xi32>, vector<16xi32>], vector<16xf32>,
      %parallel_loop3A_312 = arith.index_cast %parallel_loop3A_306 : i32 to index
      %parallel_loop3A_313 = arith.constant 16 : index
      %parallel_loop3A_314 = tpu.vector_load %arg7[%parallel_loop3A_312, %parallel_loop3A_313] {strides = array<i32>} : memref<640x64xf32, #tpu.memory_space<vmem>>, vector<16xf32>,
      %parallel_loop3A_315 = arith.mulf %parallel_loop3A_314, %parallel_loop3A_302 : vector<16xf32>
      %parallel_loop3A_316 = arith.addf %parallel_loop3A_315, %parallel_loop3A_217 : vector<16xf32>
      tpu.vector_store_idx %arg8[%parallel_loop3A_237, %parallel_loop3A_304], %parallel_loop3A_316 : memref<2560x17xf32, #tpu.memory_space<vmem>>[vector<16xi32>, vector<16xi32>], vector<16xf32>,
      %parallel_loop3A_317 = arith.index_cast %parallel_loop3A_306 : i32 to index
      %parallel_loop3A_318 = arith.constant 32 : index
      %parallel_loop3A_319 = tpu.vector_load %arg7[%parallel_loop3A_317, %parallel_loop3A_318] {strides = array<i32>} : memref<640x64xf32, #tpu.memory_space<vmem>>, vector<16xf32>,
      %parallel_loop3A_320 = arith.mulf %parallel_loop3A_319, %parallel_loop3A_302 : vector<16xf32>
      %parallel_loop3A_321 = arith.addf %parallel_loop3A_320, %parallel_loop3A_222 : vector<16xf32>
      tpu.vector_store_idx %arg8[%parallel_loop3A_241, %parallel_loop3A_304], %parallel_loop3A_321 : memref<2560x17xf32, #tpu.memory_space<vmem>>[vector<16xi32>, vector<16xi32>], vector<16xf32>,
      %parallel_loop3A_322 = arith.index_cast %parallel_loop3A_306 : i32 to index
      %parallel_loop3A_323 = arith.constant 48 : index
      %parallel_loop3A_324 = tpu.vector_load %arg7[%parallel_loop3A_322, %parallel_loop3A_323] {strides = array<i32>} : memref<640x64xf32, #tpu.memory_space<vmem>>, vector<16xf32>,
      %parallel_loop3A_325 = arith.mulf %parallel_loop3A_324, %parallel_loop3A_302 : vector<16xf32>
      %parallel_loop3A_326 = arith.addf %parallel_loop3A_325, %parallel_loop3A_227 : vector<16xf32>
      tpu.vector_store_idx %arg8[%parallel_loop3A_245, %parallel_loop3A_304], %parallel_loop3A_326 : memref<2560x17xf32, #tpu.memory_space<vmem>>[vector<16xi32>, vector<16xi32>], vector<16xf32>,
      %parallel_loop3A_327 = vector.extract_strided_slice %parallel_loop3A_207 {offsets = [3], sizes = [1], strides = [1]} : vector<16xf32> to vector<1xf32>
      %parallel_loop3A_328 = vector.extract %parallel_loop3A_327[0] : f32 from vector<1xf32>
      %parallel_loop3A_329 = vector.broadcast %parallel_loop3A_328 : f32 to vector<16xf32>
      %parallel_loop3A_330 = arith.constant 3 : i32
      %parallel_loop3A_331 = vector.broadcast %parallel_loop3A_330 : i32 to vector<16xi32>
      %parallel_loop3A_332 = arith.constant 120 : i32
      %parallel_loop3A_333 = arith.addi %parallel_loop3A_332, %parallel_loop3A_197 : i32
      %parallel_loop3A_334 = arith.index_cast %parallel_loop3A_333 : i32 to index
      %parallel_loop3A_335 = arith.constant 0 : index
      %parallel_loop3A_336 = tpu.vector_load %arg7[%parallel_loop3A_334, %parallel_loop3A_335] {strides = array<i32>} : memref<640x64xf32, #tpu.memory_space<vmem>>, vector<16xf32>,
      %parallel_loop3A_337 = arith.mulf %parallel_loop3A_336, %parallel_loop3A_329 : vector<16xf32>
      %parallel_loop3A_338 = arith.addf %parallel_loop3A_337, %parallel_loop3A_212 : vector<16xf32>
      tpu.vector_store_idx %arg8[%parallel_loop3A_233, %parallel_loop3A_331], %parallel_loop3A_338 : memref<2560x17xf32, #tpu.memory_space<vmem>>[vector<16xi32>, vector<16xi32>], vector<16xf32>,
      %parallel_loop3A_339 = arith.index_cast %parallel_loop3A_333 : i32 to index
      %parallel_loop3A_340 = arith.constant 16 : index
      %parallel_loop3A_341 = tpu.vector_load %arg7[%parallel_loop3A_339, %parallel_loop3A_340] {strides = array<i32>} : memref<640x64xf32, #tpu.memory_space<vmem>>, vector<16xf32>,
      %parallel_loop3A_342 = arith.mulf %parallel_loop3A_341, %parallel_loop3A_329 : vector<16xf32>
      %parallel_loop3A_343 = arith.addf %parallel_loop3A_342, %parallel_loop3A_217 : vector<16xf32>
      tpu.vector_store_idx %arg8[%parallel_loop3A_237, %parallel_loop3A_331], %parallel_loop3A_343 : memref<2560x17xf32, #tpu.memory_space<vmem>>[vector<16xi32>, vector<16xi32>], vector<16xf32>,
      %parallel_loop3A_344 = arith.index_cast %parallel_loop3A_333 : i32 to index
      %parallel_loop3A_345 = arith.constant 32 : index
      %parallel_loop3A_346 = tpu.vector_load %arg7[%parallel_loop3A_344, %parallel_loop3A_345] {strides = array<i32>} : memref<640x64xf32, #tpu.memory_space<vmem>>, vector<16xf32>,
      %parallel_loop3A_347 = arith.mulf %parallel_loop3A_346, %parallel_loop3A_329 : vector<16xf32>
      %parallel_loop3A_348 = arith.addf %parallel_loop3A_347, %parallel_loop3A_222 : vector<16xf32>
      tpu.vector_store_idx %arg8[%parallel_loop3A_241, %parallel_loop3A_331], %parallel_loop3A_348 : memref<2560x17xf32, #tpu.memory_space<vmem>>[vector<16xi32>, vector<16xi32>], vector<16xf32>,
      %parallel_loop3A_349 = arith.index_cast %parallel_loop3A_333 : i32 to index
      %parallel_loop3A_350 = arith.constant 48 : index
      %parallel_loop3A_351 = tpu.vector_load %arg7[%parallel_loop3A_349, %parallel_loop3A_350] {strides = array<i32>} : memref<640x64xf32, #tpu.memory_space<vmem>>, vector<16xf32>,
      %parallel_loop3A_352 = arith.mulf %parallel_loop3A_351, %parallel_loop3A_329 : vector<16xf32>
      %parallel_loop3A_353 = arith.addf %parallel_loop3A_352, %parallel_loop3A_227 : vector<16xf32>
      tpu.vector_store_idx %arg8[%parallel_loop3A_245, %parallel_loop3A_331], %parallel_loop3A_353 : memref<2560x17xf32, #tpu.memory_space<vmem>>[vector<16xi32>, vector<16xi32>], vector<16xf32>,
      %parallel_loop3A_354 = vector.extract_strided_slice %parallel_loop3A_207 {offsets = [4], sizes = [1], strides = [1]} : vector<16xf32> to vector<1xf32>
      %parallel_loop3A_355 = vector.extract %parallel_loop3A_354[0] : f32 from vector<1xf32>
      %parallel_loop3A_356 = vector.broadcast %parallel_loop3A_355 : f32 to vector<16xf32>
      %parallel_loop3A_357 = arith.constant 4 : i32
      %parallel_loop3A_358 = vector.broadcast %parallel_loop3A_357 : i32 to vector<16xi32>
      %parallel_loop3A_359 = arith.constant 160 : i32
      %parallel_loop3A_360 = arith.addi %parallel_loop3A_359, %parallel_loop3A_197 : i32
      %parallel_loop3A_361 = arith.index_cast %parallel_loop3A_360 : i32 to index
      %parallel_loop3A_362 = arith.constant 0 : index
      %parallel_loop3A_363 = tpu.vector_load %arg7[%parallel_loop3A_361, %parallel_loop3A_362] {strides = array<i32>} : memref<640x64xf32, #tpu.memory_space<vmem>>, vector<16xf32>,
      %parallel_loop3A_364 = arith.mulf %parallel_loop3A_363, %parallel_loop3A_356 : vector<16xf32>
      %parallel_loop3A_365 = arith.addf %parallel_loop3A_364, %parallel_loop3A_212 : vector<16xf32>
      tpu.vector_store_idx %arg8[%parallel_loop3A_233, %parallel_loop3A_358], %parallel_loop3A_365 : memref<2560x17xf32, #tpu.memory_space<vmem>>[vector<16xi32>, vector<16xi32>], vector<16xf32>,
      %parallel_loop3A_366 = arith.index_cast %parallel_loop3A_360 : i32 to index
      %parallel_loop3A_367 = arith.constant 16 : index
      %parallel_loop3A_368 = tpu.vector_load %arg7[%parallel_loop3A_366, %parallel_loop3A_367] {strides = array<i32>} : memref<640x64xf32, #tpu.memory_space<vmem>>, vector<16xf32>,
      %parallel_loop3A_369 = arith.mulf %parallel_loop3A_368, %parallel_loop3A_356 : vector<16xf32>
      %parallel_loop3A_370 = arith.addf %parallel_loop3A_369, %parallel_loop3A_217 : vector<16xf32>
      tpu.vector_store_idx %arg8[%parallel_loop3A_237, %parallel_loop3A_358], %parallel_loop3A_370 : memref<2560x17xf32, #tpu.memory_space<vmem>>[vector<16xi32>, vector<16xi32>], vector<16xf32>,
      %parallel_loop3A_371 = arith.index_cast %parallel_loop3A_360 : i32 to index
      %parallel_loop3A_372 = arith.constant 32 : index
      %parallel_loop3A_373 = tpu.vector_load %arg7[%parallel_loop3A_371, %parallel_loop3A_372] {strides = array<i32>} : memref<640x64xf32, #tpu.memory_space<vmem>>, vector<16xf32>,
      %parallel_loop3A_374 = arith.mulf %parallel_loop3A_373, %parallel_loop3A_356 : vector<16xf32>
      %parallel_loop3A_375 = arith.addf %parallel_loop3A_374, %parallel_loop3A_222 : vector<16xf32>
      tpu.vector_store_idx %arg8[%parallel_loop3A_241, %parallel_loop3A_358], %parallel_loop3A_375 : memref<2560x17xf32, #tpu.memory_space<vmem>>[vector<16xi32>, vector<16xi32>], vector<16xf32>,
      %parallel_loop3A_376 = arith.index_cast %parallel_loop3A_360 : i32 to index
      %parallel_loop3A_377 = arith.constant 48 : index
      %parallel_loop3A_378 = tpu.vector_load %arg7[%parallel_loop3A_376, %parallel_loop3A_377] {strides = array<i32>} : memref<640x64xf32, #tpu.memory_space<vmem>>, vector<16xf32>,
      %parallel_loop3A_379 = arith.mulf %parallel_loop3A_378, %parallel_loop3A_356 : vector<16xf32>
      %parallel_loop3A_380 = arith.addf %parallel_loop3A_379, %parallel_loop3A_227 : vector<16xf32>
      tpu.vector_store_idx %arg8[%parallel_loop3A_245, %parallel_loop3A_358], %parallel_loop3A_380 : memref<2560x17xf32, #tpu.memory_space<vmem>>[vector<16xi32>, vector<16xi32>], vector<16xf32>,
      %parallel_loop3A_381 = vector.extract_strided_slice %parallel_loop3A_207 {offsets = [5], sizes = [1], strides = [1]} : vector<16xf32> to vector<1xf32>
      %parallel_loop3A_382 = vector.extract %parallel_loop3A_381[0] : f32 from vector<1xf32>
      %parallel_loop3A_383 = vector.broadcast %parallel_loop3A_382 : f32 to vector<16xf32>
      %parallel_loop3A_384 = arith.constant 5 : i32
      %parallel_loop3A_385 = vector.broadcast %parallel_loop3A_384 : i32 to vector<16xi32>
      %parallel_loop3A_386 = arith.constant 200 : i32
      %parallel_loop3A_387 = arith.addi %parallel_loop3A_386, %parallel_loop3A_197 : i32
      %parallel_loop3A_388 = arith.index_cast %parallel_loop3A_387 : i32 to index
      %parallel_loop3A_389 = arith.constant 0 : index
      %parallel_loop3A_390 = tpu.vector_load %arg7[%parallel_loop3A_388, %parallel_loop3A_389] {strides = array<i32>} : memref<640x64xf32, #tpu.memory_space<vmem>>, vector<16xf32>,
      %parallel_loop3A_391 = arith.mulf %parallel_loop3A_390, %parallel_loop3A_383 : vector<16xf32>
      %parallel_loop3A_392 = arith.addf %parallel_loop3A_391, %parallel_loop3A_212 : vector<16xf32>
      tpu.vector_store_idx %arg8[%parallel_loop3A_233, %parallel_loop3A_385], %parallel_loop3A_392 : memref<2560x17xf32, #tpu.memory_space<vmem>>[vector<16xi32>, vector<16xi32>], vector<16xf32>,
      %parallel_loop3A_393 = arith.index_cast %parallel_loop3A_387 : i32 to index
      %parallel_loop3A_394 = arith.constant 16 : index
      %parallel_loop3A_395 = tpu.vector_load %arg7[%parallel_loop3A_393, %parallel_loop3A_394] {strides = array<i32>} : memref<640x64xf32, #tpu.memory_space<vmem>>, vector<16xf32>,
      %parallel_loop3A_396 = arith.mulf %parallel_loop3A_395, %parallel_loop3A_383 : vector<16xf32>
      %parallel_loop3A_397 = arith.addf %parallel_loop3A_396, %parallel_loop3A_217 : vector<16xf32>
      tpu.vector_store_idx %arg8[%parallel_loop3A_237, %parallel_loop3A_385], %parallel_loop3A_397 : memref<2560x17xf32, #tpu.memory_space<vmem>>[vector<16xi32>, vector<16xi32>], vector<16xf32>,
      %parallel_loop3A_398 = arith.index_cast %parallel_loop3A_387 : i32 to index
      %parallel_loop3A_399 = arith.constant 32 : index
      %parallel_loop3A_400 = tpu.vector_load %arg7[%parallel_loop3A_398, %parallel_loop3A_399] {strides = array<i32>} : memref<640x64xf32, #tpu.memory_space<vmem>>, vector<16xf32>,
      %parallel_loop3A_401 = arith.mulf %parallel_loop3A_400, %parallel_loop3A_383 : vector<16xf32>
      %parallel_loop3A_402 = arith.addf %parallel_loop3A_401, %parallel_loop3A_222 : vector<16xf32>
      tpu.vector_store_idx %arg8[%parallel_loop3A_241, %parallel_loop3A_385], %parallel_loop3A_402 : memref<2560x17xf32, #tpu.memory_space<vmem>>[vector<16xi32>, vector<16xi32>], vector<16xf32>,
      %parallel_loop3A_403 = arith.index_cast %parallel_loop3A_387 : i32 to index
      %parallel_loop3A_404 = arith.constant 48 : index
      %parallel_loop3A_405 = tpu.vector_load %arg7[%parallel_loop3A_403, %parallel_loop3A_404] {strides = array<i32>} : memref<640x64xf32, #tpu.memory_space<vmem>>, vector<16xf32>,
      %parallel_loop3A_406 = arith.mulf %parallel_loop3A_405, %parallel_loop3A_383 : vector<16xf32>
      %parallel_loop3A_407 = arith.addf %parallel_loop3A_406, %parallel_loop3A_227 : vector<16xf32>
      tpu.vector_store_idx %arg8[%parallel_loop3A_245, %parallel_loop3A_385], %parallel_loop3A_407 : memref<2560x17xf32, #tpu.memory_space<vmem>>[vector<16xi32>, vector<16xi32>], vector<16xf32>,
      %parallel_loop3A_408 = vector.extract_strided_slice %parallel_loop3A_207 {offsets = [6], sizes = [1], strides = [1]} : vector<16xf32> to vector<1xf32>
      %parallel_loop3A_409 = vector.extract %parallel_loop3A_408[0] : f32 from vector<1xf32>
      %parallel_loop3A_410 = vector.broadcast %parallel_loop3A_409 : f32 to vector<16xf32>
      %parallel_loop3A_411 = arith.constant 6 : i32
      %parallel_loop3A_412 = vector.broadcast %parallel_loop3A_411 : i32 to vector<16xi32>
      %parallel_loop3A_413 = arith.constant 240 : i32
      %parallel_loop3A_414 = arith.addi %parallel_loop3A_413, %parallel_loop3A_197 : i32
      %parallel_loop3A_415 = arith.index_cast %parallel_loop3A_414 : i32 to index
      %parallel_loop3A_416 = arith.constant 0 : index
      %parallel_loop3A_417 = tpu.vector_load %arg7[%parallel_loop3A_415, %parallel_loop3A_416] {strides = array<i32>} : memref<640x64xf32, #tpu.memory_space<vmem>>, vector<16xf32>,
      %parallel_loop3A_418 = arith.mulf %parallel_loop3A_417, %parallel_loop3A_410 : vector<16xf32>
      %parallel_loop3A_419 = arith.addf %parallel_loop3A_418, %parallel_loop3A_212 : vector<16xf32>
      tpu.vector_store_idx %arg8[%parallel_loop3A_233, %parallel_loop3A_412], %parallel_loop3A_419 : memref<2560x17xf32, #tpu.memory_space<vmem>>[vector<16xi32>, vector<16xi32>], vector<16xf32>,
      %parallel_loop3A_420 = arith.index_cast %parallel_loop3A_414 : i32 to index
      %parallel_loop3A_421 = arith.constant 16 : index
      %parallel_loop3A_422 = tpu.vector_load %arg7[%parallel_loop3A_420, %parallel_loop3A_421] {strides = array<i32>} : memref<640x64xf32, #tpu.memory_space<vmem>>, vector<16xf32>,
      %parallel_loop3A_423 = arith.mulf %parallel_loop3A_422, %parallel_loop3A_410 : vector<16xf32>
      %parallel_loop3A_424 = arith.addf %parallel_loop3A_423, %parallel_loop3A_217 : vector<16xf32>
      tpu.vector_store_idx %arg8[%parallel_loop3A_237, %parallel_loop3A_412], %parallel_loop3A_424 : memref<2560x17xf32, #tpu.memory_space<vmem>>[vector<16xi32>, vector<16xi32>], vector<16xf32>,
      %parallel_loop3A_425 = arith.index_cast %parallel_loop3A_414 : i32 to index
      %parallel_loop3A_426 = arith.constant 32 : index
      %parallel_loop3A_427 = tpu.vector_load %arg7[%parallel_loop3A_425, %parallel_loop3A_426] {strides = array<i32>} : memref<640x64xf32, #tpu.memory_space<vmem>>, vector<16xf32>,
      %parallel_loop3A_428 = arith.mulf %parallel_loop3A_427, %parallel_loop3A_410 : vector<16xf32>
      %parallel_loop3A_429 = arith.addf %parallel_loop3A_428, %parallel_loop3A_222 : vector<16xf32>
      tpu.vector_store_idx %arg8[%parallel_loop3A_241, %parallel_loop3A_412], %parallel_loop3A_429 : memref<2560x17xf32, #tpu.memory_space<vmem>>[vector<16xi32>, vector<16xi32>], vector<16xf32>,
      %parallel_loop3A_430 = arith.index_cast %parallel_loop3A_414 : i32 to index
      %parallel_loop3A_431 = arith.constant 48 : index
      %parallel_loop3A_432 = tpu.vector_load %arg7[%parallel_loop3A_430, %parallel_loop3A_431] {strides = array<i32>} : memref<640x64xf32, #tpu.memory_space<vmem>>, vector<16xf32>,
      %parallel_loop3A_433 = arith.mulf %parallel_loop3A_432, %parallel_loop3A_410 : vector<16xf32>
      %parallel_loop3A_434 = arith.addf %parallel_loop3A_433, %parallel_loop3A_227 : vector<16xf32>
      tpu.vector_store_idx %arg8[%parallel_loop3A_245, %parallel_loop3A_412], %parallel_loop3A_434 : memref<2560x17xf32, #tpu.memory_space<vmem>>[vector<16xi32>, vector<16xi32>], vector<16xf32>,
      %parallel_loop3A_435 = vector.extract_strided_slice %parallel_loop3A_207 {offsets = [7], sizes = [1], strides = [1]} : vector<16xf32> to vector<1xf32>
      %parallel_loop3A_436 = vector.extract %parallel_loop3A_435[0] : f32 from vector<1xf32>
      %parallel_loop3A_437 = vector.broadcast %parallel_loop3A_436 : f32 to vector<16xf32>
      %parallel_loop3A_438 = arith.constant 7 : i32
      %parallel_loop3A_439 = vector.broadcast %parallel_loop3A_438 : i32 to vector<16xi32>
      %parallel_loop3A_440 = arith.constant 280 : i32
      %parallel_loop3A_441 = arith.addi %parallel_loop3A_440, %parallel_loop3A_197 : i32
      %parallel_loop3A_442 = arith.index_cast %parallel_loop3A_441 : i32 to index
      %parallel_loop3A_443 = arith.constant 0 : index
      %parallel_loop3A_444 = tpu.vector_load %arg7[%parallel_loop3A_442, %parallel_loop3A_443] {strides = array<i32>} : memref<640x64xf32, #tpu.memory_space<vmem>>, vector<16xf32>,
      %parallel_loop3A_445 = arith.mulf %parallel_loop3A_444, %parallel_loop3A_437 : vector<16xf32>
      %parallel_loop3A_446 = arith.addf %parallel_loop3A_445, %parallel_loop3A_212 : vector<16xf32>
      tpu.vector_store_idx %arg8[%parallel_loop3A_233, %parallel_loop3A_439], %parallel_loop3A_446 : memref<2560x17xf32, #tpu.memory_space<vmem>>[vector<16xi32>, vector<16xi32>], vector<16xf32>,
      %parallel_loop3A_447 = arith.index_cast %parallel_loop3A_441 : i32 to index
      %parallel_loop3A_448 = arith.constant 16 : index
      %parallel_loop3A_449 = tpu.vector_load %arg7[%parallel_loop3A_447, %parallel_loop3A_448] {strides = array<i32>} : memref<640x64xf32, #tpu.memory_space<vmem>>, vector<16xf32>,
      %parallel_loop3A_450 = arith.mulf %parallel_loop3A_449, %parallel_loop3A_437 : vector<16xf32>
      %parallel_loop3A_451 = arith.addf %parallel_loop3A_450, %parallel_loop3A_217 : vector<16xf32>
      tpu.vector_store_idx %arg8[%parallel_loop3A_237, %parallel_loop3A_439], %parallel_loop3A_451 : memref<2560x17xf32, #tpu.memory_space<vmem>>[vector<16xi32>, vector<16xi32>], vector<16xf32>,
      %parallel_loop3A_452 = arith.index_cast %parallel_loop3A_441 : i32 to index
      %parallel_loop3A_453 = arith.constant 32 : index
      %parallel_loop3A_454 = tpu.vector_load %arg7[%parallel_loop3A_452, %parallel_loop3A_453] {strides = array<i32>} : memref<640x64xf32, #tpu.memory_space<vmem>>, vector<16xf32>,
      %parallel_loop3A_455 = arith.mulf %parallel_loop3A_454, %parallel_loop3A_437 : vector<16xf32>
      %parallel_loop3A_456 = arith.addf %parallel_loop3A_455, %parallel_loop3A_222 : vector<16xf32>
      tpu.vector_store_idx %arg8[%parallel_loop3A_241, %parallel_loop3A_439], %parallel_loop3A_456 : memref<2560x17xf32, #tpu.memory_space<vmem>>[vector<16xi32>, vector<16xi32>], vector<16xf32>,
      %parallel_loop3A_457 = arith.index_cast %parallel_loop3A_441 : i32 to index
      %parallel_loop3A_458 = arith.constant 48 : index
      %parallel_loop3A_459 = tpu.vector_load %arg7[%parallel_loop3A_457, %parallel_loop3A_458] {strides = array<i32>} : memref<640x64xf32, #tpu.memory_space<vmem>>, vector<16xf32>,
      %parallel_loop3A_460 = arith.mulf %parallel_loop3A_459, %parallel_loop3A_437 : vector<16xf32>
      %parallel_loop3A_461 = arith.addf %parallel_loop3A_460, %parallel_loop3A_227 : vector<16xf32>
      tpu.vector_store_idx %arg8[%parallel_loop3A_245, %parallel_loop3A_439], %parallel_loop3A_461 : memref<2560x17xf32, #tpu.memory_space<vmem>>[vector<16xi32>, vector<16xi32>], vector<16xf32>,
      %parallel_loop3A_462 = vector.extract_strided_slice %parallel_loop3A_207 {offsets = [8], sizes = [1], strides = [1]} : vector<16xf32> to vector<1xf32>
      %parallel_loop3A_463 = vector.extract %parallel_loop3A_462[0] : f32 from vector<1xf32>
      %parallel_loop3A_464 = vector.broadcast %parallel_loop3A_463 : f32 to vector<16xf32>
      %parallel_loop3A_465 = arith.constant 8 : i32
      %parallel_loop3A_466 = vector.broadcast %parallel_loop3A_465 : i32 to vector<16xi32>
      %parallel_loop3A_467 = arith.constant 320 : i32
      %parallel_loop3A_468 = arith.addi %parallel_loop3A_467, %parallel_loop3A_197 : i32
      %parallel_loop3A_469 = arith.index_cast %parallel_loop3A_468 : i32 to index
      %parallel_loop3A_470 = arith.constant 0 : index
      %parallel_loop3A_471 = tpu.vector_load %arg7[%parallel_loop3A_469, %parallel_loop3A_470] {strides = array<i32>} : memref<640x64xf32, #tpu.memory_space<vmem>>, vector<16xf32>,
      %parallel_loop3A_472 = arith.mulf %parallel_loop3A_471, %parallel_loop3A_464 : vector<16xf32>
      %parallel_loop3A_473 = arith.addf %parallel_loop3A_472, %parallel_loop3A_212 : vector<16xf32>
      tpu.vector_store_idx %arg8[%parallel_loop3A_233, %parallel_loop3A_466], %parallel_loop3A_473 : memref<2560x17xf32, #tpu.memory_space<vmem>>[vector<16xi32>, vector<16xi32>], vector<16xf32>,
      %parallel_loop3A_474 = arith.index_cast %parallel_loop3A_468 : i32 to index
      %parallel_loop3A_475 = arith.constant 16 : index
      %parallel_loop3A_476 = tpu.vector_load %arg7[%parallel_loop3A_474, %parallel_loop3A_475] {strides = array<i32>} : memref<640x64xf32, #tpu.memory_space<vmem>>, vector<16xf32>,
      %parallel_loop3A_477 = arith.mulf %parallel_loop3A_476, %parallel_loop3A_464 : vector<16xf32>
      %parallel_loop3A_478 = arith.addf %parallel_loop3A_477, %parallel_loop3A_217 : vector<16xf32>
      tpu.vector_store_idx %arg8[%parallel_loop3A_237, %parallel_loop3A_466], %parallel_loop3A_478 : memref<2560x17xf32, #tpu.memory_space<vmem>>[vector<16xi32>, vector<16xi32>], vector<16xf32>,
      %parallel_loop3A_479 = arith.index_cast %parallel_loop3A_468 : i32 to index
      %parallel_loop3A_480 = arith.constant 32 : index
      %parallel_loop3A_481 = tpu.vector_load %arg7[%parallel_loop3A_479, %parallel_loop3A_480] {strides = array<i32>} : memref<640x64xf32, #tpu.memory_space<vmem>>, vector<16xf32>,
      %parallel_loop3A_482 = arith.mulf %parallel_loop3A_481, %parallel_loop3A_464 : vector<16xf32>
      %parallel_loop3A_483 = arith.addf %parallel_loop3A_482, %parallel_loop3A_222 : vector<16xf32>
      tpu.vector_store_idx %arg8[%parallel_loop3A_241, %parallel_loop3A_466], %parallel_loop3A_483 : memref<2560x17xf32, #tpu.memory_space<vmem>>[vector<16xi32>, vector<16xi32>], vector<16xf32>,
      %parallel_loop3A_484 = arith.index_cast %parallel_loop3A_468 : i32 to index
      %parallel_loop3A_485 = arith.constant 48 : index
      %parallel_loop3A_486 = tpu.vector_load %arg7[%parallel_loop3A_484, %parallel_loop3A_485] {strides = array<i32>} : memref<640x64xf32, #tpu.memory_space<vmem>>, vector<16xf32>,
      %parallel_loop3A_487 = arith.mulf %parallel_loop3A_486, %parallel_loop3A_464 : vector<16xf32>
      %parallel_loop3A_488 = arith.addf %parallel_loop3A_487, %parallel_loop3A_227 : vector<16xf32>
      tpu.vector_store_idx %arg8[%parallel_loop3A_245, %parallel_loop3A_466], %parallel_loop3A_488 : memref<2560x17xf32, #tpu.memory_space<vmem>>[vector<16xi32>, vector<16xi32>], vector<16xf32>,
      %parallel_loop3A_489 = vector.extract_strided_slice %parallel_loop3A_207 {offsets = [9], sizes = [1], strides = [1]} : vector<16xf32> to vector<1xf32>
      %parallel_loop3A_490 = vector.extract %parallel_loop3A_489[0] : f32 from vector<1xf32>
      %parallel_loop3A_491 = vector.broadcast %parallel_loop3A_490 : f32 to vector<16xf32>
      %parallel_loop3A_492 = arith.constant 9 : i32
      %parallel_loop3A_493 = vector.broadcast %parallel_loop3A_492 : i32 to vector<16xi32>
      %parallel_loop3A_494 = arith.constant 360 : i32
      %parallel_loop3A_495 = arith.addi %parallel_loop3A_494, %parallel_loop3A_197 : i32
      %parallel_loop3A_496 = arith.index_cast %parallel_loop3A_495 : i32 to index
      %parallel_loop3A_497 = arith.constant 0 : index
      %parallel_loop3A_498 = tpu.vector_load %arg7[%parallel_loop3A_496, %parallel_loop3A_497] {strides = array<i32>} : memref<640x64xf32, #tpu.memory_space<vmem>>, vector<16xf32>,
      %parallel_loop3A_499 = arith.mulf %parallel_loop3A_498, %parallel_loop3A_491 : vector<16xf32>
      %parallel_loop3A_500 = arith.addf %parallel_loop3A_499, %parallel_loop3A_212 : vector<16xf32>
      tpu.vector_store_idx %arg8[%parallel_loop3A_233, %parallel_loop3A_493], %parallel_loop3A_500 : memref<2560x17xf32, #tpu.memory_space<vmem>>[vector<16xi32>, vector<16xi32>], vector<16xf32>,
      %parallel_loop3A_501 = arith.index_cast %parallel_loop3A_495 : i32 to index
      %parallel_loop3A_502 = arith.constant 16 : index
      %parallel_loop3A_503 = tpu.vector_load %arg7[%parallel_loop3A_501, %parallel_loop3A_502] {strides = array<i32>} : memref<640x64xf32, #tpu.memory_space<vmem>>, vector<16xf32>,
      %parallel_loop3A_504 = arith.mulf %parallel_loop3A_503, %parallel_loop3A_491 : vector<16xf32>
      %parallel_loop3A_505 = arith.addf %parallel_loop3A_504, %parallel_loop3A_217 : vector<16xf32>
      tpu.vector_store_idx %arg8[%parallel_loop3A_237, %parallel_loop3A_493], %parallel_loop3A_505 : memref<2560x17xf32, #tpu.memory_space<vmem>>[vector<16xi32>, vector<16xi32>], vector<16xf32>,
      %parallel_loop3A_506 = arith.index_cast %parallel_loop3A_495 : i32 to index
      %parallel_loop3A_507 = arith.constant 32 : index
      %parallel_loop3A_508 = tpu.vector_load %arg7[%parallel_loop3A_506, %parallel_loop3A_507] {strides = array<i32>} : memref<640x64xf32, #tpu.memory_space<vmem>>, vector<16xf32>,
      %parallel_loop3A_509 = arith.mulf %parallel_loop3A_508, %parallel_loop3A_491 : vector<16xf32>
      %parallel_loop3A_510 = arith.addf %parallel_loop3A_509, %parallel_loop3A_222 : vector<16xf32>
      tpu.vector_store_idx %arg8[%parallel_loop3A_241, %parallel_loop3A_493], %parallel_loop3A_510 : memref<2560x17xf32, #tpu.memory_space<vmem>>[vector<16xi32>, vector<16xi32>], vector<16xf32>,
      %parallel_loop3A_511 = arith.index_cast %parallel_loop3A_495 : i32 to index
      %parallel_loop3A_512 = arith.constant 48 : index
      %parallel_loop3A_513 = tpu.vector_load %arg7[%parallel_loop3A_511, %parallel_loop3A_512] {strides = array<i32>} : memref<640x64xf32, #tpu.memory_space<vmem>>, vector<16xf32>,
      %parallel_loop3A_514 = arith.mulf %parallel_loop3A_513, %parallel_loop3A_491 : vector<16xf32>
      %parallel_loop3A_515 = arith.addf %parallel_loop3A_514, %parallel_loop3A_227 : vector<16xf32>
      tpu.vector_store_idx %arg8[%parallel_loop3A_245, %parallel_loop3A_493], %parallel_loop3A_515 : memref<2560x17xf32, #tpu.memory_space<vmem>>[vector<16xi32>, vector<16xi32>], vector<16xf32>,
      %parallel_loop3A_516 = vector.extract_strided_slice %parallel_loop3A_207 {offsets = [10], sizes = [1], strides = [1]} : vector<16xf32> to vector<1xf32>
      %parallel_loop3A_517 = vector.extract %parallel_loop3A_516[0] : f32 from vector<1xf32>
      %parallel_loop3A_518 = vector.broadcast %parallel_loop3A_517 : f32 to vector<16xf32>
      %parallel_loop3A_519 = arith.constant 10 : i32
      %parallel_loop3A_520 = vector.broadcast %parallel_loop3A_519 : i32 to vector<16xi32>
      %parallel_loop3A_521 = arith.constant 400 : i32
      %parallel_loop3A_522 = arith.addi %parallel_loop3A_521, %parallel_loop3A_197 : i32
      %parallel_loop3A_523 = arith.index_cast %parallel_loop3A_522 : i32 to index
      %parallel_loop3A_524 = arith.constant 0 : index
      %parallel_loop3A_525 = tpu.vector_load %arg7[%parallel_loop3A_523, %parallel_loop3A_524] {strides = array<i32>} : memref<640x64xf32, #tpu.memory_space<vmem>>, vector<16xf32>,
      %parallel_loop3A_526 = arith.mulf %parallel_loop3A_525, %parallel_loop3A_518 : vector<16xf32>
      %parallel_loop3A_527 = arith.addf %parallel_loop3A_526, %parallel_loop3A_212 : vector<16xf32>
      tpu.vector_store_idx %arg8[%parallel_loop3A_233, %parallel_loop3A_520], %parallel_loop3A_527 : memref<2560x17xf32, #tpu.memory_space<vmem>>[vector<16xi32>, vector<16xi32>], vector<16xf32>,
      %parallel_loop3A_528 = arith.index_cast %parallel_loop3A_522 : i32 to index
      %parallel_loop3A_529 = arith.constant 16 : index
      %parallel_loop3A_530 = tpu.vector_load %arg7[%parallel_loop3A_528, %parallel_loop3A_529] {strides = array<i32>} : memref<640x64xf32, #tpu.memory_space<vmem>>, vector<16xf32>,
      %parallel_loop3A_531 = arith.mulf %parallel_loop3A_530, %parallel_loop3A_518 : vector<16xf32>
      %parallel_loop3A_532 = arith.addf %parallel_loop3A_531, %parallel_loop3A_217 : vector<16xf32>
      tpu.vector_store_idx %arg8[%parallel_loop3A_237, %parallel_loop3A_520], %parallel_loop3A_532 : memref<2560x17xf32, #tpu.memory_space<vmem>>[vector<16xi32>, vector<16xi32>], vector<16xf32>,
      %parallel_loop3A_533 = arith.index_cast %parallel_loop3A_522 : i32 to index
      %parallel_loop3A_534 = arith.constant 32 : index
      %parallel_loop3A_535 = tpu.vector_load %arg7[%parallel_loop3A_533, %parallel_loop3A_534] {strides = array<i32>} : memref<640x64xf32, #tpu.memory_space<vmem>>, vector<16xf32>,
      %parallel_loop3A_536 = arith.mulf %parallel_loop3A_535, %parallel_loop3A_518 : vector<16xf32>
      %parallel_loop3A_537 = arith.addf %parallel_loop3A_536, %parallel_loop3A_222 : vector<16xf32>
      tpu.vector_store_idx %arg8[%parallel_loop3A_241, %parallel_loop3A_520], %parallel_loop3A_537 : memref<2560x17xf32, #tpu.memory_space<vmem>>[vector<16xi32>, vector<16xi32>], vector<16xf32>,
      %parallel_loop3A_538 = arith.index_cast %parallel_loop3A_522 : i32 to index
      %parallel_loop3A_539 = arith.constant 48 : index
      %parallel_loop3A_540 = tpu.vector_load %arg7[%parallel_loop3A_538, %parallel_loop3A_539] {strides = array<i32>} : memref<640x64xf32, #tpu.memory_space<vmem>>, vector<16xf32>,
      %parallel_loop3A_541 = arith.mulf %parallel_loop3A_540, %parallel_loop3A_518 : vector<16xf32>
      %parallel_loop3A_542 = arith.addf %parallel_loop3A_541, %parallel_loop3A_227 : vector<16xf32>
      tpu.vector_store_idx %arg8[%parallel_loop3A_245, %parallel_loop3A_520], %parallel_loop3A_542 : memref<2560x17xf32, #tpu.memory_space<vmem>>[vector<16xi32>, vector<16xi32>], vector<16xf32>,
      %parallel_loop3A_543 = vector.extract_strided_slice %parallel_loop3A_207 {offsets = [11], sizes = [1], strides = [1]} : vector<16xf32> to vector<1xf32>
      %parallel_loop3A_544 = vector.extract %parallel_loop3A_543[0] : f32 from vector<1xf32>
      %parallel_loop3A_545 = vector.broadcast %parallel_loop3A_544 : f32 to vector<16xf32>
      %parallel_loop3A_546 = arith.constant 11 : i32
      %parallel_loop3A_547 = vector.broadcast %parallel_loop3A_546 : i32 to vector<16xi32>
      %parallel_loop3A_548 = arith.constant 440 : i32
      %parallel_loop3A_549 = arith.addi %parallel_loop3A_548, %parallel_loop3A_197 : i32
      %parallel_loop3A_550 = arith.index_cast %parallel_loop3A_549 : i32 to index
      %parallel_loop3A_551 = arith.constant 0 : index
      %parallel_loop3A_552 = tpu.vector_load %arg7[%parallel_loop3A_550, %parallel_loop3A_551] {strides = array<i32>} : memref<640x64xf32, #tpu.memory_space<vmem>>, vector<16xf32>,
      %parallel_loop3A_553 = arith.mulf %parallel_loop3A_552, %parallel_loop3A_545 : vector<16xf32>
      %parallel_loop3A_554 = arith.addf %parallel_loop3A_553, %parallel_loop3A_212 : vector<16xf32>
      tpu.vector_store_idx %arg8[%parallel_loop3A_233, %parallel_loop3A_547], %parallel_loop3A_554 : memref<2560x17xf32, #tpu.memory_space<vmem>>[vector<16xi32>, vector<16xi32>], vector<16xf32>,
      %parallel_loop3A_555 = arith.index_cast %parallel_loop3A_549 : i32 to index
      %parallel_loop3A_556 = arith.constant 16 : index
      %parallel_loop3A_557 = tpu.vector_load %arg7[%parallel_loop3A_555, %parallel_loop3A_556] {strides = array<i32>} : memref<640x64xf32, #tpu.memory_space<vmem>>, vector<16xf32>,
      %parallel_loop3A_558 = arith.mulf %parallel_loop3A_557, %parallel_loop3A_545 : vector<16xf32>
      %parallel_loop3A_559 = arith.addf %parallel_loop3A_558, %parallel_loop3A_217 : vector<16xf32>
      tpu.vector_store_idx %arg8[%parallel_loop3A_237, %parallel_loop3A_547], %parallel_loop3A_559 : memref<2560x17xf32, #tpu.memory_space<vmem>>[vector<16xi32>, vector<16xi32>], vector<16xf32>,
      %parallel_loop3A_560 = arith.index_cast %parallel_loop3A_549 : i32 to index
      %parallel_loop3A_561 = arith.constant 32 : index
      %parallel_loop3A_562 = tpu.vector_load %arg7[%parallel_loop3A_560, %parallel_loop3A_561] {strides = array<i32>} : memref<640x64xf32, #tpu.memory_space<vmem>>, vector<16xf32>,
      %parallel_loop3A_563 = arith.mulf %parallel_loop3A_562, %parallel_loop3A_545 : vector<16xf32>
      %parallel_loop3A_564 = arith.addf %parallel_loop3A_563, %parallel_loop3A_222 : vector<16xf32>
      tpu.vector_store_idx %arg8[%parallel_loop3A_241, %parallel_loop3A_547], %parallel_loop3A_564 : memref<2560x17xf32, #tpu.memory_space<vmem>>[vector<16xi32>, vector<16xi32>], vector<16xf32>,
      %parallel_loop3A_565 = arith.index_cast %parallel_loop3A_549 : i32 to index
      %parallel_loop3A_566 = arith.constant 48 : index
      %parallel_loop3A_567 = tpu.vector_load %arg7[%parallel_loop3A_565, %parallel_loop3A_566] {strides = array<i32>} : memref<640x64xf32, #tpu.memory_space<vmem>>, vector<16xf32>,
      %parallel_loop3A_568 = arith.mulf %parallel_loop3A_567, %parallel_loop3A_545 : vector<16xf32>
      %parallel_loop3A_569 = arith.addf %parallel_loop3A_568, %parallel_loop3A_227 : vector<16xf32>
      tpu.vector_store_idx %arg8[%parallel_loop3A_245, %parallel_loop3A_547], %parallel_loop3A_569 : memref<2560x17xf32, #tpu.memory_space<vmem>>[vector<16xi32>, vector<16xi32>], vector<16xf32>,
      %parallel_loop3A_570 = vector.extract_strided_slice %parallel_loop3A_207 {offsets = [12], sizes = [1], strides = [1]} : vector<16xf32> to vector<1xf32>
      %parallel_loop3A_571 = vector.extract %parallel_loop3A_570[0] : f32 from vector<1xf32>
      %parallel_loop3A_572 = vector.broadcast %parallel_loop3A_571 : f32 to vector<16xf32>
      %parallel_loop3A_573 = arith.constant 12 : i32
      %parallel_loop3A_574 = vector.broadcast %parallel_loop3A_573 : i32 to vector<16xi32>
      %parallel_loop3A_575 = arith.constant 480 : i32
      %parallel_loop3A_576 = arith.addi %parallel_loop3A_575, %parallel_loop3A_197 : i32
      %parallel_loop3A_577 = arith.index_cast %parallel_loop3A_576 : i32 to index
      %parallel_loop3A_578 = arith.constant 0 : index
      %parallel_loop3A_579 = tpu.vector_load %arg7[%parallel_loop3A_577, %parallel_loop3A_578] {strides = array<i32>} : memref<640x64xf32, #tpu.memory_space<vmem>>, vector<16xf32>,
      %parallel_loop3A_580 = arith.mulf %parallel_loop3A_579, %parallel_loop3A_572 : vector<16xf32>
      %parallel_loop3A_581 = arith.addf %parallel_loop3A_580, %parallel_loop3A_212 : vector<16xf32>
      tpu.vector_store_idx %arg8[%parallel_loop3A_233, %parallel_loop3A_574], %parallel_loop3A_581 : memref<2560x17xf32, #tpu.memory_space<vmem>>[vector<16xi32>, vector<16xi32>], vector<16xf32>,
      %parallel_loop3A_582 = arith.index_cast %parallel_loop3A_576 : i32 to index
      %parallel_loop3A_583 = arith.constant 16 : index
      %parallel_loop3A_584 = tpu.vector_load %arg7[%parallel_loop3A_582, %parallel_loop3A_583] {strides = array<i32>} : memref<640x64xf32, #tpu.memory_space<vmem>>, vector<16xf32>,
      %parallel_loop3A_585 = arith.mulf %parallel_loop3A_584, %parallel_loop3A_572 : vector<16xf32>
      %parallel_loop3A_586 = arith.addf %parallel_loop3A_585, %parallel_loop3A_217 : vector<16xf32>
      tpu.vector_store_idx %arg8[%parallel_loop3A_237, %parallel_loop3A_574], %parallel_loop3A_586 : memref<2560x17xf32, #tpu.memory_space<vmem>>[vector<16xi32>, vector<16xi32>], vector<16xf32>,
      %parallel_loop3A_587 = arith.index_cast %parallel_loop3A_576 : i32 to index
      %parallel_loop3A_588 = arith.constant 32 : index
      %parallel_loop3A_589 = tpu.vector_load %arg7[%parallel_loop3A_587, %parallel_loop3A_588] {strides = array<i32>} : memref<640x64xf32, #tpu.memory_space<vmem>>, vector<16xf32>,
      %parallel_loop3A_590 = arith.mulf %parallel_loop3A_589, %parallel_loop3A_572 : vector<16xf32>
      %parallel_loop3A_591 = arith.addf %parallel_loop3A_590, %parallel_loop3A_222 : vector<16xf32>
      tpu.vector_store_idx %arg8[%parallel_loop3A_241, %parallel_loop3A_574], %parallel_loop3A_591 : memref<2560x17xf32, #tpu.memory_space<vmem>>[vector<16xi32>, vector<16xi32>], vector<16xf32>,
      %parallel_loop3A_592 = arith.index_cast %parallel_loop3A_576 : i32 to index
      %parallel_loop3A_593 = arith.constant 48 : index
      %parallel_loop3A_594 = tpu.vector_load %arg7[%parallel_loop3A_592, %parallel_loop3A_593] {strides = array<i32>} : memref<640x64xf32, #tpu.memory_space<vmem>>, vector<16xf32>,
      %parallel_loop3A_595 = arith.mulf %parallel_loop3A_594, %parallel_loop3A_572 : vector<16xf32>
      %parallel_loop3A_596 = arith.addf %parallel_loop3A_595, %parallel_loop3A_227 : vector<16xf32>
      tpu.vector_store_idx %arg8[%parallel_loop3A_245, %parallel_loop3A_574], %parallel_loop3A_596 : memref<2560x17xf32, #tpu.memory_space<vmem>>[vector<16xi32>, vector<16xi32>], vector<16xf32>,
      %parallel_loop3A_597 = vector.extract_strided_slice %parallel_loop3A_207 {offsets = [13], sizes = [1], strides = [1]} : vector<16xf32> to vector<1xf32>
      %parallel_loop3A_598 = vector.extract %parallel_loop3A_597[0] : f32 from vector<1xf32>
      %parallel_loop3A_599 = vector.broadcast %parallel_loop3A_598 : f32 to vector<16xf32>
      %parallel_loop3A_600 = arith.constant 13 : i32
      %parallel_loop3A_601 = vector.broadcast %parallel_loop3A_600 : i32 to vector<16xi32>
      %parallel_loop3A_602 = arith.constant 520 : i32
      %parallel_loop3A_603 = arith.addi %parallel_loop3A_602, %parallel_loop3A_197 : i32
      %parallel_loop3A_604 = arith.index_cast %parallel_loop3A_603 : i32 to index
      %parallel_loop3A_605 = arith.constant 0 : index
      %parallel_loop3A_606 = tpu.vector_load %arg7[%parallel_loop3A_604, %parallel_loop3A_605] {strides = array<i32>} : memref<640x64xf32, #tpu.memory_space<vmem>>, vector<16xf32>,
      %parallel_loop3A_607 = arith.mulf %parallel_loop3A_606, %parallel_loop3A_599 : vector<16xf32>
      %parallel_loop3A_608 = arith.addf %parallel_loop3A_607, %parallel_loop3A_212 : vector<16xf32>
      tpu.vector_store_idx %arg8[%parallel_loop3A_233, %parallel_loop3A_601], %parallel_loop3A_608 : memref<2560x17xf32, #tpu.memory_space<vmem>>[vector<16xi32>, vector<16xi32>], vector<16xf32>,
      %parallel_loop3A_609 = arith.index_cast %parallel_loop3A_603 : i32 to index
      %parallel_loop3A_610 = arith.constant 16 : index
      %parallel_loop3A_611 = tpu.vector_load %arg7[%parallel_loop3A_609, %parallel_loop3A_610] {strides = array<i32>} : memref<640x64xf32, #tpu.memory_space<vmem>>, vector<16xf32>,
      %parallel_loop3A_612 = arith.mulf %parallel_loop3A_611, %parallel_loop3A_599 : vector<16xf32>
      %parallel_loop3A_613 = arith.addf %parallel_loop3A_612, %parallel_loop3A_217 : vector<16xf32>
      tpu.vector_store_idx %arg8[%parallel_loop3A_237, %parallel_loop3A_601], %parallel_loop3A_613 : memref<2560x17xf32, #tpu.memory_space<vmem>>[vector<16xi32>, vector<16xi32>], vector<16xf32>,
      %parallel_loop3A_614 = arith.index_cast %parallel_loop3A_603 : i32 to index
      %parallel_loop3A_615 = arith.constant 32 : index
      %parallel_loop3A_616 = tpu.vector_load %arg7[%parallel_loop3A_614, %parallel_loop3A_615] {strides = array<i32>} : memref<640x64xf32, #tpu.memory_space<vmem>>, vector<16xf32>,
      %parallel_loop3A_617 = arith.mulf %parallel_loop3A_616, %parallel_loop3A_599 : vector<16xf32>
      %parallel_loop3A_618 = arith.addf %parallel_loop3A_617, %parallel_loop3A_222 : vector<16xf32>
      tpu.vector_store_idx %arg8[%parallel_loop3A_241, %parallel_loop3A_601], %parallel_loop3A_618 : memref<2560x17xf32, #tpu.memory_space<vmem>>[vector<16xi32>, vector<16xi32>], vector<16xf32>,
      %parallel_loop3A_619 = arith.index_cast %parallel_loop3A_603 : i32 to index
      %parallel_loop3A_620 = arith.constant 48 : index
      %parallel_loop3A_621 = tpu.vector_load %arg7[%parallel_loop3A_619, %parallel_loop3A_620] {strides = array<i32>} : memref<640x64xf32, #tpu.memory_space<vmem>>, vector<16xf32>,
      %parallel_loop3A_622 = arith.mulf %parallel_loop3A_621, %parallel_loop3A_599 : vector<16xf32>
      %parallel_loop3A_623 = arith.addf %parallel_loop3A_622, %parallel_loop3A_227 : vector<16xf32>
      tpu.vector_store_idx %arg8[%parallel_loop3A_245, %parallel_loop3A_601], %parallel_loop3A_623 : memref<2560x17xf32, #tpu.memory_space<vmem>>[vector<16xi32>, vector<16xi32>], vector<16xf32>,
      %parallel_loop3A_624 = vector.extract_strided_slice %parallel_loop3A_207 {offsets = [14], sizes = [1], strides = [1]} : vector<16xf32> to vector<1xf32>
      %parallel_loop3A_625 = vector.extract %parallel_loop3A_624[0] : f32 from vector<1xf32>
      %parallel_loop3A_626 = vector.broadcast %parallel_loop3A_625 : f32 to vector<16xf32>
      %parallel_loop3A_627 = arith.constant 14 : i32
      %parallel_loop3A_628 = vector.broadcast %parallel_loop3A_627 : i32 to vector<16xi32>
      %parallel_loop3A_629 = arith.constant 560 : i32
      %parallel_loop3A_630 = arith.addi %parallel_loop3A_629, %parallel_loop3A_197 : i32
      %parallel_loop3A_631 = arith.index_cast %parallel_loop3A_630 : i32 to index
      %parallel_loop3A_632 = arith.constant 0 : index
      %parallel_loop3A_633 = tpu.vector_load %arg7[%parallel_loop3A_631, %parallel_loop3A_632] {strides = array<i32>} : memref<640x64xf32, #tpu.memory_space<vmem>>, vector<16xf32>,
      %parallel_loop3A_634 = arith.mulf %parallel_loop3A_633, %parallel_loop3A_626 : vector<16xf32>
      %parallel_loop3A_635 = arith.addf %parallel_loop3A_634, %parallel_loop3A_212 : vector<16xf32>
      tpu.vector_store_idx %arg8[%parallel_loop3A_233, %parallel_loop3A_628], %parallel_loop3A_635 : memref<2560x17xf32, #tpu.memory_space<vmem>>[vector<16xi32>, vector<16xi32>], vector<16xf32>,
      %parallel_loop3A_636 = arith.index_cast %parallel_loop3A_630 : i32 to index
      %parallel_loop3A_637 = arith.constant 16 : index
      %parallel_loop3A_638 = tpu.vector_load %arg7[%parallel_loop3A_636, %parallel_loop3A_637] {strides = array<i32>} : memref<640x64xf32, #tpu.memory_space<vmem>>, vector<16xf32>,
      %parallel_loop3A_639 = arith.mulf %parallel_loop3A_638, %parallel_loop3A_626 : vector<16xf32>
      %parallel_loop3A_640 = arith.addf %parallel_loop3A_639, %parallel_loop3A_217 : vector<16xf32>
      tpu.vector_store_idx %arg8[%parallel_loop3A_237, %parallel_loop3A_628], %parallel_loop3A_640 : memref<2560x17xf32, #tpu.memory_space<vmem>>[vector<16xi32>, vector<16xi32>], vector<16xf32>,
      %parallel_loop3A_641 = arith.index_cast %parallel_loop3A_630 : i32 to index
      %parallel_loop3A_642 = arith.constant 32 : index
      %parallel_loop3A_643 = tpu.vector_load %arg7[%parallel_loop3A_641, %parallel_loop3A_642] {strides = array<i32>} : memref<640x64xf32, #tpu.memory_space<vmem>>, vector<16xf32>,
      %parallel_loop3A_644 = arith.mulf %parallel_loop3A_643, %parallel_loop3A_626 : vector<16xf32>
      %parallel_loop3A_645 = arith.addf %parallel_loop3A_644, %parallel_loop3A_222 : vector<16xf32>
      tpu.vector_store_idx %arg8[%parallel_loop3A_241, %parallel_loop3A_628], %parallel_loop3A_645 : memref<2560x17xf32, #tpu.memory_space<vmem>>[vector<16xi32>, vector<16xi32>], vector<16xf32>,
      %parallel_loop3A_646 = arith.index_cast %parallel_loop3A_630 : i32 to index
      %parallel_loop3A_647 = arith.constant 48 : index
      %parallel_loop3A_648 = tpu.vector_load %arg7[%parallel_loop3A_646, %parallel_loop3A_647] {strides = array<i32>} : memref<640x64xf32, #tpu.memory_space<vmem>>, vector<16xf32>,
      %parallel_loop3A_649 = arith.mulf %parallel_loop3A_648, %parallel_loop3A_626 : vector<16xf32>
      %parallel_loop3A_650 = arith.addf %parallel_loop3A_649, %parallel_loop3A_227 : vector<16xf32>
      tpu.vector_store_idx %arg8[%parallel_loop3A_245, %parallel_loop3A_628], %parallel_loop3A_650 : memref<2560x17xf32, #tpu.memory_space<vmem>>[vector<16xi32>, vector<16xi32>], vector<16xf32>,
      %parallel_loop3A_651 = vector.extract_strided_slice %parallel_loop3A_207 {offsets = [15], sizes = [1], strides = [1]} : vector<16xf32> to vector<1xf32>
      %parallel_loop3A_652 = vector.extract %parallel_loop3A_651[0] : f32 from vector<1xf32>
      %parallel_loop3A_653 = vector.broadcast %parallel_loop3A_652 : f32 to vector<16xf32>
      %parallel_loop3A_654 = arith.constant 15 : i32
      %parallel_loop3A_655 = vector.broadcast %parallel_loop3A_654 : i32 to vector<16xi32>
      %parallel_loop3A_656 = arith.constant 600 : i32
      %parallel_loop3A_657 = arith.addi %parallel_loop3A_656, %parallel_loop3A_197 : i32
      %parallel_loop3A_658 = arith.index_cast %parallel_loop3A_657 : i32 to index
      %parallel_loop3A_659 = arith.constant 0 : index
      %parallel_loop3A_660 = tpu.vector_load %arg7[%parallel_loop3A_658, %parallel_loop3A_659] {strides = array<i32>} : memref<640x64xf32, #tpu.memory_space<vmem>>, vector<16xf32>,
      %parallel_loop3A_661 = arith.mulf %parallel_loop3A_660, %parallel_loop3A_653 : vector<16xf32>
      %parallel_loop3A_662 = arith.addf %parallel_loop3A_661, %parallel_loop3A_212 : vector<16xf32>
      tpu.vector_store_idx %arg8[%parallel_loop3A_233, %parallel_loop3A_655], %parallel_loop3A_662 : memref<2560x17xf32, #tpu.memory_space<vmem>>[vector<16xi32>, vector<16xi32>], vector<16xf32>,
      %parallel_loop3A_663 = arith.index_cast %parallel_loop3A_657 : i32 to index
      %parallel_loop3A_664 = arith.constant 16 : index
      %parallel_loop3A_665 = tpu.vector_load %arg7[%parallel_loop3A_663, %parallel_loop3A_664] {strides = array<i32>} : memref<640x64xf32, #tpu.memory_space<vmem>>, vector<16xf32>,
      %parallel_loop3A_666 = arith.mulf %parallel_loop3A_665, %parallel_loop3A_653 : vector<16xf32>
      %parallel_loop3A_667 = arith.addf %parallel_loop3A_666, %parallel_loop3A_217 : vector<16xf32>
      tpu.vector_store_idx %arg8[%parallel_loop3A_237, %parallel_loop3A_655], %parallel_loop3A_667 : memref<2560x17xf32, #tpu.memory_space<vmem>>[vector<16xi32>, vector<16xi32>], vector<16xf32>,
      %parallel_loop3A_668 = arith.index_cast %parallel_loop3A_657 : i32 to index
      %parallel_loop3A_669 = arith.constant 32 : index
      %parallel_loop3A_670 = tpu.vector_load %arg7[%parallel_loop3A_668, %parallel_loop3A_669] {strides = array<i32>} : memref<640x64xf32, #tpu.memory_space<vmem>>, vector<16xf32>,
      %parallel_loop3A_671 = arith.mulf %parallel_loop3A_670, %parallel_loop3A_653 : vector<16xf32>
      %parallel_loop3A_672 = arith.addf %parallel_loop3A_671, %parallel_loop3A_222 : vector<16xf32>
      tpu.vector_store_idx %arg8[%parallel_loop3A_241, %parallel_loop3A_655], %parallel_loop3A_672 : memref<2560x17xf32, #tpu.memory_space<vmem>>[vector<16xi32>, vector<16xi32>], vector<16xf32>,
      %parallel_loop3A_673 = arith.index_cast %parallel_loop3A_657 : i32 to index
      %parallel_loop3A_674 = arith.constant 48 : index
      %parallel_loop3A_675 = tpu.vector_load %arg7[%parallel_loop3A_673, %parallel_loop3A_674] {strides = array<i32>} : memref<640x64xf32, #tpu.memory_space<vmem>>, vector<16xf32>,
      %parallel_loop3A_676 = arith.mulf %parallel_loop3A_675, %parallel_loop3A_653 : vector<16xf32>
      %parallel_loop3A_677 = arith.addf %parallel_loop3A_676, %parallel_loop3A_227 : vector<16xf32>
      tpu.vector_store_idx %arg8[%parallel_loop3A_245, %parallel_loop3A_655], %parallel_loop3A_677 : memref<2560x17xf32, #tpu.memory_space<vmem>>[vector<16xi32>, vector<16xi32>], vector<16xf32>,
    } {sc.loop_unroll_factor = 4 : i64, sc.parallel_access}
    %dma_start3A_171 = arith.constant 0 : i32
    %dma_start3A_172 = arith.constant 0 : i32
    %dma_start3A_173 = tpu.memref_slice %arg8[%dma_start3A_171, %dma_start3A_172] : memref<2560x17xf32, #tpu.memory_space<vmem>> -> memref<2560x16xf32, #tpu.memory_space<vmem>>
    %dma_start3A_174 = arith.constant 0 : i32
    %dma_start3A_175 = tpu.memref_slice %arg5[%dma_start3A_174, %add3A_4] : memref<12800x4096xf32, #tpu.memory_space<hbm>> -> memref<2560x16xf32, #tpu.memory_space<hbm>>
    %dma_start3A_176 = arith.constant 0 : i32
    %dma_start3A_177 = tpu.memref_slice %arg5[%dma_start3A_176, %add3A_4] : memref<12800x4096xf32, #tpu.memory_space<hbm>> -> memref<2560x16xf32, #tpu.memory_space<hbm>>
    %dma_start3A_178 = arith.constant 0 : i32
    %dma_start3A_179 = arith.constant 0 : i32
    %dma_start3A_180 = tpu.memref_slice %arg8[%dma_start3A_178, %dma_start3A_179] : memref<2560x17xf32, #tpu.memory_space<vmem>> -> memref<2560x16xf32, #tpu.memory_space<vmem>>
    tpu.enqueue_dma source(%dma_start3A_180 : memref<2560x16xf32, #tpu.memory_space<vmem>>) target(%dma_start3A_177 : memref<2560x16xf32, #tpu.memory_space<hbm>>) target_semaphore(%arg11 : memref<!tpu.dma_semaphore, #tpu.memory_space<semaphore_mem>>)
    %scan3A = arith.constant 0 : i32
    %scan3A_181 = arith.constant 39 : i32
    %scan3A_182 = arith.addi %scan3A, %scan3A_181 : i32
    %scan3A_183 = arith.constant 1 : i32
    scf.for %scan3A_197 = %scan3A to %scan3A_182 step %scan3A_183  : i32 {
      %mul3A_198 = arith.constant 1 : i32
      %mul3A_199 = arith.muli %scan3A_197, %mul3A_198 : i32
      %add3A_200 = arith.constant 1 : i32
      %add3A_201 = arith.addi %add3A_200, %mul3A_199 : i32
      %div3A = arith.constant 5 : i32
      %div3A_202 = arith.divsi %add3A_201, %div3A : i32
      %rem3A = arith.constant 5 : i32
      %rem3A_203 = arith.remsi %add3A_201, %rem3A : i32
      %mul3A_204 = arith.constant 16 : i32
      %mul3A_205 = arith.muli %div3A_202, %mul3A_204 : i32
      %add3A_206 = arith.addi %mul3A_2, %mul3A_205 : i32
      %mul3A_207 = arith.constant 40 : i32
      %mul3A_208 = arith.muli %rem3A_203, %mul3A_207 : i32
      "tpu.region"() ({
        %run_scoped3A = tpu.sem_alloc : memref<!tpu.dma_semaphore, #tpu.memory_space<semaphore_mem>>
        %dma_start3A_400 = tpu.memref_slice %arg2[%add3A_206, %mul3A_208] : memref<4096x200xi32, #tpu.memory_space<hbm>> -> memref<16x40xi32, #tpu.memory_space<hbm>>
        %dma_start3A_401 = tpu.memref_slice %arg2[%add3A_206, %mul3A_208] : memref<4096x200xi32, #tpu.memory_space<hbm>> -> memref<16x40xi32, #tpu.memory_space<hbm>>
        tpu.enqueue_dma source(%dma_start3A_401 : memref<16x40xi32, #tpu.memory_space<hbm>>) target(%arg6 : memref<16x40xi32, #tpu.memory_space<vmem>>) target_semaphore(%run_scoped3A : memref<!tpu.dma_semaphore, #tpu.memory_space<semaphore_mem>>)
        %dma_wait3A_402 = tpu.memref_slice %arg2[%add3A_206, %mul3A_208] : memref<4096x200xi32, #tpu.memory_space<hbm>> -> memref<16x40xi32, #tpu.memory_space<hbm>>
        %dma_wait3A_403 = tpu.memref_slice %arg2[%add3A_206, %mul3A_208] : memref<4096x200xi32, #tpu.memory_space<hbm>> -> memref<16x40xi32, #tpu.memory_space<hbm>>
        tpu.wait_dma2 semaphore(%run_scoped3A : memref<!tpu.dma_semaphore, #tpu.memory_space<semaphore_mem>>) src(%dma_wait3A_403 : memref<16x40xi32, #tpu.memory_space<hbm>>) dst(%arg6 : memref<16x40xi32, #tpu.memory_space<vmem>>)
        tpu.yield
      }) : () -> ()
      %dma_start3A_209 = arith.constant 0 : i32
      %dma_start3A_210 = arith.constant 0 : i32
      %dma_start3A_211 = arith.constant 0 : i32
      %dma_start3A_212 = tpu.memref_slice %arg7[%dma_start3A_210, %dma_start3A_211] : memref<640x64xf32, #tpu.memory_space<vmem>> -> memref<40x64xf32, #tpu.memory_space<vmem>>
      %dma_start3A_213 = arith.constant 0 : i32
      %dma_start3A_214 = tpu.memref_slice %arg6[%dma_start3A_209, %dma_start3A_213] : memref<16x40xi32, #tpu.memory_space<vmem>> -> memref<1x40xi32, #tpu.memory_space<vmem>>
      %dma_start3A_215 = tpu.memref_squeeze %dma_start3A_214 : memref<1x40xi32, #tpu.memory_space<vmem>> -> memref<40xi32, #tpu.memory_space<vmem>>
      %dma_start3A_216 = arith.constant 0 : i32
      %dma_start3A_217 = arith.constant 0 : i32
      %dma_start3A_218 = tpu.memref_slice %arg3[%dma_start3A_216, %dma_start3A_217] : memref<1000000x64xf32, #tpu.memory_space<hbm>> -> memref<1000000x64xf32, #tpu.memory_space<hbm>>
      tpu.enqueue_indirect_dma source(%dma_start3A_218 : memref<1000000x64xf32, #tpu.memory_space<hbm>>) target(%dma_start3A_212 : memref<40x64xf32, #tpu.memory_space<vmem>>) offsets(%dma_start3A_215 : memref<40xi32, #tpu.memory_space<vmem>>) semaphore(%arg10 : memref<!tpu.dma_semaphore, #tpu.memory_space<semaphore_mem>>)
      %dma_start3A_219 = arith.constant 1 : i32
      %dma_start3A_220 = arith.constant 40 : i32
      %dma_start3A_221 = arith.constant 0 : i32
      %dma_start3A_222 = tpu.memref_slice %arg7[%dma_start3A_220, %dma_start3A_221] : memref<640x64xf32, #tpu.memory_space<vmem>> -> memref<40x64xf32, #tpu.memory_space<vmem>>
      %dma_start3A_223 = arith.constant 0 : i32
      %dma_start3A_224 = tpu.memref_slice %arg6[%dma_start3A_219, %dma_start3A_223] : memref<16x40xi32, #tpu.memory_space<vmem>> -> memref<1x40xi32, #tpu.memory_space<vmem>>
      %dma_start3A_225 = tpu.memref_squeeze %dma_start3A_224 : memref<1x40xi32, #tpu.memory_space<vmem>> -> memref<40xi32, #tpu.memory_space<vmem>>
      %dma_start3A_226 = arith.constant 0 : i32
      %dma_start3A_227 = arith.constant 0 : i32
      %dma_start3A_228 = tpu.memref_slice %arg3[%dma_start3A_226, %dma_start3A_227] : memref<1000000x64xf32, #tpu.memory_space<hbm>> -> memref<1000000x64xf32, #tpu.memory_space<hbm>>
      tpu.enqueue_indirect_dma source(%dma_start3A_228 : memref<1000000x64xf32, #tpu.memory_space<hbm>>) target(%dma_start3A_222 : memref<40x64xf32, #tpu.memory_space<vmem>>) offsets(%dma_start3A_225 : memref<40xi32, #tpu.memory_space<vmem>>) semaphore(%arg10 : memref<!tpu.dma_semaphore, #tpu.memory_space<semaphore_mem>>)
      %dma_start3A_229 = arith.constant 2 : i32
      %dma_start3A_230 = arith.constant 80 : i32
      %dma_start3A_231 = arith.constant 0 : i32
      %dma_start3A_232 = tpu.memref_slice %arg7[%dma_start3A_230, %dma_start3A_231] : memref<640x64xf32, #tpu.memory_space<vmem>> -> memref<40x64xf32, #tpu.memory_space<vmem>>
      %dma_start3A_233 = arith.constant 0 : i32
      %dma_start3A_234 = tpu.memref_slice %arg6[%dma_start3A_229, %dma_start3A_233] : memref<16x40xi32, #tpu.memory_space<vmem>> -> memref<1x40xi32, #tpu.memory_space<vmem>>
      %dma_start3A_235 = tpu.memref_squeeze %dma_start3A_234 : memref<1x40xi32, #tpu.memory_space<vmem>> -> memref<40xi32, #tpu.memory_space<vmem>>
      %dma_start3A_236 = arith.constant 0 : i32
      %dma_start3A_237 = arith.constant 0 : i32
      %dma_start3A_238 = tpu.memref_slice %arg3[%dma_start3A_236, %dma_start3A_237] : memref<1000000x64xf32, #tpu.memory_space<hbm>> -> memref<1000000x64xf32, #tpu.memory_space<hbm>>
      tpu.enqueue_indirect_dma source(%dma_start3A_238 : memref<1000000x64xf32, #tpu.memory_space<hbm>>) target(%dma_start3A_232 : memref<40x64xf32, #tpu.memory_space<vmem>>) offsets(%dma_start3A_235 : memref<40xi32, #tpu.memory_space<vmem>>) semaphore(%arg10 : memref<!tpu.dma_semaphore, #tpu.memory_space<semaphore_mem>>)
      %dma_start3A_239 = arith.constant 3 : i32
      %dma_start3A_240 = arith.constant 120 : i32
      %dma_start3A_241 = arith.constant 0 : i32
      %dma_start3A_242 = tpu.memref_slice %arg7[%dma_start3A_240, %dma_start3A_241] : memref<640x64xf32, #tpu.memory_space<vmem>> -> memref<40x64xf32, #tpu.memory_space<vmem>>
      %dma_start3A_243 = arith.constant 0 : i32
      %dma_start3A_244 = tpu.memref_slice %arg6[%dma_start3A_239, %dma_start3A_243] : memref<16x40xi32, #tpu.memory_space<vmem>> -> memref<1x40xi32, #tpu.memory_space<vmem>>
      %dma_start3A_245 = tpu.memref_squeeze %dma_start3A_244 : memref<1x40xi32, #tpu.memory_space<vmem>> -> memref<40xi32, #tpu.memory_space<vmem>>
      %dma_start3A_246 = arith.constant 0 : i32
      %dma_start3A_247 = arith.constant 0 : i32
      %dma_start3A_248 = tpu.memref_slice %arg3[%dma_start3A_246, %dma_start3A_247] : memref<1000000x64xf32, #tpu.memory_space<hbm>> -> memref<1000000x64xf32, #tpu.memory_space<hbm>>
      tpu.enqueue_indirect_dma source(%dma_start3A_248 : memref<1000000x64xf32, #tpu.memory_space<hbm>>) target(%dma_start3A_242 : memref<40x64xf32, #tpu.memory_space<vmem>>) offsets(%dma_start3A_245 : memref<40xi32, #tpu.memory_space<vmem>>) semaphore(%arg10 : memref<!tpu.dma_semaphore, #tpu.memory_space<semaphore_mem>>)
      %dma_start3A_249 = arith.constant 4 : i32
      %dma_start3A_250 = arith.constant 160 : i32
      %dma_start3A_251 = arith.constant 0 : i32
      %dma_start3A_252 = tpu.memref_slice %arg7[%dma_start3A_250, %dma_start3A_251] : memref<640x64xf32, #tpu.memory_space<vmem>> -> memref<40x64xf32, #tpu.memory_space<vmem>>
      %dma_start3A_253 = arith.constant 0 : i32
      %dma_start3A_254 = tpu.memref_slice %arg6[%dma_start3A_249, %dma_start3A_253] : memref<16x40xi32, #tpu.memory_space<vmem>> -> memref<1x40xi32, #tpu.memory_space<vmem>>
      %dma_start3A_255 = tpu.memref_squeeze %dma_start3A_254 : memref<1x40xi32, #tpu.memory_space<vmem>> -> memref<40xi32, #tpu.memory_space<vmem>>
      %dma_start3A_256 = arith.constant 0 : i32
      %dma_start3A_257 = arith.constant 0 : i32
      %dma_start3A_258 = tpu.memref_slice %arg3[%dma_start3A_256, %dma_start3A_257] : memref<1000000x64xf32, #tpu.memory_space<hbm>> -> memref<1000000x64xf32, #tpu.memory_space<hbm>>
      tpu.enqueue_indirect_dma source(%dma_start3A_258 : memref<1000000x64xf32, #tpu.memory_space<hbm>>) target(%dma_start3A_252 : memref<40x64xf32, #tpu.memory_space<vmem>>) offsets(%dma_start3A_255 : memref<40xi32, #tpu.memory_space<vmem>>) semaphore(%arg10 : memref<!tpu.dma_semaphore, #tpu.memory_space<semaphore_mem>>)
      %dma_start3A_259 = arith.constant 5 : i32
      %dma_start3A_260 = arith.constant 200 : i32
      %dma_start3A_261 = arith.constant 0 : i32
      %dma_start3A_262 = tpu.memref_slice %arg7[%dma_start3A_260, %dma_start3A_261] : memref<640x64xf32, #tpu.memory_space<vmem>> -> memref<40x64xf32, #tpu.memory_space<vmem>>
      %dma_start3A_263 = arith.constant 0 : i32
      %dma_start3A_264 = tpu.memref_slice %arg6[%dma_start3A_259, %dma_start3A_263] : memref<16x40xi32, #tpu.memory_space<vmem>> -> memref<1x40xi32, #tpu.memory_space<vmem>>
      %dma_start3A_265 = tpu.memref_squeeze %dma_start3A_264 : memref<1x40xi32, #tpu.memory_space<vmem>> -> memref<40xi32, #tpu.memory_space<vmem>>
      %dma_start3A_266 = arith.constant 0 : i32
      %dma_start3A_267 = arith.constant 0 : i32
      %dma_start3A_268 = tpu.memref_slice %arg3[%dma_start3A_266, %dma_start3A_267] : memref<1000000x64xf32, #tpu.memory_space<hbm>> -> memref<1000000x64xf32, #tpu.memory_space<hbm>>
      tpu.enqueue_indirect_dma source(%dma_start3A_268 : memref<1000000x64xf32, #tpu.memory_space<hbm>>) target(%dma_start3A_262 : memref<40x64xf32, #tpu.memory_space<vmem>>) offsets(%dma_start3A_265 : memref<40xi32, #tpu.memory_space<vmem>>) semaphore(%arg10 : memref<!tpu.dma_semaphore, #tpu.memory_space<semaphore_mem>>)
      %dma_start3A_269 = arith.constant 6 : i32
      %dma_start3A_270 = arith.constant 240 : i32
      %dma_start3A_271 = arith.constant 0 : i32
      %dma_start3A_272 = tpu.memref_slice %arg7[%dma_start3A_270, %dma_start3A_271] : memref<640x64xf32, #tpu.memory_space<vmem>> -> memref<40x64xf32, #tpu.memory_space<vmem>>
      %dma_start3A_273 = arith.constant 0 : i32
      %dma_start3A_274 = tpu.memref_slice %arg6[%dma_start3A_269, %dma_start3A_273] : memref<16x40xi32, #tpu.memory_space<vmem>> -> memref<1x40xi32, #tpu.memory_space<vmem>>
      %dma_start3A_275 = tpu.memref_squeeze %dma_start3A_274 : memref<1x40xi32, #tpu.memory_space<vmem>> -> memref<40xi32, #tpu.memory_space<vmem>>
      %dma_start3A_276 = arith.constant 0 : i32
      %dma_start3A_277 = arith.constant 0 : i32
      %dma_start3A_278 = tpu.memref_slice %arg3[%dma_start3A_276, %dma_start3A_277] : memref<1000000x64xf32, #tpu.memory_space<hbm>> -> memref<1000000x64xf32, #tpu.memory_space<hbm>>
      tpu.enqueue_indirect_dma source(%dma_start3A_278 : memref<1000000x64xf32, #tpu.memory_space<hbm>>) target(%dma_start3A_272 : memref<40x64xf32, #tpu.memory_space<vmem>>) offsets(%dma_start3A_275 : memref<40xi32, #tpu.memory_space<vmem>>) semaphore(%arg10 : memref<!tpu.dma_semaphore, #tpu.memory_space<semaphore_mem>>)
      %dma_start3A_279 = arith.constant 7 : i32
      %dma_start3A_280 = arith.constant 280 : i32
      %dma_start3A_281 = arith.constant 0 : i32
      %dma_start3A_282 = tpu.memref_slice %arg7[%dma_start3A_280, %dma_start3A_281] : memref<640x64xf32, #tpu.memory_space<vmem>> -> memref<40x64xf32, #tpu.memory_space<vmem>>
      %dma_start3A_283 = arith.constant 0 : i32
      %dma_start3A_284 = tpu.memref_slice %arg6[%dma_start3A_279, %dma_start3A_283] : memref<16x40xi32, #tpu.memory_space<vmem>> -> memref<1x40xi32, #tpu.memory_space<vmem>>
      %dma_start3A_285 = tpu.memref_squeeze %dma_start3A_284 : memref<1x40xi32, #tpu.memory_space<vmem>> -> memref<40xi32, #tpu.memory_space<vmem>>
      %dma_start3A_286 = arith.constant 0 : i32
      %dma_start3A_287 = arith.constant 0 : i32
      %dma_start3A_288 = tpu.memref_slice %arg3[%dma_start3A_286, %dma_start3A_287] : memref<1000000x64xf32, #tpu.memory_space<hbm>> -> memref<1000000x64xf32, #tpu.memory_space<hbm>>
      tpu.enqueue_indirect_dma source(%dma_start3A_288 : memref<1000000x64xf32, #tpu.memory_space<hbm>>) target(%dma_start3A_282 : memref<40x64xf32, #tpu.memory_space<vmem>>) offsets(%dma_start3A_285 : memref<40xi32, #tpu.memory_space<vmem>>) semaphore(%arg10 : memref<!tpu.dma_semaphore, #tpu.memory_space<semaphore_mem>>)
      %dma_start3A_289 = arith.constant 8 : i32
      %dma_start3A_290 = arith.constant 320 : i32
      %dma_start3A_291 = arith.constant 0 : i32
      %dma_start3A_292 = tpu.memref_slice %arg7[%dma_start3A_290, %dma_start3A_291] : memref<640x64xf32, #tpu.memory_space<vmem>> -> memref<40x64xf32, #tpu.memory_space<vmem>>
      %dma_start3A_293 = arith.constant 0 : i32
      %dma_start3A_294 = tpu.memref_slice %arg6[%dma_start3A_289, %dma_start3A_293] : memref<16x40xi32, #tpu.memory_space<vmem>> -> memref<1x40xi32, #tpu.memory_space<vmem>>
      %dma_start3A_295 = tpu.memref_squeeze %dma_start3A_294 : memref<1x40xi32, #tpu.memory_space<vmem>> -> memref<40xi32, #tpu.memory_space<vmem>>
      %dma_start3A_296 = arith.constant 0 : i32
      %dma_start3A_297 = arith.constant 0 : i32
      %dma_start3A_298 = tpu.memref_slice %arg3[%dma_start3A_296, %dma_start3A_297] : memref<1000000x64xf32, #tpu.memory_space<hbm>> -> memref<1000000x64xf32, #tpu.memory_space<hbm>>
      tpu.enqueue_indirect_dma source(%dma_start3A_298 : memref<1000000x64xf32, #tpu.memory_space<hbm>>) target(%dma_start3A_292 : memref<40x64xf32, #tpu.memory_space<vmem>>) offsets(%dma_start3A_295 : memref<40xi32, #tpu.memory_space<vmem>>) semaphore(%arg10 : memref<!tpu.dma_semaphore, #tpu.memory_space<semaphore_mem>>)
      %dma_start3A_299 = arith.constant 9 : i32
      %dma_start3A_300 = arith.constant 360 : i32
      %dma_start3A_301 = arith.constant 0 : i32
      %dma_start3A_302 = tpu.memref_slice %arg7[%dma_start3A_300, %dma_start3A_301] : memref<640x64xf32, #tpu.memory_space<vmem>> -> memref<40x64xf32, #tpu.memory_space<vmem>>
      %dma_start3A_303 = arith.constant 0 : i32
      %dma_start3A_304 = tpu.memref_slice %arg6[%dma_start3A_299, %dma_start3A_303] : memref<16x40xi32, #tpu.memory_space<vmem>> -> memref<1x40xi32, #tpu.memory_space<vmem>>
      %dma_start3A_305 = tpu.memref_squeeze %dma_start3A_304 : memref<1x40xi32, #tpu.memory_space<vmem>> -> memref<40xi32, #tpu.memory_space<vmem>>
      %dma_start3A_306 = arith.constant 0 : i32
      %dma_start3A_307 = arith.constant 0 : i32
      %dma_start3A_308 = tpu.memref_slice %arg3[%dma_start3A_306, %dma_start3A_307] : memref<1000000x64xf32, #tpu.memory_space<hbm>> -> memref<1000000x64xf32, #tpu.memory_space<hbm>>
      tpu.enqueue_indirect_dma source(%dma_start3A_308 : memref<1000000x64xf32, #tpu.memory_space<hbm>>) target(%dma_start3A_302 : memref<40x64xf32, #tpu.memory_space<vmem>>) offsets(%dma_start3A_305 : memref<40xi32, #tpu.memory_space<vmem>>) semaphore(%arg10 : memref<!tpu.dma_semaphore, #tpu.memory_space<semaphore_mem>>)
      %dma_start3A_309 = arith.constant 10 : i32
      %dma_start3A_310 = arith.constant 400 : i32
      %dma_start3A_311 = arith.constant 0 : i32
      %dma_start3A_312 = tpu.memref_slice %arg7[%dma_start3A_310, %dma_start3A_311] : memref<640x64xf32, #tpu.memory_space<vmem>> -> memref<40x64xf32, #tpu.memory_space<vmem>>
      %dma_start3A_313 = arith.constant 0 : i32
      %dma_start3A_314 = tpu.memref_slice %arg6[%dma_start3A_309, %dma_start3A_313] : memref<16x40xi32, #tpu.memory_space<vmem>> -> memref<1x40xi32, #tpu.memory_space<vmem>>
      %dma_start3A_315 = tpu.memref_squeeze %dma_start3A_314 : memref<1x40xi32, #tpu.memory_space<vmem>> -> memref<40xi32, #tpu.memory_space<vmem>>
      %dma_start3A_316 = arith.constant 0 : i32
      %dma_start3A_317 = arith.constant 0 : i32
      %dma_start3A_318 = tpu.memref_slice %arg3[%dma_start3A_316, %dma_start3A_317] : memref<1000000x64xf32, #tpu.memory_space<hbm>> -> memref<1000000x64xf32, #tpu.memory_space<hbm>>
      tpu.enqueue_indirect_dma source(%dma_start3A_318 : memref<1000000x64xf32, #tpu.memory_space<hbm>>) target(%dma_start3A_312 : memref<40x64xf32, #tpu.memory_space<vmem>>) offsets(%dma_start3A_315 : memref<40xi32, #tpu.memory_space<vmem>>) semaphore(%arg10 : memref<!tpu.dma_semaphore, #tpu.memory_space<semaphore_mem>>)
      %dma_start3A_319 = arith.constant 11 : i32
      %dma_start3A_320 = arith.constant 440 : i32
      %dma_start3A_321 = arith.constant 0 : i32
      %dma_start3A_322 = tpu.memref_slice %arg7[%dma_start3A_320, %dma_start3A_321] : memref<640x64xf32, #tpu.memory_space<vmem>> -> memref<40x64xf32, #tpu.memory_space<vmem>>
      %dma_start3A_323 = arith.constant 0 : i32
      %dma_start3A_324 = tpu.memref_slice %arg6[%dma_start3A_319, %dma_start3A_323] : memref<16x40xi32, #tpu.memory_space<vmem>> -> memref<1x40xi32, #tpu.memory_space<vmem>>
      %dma_start3A_325 = tpu.memref_squeeze %dma_start3A_324 : memref<1x40xi32, #tpu.memory_space<vmem>> -> memref<40xi32, #tpu.memory_space<vmem>>
      %dma_start3A_326 = arith.constant 0 : i32
      %dma_start3A_327 = arith.constant 0 : i32
      %dma_start3A_328 = tpu.memref_slice %arg3[%dma_start3A_326, %dma_start3A_327] : memref<1000000x64xf32, #tpu.memory_space<hbm>> -> memref<1000000x64xf32, #tpu.memory_space<hbm>>
      tpu.enqueue_indirect_dma source(%dma_start3A_328 : memref<1000000x64xf32, #tpu.memory_space<hbm>>) target(%dma_start3A_322 : memref<40x64xf32, #tpu.memory_space<vmem>>) offsets(%dma_start3A_325 : memref<40xi32, #tpu.memory_space<vmem>>) semaphore(%arg10 : memref<!tpu.dma_semaphore, #tpu.memory_space<semaphore_mem>>)
      %dma_start3A_329 = arith.constant 12 : i32
      %dma_start3A_330 = arith.constant 480 : i32
      %dma_start3A_331 = arith.constant 0 : i32
      %dma_start3A_332 = tpu.memref_slice %arg7[%dma_start3A_330, %dma_start3A_331] : memref<640x64xf32, #tpu.memory_space<vmem>> -> memref<40x64xf32, #tpu.memory_space<vmem>>
      %dma_start3A_333 = arith.constant 0 : i32
      %dma_start3A_334 = tpu.memref_slice %arg6[%dma_start3A_329, %dma_start3A_333] : memref<16x40xi32, #tpu.memory_space<vmem>> -> memref<1x40xi32, #tpu.memory_space<vmem>>
      %dma_start3A_335 = tpu.memref_squeeze %dma_start3A_334 : memref<1x40xi32, #tpu.memory_space<vmem>> -> memref<40xi32, #tpu.memory_space<vmem>>
      %dma_start3A_336 = arith.constant 0 : i32
      %dma_start3A_337 = arith.constant 0 : i32
      %dma_start3A_338 = tpu.memref_slice %arg3[%dma_start3A_336, %dma_start3A_337] : memref<1000000x64xf32, #tpu.memory_space<hbm>> -> memref<1000000x64xf32, #tpu.memory_space<hbm>>
      tpu.enqueue_indirect_dma source(%dma_start3A_338 : memref<1000000x64xf32, #tpu.memory_space<hbm>>) target(%dma_start3A_332 : memref<40x64xf32, #tpu.memory_space<vmem>>) offsets(%dma_start3A_335 : memref<40xi32, #tpu.memory_space<vmem>>) semaphore(%arg10 : memref<!tpu.dma_semaphore, #tpu.memory_space<semaphore_mem>>)
      %dma_start3A_339 = arith.constant 13 : i32
      %dma_start3A_340 = arith.constant 520 : i32
      %dma_start3A_341 = arith.constant 0 : i32
      %dma_start3A_342 = tpu.memref_slice %arg7[%dma_start3A_340, %dma_start3A_341] : memref<640x64xf32, #tpu.memory_space<vmem>> -> memref<40x64xf32, #tpu.memory_space<vmem>>
      %dma_start3A_343 = arith.constant 0 : i32
      %dma_start3A_344 = tpu.memref_slice %arg6[%dma_start3A_339, %dma_start3A_343] : memref<16x40xi32, #tpu.memory_space<vmem>> -> memref<1x40xi32, #tpu.memory_space<vmem>>
      %dma_start3A_345 = tpu.memref_squeeze %dma_start3A_344 : memref<1x40xi32, #tpu.memory_space<vmem>> -> memref<40xi32, #tpu.memory_space<vmem>>
      %dma_start3A_346 = arith.constant 0 : i32
      %dma_start3A_347 = arith.constant 0 : i32
      %dma_start3A_348 = tpu.memref_slice %arg3[%dma_start3A_346, %dma_start3A_347] : memref<1000000x64xf32, #tpu.memory_space<hbm>> -> memref<1000000x64xf32, #tpu.memory_space<hbm>>
      tpu.enqueue_indirect_dma source(%dma_start3A_348 : memref<1000000x64xf32, #tpu.memory_space<hbm>>) target(%dma_start3A_342 : memref<40x64xf32, #tpu.memory_space<vmem>>) offsets(%dma_start3A_345 : memref<40xi32, #tpu.memory_space<vmem>>) semaphore(%arg10 : memref<!tpu.dma_semaphore, #tpu.memory_space<semaphore_mem>>)
      %dma_start3A_349 = arith.constant 14 : i32
      %dma_start3A_350 = arith.constant 560 : i32
      %dma_start3A_351 = arith.constant 0 : i32
      %dma_start3A_352 = tpu.memref_slice %arg7[%dma_start3A_350, %dma_start3A_351] : memref<640x64xf32, #tpu.memory_space<vmem>> -> memref<40x64xf32, #tpu.memory_space<vmem>>
      %dma_start3A_353 = arith.constant 0 : i32
      %dma_start3A_354 = tpu.memref_slice %arg6[%dma_start3A_349, %dma_start3A_353] : memref<16x40xi32, #tpu.memory_space<vmem>> -> memref<1x40xi32, #tpu.memory_space<vmem>>
      %dma_start3A_355 = tpu.memref_squeeze %dma_start3A_354 : memref<1x40xi32, #tpu.memory_space<vmem>> -> memref<40xi32, #tpu.memory_space<vmem>>
      %dma_start3A_356 = arith.constant 0 : i32
      %dma_start3A_357 = arith.constant 0 : i32
      %dma_start3A_358 = tpu.memref_slice %arg3[%dma_start3A_356, %dma_start3A_357] : memref<1000000x64xf32, #tpu.memory_space<hbm>> -> memref<1000000x64xf32, #tpu.memory_space<hbm>>
      tpu.enqueue_indirect_dma source(%dma_start3A_358 : memref<1000000x64xf32, #tpu.memory_space<hbm>>) target(%dma_start3A_352 : memref<40x64xf32, #tpu.memory_space<vmem>>) offsets(%dma_start3A_355 : memref<40xi32, #tpu.memory_space<vmem>>) semaphore(%arg10 : memref<!tpu.dma_semaphore, #tpu.memory_space<semaphore_mem>>)
      %dma_start3A_359 = arith.constant 15 : i32
      %dma_start3A_360 = arith.constant 600 : i32
      %dma_start3A_361 = arith.constant 0 : i32
      %dma_start3A_362 = tpu.memref_slice %arg7[%dma_start3A_360, %dma_start3A_361] : memref<640x64xf32, #tpu.memory_space<vmem>> -> memref<40x64xf32, #tpu.memory_space<vmem>>
      %dma_start3A_363 = arith.constant 0 : i32
      %dma_start3A_364 = tpu.memref_slice %arg6[%dma_start3A_359, %dma_start3A_363] : memref<16x40xi32, #tpu.memory_space<vmem>> -> memref<1x40xi32, #tpu.memory_space<vmem>>
      %dma_start3A_365 = tpu.memref_squeeze %dma_start3A_364 : memref<1x40xi32, #tpu.memory_space<vmem>> -> memref<40xi32, #tpu.memory_space<vmem>>
      %dma_start3A_366 = arith.constant 0 : i32
      %dma_start3A_367 = arith.constant 0 : i32
      %dma_start3A_368 = tpu.memref_slice %arg3[%dma_start3A_366, %dma_start3A_367] : memref<1000000x64xf32, #tpu.memory_space<hbm>> -> memref<1000000x64xf32, #tpu.memory_space<hbm>>
      tpu.enqueue_indirect_dma source(%dma_start3A_368 : memref<1000000x64xf32, #tpu.memory_space<hbm>>) target(%dma_start3A_362 : memref<40x64xf32, #tpu.memory_space<vmem>>) offsets(%dma_start3A_365 : memref<40xi32, #tpu.memory_space<vmem>>) semaphore(%arg10 : memref<!tpu.dma_semaphore, #tpu.memory_space<semaphore_mem>>)
      %dma_wait3A_369 = arith.constant 0 : i32
      %dma_wait3A_370 = arith.constant 0 : i32
      %dma_wait3A_371 = tpu.memref_slice %arg8[%dma_wait3A_369, %dma_wait3A_370] : memref<2560x17xf32, #tpu.memory_space<vmem>> -> memref<2560x16xf32, #tpu.memory_space<vmem>>
      %dma_wait3A_372 = arith.constant 0 : i32
      %dma_wait3A_373 = arith.constant 0 : i32
      %dma_wait3A_374 = tpu.memref_slice %arg5[%dma_wait3A_372, %dma_wait3A_373] : memref<12800x4096xf32, #tpu.memory_space<hbm>> -> memref<2560x16xf32, #tpu.memory_space<hbm>>
      %dma_wait3A_375 = arith.constant 0 : i32
      %dma_wait3A_376 = arith.constant 0 : i32
      %dma_wait3A_377 = tpu.memref_slice %arg5[%dma_wait3A_375, %dma_wait3A_376] : memref<12800x4096xf32, #tpu.memory_space<hbm>> -> memref<2560x16xf32, #tpu.memory_space<hbm>>
      %dma_wait3A_378 = arith.constant 0 : i32
      %dma_wait3A_379 = arith.constant 0 : i32
      %dma_wait3A_380 = tpu.memref_slice %arg8[%dma_wait3A_378, %dma_wait3A_379] : memref<2560x17xf32, #tpu.memory_space<vmem>> -> memref<2560x16xf32, #tpu.memory_space<vmem>>
      tpu.wait_dma2 semaphore(%arg11 : memref<!tpu.dma_semaphore, #tpu.memory_space<semaphore_mem>>) src(%dma_wait3A_380 : memref<2560x16xf32, #tpu.memory_space<vmem>>) dst(%dma_wait3A_377 : memref<2560x16xf32, #tpu.memory_space<hbm>>)
      %dma_wait3A_381 = arith.constant 0 : i32
      %dma_wait3A_382 = arith.constant 0 : i32
      %dma_wait3A_383 = tpu.memref_slice %arg3[%dma_wait3A_381, %dma_wait3A_382] : memref<1000000x64xf32, #tpu.memory_space<hbm>> -> memref<640x64xf32, #tpu.memory_space<hbm>>
      %dma_wait3A_384 = arith.constant 0 : i32
      %dma_wait3A_385 = arith.constant 0 : i32
      %dma_wait3A_386 = tpu.memref_slice %arg3[%dma_wait3A_384, %dma_wait3A_385] : memref<1000000x64xf32, #tpu.memory_space<hbm>> -> memref<640x64xf32, #tpu.memory_space<hbm>>
      tpu.wait_dma2 semaphore(%arg10 : memref<!tpu.dma_semaphore, #tpu.memory_space<semaphore_mem>>) src(%dma_wait3A_386 : memref<640x64xf32, #tpu.memory_space<hbm>>) dst(%arg7 : memref<640x64xf32, #tpu.memory_space<vmem>>)
      %parallel_loop3A_387 = arith.constant 0 : i32
      %parallel_loop3A_388 = arith.constant 40 : i32
      %parallel_loop3A_389 = arith.constant 1 : i32
      scf.for %parallel_loop3A_400 = %parallel_loop3A_387 to %parallel_loop3A_388 step %parallel_loop3A_389  : i32 {
        %parallel_loop3A_401 = vector.broadcast %parallel_loop3A_400 : i32 to vector<16xi32>
        %parallel_loop3A_402 = tpu.vector_load_idx %arg6[%iota3A, %parallel_loop3A_401] : memref<16x40xi32, #tpu.memory_space<vmem>>[vector<16xi32>, vector<16xi32>], vector<16xi32>,
        %parallel_loop3A_403 = arith.constant 0 : i32
        %parallel_loop3A_404 = vector.broadcast %parallel_loop3A_403 : i32 to vector<16xi32>
        %parallel_loop3A_405 = arith.cmpi ne, %parallel_loop3A_402, %parallel_loop3A_404 : vector<16xi32>
        %parallel_loop3A_406 = arith.constant 1.000000e+00 : f32
        %parallel_loop3A_407 = arith.constant 0.000000e+00 : f32
        %parallel_loop3A_408 = vector.broadcast %parallel_loop3A_406 : f32 to vector<16xf32>
        %parallel_loop3A_409 = vector.broadcast %parallel_loop3A_407 : f32 to vector<16xf32>
        %parallel_loop3A_410 = arith.select %parallel_loop3A_405, %parallel_loop3A_408, %parallel_loop3A_409 : vector<16xi1>, vector<16xf32>
        %parallel_loop3A_411 = arith.addi %mul3A_208, %parallel_loop3A_400 : i32
        %parallel_loop3A_412 = arith.index_cast %parallel_loop3A_411 : i32 to index
        %parallel_loop3A_413 = arith.constant 0 : index
        %parallel_loop3A_414 = tpu.vector_load %arg9[%parallel_loop3A_412, %parallel_loop3A_413] {strides = array<i32>} : memref<256x64xf32, #tpu.memory_space<vmem>>, vector<16xf32>,
        %parallel_loop3A_415 = arith.addi %mul3A_208, %parallel_loop3A_400 : i32
        %parallel_loop3A_416 = arith.index_cast %parallel_loop3A_415 : i32 to index
        %parallel_loop3A_417 = arith.constant 16 : index
        %parallel_loop3A_418 = tpu.vector_load %arg9[%parallel_loop3A_416, %parallel_loop3A_417] {strides = array<i32>} : memref<256x64xf32, #tpu.memory_space<vmem>>, vector<16xf32>,
        %parallel_loop3A_419 = arith.addi %mul3A_208, %parallel_loop3A_400 : i32
        %parallel_loop3A_420 = arith.index_cast %parallel_loop3A_419 : i32 to index
        %parallel_loop3A_421 = arith.constant 32 : index
        %parallel_loop3A_422 = tpu.vector_load %arg9[%parallel_loop3A_420, %parallel_loop3A_421] {strides = array<i32>} : memref<256x64xf32, #tpu.memory_space<vmem>>, vector<16xf32>,
        %parallel_loop3A_423 = arith.addi %mul3A_208, %parallel_loop3A_400 : i32
        %parallel_loop3A_424 = arith.index_cast %parallel_loop3A_423 : i32 to index
        %parallel_loop3A_425 = arith.constant 48 : index
        %parallel_loop3A_426 = tpu.vector_load %arg9[%parallel_loop3A_424, %parallel_loop3A_425] {strides = array<i32>} : memref<256x64xf32, #tpu.memory_space<vmem>>, vector<16xf32>,
        %parallel_loop3A_427 = arith.constant 64 : i32
        %parallel_loop3A_428 = arith.muli %parallel_loop3A_400, %parallel_loop3A_427 : i32
        %parallel_loop3A_429 = arith.constant 0 : i32
        %parallel_loop3A_430 = arith.addi %parallel_loop3A_428, %parallel_loop3A_429 : i32
        %parallel_loop3A_431 = vector.broadcast %parallel_loop3A_430 : i32 to vector<16xi32>
        %parallel_loop3A_432 = arith.addi %iota3A, %parallel_loop3A_431 : vector<16xi32>
        %parallel_loop3A_433 = arith.constant 16 : i32
        %parallel_loop3A_434 = arith.addi %parallel_loop3A_428, %parallel_loop3A_433 : i32
        %parallel_loop3A_435 = vector.broadcast %parallel_loop3A_434 : i32 to vector<16xi32>
        %parallel_loop3A_436 = arith.addi %iota3A, %parallel_loop3A_435 : vector<16xi32>
        %parallel_loop3A_437 = arith.constant 32 : i32
        %parallel_loop3A_438 = arith.addi %parallel_loop3A_428, %parallel_loop3A_437 : i32
        %parallel_loop3A_439 = vector.broadcast %parallel_loop3A_438 : i32 to vector<16xi32>
        %parallel_loop3A_440 = arith.addi %iota3A, %parallel_loop3A_439 : vector<16xi32>
        %parallel_loop3A_441 = arith.constant 48 : i32
        %parallel_loop3A_442 = arith.addi %parallel_loop3A_428, %parallel_loop3A_441 : i32
        %parallel_loop3A_443 = vector.broadcast %parallel_loop3A_442 : i32 to vector<16xi32>
        %parallel_loop3A_444 = arith.addi %iota3A, %parallel_loop3A_443 : vector<16xi32>
        %parallel_loop3A_445 = vector.extract_strided_slice %parallel_loop3A_410 {offsets = [0], sizes = [1], strides = [1]} : vector<16xf32> to vector<1xf32>
        %parallel_loop3A_446 = vector.extract %parallel_loop3A_445[0] : f32 from vector<1xf32>
        %parallel_loop3A_447 = vector.broadcast %parallel_loop3A_446 : f32 to vector<16xf32>
        %parallel_loop3A_448 = arith.constant 0 : i32
        %parallel_loop3A_449 = vector.broadcast %parallel_loop3A_448 : i32 to vector<16xi32>
        %parallel_loop3A_450 = arith.constant 0 : i32
        %parallel_loop3A_451 = arith.addi %parallel_loop3A_450, %parallel_loop3A_400 : i32
        %parallel_loop3A_452 = arith.index_cast %parallel_loop3A_451 : i32 to index
        %parallel_loop3A_453 = arith.constant 0 : index
        %parallel_loop3A_454 = tpu.vector_load %arg7[%parallel_loop3A_452, %parallel_loop3A_453] {strides = array<i32>} : memref<640x64xf32, #tpu.memory_space<vmem>>, vector<16xf32>,
        %parallel_loop3A_455 = arith.mulf %parallel_loop3A_454, %parallel_loop3A_447 : vector<16xf32>
        %parallel_loop3A_456 = arith.addf %parallel_loop3A_455, %parallel_loop3A_414 : vector<16xf32>
        tpu.vector_store_idx %arg8[%parallel_loop3A_432, %parallel_loop3A_449], %parallel_loop3A_456 : memref<2560x17xf32, #tpu.memory_space<vmem>>[vector<16xi32>, vector<16xi32>], vector<16xf32>,
        %parallel_loop3A_457 = arith.index_cast %parallel_loop3A_451 : i32 to index
        %parallel_loop3A_458 = arith.constant 16 : index
        %parallel_loop3A_459 = tpu.vector_load %arg7[%parallel_loop3A_457, %parallel_loop3A_458] {strides = array<i32>} : memref<640x64xf32, #tpu.memory_space<vmem>>, vector<16xf32>,
        %parallel_loop3A_460 = arith.mulf %parallel_loop3A_459, %parallel_loop3A_447 : vector<16xf32>
        %parallel_loop3A_461 = arith.addf %parallel_loop3A_460, %parallel_loop3A_418 : vector<16xf32>
        tpu.vector_store_idx %arg8[%parallel_loop3A_436, %parallel_loop3A_449], %parallel_loop3A_461 : memref<2560x17xf32, #tpu.memory_space<vmem>>[vector<16xi32>, vector<16xi32>], vector<16xf32>,
        %parallel_loop3A_462 = arith.index_cast %parallel_loop3A_451 : i32 to index
        %parallel_loop3A_463 = arith.constant 32 : index
        %parallel_loop3A_464 = tpu.vector_load %arg7[%parallel_loop3A_462, %parallel_loop3A_463] {strides = array<i32>} : memref<640x64xf32, #tpu.memory_space<vmem>>, vector<16xf32>,
        %parallel_loop3A_465 = arith.mulf %parallel_loop3A_464, %parallel_loop3A_447 : vector<16xf32>
        %parallel_loop3A_466 = arith.addf %parallel_loop3A_465, %parallel_loop3A_422 : vector<16xf32>
        tpu.vector_store_idx %arg8[%parallel_loop3A_440, %parallel_loop3A_449], %parallel_loop3A_466 : memref<2560x17xf32, #tpu.memory_space<vmem>>[vector<16xi32>, vector<16xi32>], vector<16xf32>,
        %parallel_loop3A_467 = arith.index_cast %parallel_loop3A_451 : i32 to index
        %parallel_loop3A_468 = arith.constant 48 : index
        %parallel_loop3A_469 = tpu.vector_load %arg7[%parallel_loop3A_467, %parallel_loop3A_468] {strides = array<i32>} : memref<640x64xf32, #tpu.memory_space<vmem>>, vector<16xf32>,
        %parallel_loop3A_470 = arith.mulf %parallel_loop3A_469, %parallel_loop3A_447 : vector<16xf32>
        %parallel_loop3A_471 = arith.addf %parallel_loop3A_470, %parallel_loop3A_426 : vector<16xf32>
        tpu.vector_store_idx %arg8[%parallel_loop3A_444, %parallel_loop3A_449], %parallel_loop3A_471 : memref<2560x17xf32, #tpu.memory_space<vmem>>[vector<16xi32>, vector<16xi32>], vector<16xf32>,
        %parallel_loop3A_472 = vector.extract_strided_slice %parallel_loop3A_410 {offsets = [1], sizes = [1], strides = [1]} : vector<16xf32> to vector<1xf32>
        %parallel_loop3A_473 = vector.extract %parallel_loop3A_472[0] : f32 from vector<1xf32>
        %parallel_loop3A_474 = vector.broadcast %parallel_loop3A_473 : f32 to vector<16xf32>
        %parallel_loop3A_475 = arith.constant 1 : i32
        %parallel_loop3A_476 = vector.broadcast %parallel_loop3A_475 : i32 to vector<16xi32>
        %parallel_loop3A_477 = arith.constant 40 : i32
        %parallel_loop3A_478 = arith.addi %parallel_loop3A_477, %parallel_loop3A_400 : i32
        %parallel_loop3A_479 = arith.index_cast %parallel_loop3A_478 : i32 to index
        %parallel_loop3A_480 = arith.constant 0 : index
        %parallel_loop3A_481 = tpu.vector_load %arg7[%parallel_loop3A_479, %parallel_loop3A_480] {strides = array<i32>} : memref<640x64xf32, #tpu.memory_space<vmem>>, vector<16xf32>,
        %parallel_loop3A_482 = arith.mulf %parallel_loop3A_481, %parallel_loop3A_474 : vector<16xf32>
        %parallel_loop3A_483 = arith.addf %parallel_loop3A_482, %parallel_loop3A_414 : vector<16xf32>
        tpu.vector_store_idx %arg8[%parallel_loop3A_432, %parallel_loop3A_476], %parallel_loop3A_483 : memref<2560x17xf32, #tpu.memory_space<vmem>>[vector<16xi32>, vector<16xi32>], vector<16xf32>,
        %parallel_loop3A_484 = arith.index_cast %parallel_loop3A_478 : i32 to index
        %parallel_loop3A_485 = arith.constant 16 : index
        %parallel_loop3A_486 = tpu.vector_load %arg7[%parallel_loop3A_484, %parallel_loop3A_485] {strides = array<i32>} : memref<640x64xf32, #tpu.memory_space<vmem>>, vector<16xf32>,
        %parallel_loop3A_487 = arith.mulf %parallel_loop3A_486, %parallel_loop3A_474 : vector<16xf32>
        %parallel_loop3A_488 = arith.addf %parallel_loop3A_487, %parallel_loop3A_418 : vector<16xf32>
        tpu.vector_store_idx %arg8[%parallel_loop3A_436, %parallel_loop3A_476], %parallel_loop3A_488 : memref<2560x17xf32, #tpu.memory_space<vmem>>[vector<16xi32>, vector<16xi32>], vector<16xf32>,
        %parallel_loop3A_489 = arith.index_cast %parallel_loop3A_478 : i32 to index
        %parallel_loop3A_490 = arith.constant 32 : index
        %parallel_loop3A_491 = tpu.vector_load %arg7[%parallel_loop3A_489, %parallel_loop3A_490] {strides = array<i32>} : memref<640x64xf32, #tpu.memory_space<vmem>>, vector<16xf32>,
        %parallel_loop3A_492 = arith.mulf %parallel_loop3A_491, %parallel_loop3A_474 : vector<16xf32>
        %parallel_loop3A_493 = arith.addf %parallel_loop3A_492, %parallel_loop3A_422 : vector<16xf32>
        tpu.vector_store_idx %arg8[%parallel_loop3A_440, %parallel_loop3A_476], %parallel_loop3A_493 : memref<2560x17xf32, #tpu.memory_space<vmem>>[vector<16xi32>, vector<16xi32>], vector<16xf32>,
        %parallel_loop3A_494 = arith.index_cast %parallel_loop3A_478 : i32 to index
        %parallel_loop3A_495 = arith.constant 48 : index
        %parallel_loop3A_496 = tpu.vector_load %arg7[%parallel_loop3A_494, %parallel_loop3A_495] {strides = array<i32>} : memref<640x64xf32, #tpu.memory_space<vmem>>, vector<16xf32>,
        %parallel_loop3A_497 = arith.mulf %parallel_loop3A_496, %parallel_loop3A_474 : vector<16xf32>
        %parallel_loop3A_498 = arith.addf %parallel_loop3A_497, %parallel_loop3A_426 : vector<16xf32>
        tpu.vector_store_idx %arg8[%parallel_loop3A_444, %parallel_loop3A_476], %parallel_loop3A_498 : memref<2560x17xf32, #tpu.memory_space<vmem>>[vector<16xi32>, vector<16xi32>], vector<16xf32>,
        %parallel_loop3A_499 = vector.extract_strided_slice %parallel_loop3A_410 {offsets = [2], sizes = [1], strides = [1]} : vector<16xf32> to vector<1xf32>
        %parallel_loop3A_500 = vector.extract %parallel_loop3A_499[0] : f32 from vector<1xf32>
        %parallel_loop3A_501 = vector.broadcast %parallel_loop3A_500 : f32 to vector<16xf32>
        %parallel_loop3A_502 = arith.constant 2 : i32
        %parallel_loop3A_503 = vector.broadcast %parallel_loop3A_502 : i32 to vector<16xi32>
        %parallel_loop3A_504 = arith.constant 80 : i32
        %parallel_loop3A_505 = arith.addi %parallel_loop3A_504, %parallel_loop3A_400 : i32
        %parallel_loop3A_506 = arith.index_cast %parallel_loop3A_505 : i32 to index
        %parallel_loop3A_507 = arith.constant 0 : index
        %parallel_loop3A_508 = tpu.vector_load %arg7[%parallel_loop3A_506, %parallel_loop3A_507] {strides = array<i32>} : memref<640x64xf32, #tpu.memory_space<vmem>>, vector<16xf32>,
        %parallel_loop3A_509 = arith.mulf %parallel_loop3A_508, %parallel_loop3A_501 : vector<16xf32>
        %parallel_loop3A_510 = arith.addf %parallel_loop3A_509, %parallel_loop3A_414 : vector<16xf32>
        tpu.vector_store_idx %arg8[%parallel_loop3A_432, %parallel_loop3A_503], %parallel_loop3A_510 : memref<2560x17xf32, #tpu.memory_space<vmem>>[vector<16xi32>, vector<16xi32>], vector<16xf32>,
        %parallel_loop3A_511 = arith.index_cast %parallel_loop3A_505 : i32 to index
        %parallel_loop3A_512 = arith.constant 16 : index
        %parallel_loop3A_513 = tpu.vector_load %arg7[%parallel_loop3A_511, %parallel_loop3A_512] {strides = array<i32>} : memref<640x64xf32, #tpu.memory_space<vmem>>, vector<16xf32>,
        %parallel_loop3A_514 = arith.mulf %parallel_loop3A_513, %parallel_loop3A_501 : vector<16xf32>
        %parallel_loop3A_515 = arith.addf %parallel_loop3A_514, %parallel_loop3A_418 : vector<16xf32>
        tpu.vector_store_idx %arg8[%parallel_loop3A_436, %parallel_loop3A_503], %parallel_loop3A_515 : memref<2560x17xf32, #tpu.memory_space<vmem>>[vector<16xi32>, vector<16xi32>], vector<16xf32>,
        %parallel_loop3A_516 = arith.index_cast %parallel_loop3A_505 : i32 to index
        %parallel_loop3A_517 = arith.constant 32 : index
        %parallel_loop3A_518 = tpu.vector_load %arg7[%parallel_loop3A_516, %parallel_loop3A_517] {strides = array<i32>} : memref<640x64xf32, #tpu.memory_space<vmem>>, vector<16xf32>,
        %parallel_loop3A_519 = arith.mulf %parallel_loop3A_518, %parallel_loop3A_501 : vector<16xf32>
        %parallel_loop3A_520 = arith.addf %parallel_loop3A_519, %parallel_loop3A_422 : vector<16xf32>
        tpu.vector_store_idx %arg8[%parallel_loop3A_440, %parallel_loop3A_503], %parallel_loop3A_520 : memref<2560x17xf32, #tpu.memory_space<vmem>>[vector<16xi32>, vector<16xi32>], vector<16xf32>,
        %parallel_loop3A_521 = arith.index_cast %parallel_loop3A_505 : i32 to index
        %parallel_loop3A_522 = arith.constant 48 : index
        %parallel_loop3A_523 = tpu.vector_load %arg7[%parallel_loop3A_521, %parallel_loop3A_522] {strides = array<i32>} : memref<640x64xf32, #tpu.memory_space<vmem>>, vector<16xf32>,
        %parallel_loop3A_524 = arith.mulf %parallel_loop3A_523, %parallel_loop3A_501 : vector<16xf32>
        %parallel_loop3A_525 = arith.addf %parallel_loop3A_524, %parallel_loop3A_426 : vector<16xf32>
        tpu.vector_store_idx %arg8[%parallel_loop3A_444, %parallel_loop3A_503], %parallel_loop3A_525 : memref<2560x17xf32, #tpu.memory_space<vmem>>[vector<16xi32>, vector<16xi32>], vector<16xf32>,
        %parallel_loop3A_526 = vector.extract_strided_slice %parallel_loop3A_410 {offsets = [3], sizes = [1], strides = [1]} : vector<16xf32> to vector<1xf32>
        %parallel_loop3A_527 = vector.extract %parallel_loop3A_526[0] : f32 from vector<1xf32>
        %parallel_loop3A_528 = vector.broadcast %parallel_loop3A_527 : f32 to vector<16xf32>
        %parallel_loop3A_529 = arith.constant 3 : i32
        %parallel_loop3A_530 = vector.broadcast %parallel_loop3A_529 : i32 to vector<16xi32>
        %parallel_loop3A_531 = arith.constant 120 : i32
        %parallel_loop3A_532 = arith.addi %parallel_loop3A_531, %parallel_loop3A_400 : i32
        %parallel_loop3A_533 = arith.index_cast %parallel_loop3A_532 : i32 to index
        %parallel_loop3A_534 = arith.constant 0 : index
        %parallel_loop3A_535 = tpu.vector_load %arg7[%parallel_loop3A_533, %parallel_loop3A_534] {strides = array<i32>} : memref<640x64xf32, #tpu.memory_space<vmem>>, vector<16xf32>,
        %parallel_loop3A_536 = arith.mulf %parallel_loop3A_535, %parallel_loop3A_528 : vector<16xf32>
        %parallel_loop3A_537 = arith.addf %parallel_loop3A_536, %parallel_loop3A_414 : vector<16xf32>
        tpu.vector_store_idx %arg8[%parallel_loop3A_432, %parallel_loop3A_530], %parallel_loop3A_537 : memref<2560x17xf32, #tpu.memory_space<vmem>>[vector<16xi32>, vector<16xi32>], vector<16xf32>,
        %parallel_loop3A_538 = arith.index_cast %parallel_loop3A_532 : i32 to index
        %parallel_loop3A_539 = arith.constant 16 : index
        %parallel_loop3A_540 = tpu.vector_load %arg7[%parallel_loop3A_538, %parallel_loop3A_539] {strides = array<i32>} : memref<640x64xf32, #tpu.memory_space<vmem>>, vector<16xf32>,
        %parallel_loop3A_541 = arith.mulf %parallel_loop3A_540, %parallel_loop3A_528 : vector<16xf32>
        %parallel_loop3A_542 = arith.addf %parallel_loop3A_541, %parallel_loop3A_418 : vector<16xf32>
        tpu.vector_store_idx %arg8[%parallel_loop3A_436, %parallel_loop3A_530], %parallel_loop3A_542 : memref<2560x17xf32, #tpu.memory_space<vmem>>[vector<16xi32>, vector<16xi32>], vector<16xf32>,
        %parallel_loop3A_543 = arith.index_cast %parallel_loop3A_532 : i32 to index
        %parallel_loop3A_544 = arith.constant 32 : index
        %parallel_loop3A_545 = tpu.vector_load %arg7[%parallel_loop3A_543, %parallel_loop3A_544] {strides = array<i32>} : memref<640x64xf32, #tpu.memory_space<vmem>>, vector<16xf32>,
        %parallel_loop3A_546 = arith.mulf %parallel_loop3A_545, %parallel_loop3A_528 : vector<16xf32>
        %parallel_loop3A_547 = arith.addf %parallel_loop3A_546, %parallel_loop3A_422 : vector<16xf32>
        tpu.vector_store_idx %arg8[%parallel_loop3A_440, %parallel_loop3A_530], %parallel_loop3A_547 : memref<2560x17xf32, #tpu.memory_space<vmem>>[vector<16xi32>, vector<16xi32>], vector<16xf32>,
        %parallel_loop3A_548 = arith.index_cast %parallel_loop3A_532 : i32 to index
        %parallel_loop3A_549 = arith.constant 48 : index
        %parallel_loop3A_550 = tpu.vector_load %arg7[%parallel_loop3A_548, %parallel_loop3A_549] {strides = array<i32>} : memref<640x64xf32, #tpu.memory_space<vmem>>, vector<16xf32>,
        %parallel_loop3A_551 = arith.mulf %parallel_loop3A_550, %parallel_loop3A_528 : vector<16xf32>
        %parallel_loop3A_552 = arith.addf %parallel_loop3A_551, %parallel_loop3A_426 : vector<16xf32>
        tpu.vector_store_idx %arg8[%parallel_loop3A_444, %parallel_loop3A_530], %parallel_loop3A_552 : memref<2560x17xf32, #tpu.memory_space<vmem>>[vector<16xi32>, vector<16xi32>], vector<16xf32>,
        %parallel_loop3A_553 = vector.extract_strided_slice %parallel_loop3A_410 {offsets = [4], sizes = [1], strides = [1]} : vector<16xf32> to vector<1xf32>
        %parallel_loop3A_554 = vector.extract %parallel_loop3A_553[0] : f32 from vector<1xf32>
        %parallel_loop3A_555 = vector.broadcast %parallel_loop3A_554 : f32 to vector<16xf32>
        %parallel_loop3A_556 = arith.constant 4 : i32
        %parallel_loop3A_557 = vector.broadcast %parallel_loop3A_556 : i32 to vector<16xi32>
        %parallel_loop3A_558 = arith.constant 160 : i32
        %parallel_loop3A_559 = arith.addi %parallel_loop3A_558, %parallel_loop3A_400 : i32
        %parallel_loop3A_560 = arith.index_cast %parallel_loop3A_559 : i32 to index
        %parallel_loop3A_561 = arith.constant 0 : index
        %parallel_loop3A_562 = tpu.vector_load %arg7[%parallel_loop3A_560, %parallel_loop3A_561] {strides = array<i32>} : memref<640x64xf32, #tpu.memory_space<vmem>>, vector<16xf32>,
        %parallel_loop3A_563 = arith.mulf %parallel_loop3A_562, %parallel_loop3A_555 : vector<16xf32>
        %parallel_loop3A_564 = arith.addf %parallel_loop3A_563, %parallel_loop3A_414 : vector<16xf32>
        tpu.vector_store_idx %arg8[%parallel_loop3A_432, %parallel_loop3A_557], %parallel_loop3A_564 : memref<2560x17xf32, #tpu.memory_space<vmem>>[vector<16xi32>, vector<16xi32>], vector<16xf32>,
        %parallel_loop3A_565 = arith.index_cast %parallel_loop3A_559 : i32 to index
        %parallel_loop3A_566 = arith.constant 16 : index
        %parallel_loop3A_567 = tpu.vector_load %arg7[%parallel_loop3A_565, %parallel_loop3A_566] {strides = array<i32>} : memref<640x64xf32, #tpu.memory_space<vmem>>, vector<16xf32>,
        %parallel_loop3A_568 = arith.mulf %parallel_loop3A_567, %parallel_loop3A_555 : vector<16xf32>
        %parallel_loop3A_569 = arith.addf %parallel_loop3A_568, %parallel_loop3A_418 : vector<16xf32>
        tpu.vector_store_idx %arg8[%parallel_loop3A_436, %parallel_loop3A_557], %parallel_loop3A_569 : memref<2560x17xf32, #tpu.memory_space<vmem>>[vector<16xi32>, vector<16xi32>], vector<16xf32>,
        %parallel_loop3A_570 = arith.index_cast %parallel_loop3A_559 : i32 to index
        %parallel_loop3A_571 = arith.constant 32 : index
        %parallel_loop3A_572 = tpu.vector_load %arg7[%parallel_loop3A_570, %parallel_loop3A_571] {strides = array<i32>} : memref<640x64xf32, #tpu.memory_space<vmem>>, vector<16xf32>,
        %parallel_loop3A_573 = arith.mulf %parallel_loop3A_572, %parallel_loop3A_555 : vector<16xf32>
        %parallel_loop3A_574 = arith.addf %parallel_loop3A_573, %parallel_loop3A_422 : vector<16xf32>
        tpu.vector_store_idx %arg8[%parallel_loop3A_440, %parallel_loop3A_557], %parallel_loop3A_574 : memref<2560x17xf32, #tpu.memory_space<vmem>>[vector<16xi32>, vector<16xi32>], vector<16xf32>,
        %parallel_loop3A_575 = arith.index_cast %parallel_loop3A_559 : i32 to index
        %parallel_loop3A_576 = arith.constant 48 : index
        %parallel_loop3A_577 = tpu.vector_load %arg7[%parallel_loop3A_575, %parallel_loop3A_576] {strides = array<i32>} : memref<640x64xf32, #tpu.memory_space<vmem>>, vector<16xf32>,
        %parallel_loop3A_578 = arith.mulf %parallel_loop3A_577, %parallel_loop3A_555 : vector<16xf32>
        %parallel_loop3A_579 = arith.addf %parallel_loop3A_578, %parallel_loop3A_426 : vector<16xf32>
        tpu.vector_store_idx %arg8[%parallel_loop3A_444, %parallel_loop3A_557], %parallel_loop3A_579 : memref<2560x17xf32, #tpu.memory_space<vmem>>[vector<16xi32>, vector<16xi32>], vector<16xf32>,
        %parallel_loop3A_580 = vector.extract_strided_slice %parallel_loop3A_410 {offsets = [5], sizes = [1], strides = [1]} : vector<16xf32> to vector<1xf32>
        %parallel_loop3A_581 = vector.extract %parallel_loop3A_580[0] : f32 from vector<1xf32>
        %parallel_loop3A_582 = vector.broadcast %parallel_loop3A_581 : f32 to vector<16xf32>
        %parallel_loop3A_583 = arith.constant 5 : i32
        %parallel_loop3A_584 = vector.broadcast %parallel_loop3A_583 : i32 to vector<16xi32>
        %parallel_loop3A_585 = arith.constant 200 : i32
        %parallel_loop3A_586 = arith.addi %parallel_loop3A_585, %parallel_loop3A_400 : i32
        %parallel_loop3A_587 = arith.index_cast %parallel_loop3A_586 : i32 to index
        %parallel_loop3A_588 = arith.constant 0 : index
        %parallel_loop3A_589 = tpu.vector_load %arg7[%parallel_loop3A_587, %parallel_loop3A_588] {strides = array<i32>} : memref<640x64xf32, #tpu.memory_space<vmem>>, vector<16xf32>,
        %parallel_loop3A_590 = arith.mulf %parallel_loop3A_589, %parallel_loop3A_582 : vector<16xf32>
        %parallel_loop3A_591 = arith.addf %parallel_loop3A_590, %parallel_loop3A_414 : vector<16xf32>
        tpu.vector_store_idx %arg8[%parallel_loop3A_432, %parallel_loop3A_584], %parallel_loop3A_591 : memref<2560x17xf32, #tpu.memory_space<vmem>>[vector<16xi32>, vector<16xi32>], vector<16xf32>,
        %parallel_loop3A_592 = arith.index_cast %parallel_loop3A_586 : i32 to index
        %parallel_loop3A_593 = arith.constant 16 : index
        %parallel_loop3A_594 = tpu.vector_load %arg7[%parallel_loop3A_592, %parallel_loop3A_593] {strides = array<i32>} : memref<640x64xf32, #tpu.memory_space<vmem>>, vector<16xf32>,
        %parallel_loop3A_595 = arith.mulf %parallel_loop3A_594, %parallel_loop3A_582 : vector<16xf32>
        %parallel_loop3A_596 = arith.addf %parallel_loop3A_595, %parallel_loop3A_418 : vector<16xf32>
        tpu.vector_store_idx %arg8[%parallel_loop3A_436, %parallel_loop3A_584], %parallel_loop3A_596 : memref<2560x17xf32, #tpu.memory_space<vmem>>[vector<16xi32>, vector<16xi32>], vector<16xf32>,
        %parallel_loop3A_597 = arith.index_cast %parallel_loop3A_586 : i32 to index
        %parallel_loop3A_598 = arith.constant 32 : index
        %parallel_loop3A_599 = tpu.vector_load %arg7[%parallel_loop3A_597, %parallel_loop3A_598] {strides = array<i32>} : memref<640x64xf32, #tpu.memory_space<vmem>>, vector<16xf32>,
        %parallel_loop3A_600 = arith.mulf %parallel_loop3A_599, %parallel_loop3A_582 : vector<16xf32>
        %parallel_loop3A_601 = arith.addf %parallel_loop3A_600, %parallel_loop3A_422 : vector<16xf32>
        tpu.vector_store_idx %arg8[%parallel_loop3A_440, %parallel_loop3A_584], %parallel_loop3A_601 : memref<2560x17xf32, #tpu.memory_space<vmem>>[vector<16xi32>, vector<16xi32>], vector<16xf32>,
        %parallel_loop3A_602 = arith.index_cast %parallel_loop3A_586 : i32 to index
        %parallel_loop3A_603 = arith.constant 48 : index
        %parallel_loop3A_604 = tpu.vector_load %arg7[%parallel_loop3A_602, %parallel_loop3A_603] {strides = array<i32>} : memref<640x64xf32, #tpu.memory_space<vmem>>, vector<16xf32>,
        %parallel_loop3A_605 = arith.mulf %parallel_loop3A_604, %parallel_loop3A_582 : vector<16xf32>
        %parallel_loop3A_606 = arith.addf %parallel_loop3A_605, %parallel_loop3A_426 : vector<16xf32>
        tpu.vector_store_idx %arg8[%parallel_loop3A_444, %parallel_loop3A_584], %parallel_loop3A_606 : memref<2560x17xf32, #tpu.memory_space<vmem>>[vector<16xi32>, vector<16xi32>], vector<16xf32>,
        %parallel_loop3A_607 = vector.extract_strided_slice %parallel_loop3A_410 {offsets = [6], sizes = [1], strides = [1]} : vector<16xf32> to vector<1xf32>
        %parallel_loop3A_608 = vector.extract %parallel_loop3A_607[0] : f32 from vector<1xf32>
        %parallel_loop3A_609 = vector.broadcast %parallel_loop3A_608 : f32 to vector<16xf32>
        %parallel_loop3A_610 = arith.constant 6 : i32
        %parallel_loop3A_611 = vector.broadcast %parallel_loop3A_610 : i32 to vector<16xi32>
        %parallel_loop3A_612 = arith.constant 240 : i32
        %parallel_loop3A_613 = arith.addi %parallel_loop3A_612, %parallel_loop3A_400 : i32
        %parallel_loop3A_614 = arith.index_cast %parallel_loop3A_613 : i32 to index
        %parallel_loop3A_615 = arith.constant 0 : index
        %parallel_loop3A_616 = tpu.vector_load %arg7[%parallel_loop3A_614, %parallel_loop3A_615] {strides = array<i32>} : memref<640x64xf32, #tpu.memory_space<vmem>>, vector<16xf32>,
        %parallel_loop3A_617 = arith.mulf %parallel_loop3A_616, %parallel_loop3A_609 : vector<16xf32>
        %parallel_loop3A_618 = arith.addf %parallel_loop3A_617, %parallel_loop3A_414 : vector<16xf32>
        tpu.vector_store_idx %arg8[%parallel_loop3A_432, %parallel_loop3A_611], %parallel_loop3A_618 : memref<2560x17xf32, #tpu.memory_space<vmem>>[vector<16xi32>, vector<16xi32>], vector<16xf32>,
        %parallel_loop3A_619 = arith.index_cast %parallel_loop3A_613 : i32 to index
        %parallel_loop3A_620 = arith.constant 16 : index
        %parallel_loop3A_621 = tpu.vector_load %arg7[%parallel_loop3A_619, %parallel_loop3A_620] {strides = array<i32>} : memref<640x64xf32, #tpu.memory_space<vmem>>, vector<16xf32>,
        %parallel_loop3A_622 = arith.mulf %parallel_loop3A_621, %parallel_loop3A_609 : vector<16xf32>
        %parallel_loop3A_623 = arith.addf %parallel_loop3A_622, %parallel_loop3A_418 : vector<16xf32>
        tpu.vector_store_idx %arg8[%parallel_loop3A_436, %parallel_loop3A_611], %parallel_loop3A_623 : memref<2560x17xf32, #tpu.memory_space<vmem>>[vector<16xi32>, vector<16xi32>], vector<16xf32>,
        %parallel_loop3A_624 = arith.index_cast %parallel_loop3A_613 : i32 to index
        %parallel_loop3A_625 = arith.constant 32 : index
        %parallel_loop3A_626 = tpu.vector_load %arg7[%parallel_loop3A_624, %parallel_loop3A_625] {strides = array<i32>} : memref<640x64xf32, #tpu.memory_space<vmem>>, vector<16xf32>,
        %parallel_loop3A_627 = arith.mulf %parallel_loop3A_626, %parallel_loop3A_609 : vector<16xf32>
        %parallel_loop3A_628 = arith.addf %parallel_loop3A_627, %parallel_loop3A_422 : vector<16xf32>
        tpu.vector_store_idx %arg8[%parallel_loop3A_440, %parallel_loop3A_611], %parallel_loop3A_628 : memref<2560x17xf32, #tpu.memory_space<vmem>>[vector<16xi32>, vector<16xi32>], vector<16xf32>,
        %parallel_loop3A_629 = arith.index_cast %parallel_loop3A_613 : i32 to index
        %parallel_loop3A_630 = arith.constant 48 : index
        %parallel_loop3A_631 = tpu.vector_load %arg7[%parallel_loop3A_629, %parallel_loop3A_630] {strides = array<i32>} : memref<640x64xf32, #tpu.memory_space<vmem>>, vector<16xf32>,
        %parallel_loop3A_632 = arith.mulf %parallel_loop3A_631, %parallel_loop3A_609 : vector<16xf32>
        %parallel_loop3A_633 = arith.addf %parallel_loop3A_632, %parallel_loop3A_426 : vector<16xf32>
        tpu.vector_store_idx %arg8[%parallel_loop3A_444, %parallel_loop3A_611], %parallel_loop3A_633 : memref<2560x17xf32, #tpu.memory_space<vmem>>[vector<16xi32>, vector<16xi32>], vector<16xf32>,
        %parallel_loop3A_634 = vector.extract_strided_slice %parallel_loop3A_410 {offsets = [7], sizes = [1], strides = [1]} : vector<16xf32> to vector<1xf32>
        %parallel_loop3A_635 = vector.extract %parallel_loop3A_634[0] : f32 from vector<1xf32>
        %parallel_loop3A_636 = vector.broadcast %parallel_loop3A_635 : f32 to vector<16xf32>
        %parallel_loop3A_637 = arith.constant 7 : i32
        %parallel_loop3A_638 = vector.broadcast %parallel_loop3A_637 : i32 to vector<16xi32>
        %parallel_loop3A_639 = arith.constant 280 : i32
        %parallel_loop3A_640 = arith.addi %parallel_loop3A_639, %parallel_loop3A_400 : i32
        %parallel_loop3A_641 = arith.index_cast %parallel_loop3A_640 : i32 to index
        %parallel_loop3A_642 = arith.constant 0 : index
        %parallel_loop3A_643 = tpu.vector_load %arg7[%parallel_loop3A_641, %parallel_loop3A_642] {strides = array<i32>} : memref<640x64xf32, #tpu.memory_space<vmem>>, vector<16xf32>,
        %parallel_loop3A_644 = arith.mulf %parallel_loop3A_643, %parallel_loop3A_636 : vector<16xf32>
        %parallel_loop3A_645 = arith.addf %parallel_loop3A_644, %parallel_loop3A_414 : vector<16xf32>
        tpu.vector_store_idx %arg8[%parallel_loop3A_432, %parallel_loop3A_638], %parallel_loop3A_645 : memref<2560x17xf32, #tpu.memory_space<vmem>>[vector<16xi32>, vector<16xi32>], vector<16xf32>,
        %parallel_loop3A_646 = arith.index_cast %parallel_loop3A_640 : i32 to index
        %parallel_loop3A_647 = arith.constant 16 : index
        %parallel_loop3A_648 = tpu.vector_load %arg7[%parallel_loop3A_646, %parallel_loop3A_647] {strides = array<i32>} : memref<640x64xf32, #tpu.memory_space<vmem>>, vector<16xf32>,
        %parallel_loop3A_649 = arith.mulf %parallel_loop3A_648, %parallel_loop3A_636 : vector<16xf32>
        %parallel_loop3A_650 = arith.addf %parallel_loop3A_649, %parallel_loop3A_418 : vector<16xf32>
        tpu.vector_store_idx %arg8[%parallel_loop3A_436, %parallel_loop3A_638], %parallel_loop3A_650 : memref<2560x17xf32, #tpu.memory_space<vmem>>[vector<16xi32>, vector<16xi32>], vector<16xf32>,
        %parallel_loop3A_651 = arith.index_cast %parallel_loop3A_640 : i32 to index
        %parallel_loop3A_652 = arith.constant 32 : index
        %parallel_loop3A_653 = tpu.vector_load %arg7[%parallel_loop3A_651, %parallel_loop3A_652] {strides = array<i32>} : memref<640x64xf32, #tpu.memory_space<vmem>>, vector<16xf32>,
        %parallel_loop3A_654 = arith.mulf %parallel_loop3A_653, %parallel_loop3A_636 : vector<16xf32>
        %parallel_loop3A_655 = arith.addf %parallel_loop3A_654, %parallel_loop3A_422 : vector<16xf32>
        tpu.vector_store_idx %arg8[%parallel_loop3A_440, %parallel_loop3A_638], %parallel_loop3A_655 : memref<2560x17xf32, #tpu.memory_space<vmem>>[vector<16xi32>, vector<16xi32>], vector<16xf32>,
        %parallel_loop3A_656 = arith.index_cast %parallel_loop3A_640 : i32 to index
        %parallel_loop3A_657 = arith.constant 48 : index
        %parallel_loop3A_658 = tpu.vector_load %arg7[%parallel_loop3A_656, %parallel_loop3A_657] {strides = array<i32>} : memref<640x64xf32, #tpu.memory_space<vmem>>, vector<16xf32>,
        %parallel_loop3A_659 = arith.mulf %parallel_loop3A_658, %parallel_loop3A_636 : vector<16xf32>
        %parallel_loop3A_660 = arith.addf %parallel_loop3A_659, %parallel_loop3A_426 : vector<16xf32>
        tpu.vector_store_idx %arg8[%parallel_loop3A_444, %parallel_loop3A_638], %parallel_loop3A_660 : memref<2560x17xf32, #tpu.memory_space<vmem>>[vector<16xi32>, vector<16xi32>], vector<16xf32>,
        %parallel_loop3A_661 = vector.extract_strided_slice %parallel_loop3A_410 {offsets = [8], sizes = [1], strides = [1]} : vector<16xf32> to vector<1xf32>
        %parallel_loop3A_662 = vector.extract %parallel_loop3A_661[0] : f32 from vector<1xf32>
        %parallel_loop3A_663 = vector.broadcast %parallel_loop3A_662 : f32 to vector<16xf32>
        %parallel_loop3A_664 = arith.constant 8 : i32
        %parallel_loop3A_665 = vector.broadcast %parallel_loop3A_664 : i32 to vector<16xi32>
        %parallel_loop3A_666 = arith.constant 320 : i32
        %parallel_loop3A_667 = arith.addi %parallel_loop3A_666, %parallel_loop3A_400 : i32
        %parallel_loop3A_668 = arith.index_cast %parallel_loop3A_667 : i32 to index
        %parallel_loop3A_669 = arith.constant 0 : index
        %parallel_loop3A_670 = tpu.vector_load %arg7[%parallel_loop3A_668, %parallel_loop3A_669] {strides = array<i32>} : memref<640x64xf32, #tpu.memory_space<vmem>>, vector<16xf32>,
        %parallel_loop3A_671 = arith.mulf %parallel_loop3A_670, %parallel_loop3A_663 : vector<16xf32>
        %parallel_loop3A_672 = arith.addf %parallel_loop3A_671, %parallel_loop3A_414 : vector<16xf32>
        tpu.vector_store_idx %arg8[%parallel_loop3A_432, %parallel_loop3A_665], %parallel_loop3A_672 : memref<2560x17xf32, #tpu.memory_space<vmem>>[vector<16xi32>, vector<16xi32>], vector<16xf32>,
        %parallel_loop3A_673 = arith.index_cast %parallel_loop3A_667 : i32 to index
        %parallel_loop3A_674 = arith.constant 16 : index
        %parallel_loop3A_675 = tpu.vector_load %arg7[%parallel_loop3A_673, %parallel_loop3A_674] {strides = array<i32>} : memref<640x64xf32, #tpu.memory_space<vmem>>, vector<16xf32>,
        %parallel_loop3A_676 = arith.mulf %parallel_loop3A_675, %parallel_loop3A_663 : vector<16xf32>
        %parallel_loop3A_677 = arith.addf %parallel_loop3A_676, %parallel_loop3A_418 : vector<16xf32>
        tpu.vector_store_idx %arg8[%parallel_loop3A_436, %parallel_loop3A_665], %parallel_loop3A_677 : memref<2560x17xf32, #tpu.memory_space<vmem>>[vector<16xi32>, vector<16xi32>], vector<16xf32>,
        %parallel_loop3A_678 = arith.index_cast %parallel_loop3A_667 : i32 to index
        %parallel_loop3A_679 = arith.constant 32 : index
        %parallel_loop3A_680 = tpu.vector_load %arg7[%parallel_loop3A_678, %parallel_loop3A_679] {strides = array<i32>} : memref<640x64xf32, #tpu.memory_space<vmem>>, vector<16xf32>,
        %parallel_loop3A_681 = arith.mulf %parallel_loop3A_680, %parallel_loop3A_663 : vector<16xf32>
        %parallel_loop3A_682 = arith.addf %parallel_loop3A_681, %parallel_loop3A_422 : vector<16xf32>
        tpu.vector_store_idx %arg8[%parallel_loop3A_440, %parallel_loop3A_665], %parallel_loop3A_682 : memref<2560x17xf32, #tpu.memory_space<vmem>>[vector<16xi32>, vector<16xi32>], vector<16xf32>,
        %parallel_loop3A_683 = arith.index_cast %parallel_loop3A_667 : i32 to index
        %parallel_loop3A_684 = arith.constant 48 : index
        %parallel_loop3A_685 = tpu.vector_load %arg7[%parallel_loop3A_683, %parallel_loop3A_684] {strides = array<i32>} : memref<640x64xf32, #tpu.memory_space<vmem>>, vector<16xf32>,
        %parallel_loop3A_686 = arith.mulf %parallel_loop3A_685, %parallel_loop3A_663 : vector<16xf32>
        %parallel_loop3A_687 = arith.addf %parallel_loop3A_686, %parallel_loop3A_426 : vector<16xf32>
        tpu.vector_store_idx %arg8[%parallel_loop3A_444, %parallel_loop3A_665], %parallel_loop3A_687 : memref<2560x17xf32, #tpu.memory_space<vmem>>[vector<16xi32>, vector<16xi32>], vector<16xf32>,
        %parallel_loop3A_688 = vector.extract_strided_slice %parallel_loop3A_410 {offsets = [9], sizes = [1], strides = [1]} : vector<16xf32> to vector<1xf32>
        %parallel_loop3A_689 = vector.extract %parallel_loop3A_688[0] : f32 from vector<1xf32>
        %parallel_loop3A_690 = vector.broadcast %parallel_loop3A_689 : f32 to vector<16xf32>
        %parallel_loop3A_691 = arith.constant 9 : i32
        %parallel_loop3A_692 = vector.broadcast %parallel_loop3A_691 : i32 to vector<16xi32>
        %parallel_loop3A_693 = arith.constant 360 : i32
        %parallel_loop3A_694 = arith.addi %parallel_loop3A_693, %parallel_loop3A_400 : i32
        %parallel_loop3A_695 = arith.index_cast %parallel_loop3A_694 : i32 to index
        %parallel_loop3A_696 = arith.constant 0 : index
        %parallel_loop3A_697 = tpu.vector_load %arg7[%parallel_loop3A_695, %parallel_loop3A_696] {strides = array<i32>} : memref<640x64xf32, #tpu.memory_space<vmem>>, vector<16xf32>,
        %parallel_loop3A_698 = arith.mulf %parallel_loop3A_697, %parallel_loop3A_690 : vector<16xf32>
        %parallel_loop3A_699 = arith.addf %parallel_loop3A_698, %parallel_loop3A_414 : vector<16xf32>
        tpu.vector_store_idx %arg8[%parallel_loop3A_432, %parallel_loop3A_692], %parallel_loop3A_699 : memref<2560x17xf32, #tpu.memory_space<vmem>>[vector<16xi32>, vector<16xi32>], vector<16xf32>,
        %parallel_loop3A_700 = arith.index_cast %parallel_loop3A_694 : i32 to index
        %parallel_loop3A_701 = arith.constant 16 : index
        %parallel_loop3A_702 = tpu.vector_load %arg7[%parallel_loop3A_700, %parallel_loop3A_701] {strides = array<i32>} : memref<640x64xf32, #tpu.memory_space<vmem>>, vector<16xf32>,
        %parallel_loop3A_703 = arith.mulf %parallel_loop3A_702, %parallel_loop3A_690 : vector<16xf32>
        %parallel_loop3A_704 = arith.addf %parallel_loop3A_703, %parallel_loop3A_418 : vector<16xf32>
        tpu.vector_store_idx %arg8[%parallel_loop3A_436, %parallel_loop3A_692], %parallel_loop3A_704 : memref<2560x17xf32, #tpu.memory_space<vmem>>[vector<16xi32>, vector<16xi32>], vector<16xf32>,
        %parallel_loop3A_705 = arith.index_cast %parallel_loop3A_694 : i32 to index
        %parallel_loop3A_706 = arith.constant 32 : index
        %parallel_loop3A_707 = tpu.vector_load %arg7[%parallel_loop3A_705, %parallel_loop3A_706] {strides = array<i32>} : memref<640x64xf32, #tpu.memory_space<vmem>>, vector<16xf32>,
        %parallel_loop3A_708 = arith.mulf %parallel_loop3A_707, %parallel_loop3A_690 : vector<16xf32>
        %parallel_loop3A_709 = arith.addf %parallel_loop3A_708, %parallel_loop3A_422 : vector<16xf32>
        tpu.vector_store_idx %arg8[%parallel_loop3A_440, %parallel_loop3A_692], %parallel_loop3A_709 : memref<2560x17xf32, #tpu.memory_space<vmem>>[vector<16xi32>, vector<16xi32>], vector<16xf32>,
        %parallel_loop3A_710 = arith.index_cast %parallel_loop3A_694 : i32 to index
        %parallel_loop3A_711 = arith.constant 48 : index
        %parallel_loop3A_712 = tpu.vector_load %arg7[%parallel_loop3A_710, %parallel_loop3A_711] {strides = array<i32>} : memref<640x64xf32, #tpu.memory_space<vmem>>, vector<16xf32>,
        %parallel_loop3A_713 = arith.mulf %parallel_loop3A_712, %parallel_loop3A_690 : vector<16xf32>
        %parallel_loop3A_714 = arith.addf %parallel_loop3A_713, %parallel_loop3A_426 : vector<16xf32>
        tpu.vector_store_idx %arg8[%parallel_loop3A_444, %parallel_loop3A_692], %parallel_loop3A_714 : memref<2560x17xf32, #tpu.memory_space<vmem>>[vector<16xi32>, vector<16xi32>], vector<16xf32>,
        %parallel_loop3A_715 = vector.extract_strided_slice %parallel_loop3A_410 {offsets = [10], sizes = [1], strides = [1]} : vector<16xf32> to vector<1xf32>
        %parallel_loop3A_716 = vector.extract %parallel_loop3A_715[0] : f32 from vector<1xf32>
        %parallel_loop3A_717 = vector.broadcast %parallel_loop3A_716 : f32 to vector<16xf32>
        %parallel_loop3A_718 = arith.constant 10 : i32
        %parallel_loop3A_719 = vector.broadcast %parallel_loop3A_718 : i32 to vector<16xi32>
        %parallel_loop3A_720 = arith.constant 400 : i32
        %parallel_loop3A_721 = arith.addi %parallel_loop3A_720, %parallel_loop3A_400 : i32
        %parallel_loop3A_722 = arith.index_cast %parallel_loop3A_721 : i32 to index
        %parallel_loop3A_723 = arith.constant 0 : index
        %parallel_loop3A_724 = tpu.vector_load %arg7[%parallel_loop3A_722, %parallel_loop3A_723] {strides = array<i32>} : memref<640x64xf32, #tpu.memory_space<vmem>>, vector<16xf32>,
        %parallel_loop3A_725 = arith.mulf %parallel_loop3A_724, %parallel_loop3A_717 : vector<16xf32>
        %parallel_loop3A_726 = arith.addf %parallel_loop3A_725, %parallel_loop3A_414 : vector<16xf32>
        tpu.vector_store_idx %arg8[%parallel_loop3A_432, %parallel_loop3A_719], %parallel_loop3A_726 : memref<2560x17xf32, #tpu.memory_space<vmem>>[vector<16xi32>, vector<16xi32>], vector<16xf32>,
        %parallel_loop3A_727 = arith.index_cast %parallel_loop3A_721 : i32 to index
        %parallel_loop3A_728 = arith.constant 16 : index
        %parallel_loop3A_729 = tpu.vector_load %arg7[%parallel_loop3A_727, %parallel_loop3A_728] {strides = array<i32>} : memref<640x64xf32, #tpu.memory_space<vmem>>, vector<16xf32>,
        %parallel_loop3A_730 = arith.mulf %parallel_loop3A_729, %parallel_loop3A_717 : vector<16xf32>
        %parallel_loop3A_731 = arith.addf %parallel_loop3A_730, %parallel_loop3A_418 : vector<16xf32>
        tpu.vector_store_idx %arg8[%parallel_loop3A_436, %parallel_loop3A_719], %parallel_loop3A_731 : memref<2560x17xf32, #tpu.memory_space<vmem>>[vector<16xi32>, vector<16xi32>], vector<16xf32>,
        %parallel_loop3A_732 = arith.index_cast %parallel_loop3A_721 : i32 to index
        %parallel_loop3A_733 = arith.constant 32 : index
        %parallel_loop3A_734 = tpu.vector_load %arg7[%parallel_loop3A_732, %parallel_loop3A_733] {strides = array<i32>} : memref<640x64xf32, #tpu.memory_space<vmem>>, vector<16xf32>,
        %parallel_loop3A_735 = arith.mulf %parallel_loop3A_734, %parallel_loop3A_717 : vector<16xf32>
        %parallel_loop3A_736 = arith.addf %parallel_loop3A_735, %parallel_loop3A_422 : vector<16xf32>
        tpu.vector_store_idx %arg8[%parallel_loop3A_440, %parallel_loop3A_719], %parallel_loop3A_736 : memref<2560x17xf32, #tpu.memory_space<vmem>>[vector<16xi32>, vector<16xi32>], vector<16xf32>,
        %parallel_loop3A_737 = arith.index_cast %parallel_loop3A_721 : i32 to index
        %parallel_loop3A_738 = arith.constant 48 : index
        %parallel_loop3A_739 = tpu.vector_load %arg7[%parallel_loop3A_737, %parallel_loop3A_738] {strides = array<i32>} : memref<640x64xf32, #tpu.memory_space<vmem>>, vector<16xf32>,
        %parallel_loop3A_740 = arith.mulf %parallel_loop3A_739, %parallel_loop3A_717 : vector<16xf32>
        %parallel_loop3A_741 = arith.addf %parallel_loop3A_740, %parallel_loop3A_426 : vector<16xf32>
        tpu.vector_store_idx %arg8[%parallel_loop3A_444, %parallel_loop3A_719], %parallel_loop3A_741 : memref<2560x17xf32, #tpu.memory_space<vmem>>[vector<16xi32>, vector<16xi32>], vector<16xf32>,
        %parallel_loop3A_742 = vector.extract_strided_slice %parallel_loop3A_410 {offsets = [11], sizes = [1], strides = [1]} : vector<16xf32> to vector<1xf32>
        %parallel_loop3A_743 = vector.extract %parallel_loop3A_742[0] : f32 from vector<1xf32>
        %parallel_loop3A_744 = vector.broadcast %parallel_loop3A_743 : f32 to vector<16xf32>
        %parallel_loop3A_745 = arith.constant 11 : i32
        %parallel_loop3A_746 = vector.broadcast %parallel_loop3A_745 : i32 to vector<16xi32>
        %parallel_loop3A_747 = arith.constant 440 : i32
        %parallel_loop3A_748 = arith.addi %parallel_loop3A_747, %parallel_loop3A_400 : i32
        %parallel_loop3A_749 = arith.index_cast %parallel_loop3A_748 : i32 to index
        %parallel_loop3A_750 = arith.constant 0 : index
        %parallel_loop3A_751 = tpu.vector_load %arg7[%parallel_loop3A_749, %parallel_loop3A_750] {strides = array<i32>} : memref<640x64xf32, #tpu.memory_space<vmem>>, vector<16xf32>,
        %parallel_loop3A_752 = arith.mulf %parallel_loop3A_751, %parallel_loop3A_744 : vector<16xf32>
        %parallel_loop3A_753 = arith.addf %parallel_loop3A_752, %parallel_loop3A_414 : vector<16xf32>
        tpu.vector_store_idx %arg8[%parallel_loop3A_432, %parallel_loop3A_746], %parallel_loop3A_753 : memref<2560x17xf32, #tpu.memory_space<vmem>>[vector<16xi32>, vector<16xi32>], vector<16xf32>,
        %parallel_loop3A_754 = arith.index_cast %parallel_loop3A_748 : i32 to index
        %parallel_loop3A_755 = arith.constant 16 : index
        %parallel_loop3A_756 = tpu.vector_load %arg7[%parallel_loop3A_754, %parallel_loop3A_755] {strides = array<i32>} : memref<640x64xf32, #tpu.memory_space<vmem>>, vector<16xf32>,
        %parallel_loop3A_757 = arith.mulf %parallel_loop3A_756, %parallel_loop3A_744 : vector<16xf32>
        %parallel_loop3A_758 = arith.addf %parallel_loop3A_757, %parallel_loop3A_418 : vector<16xf32>
        tpu.vector_store_idx %arg8[%parallel_loop3A_436, %parallel_loop3A_746], %parallel_loop3A_758 : memref<2560x17xf32, #tpu.memory_space<vmem>>[vector<16xi32>, vector<16xi32>], vector<16xf32>,
        %parallel_loop3A_759 = arith.index_cast %parallel_loop3A_748 : i32 to index
        %parallel_loop3A_760 = arith.constant 32 : index
        %parallel_loop3A_761 = tpu.vector_load %arg7[%parallel_loop3A_759, %parallel_loop3A_760] {strides = array<i32>} : memref<640x64xf32, #tpu.memory_space<vmem>>, vector<16xf32>,
        %parallel_loop3A_762 = arith.mulf %parallel_loop3A_761, %parallel_loop3A_744 : vector<16xf32>
        %parallel_loop3A_763 = arith.addf %parallel_loop3A_762, %parallel_loop3A_422 : vector<16xf32>
        tpu.vector_store_idx %arg8[%parallel_loop3A_440, %parallel_loop3A_746], %parallel_loop3A_763 : memref<2560x17xf32, #tpu.memory_space<vmem>>[vector<16xi32>, vector<16xi32>], vector<16xf32>,
        %parallel_loop3A_764 = arith.index_cast %parallel_loop3A_748 : i32 to index
        %parallel_loop3A_765 = arith.constant 48 : index
        %parallel_loop3A_766 = tpu.vector_load %arg7[%parallel_loop3A_764, %parallel_loop3A_765] {strides = array<i32>} : memref<640x64xf32, #tpu.memory_space<vmem>>, vector<16xf32>,
        %parallel_loop3A_767 = arith.mulf %parallel_loop3A_766, %parallel_loop3A_744 : vector<16xf32>
        %parallel_loop3A_768 = arith.addf %parallel_loop3A_767, %parallel_loop3A_426 : vector<16xf32>
        tpu.vector_store_idx %arg8[%parallel_loop3A_444, %parallel_loop3A_746], %parallel_loop3A_768 : memref<2560x17xf32, #tpu.memory_space<vmem>>[vector<16xi32>, vector<16xi32>], vector<16xf32>,
        %parallel_loop3A_769 = vector.extract_strided_slice %parallel_loop3A_410 {offsets = [12], sizes = [1], strides = [1]} : vector<16xf32> to vector<1xf32>
        %parallel_loop3A_770 = vector.extract %parallel_loop3A_769[0] : f32 from vector<1xf32>
        %parallel_loop3A_771 = vector.broadcast %parallel_loop3A_770 : f32 to vector<16xf32>
        %parallel_loop3A_772 = arith.constant 12 : i32
        %parallel_loop3A_773 = vector.broadcast %parallel_loop3A_772 : i32 to vector<16xi32>
        %parallel_loop3A_774 = arith.constant 480 : i32
        %parallel_loop3A_775 = arith.addi %parallel_loop3A_774, %parallel_loop3A_400 : i32
        %parallel_loop3A_776 = arith.index_cast %parallel_loop3A_775 : i32 to index
        %parallel_loop3A_777 = arith.constant 0 : index
        %parallel_loop3A_778 = tpu.vector_load %arg7[%parallel_loop3A_776, %parallel_loop3A_777] {strides = array<i32>} : memref<640x64xf32, #tpu.memory_space<vmem>>, vector<16xf32>,
        %parallel_loop3A_779 = arith.mulf %parallel_loop3A_778, %parallel_loop3A_771 : vector<16xf32>
        %parallel_loop3A_780 = arith.addf %parallel_loop3A_779, %parallel_loop3A_414 : vector<16xf32>
        tpu.vector_store_idx %arg8[%parallel_loop3A_432, %parallel_loop3A_773], %parallel_loop3A_780 : memref<2560x17xf32, #tpu.memory_space<vmem>>[vector<16xi32>, vector<16xi32>], vector<16xf32>,
        %parallel_loop3A_781 = arith.index_cast %parallel_loop3A_775 : i32 to index
        %parallel_loop3A_782 = arith.constant 16 : index
        %parallel_loop3A_783 = tpu.vector_load %arg7[%parallel_loop3A_781, %parallel_loop3A_782] {strides = array<i32>} : memref<640x64xf32, #tpu.memory_space<vmem>>, vector<16xf32>,
        %parallel_loop3A_784 = arith.mulf %parallel_loop3A_783, %parallel_loop3A_771 : vector<16xf32>
        %parallel_loop3A_785 = arith.addf %parallel_loop3A_784, %parallel_loop3A_418 : vector<16xf32>
        tpu.vector_store_idx %arg8[%parallel_loop3A_436, %parallel_loop3A_773], %parallel_loop3A_785 : memref<2560x17xf32, #tpu.memory_space<vmem>>[vector<16xi32>, vector<16xi32>], vector<16xf32>,
        %parallel_loop3A_786 = arith.index_cast %parallel_loop3A_775 : i32 to index
        %parallel_loop3A_787 = arith.constant 32 : index
        %parallel_loop3A_788 = tpu.vector_load %arg7[%parallel_loop3A_786, %parallel_loop3A_787] {strides = array<i32>} : memref<640x64xf32, #tpu.memory_space<vmem>>, vector<16xf32>,
        %parallel_loop3A_789 = arith.mulf %parallel_loop3A_788, %parallel_loop3A_771 : vector<16xf32>
        %parallel_loop3A_790 = arith.addf %parallel_loop3A_789, %parallel_loop3A_422 : vector<16xf32>
        tpu.vector_store_idx %arg8[%parallel_loop3A_440, %parallel_loop3A_773], %parallel_loop3A_790 : memref<2560x17xf32, #tpu.memory_space<vmem>>[vector<16xi32>, vector<16xi32>], vector<16xf32>,
        %parallel_loop3A_791 = arith.index_cast %parallel_loop3A_775 : i32 to index
        %parallel_loop3A_792 = arith.constant 48 : index
        %parallel_loop3A_793 = tpu.vector_load %arg7[%parallel_loop3A_791, %parallel_loop3A_792] {strides = array<i32>} : memref<640x64xf32, #tpu.memory_space<vmem>>, vector<16xf32>,
        %parallel_loop3A_794 = arith.mulf %parallel_loop3A_793, %parallel_loop3A_771 : vector<16xf32>
        %parallel_loop3A_795 = arith.addf %parallel_loop3A_794, %parallel_loop3A_426 : vector<16xf32>
        tpu.vector_store_idx %arg8[%parallel_loop3A_444, %parallel_loop3A_773], %parallel_loop3A_795 : memref<2560x17xf32, #tpu.memory_space<vmem>>[vector<16xi32>, vector<16xi32>], vector<16xf32>,
        %parallel_loop3A_796 = vector.extract_strided_slice %parallel_loop3A_410 {offsets = [13], sizes = [1], strides = [1]} : vector<16xf32> to vector<1xf32>
        %parallel_loop3A_797 = vector.extract %parallel_loop3A_796[0] : f32 from vector<1xf32>
        %parallel_loop3A_798 = vector.broadcast %parallel_loop3A_797 : f32 to vector<16xf32>
        %parallel_loop3A_799 = arith.constant 13 : i32
        %parallel_loop3A_800 = vector.broadcast %parallel_loop3A_799 : i32 to vector<16xi32>
        %parallel_loop3A_801 = arith.constant 520 : i32
        %parallel_loop3A_802 = arith.addi %parallel_loop3A_801, %parallel_loop3A_400 : i32
        %parallel_loop3A_803 = arith.index_cast %parallel_loop3A_802 : i32 to index
        %parallel_loop3A_804 = arith.constant 0 : index
        %parallel_loop3A_805 = tpu.vector_load %arg7[%parallel_loop3A_803, %parallel_loop3A_804] {strides = array<i32>} : memref<640x64xf32, #tpu.memory_space<vmem>>, vector<16xf32>,
        %parallel_loop3A_806 = arith.mulf %parallel_loop3A_805, %parallel_loop3A_798 : vector<16xf32>
        %parallel_loop3A_807 = arith.addf %parallel_loop3A_806, %parallel_loop3A_414 : vector<16xf32>
        tpu.vector_store_idx %arg8[%parallel_loop3A_432, %parallel_loop3A_800], %parallel_loop3A_807 : memref<2560x17xf32, #tpu.memory_space<vmem>>[vector<16xi32>, vector<16xi32>], vector<16xf32>,
        %parallel_loop3A_808 = arith.index_cast %parallel_loop3A_802 : i32 to index
        %parallel_loop3A_809 = arith.constant 16 : index
        %parallel_loop3A_810 = tpu.vector_load %arg7[%parallel_loop3A_808, %parallel_loop3A_809] {strides = array<i32>} : memref<640x64xf32, #tpu.memory_space<vmem>>, vector<16xf32>,
        %parallel_loop3A_811 = arith.mulf %parallel_loop3A_810, %parallel_loop3A_798 : vector<16xf32>
        %parallel_loop3A_812 = arith.addf %parallel_loop3A_811, %parallel_loop3A_418 : vector<16xf32>
        tpu.vector_store_idx %arg8[%parallel_loop3A_436, %parallel_loop3A_800], %parallel_loop3A_812 : memref<2560x17xf32, #tpu.memory_space<vmem>>[vector<16xi32>, vector<16xi32>], vector<16xf32>,
        %parallel_loop3A_813 = arith.index_cast %parallel_loop3A_802 : i32 to index
        %parallel_loop3A_814 = arith.constant 32 : index
        %parallel_loop3A_815 = tpu.vector_load %arg7[%parallel_loop3A_813, %parallel_loop3A_814] {strides = array<i32>} : memref<640x64xf32, #tpu.memory_space<vmem>>, vector<16xf32>,
        %parallel_loop3A_816 = arith.mulf %parallel_loop3A_815, %parallel_loop3A_798 : vector<16xf32>
        %parallel_loop3A_817 = arith.addf %parallel_loop3A_816, %parallel_loop3A_422 : vector<16xf32>
        tpu.vector_store_idx %arg8[%parallel_loop3A_440, %parallel_loop3A_800], %parallel_loop3A_817 : memref<2560x17xf32, #tpu.memory_space<vmem>>[vector<16xi32>, vector<16xi32>], vector<16xf32>,
        %parallel_loop3A_818 = arith.index_cast %parallel_loop3A_802 : i32 to index
        %parallel_loop3A_819 = arith.constant 48 : index
        %parallel_loop3A_820 = tpu.vector_load %arg7[%parallel_loop3A_818, %parallel_loop3A_819] {strides = array<i32>} : memref<640x64xf32, #tpu.memory_space<vmem>>, vector<16xf32>,
        %parallel_loop3A_821 = arith.mulf %parallel_loop3A_820, %parallel_loop3A_798 : vector<16xf32>
        %parallel_loop3A_822 = arith.addf %parallel_loop3A_821, %parallel_loop3A_426 : vector<16xf32>
        tpu.vector_store_idx %arg8[%parallel_loop3A_444, %parallel_loop3A_800], %parallel_loop3A_822 : memref<2560x17xf32, #tpu.memory_space<vmem>>[vector<16xi32>, vector<16xi32>], vector<16xf32>,
        %parallel_loop3A_823 = vector.extract_strided_slice %parallel_loop3A_410 {offsets = [14], sizes = [1], strides = [1]} : vector<16xf32> to vector<1xf32>
        %parallel_loop3A_824 = vector.extract %parallel_loop3A_823[0] : f32 from vector<1xf32>
        %parallel_loop3A_825 = vector.broadcast %parallel_loop3A_824 : f32 to vector<16xf32>
        %parallel_loop3A_826 = arith.constant 14 : i32
        %parallel_loop3A_827 = vector.broadcast %parallel_loop3A_826 : i32 to vector<16xi32>
        %parallel_loop3A_828 = arith.constant 560 : i32
        %parallel_loop3A_829 = arith.addi %parallel_loop3A_828, %parallel_loop3A_400 : i32
        %parallel_loop3A_830 = arith.index_cast %parallel_loop3A_829 : i32 to index
        %parallel_loop3A_831 = arith.constant 0 : index
        %parallel_loop3A_832 = tpu.vector_load %arg7[%parallel_loop3A_830, %parallel_loop3A_831] {strides = array<i32>} : memref<640x64xf32, #tpu.memory_space<vmem>>, vector<16xf32>,
        %parallel_loop3A_833 = arith.mulf %parallel_loop3A_832, %parallel_loop3A_825 : vector<16xf32>
        %parallel_loop3A_834 = arith.addf %parallel_loop3A_833, %parallel_loop3A_414 : vector<16xf32>
        tpu.vector_store_idx %arg8[%parallel_loop3A_432, %parallel_loop3A_827], %parallel_loop3A_834 : memref<2560x17xf32, #tpu.memory_space<vmem>>[vector<16xi32>, vector<16xi32>], vector<16xf32>,
        %parallel_loop3A_835 = arith.index_cast %parallel_loop3A_829 : i32 to index
        %parallel_loop3A_836 = arith.constant 16 : index
        %parallel_loop3A_837 = tpu.vector_load %arg7[%parallel_loop3A_835, %parallel_loop3A_836] {strides = array<i32>} : memref<640x64xf32, #tpu.memory_space<vmem>>, vector<16xf32>,
        %parallel_loop3A_838 = arith.mulf %parallel_loop3A_837, %parallel_loop3A_825 : vector<16xf32>
        %parallel_loop3A_839 = arith.addf %parallel_loop3A_838, %parallel_loop3A_418 : vector<16xf32>
        tpu.vector_store_idx %arg8[%parallel_loop3A_436, %parallel_loop3A_827], %parallel_loop3A_839 : memref<2560x17xf32, #tpu.memory_space<vmem>>[vector<16xi32>, vector<16xi32>], vector<16xf32>,
        %parallel_loop3A_840 = arith.index_cast %parallel_loop3A_829 : i32 to index
        %parallel_loop3A_841 = arith.constant 32 : index
        %parallel_loop3A_842 = tpu.vector_load %arg7[%parallel_loop3A_840, %parallel_loop3A_841] {strides = array<i32>} : memref<640x64xf32, #tpu.memory_space<vmem>>, vector<16xf32>,
        %parallel_loop3A_843 = arith.mulf %parallel_loop3A_842, %parallel_loop3A_825 : vector<16xf32>
        %parallel_loop3A_844 = arith.addf %parallel_loop3A_843, %parallel_loop3A_422 : vector<16xf32>
        tpu.vector_store_idx %arg8[%parallel_loop3A_440, %parallel_loop3A_827], %parallel_loop3A_844 : memref<2560x17xf32, #tpu.memory_space<vmem>>[vector<16xi32>, vector<16xi32>], vector<16xf32>,
        %parallel_loop3A_845 = arith.index_cast %parallel_loop3A_829 : i32 to index
        %parallel_loop3A_846 = arith.constant 48 : index
        %parallel_loop3A_847 = tpu.vector_load %arg7[%parallel_loop3A_845, %parallel_loop3A_846] {strides = array<i32>} : memref<640x64xf32, #tpu.memory_space<vmem>>, vector<16xf32>,
        %parallel_loop3A_848 = arith.mulf %parallel_loop3A_847, %parallel_loop3A_825 : vector<16xf32>
        %parallel_loop3A_849 = arith.addf %parallel_loop3A_848, %parallel_loop3A_426 : vector<16xf32>
        tpu.vector_store_idx %arg8[%parallel_loop3A_444, %parallel_loop3A_827], %parallel_loop3A_849 : memref<2560x17xf32, #tpu.memory_space<vmem>>[vector<16xi32>, vector<16xi32>], vector<16xf32>,
        %parallel_loop3A_850 = vector.extract_strided_slice %parallel_loop3A_410 {offsets = [15], sizes = [1], strides = [1]} : vector<16xf32> to vector<1xf32>
        %parallel_loop3A_851 = vector.extract %parallel_loop3A_850[0] : f32 from vector<1xf32>
        %parallel_loop3A_852 = vector.broadcast %parallel_loop3A_851 : f32 to vector<16xf32>
        %parallel_loop3A_853 = arith.constant 15 : i32
        %parallel_loop3A_854 = vector.broadcast %parallel_loop3A_853 : i32 to vector<16xi32>
        %parallel_loop3A_855 = arith.constant 600 : i32
        %parallel_loop3A_856 = arith.addi %parallel_loop3A_855, %parallel_loop3A_400 : i32
        %parallel_loop3A_857 = arith.index_cast %parallel_loop3A_856 : i32 to index
        %parallel_loop3A_858 = arith.constant 0 : index
        %parallel_loop3A_859 = tpu.vector_load %arg7[%parallel_loop3A_857, %parallel_loop3A_858] {strides = array<i32>} : memref<640x64xf32, #tpu.memory_space<vmem>>, vector<16xf32>,
        %parallel_loop3A_860 = arith.mulf %parallel_loop3A_859, %parallel_loop3A_852 : vector<16xf32>
        %parallel_loop3A_861 = arith.addf %parallel_loop3A_860, %parallel_loop3A_414 : vector<16xf32>
        tpu.vector_store_idx %arg8[%parallel_loop3A_432, %parallel_loop3A_854], %parallel_loop3A_861 : memref<2560x17xf32, #tpu.memory_space<vmem>>[vector<16xi32>, vector<16xi32>], vector<16xf32>,
        %parallel_loop3A_862 = arith.index_cast %parallel_loop3A_856 : i32 to index
        %parallel_loop3A_863 = arith.constant 16 : index
        %parallel_loop3A_864 = tpu.vector_load %arg7[%parallel_loop3A_862, %parallel_loop3A_863] {strides = array<i32>} : memref<640x64xf32, #tpu.memory_space<vmem>>, vector<16xf32>,
        %parallel_loop3A_865 = arith.mulf %parallel_loop3A_864, %parallel_loop3A_852 : vector<16xf32>
        %parallel_loop3A_866 = arith.addf %parallel_loop3A_865, %parallel_loop3A_418 : vector<16xf32>
        tpu.vector_store_idx %arg8[%parallel_loop3A_436, %parallel_loop3A_854], %parallel_loop3A_866 : memref<2560x17xf32, #tpu.memory_space<vmem>>[vector<16xi32>, vector<16xi32>], vector<16xf32>,
        %parallel_loop3A_867 = arith.index_cast %parallel_loop3A_856 : i32 to index
        %parallel_loop3A_868 = arith.constant 32 : index
        %parallel_loop3A_869 = tpu.vector_load %arg7[%parallel_loop3A_867, %parallel_loop3A_868] {strides = array<i32>} : memref<640x64xf32, #tpu.memory_space<vmem>>, vector<16xf32>,
        %parallel_loop3A_870 = arith.mulf %parallel_loop3A_869, %parallel_loop3A_852 : vector<16xf32>
        %parallel_loop3A_871 = arith.addf %parallel_loop3A_870, %parallel_loop3A_422 : vector<16xf32>
        tpu.vector_store_idx %arg8[%parallel_loop3A_440, %parallel_loop3A_854], %parallel_loop3A_871 : memref<2560x17xf32, #tpu.memory_space<vmem>>[vector<16xi32>, vector<16xi32>], vector<16xf32>,
        %parallel_loop3A_872 = arith.index_cast %parallel_loop3A_856 : i32 to index
        %parallel_loop3A_873 = arith.constant 48 : index
        %parallel_loop3A_874 = tpu.vector_load %arg7[%parallel_loop3A_872, %parallel_loop3A_873] {strides = array<i32>} : memref<640x64xf32, #tpu.memory_space<vmem>>, vector<16xf32>,
        %parallel_loop3A_875 = arith.mulf %parallel_loop3A_874, %parallel_loop3A_852 : vector<16xf32>
        %parallel_loop3A_876 = arith.addf %parallel_loop3A_875, %parallel_loop3A_426 : vector<16xf32>
        tpu.vector_store_idx %arg8[%parallel_loop3A_444, %parallel_loop3A_854], %parallel_loop3A_876 : memref<2560x17xf32, #tpu.memory_space<vmem>>[vector<16xi32>, vector<16xi32>], vector<16xf32>,
      } {sc.loop_unroll_factor = 4 : i64, sc.parallel_access}
      %mul3A_390 = arith.constant 64 : i32
      %mul3A_391 = arith.muli %mul3A_208, %mul3A_390 : i32
      %dma_start3A_392 = arith.constant 0 : i32
      %dma_start3A_393 = arith.constant 0 : i32
      %dma_start3A_394 = tpu.memref_slice %arg8[%dma_start3A_392, %dma_start3A_393] : memref<2560x17xf32, #tpu.memory_space<vmem>> -> memref<2560x16xf32, #tpu.memory_space<vmem>>
      %dma_start3A_395 = tpu.memref_slice %arg5[%mul3A_391, %add3A_206] : memref<12800x4096xf32, #tpu.memory_space<hbm>> -> memref<2560x16xf32, #tpu.memory_space<hbm>>
      %dma_start3A_396 = tpu.memref_slice %arg5[%mul3A_391, %add3A_206] : memref<12800x4096xf32, #tpu.memory_space<hbm>> -> memref<2560x16xf32, #tpu.memory_space<hbm>>
      %dma_start3A_397 = arith.constant 0 : i32
      %dma_start3A_398 = arith.constant 0 : i32
      %dma_start3A_399 = tpu.memref_slice %arg8[%dma_start3A_397, %dma_start3A_398] : memref<2560x17xf32, #tpu.memory_space<vmem>> -> memref<2560x16xf32, #tpu.memory_space<vmem>>
      tpu.enqueue_dma source(%dma_start3A_399 : memref<2560x16xf32, #tpu.memory_space<vmem>>) target(%dma_start3A_396 : memref<2560x16xf32, #tpu.memory_space<hbm>>) target_semaphore(%arg11 : memref<!tpu.dma_semaphore, #tpu.memory_space<semaphore_mem>>)
    }
    %scan3A_184 = arith.constant 39 : i32
    %dma_wait3A_185 = arith.constant 0 : i32
    %dma_wait3A_186 = arith.constant 0 : i32
    %dma_wait3A_187 = tpu.memref_slice %arg8[%dma_wait3A_185, %dma_wait3A_186] : memref<2560x17xf32, #tpu.memory_space<vmem>> -> memref<2560x16xf32, #tpu.memory_space<vmem>>
    %dma_wait3A_188 = arith.constant 0 : i32
    %dma_wait3A_189 = arith.constant 0 : i32
    %dma_wait3A_190 = tpu.memref_slice %arg5[%dma_wait3A_188, %dma_wait3A_189] : memref<12800x4096xf32, #tpu.memory_space<hbm>> -> memref<2560x16xf32, #tpu.memory_space<hbm>>
    %dma_wait3A_191 = arith.constant 0 : i32
    %dma_wait3A_192 = arith.constant 0 : i32
    %dma_wait3A_193 = tpu.memref_slice %arg5[%dma_wait3A_191, %dma_wait3A_192] : memref<12800x4096xf32, #tpu.memory_space<hbm>> -> memref<2560x16xf32, #tpu.memory_space<hbm>>
    %dma_wait3A_194 = arith.constant 0 : i32
    %dma_wait3A_195 = arith.constant 0 : i32
    %dma_wait3A_196 = tpu.memref_slice %arg8[%dma_wait3A_194, %dma_wait3A_195] : memref<2560x17xf32, #tpu.memory_space<vmem>> -> memref<2560x16xf32, #tpu.memory_space<vmem>>
    tpu.wait_dma2 semaphore(%arg11 : memref<!tpu.dma_semaphore, #tpu.memory_space<semaphore_mem>>) src(%dma_wait3A_196 : memref<2560x16xf32, #tpu.memory_space<vmem>>) dst(%dma_wait3A_193 : memref<2560x16xf32, #tpu.memory_space<hbm>>)
    return
  }
}

</mosaic_0001>

<sc_bundles>
// kernel: kernel.3.cloned.1.call-start
scs
__scs_entry_jumppad:
0x0: {  	(pc) =	sbr.rel $0x88, $3  }
0x1: {  	(tag) =	ssettag $0x0;
	lr =	simm.s32 $0x1  }
0x2: {  	[smem:$0x3F9E] =	sst lr;
	_ =	strace $0xD0000000  }
0x3: {  	_ = 	snop  }
0x4: {  	_ = 	snop  }
0x5: {  	_ = 	snop  }
0x6: {  	_ = 	snop  }
0x7: {  	_ = 	snop  }
__scs_overlays_trampoline_lowered:
0x8: {  	[smem:$0x3FAD] =	sst s0  }
0x9: {  	[smem:$0x3FAE] =	sst s1  }
0xa: {  	[smem:$0x3FAF] =	sst s2  }
0xb: {  	[smem:$0x3FB0] =	sst s3  }
0xc: {  	[smem:$0x3FB1] =	sst s4  }
0xd: {  	[smem:$0x3FB2] =	sst s5  }
0xe: {  	[smem:$0x3FB3] =	sst s6  }
0xf: {  	[smem:$0x3FB4] =	sst s7  }
0x10: {  	[smem:$0x3FB5] =	sst s8  }
0x11: {  	[smem:$0x3FB6] =	sst s9;
	s0 =	simm.s32 @!p0 $0x0  }
0x12: {  	s1 =	sld [smem:$0x3F9C];
	s0 =	simm.s32 @p0 $0x1  }
0x13: {  	[smem:$0x3FB7] =	sst s0;
	s0 =	simm.s32 @!p1 $0x0  }
0x14: {  	s2 =	sld [smem:$0x3F9B];
	s0 =	simm.s32 @p1 $0x1  }
0x15: {  	[smem:$0x3FB8] =	sst s0;
	s0 =	simm.s32 @!p2 $0x0  }
0x16: {  	s3 =	sld [smem:$0x3FDB];
	s0 =	simm.s32 @p2 $0x1  }
0x17: {  	s4 =	simm.s32 $0x1BF5;
	[smem:$0x3FBA] =	sst s0  }
0x18: {  	s0 =	sld [smem:$0x3F9D];
	_ =	swait.ge [sflag:s4], $0x0  }
0x19: {  	s7 =	sld [smem:$0x3F9E]  }
0x1a: {  	s8 =	sadd.s32 $0xFFFFE003, lr  }
0x1b: {  	s9 =	sadd.s32 $0xFFFFFEF7, lr;
	s5 =	simm.s32 $0xFFFFFFFF;
	p2 =	slt.u32 s8, $0xFFFFF086  }
0x1c: {  	p1 =	slt.u32 s9, $0xF7A;
	s5 =	simm.s32 @!p2 $0x0  }
0x1d: {  	s5 =	simm.s32 @p1 $0x1;
	p0 =	seq.s32 s7, s2  }
0x1e: {  	s7 =	smul.u32 @!p0 $0xF7A, s2;
	p2 =	seq.s32 @!p0 s5, $0x0  }
0x1f: {  	s9 =	smul.u32 $0xF7A, s1;
	s8 =	simm.s32 @!p0 $0x1BF5;
	p2 =	por !p2, p0  }
0x20: {  	[sflag:s8] =	ssyncset.s32 @!p0 $0xFFFFF086;
	s6 =	sadd.s32 @!p0 s3, s7;
	s7 =	simm.s32 @!p0 $0x108  }
0x21: {  	s3 =	sadd.s32 s3, s9;
	s6 =	sadd.s32 @!p0 $0x88, s6;
	s7 =	simm.s32 @p2 $0x1082  }
0x22: {  	[simem:s7], [sflag:s8] =	dma.local @!p0 [hbm:s6], $0xF7A  }
0x23: {  	s9 =	sor.u32 $0xD0000000, s2;
	s6 =	simm.s32 $0x108;
	_ =	swait.ge @!p0 [sflag:s8], $0x0  }
0x24: {  	s3 =	sadd.s32 $0x88, s3;
	s6 =	simm.s32 @!p1 $0x1082;
	[sflag:s4] =	ssyncset.s32 $0xFFFFF086  }
0x25: {  	[simem:s6], [sflag:s4] =	dma.local [hbm:s3], $0xF7A  }
0x26: {  	[smem:$0x3F9E] =	sst s1;
	(tag) =	ssettag s2;
	_ =	strace s9  }
0x27: {  	s1 =	sld [smem:$0x3FAE]  }
0x28: {  	s2 =	sld [smem:$0x3FAF]  }
0x29: {  	s4 =	sld [smem:$0x3FB1]  }
0x2a: {  	p0 =	seq.s32 s5, $0x0;
	s5 =	sld [smem:$0x3FB2]  }
0x2b: {  	s6 =	sld [smem:$0x3FB3]  }
0x2c: {  	s7 =	sld [smem:$0x3FB4]  }
0x2d: {  	s3 =	simm.s32 $0x108;
	s8 =	sld [smem:$0x3FB5]  }
0x2e: {  	s3 =	simm.s32 @!p0 $0x1082;
	s9 =	sld [smem:$0x3FB6]  }
0x2f: {  	lr =	sadd.s32 s0, s3;
	s0 =	sld [smem:$0x3FAD]  }
0x30: {  	s3 =	sld [smem:$0x3FB0]  }
0x31: {  	[smem:$0x3FB9] =	sst s10  }
0x32: {  	s10 =	sld [smem:$0x3FB7];
	_ =	sdelay $0x3  }
0x33: {  	p0 =	seq.s32 s10, $0x1;
	s10 =	sld [smem:$0x3FB9];
	_ =	sdelay $0x3  }
0x34: {  	[smem:$0x3FB9] =	sst s10  }
0x35: {  	s10 =	sld [smem:$0x3FB8];
	_ =	sdelay $0x3  }
0x36: {  	p1 =	seq.s32 s10, $0x1;
	s10 =	sld [smem:$0x3FB9];
	_ =	sdelay $0x3  }
0x37: {  	[smem:$0x3FB9] =	sst s10  }
0x38: {  	s10 =	sld [smem:$0x3FBA]  }
0x39: {  	_ = 	snop;
	(pc) =	sbr.ind lr, $3  }
0x3a: {  	_ = 	snop  }
0x3b: {  	_ = 	snop  }
0x3c: {  	p2 =	seq.s32 s10, $0x1;
	s10 =	sld [smem:$0x3FB9]  }
0x3d: {  	_ =	shalt  }
0x3e: {  	_ =	shalt  }
0x3f: {  	_ =	shalt  }
0x40: {  	_ =	shalt  }
0x41: {  	_ =	shalt  }
0x42: {  	_ =	shalt  }
0x43: {  	_ =	shalt  }
0x44: {  	_ =	shalt  }
0x45: {  	_ =	shalt  }
0x46: {  	_ =	shalt  }
0x47: {  	_ =	shalt  }
0x48: {  	_ =	shalt  }
0x49: {  	_ =	shalt  }
0x4a: {  	_ =	shalt  }
0x4b: {  	_ =	shalt  }
0x4c: {  	_ =	shalt  }
0x4d: {  	_ =	shalt  }
0x4e: {  	_ =	shalt  }
0x4f: {  	_ =	shalt  }
0x50: {  	_ =	shalt  }
0x51: {  	_ =	shalt  }
0x52: {  	_ =	shalt  }
0x53: {  	_ =	shalt  }
0x54: {  	_ =	shalt  }
0x55: {  	_ =	shalt  }
0x56: {  	_ =	shalt  }
0x57: {  	_ =	shalt  }
0x58: {  	_ =	shalt  }
0x59: {  	_ =	shalt  }
0x5a: {  	_ =	shalt  }
0x5b: {  	_ =	shalt  }
0x5c: {  	_ =	shalt  }
0x5d: {  	_ =	shalt  }
0x5e: {  	_ =	shalt  }
0x5f: {  	_ =	shalt  }
0x60: {  	_ =	shalt  }
0x61: {  	_ =	shalt  }
0x62: {  	_ =	shalt  }
0x63: {  	_ =	shalt  }
0x64: {  	_ =	shalt  }
0x65: {  	_ =	shalt  }
0x66: {  	_ =	shalt  }
0x67: {  	_ =	shalt  }
0x68: {  	_ =	shalt  }
0x69: {  	_ =	shalt  }
0x6a: {  	_ =	shalt  }
0x6b: {  	_ =	shalt  }
0x6c: {  	_ =	shalt  }
0x6d: {  	_ =	shalt  }
0x6e: {  	_ =	shalt  }
0x6f: {  	_ =	shalt  }
0x70: {  	_ =	shalt  }
0x71: {  	_ =	shalt  }
0x72: {  	_ =	shalt  }
0x73: {  	_ =	shalt  }
0x74: {  	_ =	shalt  }
0x75: {  	_ =	shalt  }
0x76: {  	_ =	shalt  }
0x77: {  	_ =	shalt  }
0x78: {  	_ =	shalt  }
0x79: {  	_ =	shalt  }
0x7a: {  	_ =	shalt  }
0x7b: {  	_ =	shalt  }
0x7c: {  	_ =	shalt  }
0x7d: {  	_ =	shalt  }
0x7e: {  	_ =	shalt  }
0x7f: {  	_ =	shalt  }
0x80: {  	_ =	shalt  }
0x81: {  	_ =	shalt  }
0x82: {  	_ =	shalt  }
0x83: {  	_ =	shalt  }
0x84: {  	_ =	shalt  }
0x85: {  	_ =	shalt  }
0x86: {  	_ =	shalt  }
0x87: {  	_ =	shalt  }
.Lfunc_end0:
.L_simem_size_0:
called_computation_lowered:
.L_overlay_start_0:
0x88: {  	s2 =	sld [smem:$0x3FD9]  }
0x89: {  	s3 =	sld [smem:$0x3FFE];
	_ =	sdelay $0x1  }
0x8a: {  	s1 =	srdreg.scid  }
0x8b: {  	s0 =	sand.u32 $0x1, s1  }
0x8c: {  	s17 =	sshll.u32 s0, $0xA;
	s2 =	sadd.s32 s3, s2  }
0x8d: {  	s2 =	sadd.s32 s2, s17  }
0x8e: {  	[smem:$0x3FC5] =	sst s2  }
0x8f: {  	_ = 	snop  }
0x90: {  	s2 =	sld [smem:$0x3FD0];
	(tm) =	ssettm $0x1  }
0x91: {  	s18 =	sld [smem:$0x3FFB];
	_ =	sdelay $0x3  }
0x92: {  	_ =	strace s18  }
0x93: {  	s3 =	sld [smem:$0x3FFC];
	_ =	sdelay $0x3  }
0x94: {  	_ =	strace s3  }
0x95: {  	s3 =	sld [smem:$0x3FFD];
	_ =	sdelay $0x3  }
0x96: {  	_ =	strace s3  }
0x97: {  	_ =	strace $0x8FFFFFFF  }
0x98: {  	s19 =	sld [smem:$0x3FDB];
	_ =	sdelay $0x1  }
0x99: {  	s4 =	simm.s32 $_scs_section_size  }
0x9a: {  	s5 =	simm.s32 $_size__tile_overlayer_lowered;
	s6 =	simm.s32 $_tile_overlayer_lowered  }
0x9b: {  	s22 =	simm.s32 $0x1BFF;
	s21 =	sshll.u32 s6, $0x1;
	s3 =	sadd.s32 s4, s19  }
0x9c: {  	s7 =	simm.s32 $0x0;
	s20 =	sshll.u32 s5, $0x1;
	s5 =	sadd.s32 s21, s3  }
0x9d: {  	[timem:s7], [sflag:s22] =	dma.local [hbm:s5], s20  }
0x9e: {  	_ =	swait.ge [sflag:s22], s20  }
0x9f: {  	s4 =	ssub.s32 $0x0, s20;
	[sflag:s22] =	ssyncset.done $0x0  }
0xa0: {  	[sflag:s22] =	ssyncadd.s32 s4;
	_ =	sdelay $0x1  }
0xa1: {  	s23 =	simm.s32 $0x1B8B  }
0xa2: {  	_ =	swait.ge [sflag:s23], $0x1  }
0xa3: {  	[sflag:s23] =	ssyncset.done $0x0  }
0xa4: {  	s25 =	simm.s32 $0x1B8E;
	s24 =	sld [smem:$0x3FFE];
	[sflag:s23] =	ssyncadd.s32 $0xFFFFFFFF  }
0xa5: {  	s26 =	simm.s32 $execute0_lowered;
	[smem:$0x3FD2] =	sst s25  }
0xa6: {  	s5 =	sshll.u32 s26, $0x1;
	_ =	strace $0x80000046;
	[dreg:$0x1] =	wrdreg $0xFFFFFFFF  }
0xa7: {  	s28 =	simm.s32 $_size_execute0_lowered;
	s3 =	sadd.s32 s3, s5;
	[dreg:$0x0] =	wrdreg $0x0  }
0xa8: {  	s5 =	sshll.u32 s28, $0x1;
	[dreg:$0x2] =	wrdreg s3  }
0xa9: {  	[dreg:$0x3] =	wrdreg s5  }
0xaa: {  	[dreg:$0x4] =	wrdreg $0xC0  }
0xab: {  	_ =	task [dreg:s7], $0x5FFFF  }
0xac: {  	[dreg:$0x1] =	wrdreg $0xFFFFFFFF  }
0xad: {  	[dreg:$0x0] =	wrdreg $0x60  }
0xae: {  	[dreg:$0x2] =	wrdreg s2  }
0xaf: {  	[dreg:$0x3] =	wrdreg s24  }
0xb0: {  	[dreg:$0x4] =	wrdreg $0x9  }
0xb1: {  	_ =	task.clear_ibuf [dreg:s7], $0x5FFFF;
	_ =	strace $0x90000046  }
0xb2: {  	s29 =	simm.s32 $0x9;
	_ =	strace $0x80000048  }
0xb3: {  	_ =	swait.ge [sflag:s29], $0x1  }
0xb4: {  	[sflag:s29] =	ssyncadd.s32 $0xFFFFFFFF  }
0xb5: {  	_ =	strace $0x90000048  }
0xb6: {  	_ =	sfence  }
0xb7: {  	s30 =	sld [smem:$0x0];
	_ =	sdelay $0x2  }
0xb8: {  	s31 =	sshll.u32 s1, $0xD;
	s1 =	sshrl.u32 s1, $0x2  }
0xb9: {  	s3 =	sand.u32 $0x4000, s31;
	s1 =	sadd.s32 s1, s30  }
0xba: {  	s0 =	sor.u32 s3, s0;
	s1 =	sshll.u32 s1, $0x11  }
0xbb: {  	s0 =	sor.u32 s1, s0  }
0xbc: {  	s0 =	sadd.s32 $0x8F2B, s0  }
0xbd: {  	[sflag:s0] =	ssyncadd.remote.s32 $0x1  }
0xbe: {  	_ =	sfence.sel $0xFFFF  }
0xbf: {  	[dreg:$0x0] =	wrdreg $0xFFFFFFFF;
	(pc) =	sbr.abs _section_cstart, $3  }
0xc0: {  	[dreg:$0x1] =	wrdreg $0xFFFFFFFF  }
0xc1: {  	_ =	task.clear_ibuf [dreg:s7], $0x2FFFF;
	_ =	strace $0x9FFFFFFF  }
0xc2: {  	(tm) =	ssettm $0x7FFFFFFF  }
0xc3: {  	_ =	shalt  }
tec
execute0_lowered:
.L_overlay_start_1:
0x0: {  	(tag) =	ssettag $0x1  }
0x1: {  	s6 =	rddreg [dreg:$0x0]  }
0x2: {  	s0 =	rddreg [dreg:$0x1];
	s1 =	srdreg.scid;
	s3 =	simm.s32 $0x0  }
0x3: {  	s2 =	stileid.u32;
	s12 =	simm.s32 $0x3;
	s13 =	simm.s32 $0x28  }
0x4: {  	s14 =	simm.s32 $0xC8;
	s8 =	simm.s32 $0x7080;
	s10 =	simm.s32 $0x1E0  }
0x5: {  	s9 =	simm.s32 $0x7A80;
	s15 =	simm.s32 $0x8480;
	s16 =	simm.s32 $0x230  }
0x6: {  	s17 =	simm.s32 $0x8E80;
	s18 =	simm.s32 $0x258;
	s19 =	simm.s32 $0x9880  }
0x7: {  	s20 =	simm.s32 $0x1;
	s21 =	simm.s32 $0xA280;
	s1 =	sand.u32 $0x1, s1  }
0x8: {  	v1 =	vlaneseq.u32;
	[smem:$0x7FF] =	sst s3;
	s2 =	sshll.u32 s2, $0x8;
	s5 =	sadd.s32 $0xF42C00, s0  }
0x9: {  	s7 =	sadd.s32 $0x800, s0;
	v0 =	vmul.u32 $0x18, v1;
	s4 =	sshll.u32 s1, $0x7;
	_ =	strace $0x80000047  }
0xa: {  	v40 =	vimm.f32 $1.000000000e+00;
	v31 =	vmul.u32 $0x28, v1;
	s1 =	ssub.s32 $0x2, s1;
	[dreg:$0x3] =	wrdreg s7;
	s4 =	sor.u32 s4, s2  }
0xb: {  	s7 =	sadd.s32 $0x1000, s0;
	s29 =	sshrl.u32 s1, $0x1;
	v3 =	vor.u32 $0x1, v0;
	v4 =	vor.u32 $0x2, v0;
	v5 =	vor.u32 $0x3, v0;
	s31 =	sshrl.u32 s4, $0x3  }
0xc: {  	v6 =	vor.u32 $0x4, v0;
	v7 =	vor.u32 $0x5, v0;
	v8 =	vor.u32 $0x6, v0;
	s2 =	smul.u32 $0x19, s4;
	s0 =	ssub.s32 s1, s29;
	s1 =	sadd.s32 s7, s31  }
0xd: {  	s22 =	simm.s32 $0x2;
	v9 =	vor.u32 $0x7, v0;
	v10 =	vadd.s32 $0x8, v0;
	v11 =	vadd.s32 $0x9, v0;
	s0 =	smax.u32 s0, $0x1;
	[dreg:$0x5] =	wrdreg s1  }
0xe: {  	v12 =	vadd.s32 $0xA, v0;
	v13 =	vadd.s32 $0xB, v0;
	v14 =	vadd.s32 $0xC, v0;
	s30 =	sadd.s32 s6, s2;
	[dreg:$0x6] =	wrdreg s0;
	s6 =	simm.s32 $0x1B8  }
0xf: {  	v15 =	vadd.s32 $0xD, v0;
	v16 =	vadd.s32 $0xE, v0;
	v17 =	vadd.s32 $0xF, v0;
	[tilespmem:$0x1FFF0] =	vst v31;
	s1 =	simm.s32 $0x208;
	s2 =	simm.s32 $0x0;
	[dreg:$0x4] =	wrdreg s30  }
.LBB2_1:
0x10: {  	[dreg:$0x7] =	wrdreg s2  }
0x11: {  	s0 =	rddreg [dreg:$0x3];
	s31 =	simm.s32 $0x19280  }
0x12: {  	[tilespmem:s31], [sflag:$0x3] =	stream.linear.gather [hbm4b:s0+s3], $0x4000, $0x38;
	[tilespmem:$0x1D280] =	vst v63  }
0x13: {  	_ =	swait.ge [sflag:s12], $0x4000  }
0x14: {  	[sflag:s12] =	ssyncset.done $0x0  }
0x15: {  	s2 =	rddreg [dreg:$0x4];
	[sflag:s12] =	ssyncadd.s32 $0xFFFFC000  }
0x16: {  	[tilespmem:s3], [sflag:$0x3] =	stream.strided.gather [hbm4b:s2+s13], $0x280, s14, s13, $0x38;
	[tilespmem:$0x1D280] =	vst v63  }
0x17: {  	_ =	swait.ge [sflag:s12], $0x280  }
0x18: {  	[sflag:s12] =	ssyncset.done $0x0  }
0x19: {  	s11 =	simm.s32 $0x280;
	[sflag:s12] =	ssyncadd.s32 $0xFFFFFD80  }
0x1a: {  	[tilespmem:s11], [sflag:$0x1] =	stream.indirect.gather [hbm4b:s5+s13], $0x40, s3, s13, $0xb8;
	[tilespmem:$0x1D280] =	vst v63  }
0x1b: {  	s23 =	simm.s32 $0xC80  }
0x1c: {  	[tilespmem:s23], [sflag:$0x1] =	stream.indirect.gather [hbm4b:s5+s13], $0x40, s13, s13, $0xb8;
	[tilespmem:$0x1D280] =	vst v63  }
0x1d: {  	s24 =	simm.s32 $0x50;
	s25 =	simm.s32 $0x1680  }
0x1e: {  	[tilespmem:s25], [sflag:$0x1] =	stream.indirect.gather [hbm4b:s5+s13], $0x40, s24, s13, $0xb8;
	[tilespmem:$0x1D280] =	vst v63  }
0x1f: {  	s26 =	simm.s32 $0x78;
	s28 =	simm.s32 $0x2080  }
0x20: {  	[tilespmem:s28], [sflag:$0x1] =	stream.indirect.gather [hbm4b:s5+s13], $0x40, s26, s13, $0xb8;
	[tilespmem:$0x1D280] =	vst v63  }
0x21: {  	s29 =	simm.s32 $0xA0;
	s30 =	simm.s32 $0x2A80  }
0x22: {  	[tilespmem:s30], [sflag:$0x1] =	stream.indirect.gather [hbm4b:s5+s13], $0x40, s29, s13, $0xb8;
	[tilespmem:$0x1D280] =	vst v63  }
0x23: {  	s31 =	simm.s32 $0x3480  }
0x24: {  	[tilespmem:s31], [sflag:$0x1] =	stream.indirect.gather [hbm4b:s5+s13], $0x40, s14, s13, $0xb8;
	[tilespmem:$0x1D280] =	vst v63  }
0x25: {  	s2 =	simm.s32 $0xF0;
	s11 =	simm.s32 $0x3E80  }
0x26: {  	[tilespmem:s11], [sflag:$0x1] =	stream.indirect.gather [hbm4b:s5+s13], $0x40, s2, s13, $0xb8;
	[tilespmem:$0x1D280] =	vst v63  }
0x27: {  	s23 =	simm.s32 $0x118;
	s24 =	simm.s32 $0x4880  }
0x28: {  	[tilespmem:s24], [sflag:$0x1] =	stream.indirect.gather [hbm4b:s5+s13], $0x40, s23, s13, $0xb8;
	[tilespmem:$0x1D280] =	vst v63  }
0x29: {  	s25 =	simm.s32 $0x140;
	s26 =	simm.s32 $0x5280  }
0x2a: {  	[tilespmem:s26], [sflag:$0x1] =	stream.indirect.gather [hbm4b:s5+s13], $0x40, s25, s13, $0xb8;
	[tilespmem:$0x1D280] =	vst v63  }
0x2b: {  	s28 =	simm.s32 $0x168;
	s29 =	simm.s32 $0x5C80  }
0x2c: {  	[tilespmem:s29], [sflag:$0x1] =	stream.indirect.gather [hbm4b:s5+s13], $0x40, s28, s13, $0xb8;
	[tilespmem:$0x1D280] =	vst v63  }
0x2d: {  	s30 =	simm.s32 $0x190;
	s31 =	simm.s32 $0x6680  }
0x2e: {  	[tilespmem:s31], [sflag:$0x1] =	stream.indirect.gather [hbm4b:s5+s13], $0x40, s30, s13, $0xb8;
	[tilespmem:$0x1D280] =	vst v63  }
0x2f: {  	_ = 	snop  }
0x30: {  	[tilespmem:s8], [sflag:$0x1] =	stream.indirect.gather [hbm4b:s5+s13], $0x40, s6, s13, $0xb8;
	[tilespmem:$0x1D280] =	vst v63  }
0x31: {  	_ = 	snop  }
0x32: {  	[tilespmem:s9], [sflag:$0x1] =	stream.indirect.gather [hbm4b:s5+s13], $0x40, s10, s13, $0xb8;
	[tilespmem:$0x1D280] =	vst v63  }
0x33: {  	_ = 	snop  }
0x34: {  	[tilespmem:s15], [sflag:$0x1] =	stream.indirect.gather [hbm4b:s5+s13], $0x40, s1, s13, $0xb8;
	[tilespmem:$0x1D280] =	vst v63  }
0x35: {  	_ = 	snop  }
0x36: {  	[tilespmem:s17], [sflag:$0x1] =	stream.indirect.gather [hbm4b:s5+s13], $0x40, s16, s13, $0xb8;
	[tilespmem:$0x1D280] =	vst v63  }
0x37: {  	_ = 	snop  }
0x38: {  	[tilespmem:s19], [sflag:$0x1] =	stream.indirect.gather [hbm4b:s5+s13], $0x40, s18, s13, $0xb8;
	[tilespmem:$0x1D280] =	vst v63  }
0x39: {  	_ =	swait.ge [sflag:s20], $0xA000  }
0x3a: {  	[sflag:s20] =	ssyncset.done $0x0  }
0x3b: {  	s23 =	simm.s32 $0x0;
	[sflag:s20] =	ssyncadd.s32 $0xFFFF6000  }
.LBB2_2:
0x3c: {  	_ =	sdelay $0x1  }
0x3d: {  	v18 =	vmov s23  }
0x3e: {  	v18 =	vand.u32 $0x3C, v18  }
0x3f: {  	v18 =	vadd.s32 v31, v18;
	_ =	sdelay $0x4  }
0x40: {  	v18 =	vld.idx.msk [tilespmem:v18+s3+$0x0], $0xffff;
	_ =	sdelay $0x1  }
0x41: {  	s24 =	sshll.u32 s23, $0x6  }
0x42: {  	v19 =	vmov s24  }
0x43: {  	v20 =	vld [tilespmem:s24+$0x280];
	v19 =	vmul.u32 $0x18, v19  }
0x44: {  	vm0 =	veq.s32 v18, $0x0  }
0x45: {  	v24 =	vld [tilespmem:s24+$0x19280];
	v26 =	vbroadcast v19, $0x0;
	v25 =	vsel vm0, $0x0, v40  }
0x46: {  	v27 =	vbroadcast v25, $0x0  }
0x47: {  	v22 =	vor.u32 v0, v26  }
0x48: {  	v18 =	vmul.f32 v20, v27;
	_ =	sdelay $0x1  }
0x49: {  	v21 =	vld [tilespmem:s24+$0x19290];
	v20 =	vadd.f32 v18, v24  }
0x4a: {  	s0 =	sor.u32 $0x10, s24;
	v19 =	vld [tilespmem:s24+$0x192A0]  }
0x4b: {  	v23 =	vmov s0;
	v18 =	vld [tilespmem:s24+$0x192B0];
	[tilespmem:v22+s21+$0x0] =	vst.idx.msk $0xffff, v20  }
0x4c: {  	v46 =	vmul.u32 $0x18, v23;
	v20 =	vld [tilespmem:s24+$0x290];
	_ =	sdelay $0x1  }
0x4d: {  	v23 =	vbroadcast v46, $0x0;
	_ =	sdelay $0x1  }
0x4e: {  	v22 =	vadd.s32 v0, v23  }
0x4f: {  	v20 =	vmul.f32 v20, v27;
	_ =	sdelay $0x1  }
0x50: {  	v20 =	vadd.f32 v20, v21  }
0x51: {  	s28 =	sor.u32 $0x20, s24  }
0x52: {  	v28 =	vmov s28;
	[tilespmem:v22+s21+$0x0] =	vst.idx.msk $0xffff, v20  }
0x53: {  	v47 =	vmul.u32 $0x18, v28;
	v20 =	vld [tilespmem:s24+$0x2A0];
	_ =	sdelay $0x1  }
0x54: {  	v22 =	vbroadcast v47, $0x0;
	_ =	sdelay $0x1  }
0x55: {  	v28 =	vadd.s32 v0, v22  }
0x56: {  	v20 =	vmul.f32 v20, v27;
	_ =	sdelay $0x1  }
0x57: {  	v20 =	vadd.f32 v20, v19  }
0x58: {  	s29 =	sor.u32 $0x30, s24  }
0x59: {  	v29 =	vmov s29;
	[tilespmem:v28+s21+$0x0] =	vst.idx.msk $0xffff, v20  }
0x5a: {  	v48 =	vmul.u32 $0x18, v29;
	v28 =	vld [tilespmem:s24+$0x2B0];
	_ =	sdelay $0x1  }
0x5b: {  	v20 =	vbroadcast v48, $0x0;
	_ =	sdelay $0x1  }
0x5c: {  	v29 =	vadd.s32 v0, v20  }
0x5d: {  	v27 =	vmul.f32 v28, v27;
	_ =	sdelay $0x1  }
0x5e: {  	v27 =	vadd.f32 v27, v18;
	_ =	sdelay $0x1  }
0x5f: {  	[tilespmem:v29+s21+$0x0] =	vst.idx.msk $0xffff, v27  }
0x60: {  	v27 =	vld [tilespmem:s24+$0xC80];
	_ =	sdelay $0x2  }
0x61: {  	v28 =	vbroadcast v25, $0x1  }
0x62: {  	v29 =	vor.u32 v3, v26  }
0x63: {  	v27 =	vmul.f32 v27, v28;
	_ =	sdelay $0x1  }
0x64: {  	v27 =	vadd.f32 v27, v24;
	_ =	sdelay $0x1  }
0x65: {  	[tilespmem:v29+s21+$0x0] =	vst.idx.msk $0xffff, v27  }
0x66: {  	v27 =	vld [tilespmem:s24+$0xC90];
	_ =	sdelay $0x3  }
0x67: {  	v29 =	vadd.s32 v3, v23  }
0x68: {  	v27 =	vmul.f32 v27, v28;
	_ =	sdelay $0x1  }
0x69: {  	v27 =	vadd.f32 v27, v21;
	_ =	sdelay $0x1  }
0x6a: {  	[tilespmem:v29+s21+$0x0] =	vst.idx.msk $0xffff, v27  }
0x6b: {  	v27 =	vld [tilespmem:s24+$0xCA0];
	_ =	sdelay $0x3  }
0x6c: {  	v29 =	vadd.s32 v3, v22  }
0x6d: {  	v27 =	vmul.f32 v27, v28;
	_ =	sdelay $0x1  }
0x6e: {  	v27 =	vadd.f32 v27, v19;
	_ =	sdelay $0x1  }
0x6f: {  	[tilespmem:v29+s21+$0x0] =	vst.idx.msk $0xffff, v27  }
0x70: {  	v27 =	vld [tilespmem:s24+$0xCB0];
	_ =	sdelay $0x3  }
0x71: {  	v29 =	vadd.s32 v3, v20  }
0x72: {  	v27 =	vmul.f32 v27, v28;
	_ =	sdelay $0x1  }
0x73: {  	v27 =	vadd.f32 v27, v18;
	_ =	sdelay $0x1  }
0x74: {  	[tilespmem:v29+s21+$0x0] =	vst.idx.msk $0xffff, v27  }
0x75: {  	v27 =	vld [tilespmem:s24+$0x1680];
	_ =	sdelay $0x2  }
0x76: {  	v28 =	vbroadcast v25, $0x2  }
0x77: {  	v29 =	vor.u32 v4, v26  }
0x78: {  	v27 =	vmul.f32 v27, v28;
	_ =	sdelay $0x1  }
0x79: {  	v27 =	vadd.f32 v27, v24;
	_ =	sdelay $0x1  }
0x7a: {  	[tilespmem:v29+s21+$0x0] =	vst.idx.msk $0xffff, v27  }
0x7b: {  	v27 =	vld [tilespmem:s24+$0x1690];
	_ =	sdelay $0x3  }
0x7c: {  	v29 =	vadd.s32 v4, v23  }
0x7d: {  	v27 =	vmul.f32 v27, v28;
	_ =	sdelay $0x1  }
0x7e: {  	v27 =	vadd.f32 v27, v21;
	_ =	sdelay $0x1  }
0x7f: {  	[tilespmem:v29+s21+$0x0] =	vst.idx.msk $0xffff, v27  }
0x80: {  	v27 =	vld [tilespmem:s24+$0x16A0];
	_ =	sdelay $0x3  }
0x81: {  	v29 =	vadd.s32 v4, v22  }
0x82: {  	v27 =	vmul.f32 v27, v28;
	_ =	sdelay $0x1  }
0x83: {  	v27 =	vadd.f32 v27, v19;
	_ =	sdelay $0x1  }
0x84: {  	[tilespmem:v29+s21+$0x0] =	vst.idx.msk $0xffff, v27  }
0x85: {  	v27 =	vld [tilespmem:s24+$0x16B0];
	_ =	sdelay $0x3  }
0x86: {  	v29 =	vadd.s32 v4, v20  }
0x87: {  	v27 =	vmul.f32 v27, v28;
	_ =	sdelay $0x1  }
0x88: {  	v27 =	vadd.f32 v27, v18;
	_ =	sdelay $0x1  }
0x89: {  	[tilespmem:v29+s21+$0x0] =	vst.idx.msk $0xffff, v27  }
0x8a: {  	v27 =	vld [tilespmem:s24+$0x2080];
	_ =	sdelay $0x2  }
0x8b: {  	v54 =	vbroadcast v25, $0x3  }
0x8c: {  	v28 =	vor.u32 v5, v26  }
0x8d: {  	v27 =	vmul.f32 v27, v54;
	_ =	sdelay $0x1  }
0x8e: {  	v27 =	vadd.f32 v27, v24;
	_ =	sdelay $0x1  }
0x8f: {  	[tilespmem:v28+s21+$0x0] =	vst.idx.msk $0xffff, v27  }
0x90: {  	v27 =	vld [tilespmem:s24+$0x2090]  }
0x91: {  	s30 =	sor.u32 $0x1, s23  }
0x92: {  	v28 =	vmov s30  }
0x93: {  	v28 =	vand.u32 $0x3D, v28  }
0x94: {  	v29 =	vadd.s32 v5, v23;
	v28 =	vadd.s32 v31, v28  }
0x95: {  	v27 =	vmul.f32 v27, v54;
	_ =	sdelay $0x1  }
0x96: {  	v27 =	vadd.f32 v27, v21;
	_ =	sdelay $0x1  }
0x97: {  	s25 =	sshll.u32 s30, $0x6;
	v49 =	vld.idx.msk [tilespmem:v28+s3+$0x0], $0xffff;
	[tilespmem:v29+s21+$0x0] =	vst.idx.msk $0xffff, v27  }
0x98: {  	v50 =	vld [tilespmem:s25+$0x280]  }
0x99: {  	v1 =	vld [tilespmem:$0x1FFF0]  }
0x9a: {  	s31 =	sor.u32 $0x2, s23;
	v28 =	vmov s25  }
0x9b: {  	s28 =	sor.u32 $0x3, s23;
	v28 =	vmul.u32 $0x18, v28;
	v29 =	vmov s31  }
0x9c: {  	v30 =	vmov s28;
	v29 =	vand.u32 $0x3E, v29  }
0x9d: {  	v36 =	vbroadcast v28, $0x0;
	v28 =	vand.u32 $0x3F, v30;
	v29 =	vadd.s32 v31, v29  }
0x9e: {  	vm13 =	veq.s32 v49, $0x0;
	v31 =	vadd.s32 v1, v28  }
0x9f: {  	v33 =	vld [tilespmem:s25+$0x19280];
	v35 =	vsel vm13, $0x0, v40  }
0xa0: {  	v30 =	vld [tilespmem:s25+$0x19290];
	v55 =	vbroadcast v35, $0x0  }
0xa1: {  	v27 =	vld [tilespmem:s25+$0x192B0];
	v32 =	vor.u32 v0, v36  }
0xa2: {  	v34 =	vmul.f32 v50, v55;
	v29 =	vld.idx.msk [tilespmem:v29+s3+$0x0], $0xffff  }
0xa3: {  	s26 =	sshll.u32 s31, $0x6;
	v31 =	vld.idx.msk [tilespmem:v31+s3+$0x0], $0xffff  }
0xa4: {  	s0 =	sshll.u32 s28, $0x6;
	v52 =	vld [tilespmem:s26+$0x280];
	v34 =	vadd.f32 v34, v33  }
0xa5: {  	v51 =	vmov s26;
	v38 =	vld [tilespmem:s0+$0x280]  }
0xa6: {  	v37 =	vmov s0;
	v28 =	vld [tilespmem:s25+$0x192A0];
	[tilespmem:v32+s21+$0x0] =	vst.idx.msk $0xffff, v34;
	v32 =	vmul.u32 $0x18, v51  }
0xa7: {  	v39 =	vld [tilespmem:s26+$0x19280];
	vm14 =	veq.s32 v29, $0x0;
	v29 =	vmul.u32 $0x18, v37  }
0xa8: {  	v48 =	vld [tilespmem:s25+$0x290];
	v42 =	vbroadcast v32, $0x0;
	v41 =	vsel vm14, $0x0, v40;
	vm15 =	veq.s32 v31, $0x0  }
0xa9: {  	v56 =	vbroadcast v41, $0x0;
	v43 =	vbroadcast v29, $0x0;
	v44 =	vsel vm15, $0x0, v40;
	v40 =	vld [tilespmem:s0+$0x19280]  }
0xaa: {  	v37 =	vld [tilespmem:s26+$0x19290];
	v31 =	vor.u32 v0, v42;
	v57 =	vbroadcast v44, $0x0  }
0xab: {  	v32 =	vld [tilespmem:s26+$0x192A0];
	v34 =	vmul.f32 v52, v56;
	v45 =	vor.u32 v0, v43  }
0xac: {  	v29 =	vld [tilespmem:s26+$0x192B0];
	v46 =	vmul.f32 v38, v57  }
0xad: {  	s2 =	sor.u32 $0x10, s25;
	v47 =	vadd.f32 v34, v39;
	v34 =	vld [tilespmem:s0+$0x192A0]  }
0xae: {  	s11 =	sor.u32 $0x10, s26;
	v49 =	vmov s2;
	v38 =	vld [tilespmem:s0+$0x19290];
	v46 =	vadd.f32 v46, v40  }
0xaf: {  	s29 =	sor.u32 $0x10, s0;
	v49 =	vmul.u32 $0x18, v49;
	v50 =	vmov s11;
	[tilespmem:v31+s21+$0x0] =	vst.idx.msk $0xffff, v47;
	v31 =	vld [tilespmem:s0+$0x192B0]  }
0xb0: {  	v58 =	vmov s29;
	v53 =	vmul.u32 $0x18, v50;
	v51 =	vld [tilespmem:s26+$0x290];
	[tilespmem:v45+s21+$0x0] =	vst.idx.msk $0xffff, v46  }
0xb1: {  	v60 =	vmul.u32 $0x18, v58;
	v45 =	vbroadcast v49, $0x0;
	v59 =	vld [tilespmem:s0+$0x290]  }
0xb2: {  	v47 =	vbroadcast v53, $0x0  }
0xb3: {  	v46 =	vbroadcast v60, $0x0;
	v61 =	vadd.s32 v0, v45  }
0xb4: {  	v48 =	vmul.f32 v48, v55;
	v52 =	vadd.s32 v0, v47  }
0xb5: {  	v53 =	vadd.s32 v0, v46;
	v51 =	vmul.f32 v51, v56  }
0xb6: {  	v48 =	vadd.f32 v48, v30;
	v49 =	vmul.f32 v59, v57  }
0xb7: {  	s30 =	sor.u32 $0x20, s25;
	v51 =	vadd.f32 v51, v37  }
0xb8: {  	v58 =	vmov s30;
	s31 =	sor.u32 $0x20, s26;
	[tilespmem:v61+s21+$0x0] =	vst.idx.msk $0xffff, v48;
	v62 =	vadd.f32 v49, v38  }
0xb9: {  	v63 =	vmul.u32 $0x18, v58;
	v58 =	vmov s31;
	s2 =	sor.u32 $0x20, s0;
	[tilespmem:v52+s21+$0x0] =	vst.idx.msk $0xffff, v51;
	v59 =	vld [tilespmem:s25+$0x2A0]  }
0xba: {  	v50 =	vmul.u32 $0x18, v58;
	v60 =	vmov s2;
	v51 =	vld [tilespmem:s26+$0x2A0];
	[tilespmem:v53+s21+$0x0] =	vst.idx.msk $0xffff, v62  }
0xbb: {  	v48 =	vbroadcast v63, $0x0;
	v61 =	vmul.u32 $0x18, v60;
	v53 =	vld [tilespmem:s0+$0x2A0]  }
0xbc: {  	v50 =	vbroadcast v50, $0x0  }
0xbd: {  	v52 =	vadd.s32 v0, v48;
	v49 =	vbroadcast v61, $0x0  }
0xbe: {  	v58 =	vmul.f32 v59, v55;
	v59 =	vadd.s32 v0, v50  }
0xbf: {  	v60 =	vadd.s32 v0, v49;
	v51 =	vmul.f32 v51, v56  }
0xc0: {  	v58 =	vadd.f32 v58, v28;
	v53 =	vmul.f32 v53, v57  }
0xc1: {  	s11 =	sor.u32 $0x30, s25;
	v51 =	vadd.f32 v51, v32  }
0xc2: {  	s29 =	sor.u32 $0x30, s26;
	v61 =	vmov s11;
	[tilespmem:v52+s21+$0x0] =	vst.idx.msk $0xffff, v58;
	v52 =	vadd.f32 v53, v34  }
0xc3: {  	s30 =	sor.u32 $0x30, s0;
	v58 =	vld [tilespmem:s25+$0x2B0];
	v53 =	vmul.u32 $0x18, v61;
	v61 =	vmov s29;
	[tilespmem:v59+s21+$0x0] =	vst.idx.msk $0xffff, v51  }
0xc4: {  	v62 =	vmov s30;
	v59 =	vld [tilespmem:s26+$0x2B0];
	v61 =	vmul.u32 $0x18, v61;
	[tilespmem:v60+s21+$0x0] =	vst.idx.msk $0xffff, v52  }
0xc5: {  	v51 =	vbroadcast v53, $0x0;
	v52 =	vmul.u32 $0x18, v62;
	v60 =	vld [tilespmem:s0+$0x2B0]  }
0xc6: {  	v53 =	vbroadcast v61, $0x0  }
0xc7: {  	v61 =	vadd.s32 v0, v51;
	v52 =	vbroadcast v52, $0x0  }
0xc8: {  	v55 =	vmul.f32 v58, v55;
	v62 =	vadd.s32 v0, v53  }
0xc9: {  	v56 =	vmul.f32 v59, v56;
	v63 =	vadd.s32 v0, v52  }
0xca: {  	v55 =	vadd.f32 v55, v27;
	v57 =	vmul.f32 v60, v57  }
0xcb: {  	v56 =	vadd.f32 v56, v29  }
0xcc: {  	[tilespmem:v61+s21+$0x0] =	vst.idx.msk $0xffff, v55;
	v60 =	vadd.f32 v57, v31  }
0xcd: {  	v57 =	vld [tilespmem:s24+$0xCC0];
	[tilespmem:v62+s21+$0x0] =	vst.idx.msk $0xffff, v56  }
0xce: {  	v56 =	vld [tilespmem:s24+$0xD00];
	[tilespmem:v63+s21+$0x0] =	vst.idx.msk $0xffff, v60  }
0xcf: {  	v55 =	vld [tilespmem:s24+$0xD40]  }
0xd0: {  	v58 =	vbroadcast v35, $0x1  }
0xd1: {  	v59 =	vor.u32 v3, v36;
	v60 =	vbroadcast v41, $0x1  }
0xd2: {  	v61 =	vor.u32 v3, v42;
	v62 =	vbroadcast v44, $0x1;
	v57 =	vmul.f32 v57, v58  }
0xd3: {  	v63 =	vor.u32 v3, v43;
	v56 =	vmul.f32 v56, v60  }
0xd4: {  	v57 =	vadd.f32 v57, v33;
	v55 =	vmul.f32 v55, v62  }
0xd5: {  	v56 =	vadd.f32 v56, v39  }
0xd6: {  	[tilespmem:v59+s21+$0x0] =	vst.idx.msk $0xffff, v57;
	v55 =	vadd.f32 v55, v40  }
0xd7: {  	v57 =	vld [tilespmem:s24+$0xCD0];
	[tilespmem:v61+s21+$0x0] =	vst.idx.msk $0xffff, v56  }
0xd8: {  	v56 =	vld [tilespmem:s24+$0xD10];
	[tilespmem:v63+s21+$0x0] =	vst.idx.msk $0xffff, v55  }
0xd9: {  	v55 =	vld [tilespmem:s24+$0xD50];
	_ =	sdelay $0x1  }
0xda: {  	v59 =	vadd.s32 v3, v45  }
0xdb: {  	v61 =	vadd.s32 v3, v47;
	v57 =	vmul.f32 v57, v58  }
0xdc: {  	v63 =	vadd.s32 v3, v46;
	v56 =	vmul.f32 v56, v60  }
0xdd: {  	v57 =	vadd.f32 v57, v30;
	v55 =	vmul.f32 v55, v62  }
0xde: {  	v56 =	vadd.f32 v56, v37  }
0xdf: {  	[tilespmem:v59+s21+$0x0] =	vst.idx.msk $0xffff, v57;
	v55 =	vadd.f32 v55, v38  }
0xe0: {  	v57 =	vld [tilespmem:s24+$0xCE0];
	[tilespmem:v61+s21+$0x0] =	vst.idx.msk $0xffff, v56  }
0xe1: {  	v56 =	vld [tilespmem:s24+$0xD20];
	[tilespmem:v63+s21+$0x0] =	vst.idx.msk $0xffff, v55  }
0xe2: {  	v55 =	vld [tilespmem:s24+$0xD60];
	_ =	sdelay $0x1  }
0xe3: {  	v59 =	vadd.s32 v3, v48  }
0xe4: {  	v61 =	vadd.s32 v3, v50;
	v57 =	vmul.f32 v57, v58  }
0xe5: {  	v63 =	vadd.s32 v3, v49;
	v56 =	vmul.f32 v56, v60  }
0xe6: {  	v57 =	vadd.f32 v57, v28;
	v55 =	vmul.f32 v55, v62  }
0xe7: {  	v56 =	vadd.f32 v56, v32  }
0xe8: {  	[tilespmem:v59+s21+$0x0] =	vst.idx.msk $0xffff, v57;
	v55 =	vadd.f32 v55, v34  }
0xe9: {  	v57 =	vld [tilespmem:s24+$0xCF0];
	[tilespmem:v61+s21+$0x0] =	vst.idx.msk $0xffff, v56  }
0xea: {  	v56 =	vld [tilespmem:s24+$0xD30];
	[tilespmem:v63+s21+$0x0] =	vst.idx.msk $0xffff, v55  }
0xeb: {  	v55 =	vld [tilespmem:s24+$0xD70];
	_ =	sdelay $0x1  }
0xec: {  	v59 =	vadd.s32 v3, v51  }
0xed: {  	v57 =	vmul.f32 v57, v58;
	v58 =	vadd.s32 v3, v53  }
0xee: {  	v56 =	vmul.f32 v56, v60;
	v60 =	vadd.s32 v3, v52  }
0xef: {  	v57 =	vadd.f32 v57, v27;
	v55 =	vmul.f32 v55, v62  }
0xf0: {  	v56 =	vadd.f32 v56, v29  }
0xf1: {  	[tilespmem:v59+s21+$0x0] =	vst.idx.msk $0xffff, v57;
	v55 =	vadd.f32 v55, v31  }
0xf2: {  	v57 =	vld [tilespmem:s24+$0x16C0];
	[tilespmem:v58+s21+$0x0] =	vst.idx.msk $0xffff, v56  }
0xf3: {  	v56 =	vld [tilespmem:s24+$0x1700];
	[tilespmem:v60+s21+$0x0] =	vst.idx.msk $0xffff, v55  }
0xf4: {  	v55 =	vld [tilespmem:s24+$0x1740]  }
0xf5: {  	v58 =	vbroadcast v35, $0x2  }
0xf6: {  	v59 =	vor.u32 v4, v36;
	v60 =	vbroadcast v41, $0x2  }
0xf7: {  	v61 =	vor.u32 v4, v42;
	v62 =	vbroadcast v44, $0x2;
	v57 =	vmul.f32 v57, v58  }
0xf8: {  	v63 =	vor.u32 v4, v43;
	v56 =	vmul.f32 v56, v60  }
0xf9: {  	v57 =	vadd.f32 v57, v33;
	v55 =	vmul.f32 v55, v62  }
0xfa: {  	v56 =	vadd.f32 v56, v39  }
0xfb: {  	[tilespmem:v59+s21+$0x0] =	vst.idx.msk $0xffff, v57;
	v55 =	vadd.f32 v55, v40  }
0xfc: {  	v57 =	vld [tilespmem:s24+$0x16D0];
	[tilespmem:v61+s21+$0x0] =	vst.idx.msk $0xffff, v56  }
0xfd: {  	v56 =	vld [tilespmem:s24+$0x1710];
	[tilespmem:v63+s21+$0x0] =	vst.idx.msk $0xffff, v55  }
0xfe: {  	v55 =	vld [tilespmem:s24+$0x1750];
	_ =	sdelay $0x1  }
0xff: {  	v59 =	vadd.s32 v4, v45  }
0x100: {  	v61 =	vadd.s32 v4, v47;
	v57 =	vmul.f32 v57, v58  }
0x101: {  	v63 =	vadd.s32 v4, v46;
	v56 =	vmul.f32 v56, v60  }
0x102: {  	v57 =	vadd.f32 v57, v30;
	v55 =	vmul.f32 v55, v62  }
0x103: {  	v56 =	vadd.f32 v56, v37  }
0x104: {  	[tilespmem:v59+s21+$0x0] =	vst.idx.msk $0xffff, v57;
	v55 =	vadd.f32 v55, v38  }
0x105: {  	v57 =	vld [tilespmem:s24+$0x16E0];
	[tilespmem:v61+s21+$0x0] =	vst.idx.msk $0xffff, v56  }
0x106: {  	v56 =	vld [tilespmem:s24+$0x1720];
	[tilespmem:v63+s21+$0x0] =	vst.idx.msk $0xffff, v55  }
0x107: {  	v55 =	vld [tilespmem:s24+$0x1760];
	_ =	sdelay $0x1  }
0x108: {  	v59 =	vadd.s32 v4, v48  }
0x109: {  	v61 =	vadd.s32 v4, v50;
	v57 =	vmul.f32 v57, v58  }
0x10a: {  	v63 =	vadd.s32 v4, v49;
	v56 =	vmul.f32 v56, v60  }
0x10b: {  	v57 =	vadd.f32 v57, v28;
	v55 =	vmul.f32 v55, v62  }
0x10c: {  	v56 =	vadd.f32 v56, v32  }
0x10d: {  	[tilespmem:v59+s21+$0x0] =	vst.idx.msk $0xffff, v57;
	v55 =	vadd.f32 v55, v34  }
0x10e: {  	v57 =	vld [tilespmem:s24+$0x16F0];
	[tilespmem:v61+s21+$0x0] =	vst.idx.msk $0xffff, v56  }
0x10f: {  	v56 =	vld [tilespmem:s24+$0x1730];
	[tilespmem:v63+s21+$0x0] =	vst.idx.msk $0xffff, v55  }
0x110: {  	v55 =	vld [tilespmem:s24+$0x1770];
	_ =	sdelay $0x1  }
0x111: {  	v59 =	vadd.s32 v4, v51  }
0x112: {  	v57 =	vmul.f32 v57, v58;
	v58 =	vadd.s32 v4, v53  }
0x113: {  	v56 =	vmul.f32 v56, v60;
	v60 =	vadd.s32 v4, v52  }
0x114: {  	v57 =	vadd.f32 v57, v27;
	v55 =	vmul.f32 v55, v62  }
0x115: {  	v56 =	vadd.f32 v56, v29  }
0x116: {  	[tilespmem:v59+s21+$0x0] =	vst.idx.msk $0xffff, v57;
	v55 =	vadd.f32 v55, v31  }
0x117: {  	v57 =	vld [tilespmem:s24+$0x20C0];
	[tilespmem:v58+s21+$0x0] =	vst.idx.msk $0xffff, v56  }
0x118: {  	v56 =	vld [tilespmem:s24+$0x2100];
	[tilespmem:v60+s21+$0x0] =	vst.idx.msk $0xffff, v55  }
0x119: {  	v55 =	vld [tilespmem:s24+$0x2140]  }
0x11a: {  	v58 =	vbroadcast v35, $0x3  }
0x11b: {  	v59 =	vor.u32 v5, v36;
	v60 =	vbroadcast v41, $0x3  }
0x11c: {  	v61 =	vor.u32 v5, v42;
	v62 =	vbroadcast v44, $0x3;
	v57 =	vmul.f32 v57, v58  }
0x11d: {  	v63 =	vor.u32 v5, v43;
	v56 =	vmul.f32 v56, v60  }
0x11e: {  	v57 =	vadd.f32 v57, v33;
	v55 =	vmul.f32 v55, v62  }
0x11f: {  	v56 =	vadd.f32 v56, v39  }
0x120: {  	[tilespmem:v59+s21+$0x0] =	vst.idx.msk $0xffff, v57;
	v55 =	vadd.f32 v55, v40  }
0x121: {  	v57 =	vld [tilespmem:s24+$0x20D0];
	[tilespmem:v61+s21+$0x0] =	vst.idx.msk $0xffff, v56  }
0x122: {  	v56 =	vld [tilespmem:s24+$0x2110];
	[tilespmem:v63+s21+$0x0] =	vst.idx.msk $0xffff, v55  }
0x123: {  	v55 =	vld [tilespmem:s24+$0x2150];
	_ =	sdelay $0x1  }
0x124: {  	v59 =	vadd.s32 v5, v45  }
0x125: {  	v61 =	vadd.s32 v5, v47;
	v57 =	vmul.f32 v57, v58  }
0x126: {  	v63 =	vadd.s32 v5, v46;
	v56 =	vmul.f32 v56, v60  }
0x127: {  	v57 =	vadd.f32 v57, v30;
	v55 =	vmul.f32 v55, v62  }
0x128: {  	v56 =	vadd.f32 v56, v37  }
0x129: {  	v2 =	vld [tilespmem:s24+$0x20A0];
	[tilespmem:v59+s21+$0x0] =	vst.idx.msk $0xffff, v57;
	v55 =	vadd.f32 v55, v38  }
0x12a: {  	v57 =	vld [tilespmem:s24+$0x20E0];
	[tilespmem:v61+s21+$0x0] =	vst.idx.msk $0xffff, v56  }
0x12b: {  	v56 =	vld [tilespmem:s24+$0x2120];
	[tilespmem:v63+s21+$0x0] =	vst.idx.msk $0xffff, v55  }
0x12c: {  	v55 =	vld [tilespmem:s24+$0x2160]  }
0x12d: {  	v59 =	vadd.s32 v5, v22  }
0x12e: {  	v2 =	vmul.f32 v2, v54;
	v61 =	vadd.s32 v5, v48  }
0x12f: {  	v63 =	vadd.s32 v5, v50;
	v57 =	vmul.f32 v57, v58  }
0x130: {  	v2 =	vadd.f32 v2, v19;
	v1 =	vadd.s32 v5, v49;
	v56 =	vmul.f32 v56, v60  }
0x131: {  	v57 =	vadd.f32 v57, v28;
	v55 =	vmul.f32 v55, v62  }
0x132: {  	[tilespmem:v59+s21+$0x0] =	vst.idx.msk $0xffff, v2;
	v2 =	vadd.f32 v56, v32  }
0x133: {  	v56 =	vld [tilespmem:s24+$0x20B0];
	[tilespmem:v61+s21+$0x0] =	vst.idx.msk $0xffff, v57;
	v55 =	vadd.f32 v55, v34  }
0x134: {  	v57 =	vld [tilespmem:s24+$0x20F0];
	[tilespmem:v63+s21+$0x0] =	vst.idx.msk $0xffff, v2  }
0x135: {  	v2 =	vld [tilespmem:s24+$0x2130];
	[tilespmem:v1+s21+$0x0] =	vst.idx.msk $0xffff, v55  }
0x136: {  	v1 =	vld [tilespmem:s24+$0x2170]  }
0x137: {  	v55 =	vadd.s32 v5, v20  }
0x138: {  	v61 =	vadd.s32 v5, v51;
	v54 =	vmul.f32 v56, v54  }
0x139: {  	v63 =	vadd.s32 v5, v53;
	v57 =	vmul.f32 v57, v58  }
0x13a: {  	v54 =	vadd.f32 v54, v18;
	v2 =	vmul.f32 v2, v60;
	v60 =	vadd.s32 v5, v52  }
0x13b: {  	v57 =	vadd.f32 v57, v27;
	v1 =	vmul.f32 v1, v62  }
0x13c: {  	[tilespmem:v55+s21+$0x0] =	vst.idx.msk $0xffff, v54;
	v2 =	vadd.f32 v2, v29  }
0x13d: {  	v54 =	vld [tilespmem:s24+$0x2A80];
	[tilespmem:v61+s21+$0x0] =	vst.idx.msk $0xffff, v57;
	v1 =	vadd.f32 v1, v31  }
0x13e: {  	v55 =	vld [tilespmem:s24+$0x2AC0];
	[tilespmem:v63+s21+$0x0] =	vst.idx.msk $0xffff, v2  }
0x13f: {  	v2 =	vld [tilespmem:s24+$0x2B00];
	[tilespmem:v60+s21+$0x0] =	vst.idx.msk $0xffff, v1  }
0x140: {  	v1 =	vbroadcast v25, $0x4;
	v56 =	vld [tilespmem:s24+$0x2B40]  }
0x141: {  	v58 =	vbroadcast v35, $0x4;
	v57 =	vor.u32 v6, v26  }
0x142: {  	v59 =	vor.u32 v6, v36;
	v60 =	vbroadcast v41, $0x4;
	v54 =	vmul.f32 v54, v1  }
0x143: {  	v62 =	vbroadcast v44, $0x4;
	v61 =	vor.u32 v6, v42;
	v55 =	vmul.f32 v55, v58  }
0x144: {  	v63 =	vor.u32 v6, v43;
	v54 =	vadd.f32 v54, v24;
	v2 =	vmul.f32 v2, v60  }
0x145: {  	v55 =	vadd.f32 v55, v33;
	v56 =	vmul.f32 v56, v62  }
0x146: {  	[tilespmem:v57+s21+$0x0] =	vst.idx.msk $0xffff, v54;
	v2 =	vadd.f32 v2, v39  }
0x147: {  	v54 =	vld [tilespmem:s24+$0x2A90];
	[tilespmem:v59+s21+$0x0] =	vst.idx.msk $0xffff, v55;
	v55 =	vadd.f32 v56, v40  }
0x148: {  	v56 =	vld [tilespmem:s24+$0x2AD0];
	[tilespmem:v61+s21+$0x0] =	vst.idx.msk $0xffff, v2  }
0x149: {  	v2 =	vld [tilespmem:s24+$0x2B10];
	[tilespmem:v63+s21+$0x0] =	vst.idx.msk $0xffff, v55  }
0x14a: {  	v55 =	vld [tilespmem:s24+$0x2B50]  }
0x14b: {  	v57 =	vadd.s32 v6, v23  }
0x14c: {  	v59 =	vadd.s32 v6, v45;
	v54 =	vmul.f32 v54, v1  }
0x14d: {  	v61 =	vadd.s32 v6, v47;
	v56 =	vmul.f32 v56, v58  }
0x14e: {  	v63 =	vadd.s32 v6, v46;
	v54 =	vadd.f32 v54, v21;
	v2 =	vmul.f32 v2, v60  }
0x14f: {  	v56 =	vadd.f32 v56, v30;
	v55 =	vmul.f32 v55, v62  }
0x150: {  	[tilespmem:v57+s21+$0x0] =	vst.idx.msk $0xffff, v54;
	v2 =	vadd.f32 v2, v37  }
0x151: {  	v54 =	vld [tilespmem:s24+$0x2AA0];
	[tilespmem:v59+s21+$0x0] =	vst.idx.msk $0xffff, v56;
	v55 =	vadd.f32 v55, v38  }
0x152: {  	v56 =	vld [tilespmem:s24+$0x2AE0];
	[tilespmem:v61+s21+$0x0] =	vst.idx.msk $0xffff, v2  }
0x153: {  	v2 =	vld [tilespmem:s24+$0x2B20];
	[tilespmem:v63+s21+$0x0] =	vst.idx.msk $0xffff, v55  }
0x154: {  	v55 =	vld [tilespmem:s24+$0x2B60]  }
0x155: {  	v57 =	vadd.s32 v6, v22  }
0x156: {  	v59 =	vadd.s32 v6, v48;
	v54 =	vmul.f32 v54, v1  }
0x157: {  	v61 =	vadd.s32 v6, v50;
	v56 =	vmul.f32 v56, v58  }
0x158: {  	v63 =	vadd.s32 v6, v49;
	v54 =	vadd.f32 v54, v19;
	v2 =	vmul.f32 v2, v60  }
0x159: {  	v56 =	vadd.f32 v56, v28;
	v55 =	vmul.f32 v55, v62  }
0x15a: {  	[tilespmem:v57+s21+$0x0] =	vst.idx.msk $0xffff, v54;
	v2 =	vadd.f32 v2, v32  }
0x15b: {  	v54 =	vld [tilespmem:s24+$0x2AB0];
	[tilespmem:v59+s21+$0x0] =	vst.idx.msk $0xffff, v56;
	v55 =	vadd.f32 v55, v34  }
0x15c: {  	v56 =	vld [tilespmem:s24+$0x2AF0];
	[tilespmem:v61+s21+$0x0] =	vst.idx.msk $0xffff, v2  }
0x15d: {  	v2 =	vld [tilespmem:s24+$0x2B30];
	[tilespmem:v63+s21+$0x0] =	vst.idx.msk $0xffff, v55  }
0x15e: {  	v55 =	vld [tilespmem:s24+$0x2B70]  }
0x15f: {  	v57 =	vadd.s32 v6, v20  }
0x160: {  	v1 =	vmul.f32 v54, v1;
	v54 =	vadd.s32 v6, v51  }
0x161: {  	v61 =	vadd.s32 v6, v53;
	v56 =	vmul.f32 v56, v58  }
0x162: {  	v63 =	vadd.s32 v6, v52;
	v1 =	vadd.f32 v1, v18;
	v2 =	vmul.f32 v2, v60  }
0x163: {  	v56 =	vadd.f32 v56, v27;
	v55 =	vmul.f32 v55, v62  }
0x164: {  	[tilespmem:v57+s21+$0x0] =	vst.idx.msk $0xffff, v1;
	v1 =	vadd.f32 v2, v29  }
0x165: {  	v2 =	vld [tilespmem:s24+$0x3480];
	[tilespmem:v54+s21+$0x0] =	vst.idx.msk $0xffff, v56;
	v60 =	vadd.f32 v55, v31  }
0x166: {  	v55 =	vld [tilespmem:s24+$0x34C0];
	[tilespmem:v61+s21+$0x0] =	vst.idx.msk $0xffff, v1  }
0x167: {  	v1 =	vld [tilespmem:s24+$0x3500];
	[tilespmem:v63+s21+$0x0] =	vst.idx.msk $0xffff, v60  }
0x168: {  	v54 =	vbroadcast v25, $0x5;
	v56 =	vld [tilespmem:s24+$0x3540]  }
0x169: {  	v58 =	vbroadcast v35, $0x5;
	v57 =	vor.u32 v7, v26  }
0x16a: {  	v59 =	vor.u32 v7, v36;
	v60 =	vbroadcast v41, $0x5;
	v2 =	vmul.f32 v2, v54  }
0x16b: {  	v62 =	vbroadcast v44, $0x5;
	v61 =	vor.u32 v7, v42;
	v55 =	vmul.f32 v55, v58  }
0x16c: {  	v63 =	vor.u32 v7, v43;
	v2 =	vadd.f32 v2, v24;
	v1 =	vmul.f32 v1, v60  }
0x16d: {  	v55 =	vadd.f32 v55, v33;
	v56 =	vmul.f32 v56, v62  }
0x16e: {  	[tilespmem:v57+s21+$0x0] =	vst.idx.msk $0xffff, v2;
	v1 =	vadd.f32 v1, v39  }
0x16f: {  	v2 =	vld [tilespmem:s24+$0x3490];
	[tilespmem:v59+s21+$0x0] =	vst.idx.msk $0xffff, v55;
	v55 =	vadd.f32 v56, v40  }
0x170: {  	v56 =	vld [tilespmem:s24+$0x34D0];
	[tilespmem:v61+s21+$0x0] =	vst.idx.msk $0xffff, v1  }
0x171: {  	v1 =	vld [tilespmem:s24+$0x3510];
	[tilespmem:v63+s21+$0x0] =	vst.idx.msk $0xffff, v55  }
0x172: {  	v55 =	vld [tilespmem:s24+$0x3550]  }
0x173: {  	v57 =	vadd.s32 v7, v23  }
0x174: {  	v59 =	vadd.s32 v7, v45;
	v2 =	vmul.f32 v2, v54  }
0x175: {  	v61 =	vadd.s32 v7, v47;
	v56 =	vmul.f32 v56, v58  }
0x176: {  	v63 =	vadd.s32 v7, v46;
	v2 =	vadd.f32 v2, v21;
	v1 =	vmul.f32 v1, v60  }
0x177: {  	v56 =	vadd.f32 v56, v30;
	v55 =	vmul.f32 v55, v62  }
0x178: {  	[tilespmem:v57+s21+$0x0] =	vst.idx.msk $0xffff, v2;
	v1 =	vadd.f32 v1, v37  }
0x179: {  	v2 =	vld [tilespmem:s24+$0x34A0];
	[tilespmem:v59+s21+$0x0] =	vst.idx.msk $0xffff, v56;
	v55 =	vadd.f32 v55, v38  }
0x17a: {  	v56 =	vld [tilespmem:s24+$0x34E0];
	[tilespmem:v61+s21+$0x0] =	vst.idx.msk $0xffff, v1  }
0x17b: {  	v1 =	vld [tilespmem:s24+$0x3520];
	[tilespmem:v63+s21+$0x0] =	vst.idx.msk $0xffff, v55  }
0x17c: {  	v55 =	vld [tilespmem:s24+$0x3560]  }
0x17d: {  	v57 =	vadd.s32 v7, v22  }
0x17e: {  	v59 =	vadd.s32 v7, v48;
	v2 =	vmul.f32 v2, v54  }
0x17f: {  	v61 =	vadd.s32 v7, v50;
	v56 =	vmul.f32 v56, v58  }
0x180: {  	v63 =	vadd.s32 v7, v49;
	v2 =	vadd.f32 v2, v19;
	v1 =	vmul.f32 v1, v60  }
0x181: {  	v56 =	vadd.f32 v56, v28;
	v55 =	vmul.f32 v55, v62  }
0x182: {  	[tilespmem:v57+s21+$0x0] =	vst.idx.msk $0xffff, v2;
	v1 =	vadd.f32 v1, v32  }
0x183: {  	v2 =	vld [tilespmem:s24+$0x34B0];
	[tilespmem:v59+s21+$0x0] =	vst.idx.msk $0xffff, v56;
	v55 =	vadd.f32 v55, v34  }
0x184: {  	v56 =	vld [tilespmem:s24+$0x34F0];
	[tilespmem:v61+s21+$0x0] =	vst.idx.msk $0xffff, v1  }
0x185: {  	v1 =	vld [tilespmem:s24+$0x3530];
	[tilespmem:v63+s21+$0x0] =	vst.idx.msk $0xffff, v55  }
0x186: {  	v55 =	vld [tilespmem:s24+$0x3570]  }
0x187: {  	v57 =	vadd.s32 v7, v20  }
0x188: {  	v2 =	vmul.f32 v2, v54;
	v54 =	vadd.s32 v7, v51  }
0x189: {  	v61 =	vadd.s32 v7, v53;
	v56 =	vmul.f32 v56, v58  }
0x18a: {  	v63 =	vadd.s32 v7, v52;
	v2 =	vadd.f32 v2, v18;
	v1 =	vmul.f32 v1, v60  }
0x18b: {  	v56 =	vadd.f32 v56, v27;
	v55 =	vmul.f32 v55, v62  }
0x18c: {  	[tilespmem:v57+s21+$0x0] =	vst.idx.msk $0xffff, v2;
	v1 =	vadd.f32 v1, v29  }
0x18d: {  	v2 =	vld [tilespmem:s24+$0x3E80];
	[tilespmem:v54+s21+$0x0] =	vst.idx.msk $0xffff, v56;
	v60 =	vadd.f32 v55, v31  }
0x18e: {  	v55 =	vld [tilespmem:s24+$0x3EC0];
	[tilespmem:v61+s21+$0x0] =	vst.idx.msk $0xffff, v1  }
0x18f: {  	v1 =	vld [tilespmem:s24+$0x3F00];
	[tilespmem:v63+s21+$0x0] =	vst.idx.msk $0xffff, v60  }
0x190: {  	v54 =	vbroadcast v25, $0x6;
	v56 =	vld [tilespmem:s24+$0x3F40]  }
0x191: {  	v58 =	vbroadcast v35, $0x6;
	v57 =	vor.u32 v8, v26  }
0x192: {  	v59 =	vor.u32 v8, v36;
	v60 =	vbroadcast v41, $0x6;
	v2 =	vmul.f32 v2, v54  }
0x193: {  	v62 =	vbroadcast v44, $0x6;
	v61 =	vor.u32 v8, v42;
	v55 =	vmul.f32 v55, v58  }
0x194: {  	v63 =	vor.u32 v8, v43;
	v2 =	vadd.f32 v2, v24;
	v1 =	vmul.f32 v1, v60  }
0x195: {  	v55 =	vadd.f32 v55, v33;
	v56 =	vmul.f32 v56, v62  }
0x196: {  	[tilespmem:v57+s21+$0x0] =	vst.idx.msk $0xffff, v2;
	v1 =	vadd.f32 v1, v39  }
0x197: {  	v2 =	vld [tilespmem:s24+$0x3E90];
	[tilespmem:v59+s21+$0x0] =	vst.idx.msk $0xffff, v55;
	v55 =	vadd.f32 v56, v40  }
0x198: {  	v56 =	vld [tilespmem:s24+$0x3ED0];
	[tilespmem:v61+s21+$0x0] =	vst.idx.msk $0xffff, v1  }
0x199: {  	v1 =	vld [tilespmem:s24+$0x3F10];
	[tilespmem:v63+s21+$0x0] =	vst.idx.msk $0xffff, v55  }
0x19a: {  	v55 =	vld [tilespmem:s24+$0x3F50]  }
0x19b: {  	v57 =	vadd.s32 v8, v23  }
0x19c: {  	v59 =	vadd.s32 v8, v45;
	v2 =	vmul.f32 v2, v54  }
0x19d: {  	v61 =	vadd.s32 v8, v47;
	v56 =	vmul.f32 v56, v58  }
0x19e: {  	v63 =	vadd.s32 v8, v46;
	v2 =	vadd.f32 v2, v21;
	v1 =	vmul.f32 v1, v60  }
0x19f: {  	v56 =	vadd.f32 v56, v30;
	v55 =	vmul.f32 v55, v62  }
0x1a0: {  	[tilespmem:v57+s21+$0x0] =	vst.idx.msk $0xffff, v2;
	v1 =	vadd.f32 v1, v37  }
0x1a1: {  	v2 =	vld [tilespmem:s24+$0x3EA0];
	[tilespmem:v59+s21+$0x0] =	vst.idx.msk $0xffff, v56;
	v55 =	vadd.f32 v55, v38  }
0x1a2: {  	v56 =	vld [tilespmem:s24+$0x3EE0];
	[tilespmem:v61+s21+$0x0] =	vst.idx.msk $0xffff, v1  }
0x1a3: {  	v1 =	vld [tilespmem:s24+$0x3F20];
	[tilespmem:v63+s21+$0x0] =	vst.idx.msk $0xffff, v55  }
0x1a4: {  	v55 =	vld [tilespmem:s24+$0x3F60]  }
0x1a5: {  	v57 =	vadd.s32 v8, v22  }
0x1a6: {  	v59 =	vadd.s32 v8, v48;
	v2 =	vmul.f32 v2, v54  }
0x1a7: {  	v61 =	vadd.s32 v8, v50;
	v56 =	vmul.f32 v56, v58  }
0x1a8: {  	v63 =	vadd.s32 v8, v49;
	v2 =	vadd.f32 v2, v19;
	v1 =	vmul.f32 v1, v60  }
0x1a9: {  	v56 =	vadd.f32 v56, v28;
	v55 =	vmul.f32 v55, v62  }
0x1aa: {  	[tilespmem:v57+s21+$0x0] =	vst.idx.msk $0xffff, v2;
	v1 =	vadd.f32 v1, v32  }
0x1ab: {  	v2 =	vld [tilespmem:s24+$0x3EB0];
	[tilespmem:v59+s21+$0x0] =	vst.idx.msk $0xffff, v56;
	v55 =	vadd.f32 v55, v34  }
0x1ac: {  	v56 =	vld [tilespmem:s24+$0x3EF0];
	[tilespmem:v61+s21+$0x0] =	vst.idx.msk $0xffff, v1  }
0x1ad: {  	v1 =	vld [tilespmem:s24+$0x3F30];
	[tilespmem:v63+s21+$0x0] =	vst.idx.msk $0xffff, v55  }
0x1ae: {  	v55 =	vld [tilespmem:s24+$0x3F70]  }
0x1af: {  	v57 =	vadd.s32 v8, v20  }
0x1b0: {  	v2 =	vmul.f32 v2, v54;
	v54 =	vadd.s32 v8, v51  }
0x1b1: {  	v61 =	vadd.s32 v8, v53;
	v56 =	vmul.f32 v56, v58  }
0x1b2: {  	v63 =	vadd.s32 v8, v52;
	v2 =	vadd.f32 v2, v18;
	v1 =	vmul.f32 v1, v60  }
0x1b3: {  	v56 =	vadd.f32 v56, v27;
	v55 =	vmul.f32 v55, v62  }
0x1b4: {  	[tilespmem:v57+s21+$0x0] =	vst.idx.msk $0xffff, v2;
	v1 =	vadd.f32 v1, v29  }
0x1b5: {  	v2 =	vld [tilespmem:s24+$0x4880];
	[tilespmem:v54+s21+$0x0] =	vst.idx.msk $0xffff, v56;
	v60 =	vadd.f32 v55, v31  }
0x1b6: {  	v55 =	vld [tilespmem:s24+$0x48C0];
	[tilespmem:v61+s21+$0x0] =	vst.idx.msk $0xffff, v1  }
0x1b7: {  	v1 =	vld [tilespmem:s24+$0x4900];
	[tilespmem:v63+s21+$0x0] =	vst.idx.msk $0xffff, v60  }
0x1b8: {  	v54 =	vbroadcast v25, $0x7;
	v56 =	vld [tilespmem:s24+$0x4940]  }
0x1b9: {  	v58 =	vbroadcast v35, $0x7;
	v57 =	vor.u32 v9, v26  }
0x1ba: {  	v59 =	vor.u32 v9, v36;
	v60 =	vbroadcast v41, $0x7;
	v2 =	vmul.f32 v2, v54  }
0x1bb: {  	v62 =	vbroadcast v44, $0x7;
	v61 =	vor.u32 v9, v42;
	v55 =	vmul.f32 v55, v58  }
0x1bc: {  	v63 =	vor.u32 v9, v43;
	v2 =	vadd.f32 v2, v24;
	v1 =	vmul.f32 v1, v60  }
0x1bd: {  	v55 =	vadd.f32 v55, v33;
	v56 =	vmul.f32 v56, v62  }
0x1be: {  	[tilespmem:v57+s21+$0x0] =	vst.idx.msk $0xffff, v2;
	v1 =	vadd.f32 v1, v39  }
0x1bf: {  	v2 =	vld [tilespmem:s24+$0x4890];
	[tilespmem:v59+s21+$0x0] =	vst.idx.msk $0xffff, v55;
	v55 =	vadd.f32 v56, v40  }
0x1c0: {  	v56 =	vld [tilespmem:s24+$0x48D0];
	[tilespmem:v61+s21+$0x0] =	vst.idx.msk $0xffff, v1  }
0x1c1: {  	v1 =	vld [tilespmem:s24+$0x4910];
	[tilespmem:v63+s21+$0x0] =	vst.idx.msk $0xffff, v55  }
0x1c2: {  	v55 =	vld [tilespmem:s24+$0x4950]  }
0x1c3: {  	v57 =	vadd.s32 v9, v23  }
0x1c4: {  	v59 =	vadd.s32 v9, v45;
	v2 =	vmul.f32 v2, v54  }
0x1c5: {  	v61 =	vadd.s32 v9, v47;
	v56 =	vmul.f32 v56, v58  }
0x1c6: {  	v63 =	vadd.s32 v9, v46;
	v2 =	vadd.f32 v2, v21;
	v1 =	vmul.f32 v1, v60  }
0x1c7: {  	v56 =	vadd.f32 v56, v30;
	v55 =	vmul.f32 v55, v62  }
0x1c8: {  	[tilespmem:v57+s21+$0x0] =	vst.idx.msk $0xffff, v2;
	v1 =	vadd.f32 v1, v37  }
0x1c9: {  	v2 =	vld [tilespmem:s24+$0x48A0];
	[tilespmem:v59+s21+$0x0] =	vst.idx.msk $0xffff, v56;
	v55 =	vadd.f32 v55, v38  }
0x1ca: {  	v56 =	vld [tilespmem:s24+$0x48E0];
	[tilespmem:v61+s21+$0x0] =	vst.idx.msk $0xffff, v1  }
0x1cb: {  	v1 =	vld [tilespmem:s24+$0x4920];
	[tilespmem:v63+s21+$0x0] =	vst.idx.msk $0xffff, v55  }
0x1cc: {  	v55 =	vld [tilespmem:s24+$0x4960]  }
0x1cd: {  	v57 =	vadd.s32 v9, v22  }
0x1ce: {  	v59 =	vadd.s32 v9, v48;
	v2 =	vmul.f32 v2, v54  }
0x1cf: {  	v61 =	vadd.s32 v9, v50;
	v56 =	vmul.f32 v56, v58  }
0x1d0: {  	v63 =	vadd.s32 v9, v49;
	v2 =	vadd.f32 v2, v19;
	v1 =	vmul.f32 v1, v60  }
0x1d1: {  	v56 =	vadd.f32 v56, v28;
	v55 =	vmul.f32 v55, v62  }
0x1d2: {  	[tilespmem:v57+s21+$0x0] =	vst.idx.msk $0xffff, v2;
	v1 =	vadd.f32 v1, v32  }
0x1d3: {  	v2 =	vld [tilespmem:s24+$0x48B0];
	[tilespmem:v59+s21+$0x0] =	vst.idx.msk $0xffff, v56;
	v55 =	vadd.f32 v55, v34  }
0x1d4: {  	v56 =	vld [tilespmem:s24+$0x48F0];
	[tilespmem:v61+s21+$0x0] =	vst.idx.msk $0xffff, v1  }
0x1d5: {  	v1 =	vld [tilespmem:s24+$0x4930];
	[tilespmem:v63+s21+$0x0] =	vst.idx.msk $0xffff, v55  }
0x1d6: {  	v55 =	vld [tilespmem:s24+$0x4970]  }
0x1d7: {  	v57 =	vadd.s32 v9, v20  }
0x1d8: {  	v2 =	vmul.f32 v2, v54;
	v54 =	vadd.s32 v9, v51  }
0x1d9: {  	v61 =	vadd.s32 v9, v53;
	v56 =	vmul.f32 v56, v58  }
0x1da: {  	v63 =	vadd.s32 v9, v52;
	v2 =	vadd.f32 v2, v18;
	v1 =	vmul.f32 v1, v60  }
0x1db: {  	v56 =	vadd.f32 v56, v27;
	v55 =	vmul.f32 v55, v62  }
0x1dc: {  	[tilespmem:v57+s21+$0x0] =	vst.idx.msk $0xffff, v2;
	v1 =	vadd.f32 v1, v29  }
0x1dd: {  	v2 =	vld [tilespmem:s24+$0x5280];
	[tilespmem:v54+s21+$0x0] =	vst.idx.msk $0xffff, v56;
	v60 =	vadd.f32 v55, v31  }
0x1de: {  	v55 =	vld [tilespmem:s24+$0x52C0];
	[tilespmem:v61+s21+$0x0] =	vst.idx.msk $0xffff, v1  }
0x1df: {  	v1 =	vld [tilespmem:s24+$0x5300];
	[tilespmem:v63+s21+$0x0] =	vst.idx.msk $0xffff, v60  }
0x1e0: {  	v54 =	vbroadcast v25, $0x8;
	v56 =	vld [tilespmem:s24+$0x5340]  }
0x1e1: {  	v58 =	vbroadcast v35, $0x8;
	v57 =	vor.u32 v10, v26  }
0x1e2: {  	v59 =	vor.u32 v10, v36;
	v60 =	vbroadcast v41, $0x8;
	v2 =	vmul.f32 v2, v54  }
0x1e3: {  	v62 =	vbroadcast v44, $0x8;
	v61 =	vor.u32 v10, v42;
	v55 =	vmul.f32 v55, v58  }
0x1e4: {  	v63 =	vor.u32 v10, v43;
	v2 =	vadd.f32 v2, v24;
	v1 =	vmul.f32 v1, v60  }
0x1e5: {  	v55 =	vadd.f32 v55, v33;
	v56 =	vmul.f32 v56, v62  }
0x1e6: {  	[tilespmem:v57+s21+$0x0] =	vst.idx.msk $0xffff, v2;
	v1 =	vadd.f32 v1, v39  }
0x1e7: {  	v2 =	vld [tilespmem:s24+$0x5290];
	[tilespmem:v59+s21+$0x0] =	vst.idx.msk $0xffff, v55;
	v55 =	vadd.f32 v56, v40  }
0x1e8: {  	v56 =	vld [tilespmem:s24+$0x52D0];
	[tilespmem:v61+s21+$0x0] =	vst.idx.msk $0xffff, v1  }
0x1e9: {  	v1 =	vld [tilespmem:s24+$0x5310];
	[tilespmem:v63+s21+$0x0] =	vst.idx.msk $0xffff, v55  }
0x1ea: {  	v55 =	vld [tilespmem:s24+$0x5350]  }
0x1eb: {  	v57 =	vadd.s32 v10, v23  }
0x1ec: {  	v59 =	vadd.s32 v10, v45;
	v2 =	vmul.f32 v2, v54  }
0x1ed: {  	v61 =	vadd.s32 v10, v47;
	v56 =	vmul.f32 v56, v58  }
0x1ee: {  	v63 =	vadd.s32 v10, v46;
	v2 =	vadd.f32 v2, v21;
	v1 =	vmul.f32 v1, v60  }
0x1ef: {  	v56 =	vadd.f32 v56, v30;
	v55 =	vmul.f32 v55, v62  }
0x1f0: {  	[tilespmem:v57+s21+$0x0] =	vst.idx.msk $0xffff, v2;
	v1 =	vadd.f32 v1, v37  }
0x1f1: {  	v2 =	vld [tilespmem:s24+$0x52A0];
	[tilespmem:v59+s21+$0x0] =	vst.idx.msk $0xffff, v56;
	v55 =	vadd.f32 v55, v38  }
0x1f2: {  	v56 =	vld [tilespmem:s24+$0x52E0];
	[tilespmem:v61+s21+$0x0] =	vst.idx.msk $0xffff, v1  }
0x1f3: {  	v1 =	vld [tilespmem:s24+$0x5320];
	[tilespmem:v63+s21+$0x0] =	vst.idx.msk $0xffff, v55  }
0x1f4: {  	v55 =	vld [tilespmem:s24+$0x5360]  }
0x1f5: {  	v57 =	vadd.s32 v10, v22  }
0x1f6: {  	v59 =	vadd.s32 v10, v48;
	v2 =	vmul.f32 v2, v54  }
0x1f7: {  	v61 =	vadd.s32 v10, v50;
	v56 =	vmul.f32 v56, v58  }
0x1f8: {  	v63 =	vadd.s32 v10, v49;
	v2 =	vadd.f32 v2, v19;
	v1 =	vmul.f32 v1, v60  }
0x1f9: {  	v56 =	vadd.f32 v56, v28;
	v55 =	vmul.f32 v55, v62  }
0x1fa: {  	[tilespmem:v57+s21+$0x0] =	vst.idx.msk $0xffff, v2;
	v1 =	vadd.f32 v1, v32  }
0x1fb: {  	v2 =	vld [tilespmem:s24+$0x52B0];
	[tilespmem:v59+s21+$0x0] =	vst.idx.msk $0xffff, v56;
	v55 =	vadd.f32 v55, v34  }
0x1fc: {  	v56 =	vld [tilespmem:s24+$0x52F0];
	[tilespmem:v61+s21+$0x0] =	vst.idx.msk $0xffff, v1  }
0x1fd: {  	v1 =	vld [tilespmem:s24+$0x5330];
	[tilespmem:v63+s21+$0x0] =	vst.idx.msk $0xffff, v55  }
0x1fe: {  	v55 =	vld [tilespmem:s24+$0x5370]  }
0x1ff: {  	v57 =	vadd.s32 v10, v20  }
0x200: {  	v2 =	vmul.f32 v2, v54;
	v54 =	vadd.s32 v10, v51  }
0x201: {  	v61 =	vadd.s32 v10, v53;
	v56 =	vmul.f32 v56, v58  }
0x202: {  	v63 =	vadd.s32 v10, v52;
	v2 =	vadd.f32 v2, v18;
	v1 =	vmul.f32 v1, v60  }
0x203: {  	v56 =	vadd.f32 v56, v27;
	v55 =	vmul.f32 v55, v62  }
0x204: {  	[tilespmem:v57+s21+$0x0] =	vst.idx.msk $0xffff, v2;
	v1 =	vadd.f32 v1, v29  }
0x205: {  	v2 =	vld [tilespmem:s24+$0x5C80];
	[tilespmem:v54+s21+$0x0] =	vst.idx.msk $0xffff, v56;
	v60 =	vadd.f32 v55, v31  }
0x206: {  	v55 =	vld [tilespmem:s24+$0x5CC0];
	[tilespmem:v61+s21+$0x0] =	vst.idx.msk $0xffff, v1  }
0x207: {  	v1 =	vld [tilespmem:s24+$0x5D00];
	[tilespmem:v63+s21+$0x0] =	vst.idx.msk $0xffff, v60  }
0x208: {  	v54 =	vbroadcast v25, $0x9;
	v56 =	vld [tilespmem:s24+$0x5D40]  }
0x209: {  	v58 =	vbroadcast v35, $0x9;
	v57 =	vor.u32 v11, v26  }
0x20a: {  	v59 =	vor.u32 v11, v36;
	v60 =	vbroadcast v41, $0x9;
	v2 =	vmul.f32 v2, v54  }
0x20b: {  	v62 =	vbroadcast v44, $0x9;
	v61 =	vor.u32 v11, v42;
	v55 =	vmul.f32 v55, v58  }
0x20c: {  	v63 =	vor.u32 v11, v43;
	v2 =	vadd.f32 v2, v24;
	v1 =	vmul.f32 v1, v60  }
0x20d: {  	v55 =	vadd.f32 v55, v33;
	v56 =	vmul.f32 v56, v62  }
0x20e: {  	[tilespmem:v57+s21+$0x0] =	vst.idx.msk $0xffff, v2;
	v1 =	vadd.f32 v1, v39  }
0x20f: {  	v2 =	vld [tilespmem:s24+$0x5C90];
	[tilespmem:v59+s21+$0x0] =	vst.idx.msk $0xffff, v55;
	v55 =	vadd.f32 v56, v40  }
0x210: {  	v56 =	vld [tilespmem:s24+$0x5CD0];
	[tilespmem:v61+s21+$0x0] =	vst.idx.msk $0xffff, v1  }
0x211: {  	v1 =	vld [tilespmem:s24+$0x5D10];
	[tilespmem:v63+s21+$0x0] =	vst.idx.msk $0xffff, v55  }
0x212: {  	v55 =	vld [tilespmem:s24+$0x5D50]  }
0x213: {  	v57 =	vadd.s32 v11, v23  }
0x214: {  	v59 =	vadd.s32 v11, v45;
	v2 =	vmul.f32 v2, v54  }
0x215: {  	v61 =	vadd.s32 v11, v47;
	v56 =	vmul.f32 v56, v58  }
0x216: {  	v63 =	vadd.s32 v11, v46;
	v2 =	vadd.f32 v2, v21;
	v1 =	vmul.f32 v1, v60  }
0x217: {  	v56 =	vadd.f32 v56, v30;
	v55 =	vmul.f32 v55, v62  }
0x218: {  	[tilespmem:v57+s21+$0x0] =	vst.idx.msk $0xffff, v2;
	v1 =	vadd.f32 v1, v37  }
0x219: {  	v2 =	vld [tilespmem:s24+$0x5CA0];
	[tilespmem:v59+s21+$0x0] =	vst.idx.msk $0xffff, v56;
	v55 =	vadd.f32 v55, v38  }
0x21a: {  	v56 =	vld [tilespmem:s24+$0x5CE0];
	[tilespmem:v61+s21+$0x0] =	vst.idx.msk $0xffff, v1  }
0x21b: {  	v1 =	vld [tilespmem:s24+$0x5D20];
	[tilespmem:v63+s21+$0x0] =	vst.idx.msk $0xffff, v55  }
0x21c: {  	v55 =	vld [tilespmem:s24+$0x5D60]  }
0x21d: {  	v57 =	vadd.s32 v11, v22  }
0x21e: {  	v59 =	vadd.s32 v11, v48;
	v2 =	vmul.f32 v2, v54  }
0x21f: {  	v61 =	vadd.s32 v11, v50;
	v56 =	vmul.f32 v56, v58  }
0x220: {  	v63 =	vadd.s32 v11, v49;
	v2 =	vadd.f32 v2, v19;
	v1 =	vmul.f32 v1, v60  }
0x221: {  	v56 =	vadd.f32 v56, v28;
	v55 =	vmul.f32 v55, v62  }
0x222: {  	[tilespmem:v57+s21+$0x0] =	vst.idx.msk $0xffff, v2;
	v1 =	vadd.f32 v1, v32  }
0x223: {  	v2 =	vld [tilespmem:s24+$0x5CB0];
	[tilespmem:v59+s21+$0x0] =	vst.idx.msk $0xffff, v56;
	v55 =	vadd.f32 v55, v34  }
0x224: {  	v56 =	vld [tilespmem:s24+$0x5CF0];
	[tilespmem:v61+s21+$0x0] =	vst.idx.msk $0xffff, v1  }
0x225: {  	v1 =	vld [tilespmem:s24+$0x5D30];
	[tilespmem:v63+s21+$0x0] =	vst.idx.msk $0xffff, v55  }
0x226: {  	v55 =	vld [tilespmem:s24+$0x5D70]  }
0x227: {  	v57 =	vadd.s32 v11, v20  }
0x228: {  	v2 =	vmul.f32 v2, v54;
	v54 =	vadd.s32 v11, v51  }
0x229: {  	v61 =	vadd.s32 v11, v53;
	v56 =	vmul.f32 v56, v58  }
0x22a: {  	v63 =	vadd.s32 v11, v52;
	v2 =	vadd.f32 v2, v18;
	v1 =	vmul.f32 v1, v60  }
0x22b: {  	v56 =	vadd.f32 v56, v27;
	v55 =	vmul.f32 v55, v62  }
0x22c: {  	[tilespmem:v57+s21+$0x0] =	vst.idx.msk $0xffff, v2;
	v1 =	vadd.f32 v1, v29  }
0x22d: {  	v2 =	vld [tilespmem:s24+$0x6680];
	[tilespmem:v54+s21+$0x0] =	vst.idx.msk $0xffff, v56;
	v60 =	vadd.f32 v55, v31  }
0x22e: {  	v55 =	vld [tilespmem:s24+$0x66C0];
	[tilespmem:v61+s21+$0x0] =	vst.idx.msk $0xffff, v1  }
0x22f: {  	v1 =	vld [tilespmem:s24+$0x6700];
	[tilespmem:v63+s21+$0x0] =	vst.idx.msk $0xffff, v60  }
0x230: {  	v54 =	vbroadcast v25, $0xA;
	v56 =	vld [tilespmem:s24+$0x6740]  }
0x231: {  	v58 =	vbroadcast v35, $0xA;
	v57 =	vor.u32 v12, v26  }
0x232: {  	v59 =	vor.u32 v12, v36;
	v60 =	vbroadcast v41, $0xA;
	v2 =	vmul.f32 v2, v54  }
0x233: {  	v62 =	vbroadcast v44, $0xA;
	v61 =	vor.u32 v12, v42;
	v55 =	vmul.f32 v55, v58  }
0x234: {  	v63 =	vor.u32 v12, v43;
	v2 =	vadd.f32 v2, v24;
	v1 =	vmul.f32 v1, v60  }
0x235: {  	v55 =	vadd.f32 v55, v33;
	v56 =	vmul.f32 v56, v62  }
0x236: {  	[tilespmem:v57+s21+$0x0] =	vst.idx.msk $0xffff, v2;
	v1 =	vadd.f32 v1, v39  }
0x237: {  	v2 =	vld [tilespmem:s24+$0x6690];
	[tilespmem:v59+s21+$0x0] =	vst.idx.msk $0xffff, v55;
	v55 =	vadd.f32 v56, v40  }
0x238: {  	v56 =	vld [tilespmem:s24+$0x66D0];
	[tilespmem:v61+s21+$0x0] =	vst.idx.msk $0xffff, v1  }
0x239: {  	v1 =	vld [tilespmem:s24+$0x6710];
	[tilespmem:v63+s21+$0x0] =	vst.idx.msk $0xffff, v55  }
0x23a: {  	v55 =	vld [tilespmem:s24+$0x6750]  }
0x23b: {  	v57 =	vadd.s32 v12, v23  }
0x23c: {  	v59 =	vadd.s32 v12, v45;
	v2 =	vmul.f32 v2, v54  }
0x23d: {  	v61 =	vadd.s32 v12, v47;
	v56 =	vmul.f32 v56, v58  }
0x23e: {  	v63 =	vadd.s32 v12, v46;
	v2 =	vadd.f32 v2, v21;
	v1 =	vmul.f32 v1, v60  }
0x23f: {  	v56 =	vadd.f32 v56, v30;
	v55 =	vmul.f32 v55, v62  }
0x240: {  	[tilespmem:v57+s21+$0x0] =	vst.idx.msk $0xffff, v2;
	v1 =	vadd.f32 v1, v37  }
0x241: {  	v2 =	vld [tilespmem:s24+$0x66A0];
	[tilespmem:v59+s21+$0x0] =	vst.idx.msk $0xffff, v56;
	v55 =	vadd.f32 v55, v38  }
0x242: {  	v56 =	vld [tilespmem:s24+$0x66E0];
	[tilespmem:v61+s21+$0x0] =	vst.idx.msk $0xffff, v1  }
0x243: {  	v1 =	vld [tilespmem:s24+$0x6720];
	[tilespmem:v63+s21+$0x0] =	vst.idx.msk $0xffff, v55  }
0x244: {  	v55 =	vld [tilespmem:s24+$0x6760]  }
0x245: {  	v57 =	vadd.s32 v12, v22  }
0x246: {  	v59 =	vadd.s32 v12, v48;
	v2 =	vmul.f32 v2, v54  }
0x247: {  	v61 =	vadd.s32 v12, v50;
	v56 =	vmul.f32 v56, v58  }
0x248: {  	v63 =	vadd.s32 v12, v49;
	v2 =	vadd.f32 v2, v19;
	v1 =	vmul.f32 v1, v60  }
0x249: {  	v56 =	vadd.f32 v56, v28;
	v55 =	vmul.f32 v55, v62  }
0x24a: {  	[tilespmem:v57+s21+$0x0] =	vst.idx.msk $0xffff, v2;
	v1 =	vadd.f32 v1, v32  }
0x24b: {  	v2 =	vld [tilespmem:s24+$0x66B0];
	[tilespmem:v59+s21+$0x0] =	vst.idx.msk $0xffff, v56;
	v55 =	vadd.f32 v55, v34  }
0x24c: {  	v56 =	vld [tilespmem:s24+$0x66F0];
	[tilespmem:v61+s21+$0x0] =	vst.idx.msk $0xffff, v1  }
0x24d: {  	v1 =	vld [tilespmem:s24+$0x6730];
	[tilespmem:v63+s21+$0x0] =	vst.idx.msk $0xffff, v55  }
0x24e: {  	v55 =	vld [tilespmem:s24+$0x6770]  }
0x24f: {  	v57 =	vadd.s32 v12, v20  }
0x250: {  	v2 =	vmul.f32 v2, v54;
	v54 =	vadd.s32 v12, v51  }
0x251: {  	v61 =	vadd.s32 v12, v53;
	v56 =	vmul.f32 v56, v58  }
0x252: {  	v63 =	vadd.s32 v12, v52;
	v2 =	vadd.f32 v2, v18;
	v1 =	vmul.f32 v1, v60  }
0x253: {  	v56 =	vadd.f32 v56, v27;
	v55 =	vmul.f32 v55, v62  }
0x254: {  	[tilespmem:v57+s21+$0x0] =	vst.idx.msk $0xffff, v2;
	v1 =	vadd.f32 v1, v29  }
0x255: {  	v2 =	vld [tilespmem:s24+$0x7080];
	[tilespmem:v54+s21+$0x0] =	vst.idx.msk $0xffff, v56;
	v60 =	vadd.f32 v55, v31  }
0x256: {  	v55 =	vld [tilespmem:s24+$0x70C0];
	[tilespmem:v61+s21+$0x0] =	vst.idx.msk $0xffff, v1  }
0x257: {  	v1 =	vld [tilespmem:s24+$0x7100];
	[tilespmem:v63+s21+$0x0] =	vst.idx.msk $0xffff, v60  }
0x258: {  	v54 =	vbroadcast v25, $0xB;
	v56 =	vld [tilespmem:s24+$0x7140]  }
0x259: {  	v58 =	vbroadcast v35, $0xB;
	v57 =	vor.u32 v13, v26  }
0x25a: {  	v59 =	vor.u32 v13, v36;
	v60 =	vbroadcast v41, $0xB;
	v2 =	vmul.f32 v2, v54  }
0x25b: {  	v62 =	vbroadcast v44, $0xB;
	v61 =	vor.u32 v13, v42;
	v55 =	vmul.f32 v55, v58  }
0x25c: {  	v63 =	vor.u32 v13, v43;
	v2 =	vadd.f32 v2, v24;
	v1 =	vmul.f32 v1, v60  }
0x25d: {  	v55 =	vadd.f32 v55, v33;
	v56 =	vmul.f32 v56, v62  }
0x25e: {  	[tilespmem:v57+s21+$0x0] =	vst.idx.msk $0xffff, v2;
	v1 =	vadd.f32 v1, v39  }
0x25f: {  	v2 =	vld [tilespmem:s24+$0x7090];
	[tilespmem:v59+s21+$0x0] =	vst.idx.msk $0xffff, v55;
	v55 =	vadd.f32 v56, v40  }
0x260: {  	v56 =	vld [tilespmem:s24+$0x70D0];
	[tilespmem:v61+s21+$0x0] =	vst.idx.msk $0xffff, v1  }
0x261: {  	v1 =	vld [tilespmem:s24+$0x7110];
	[tilespmem:v63+s21+$0x0] =	vst.idx.msk $0xffff, v55  }
0x262: {  	v55 =	vld [tilespmem:s24+$0x7150]  }
0x263: {  	v57 =	vadd.s32 v13, v23  }
0x264: {  	v59 =	vadd.s32 v13, v45;
	v2 =	vmul.f32 v2, v54  }
0x265: {  	v61 =	vadd.s32 v13, v47;
	v56 =	vmul.f32 v56, v58  }
0x266: {  	v63 =	vadd.s32 v13, v46;
	v2 =	vadd.f32 v2, v21;
	v1 =	vmul.f32 v1, v60  }
0x267: {  	v56 =	vadd.f32 v56, v30;
	v55 =	vmul.f32 v55, v62  }
0x268: {  	[tilespmem:v57+s21+$0x0] =	vst.idx.msk $0xffff, v2;
	v1 =	vadd.f32 v1, v37  }
0x269: {  	v2 =	vld [tilespmem:s24+$0x70A0];
	[tilespmem:v59+s21+$0x0] =	vst.idx.msk $0xffff, v56;
	v55 =	vadd.f32 v55, v38  }
0x26a: {  	v56 =	vld [tilespmem:s24+$0x70E0];
	[tilespmem:v61+s21+$0x0] =	vst.idx.msk $0xffff, v1  }
0x26b: {  	v1 =	vld [tilespmem:s24+$0x7120];
	[tilespmem:v63+s21+$0x0] =	vst.idx.msk $0xffff, v55  }
0x26c: {  	v55 =	vld [tilespmem:s24+$0x7160]  }
0x26d: {  	v57 =	vadd.s32 v13, v22  }
0x26e: {  	v59 =	vadd.s32 v13, v48;
	v2 =	vmul.f32 v2, v54  }
0x26f: {  	v61 =	vadd.s32 v13, v50;
	v56 =	vmul.f32 v56, v58  }
0x270: {  	v63 =	vadd.s32 v13, v49;
	v2 =	vadd.f32 v2, v19;
	v1 =	vmul.f32 v1, v60  }
0x271: {  	v56 =	vadd.f32 v56, v28;
	v55 =	vmul.f32 v55, v62  }
0x272: {  	[tilespmem:v57+s21+$0x0] =	vst.idx.msk $0xffff, v2;
	v1 =	vadd.f32 v1, v32  }
0x273: {  	v2 =	vld [tilespmem:s24+$0x70B0];
	[tilespmem:v59+s21+$0x0] =	vst.idx.msk $0xffff, v56;
	v55 =	vadd.f32 v55, v34  }
0x274: {  	v56 =	vld [tilespmem:s24+$0x70F0];
	[tilespmem:v61+s21+$0x0] =	vst.idx.msk $0xffff, v1  }
0x275: {  	v1 =	vld [tilespmem:s24+$0x7130];
	[tilespmem:v63+s21+$0x0] =	vst.idx.msk $0xffff, v55  }
0x276: {  	v55 =	vld [tilespmem:s24+$0x7170]  }
0x277: {  	v57 =	vadd.s32 v13, v20  }
0x278: {  	v2 =	vmul.f32 v2, v54;
	v54 =	vadd.s32 v13, v51  }
0x279: {  	v61 =	vadd.s32 v13, v53;
	v56 =	vmul.f32 v56, v58  }
0x27a: {  	v63 =	vadd.s32 v13, v52;
	v2 =	vadd.f32 v2, v18;
	v1 =	vmul.f32 v1, v60  }
0x27b: {  	v56 =	vadd.f32 v56, v27;
	v55 =	vmul.f32 v55, v62  }
0x27c: {  	[tilespmem:v57+s21+$0x0] =	vst.idx.msk $0xffff, v2;
	v1 =	vadd.f32 v1, v29  }
0x27d: {  	v2 =	vld [tilespmem:s24+$0x7A80];
	[tilespmem:v54+s21+$0x0] =	vst.idx.msk $0xffff, v56;
	v60 =	vadd.f32 v55, v31  }
0x27e: {  	v55 =	vld [tilespmem:s24+$0x7AC0];
	[tilespmem:v61+s21+$0x0] =	vst.idx.msk $0xffff, v1  }
0x27f: {  	v1 =	vld [tilespmem:s24+$0x7B00];
	[tilespmem:v63+s21+$0x0] =	vst.idx.msk $0xffff, v60  }
0x280: {  	v54 =	vbroadcast v25, $0xC;
	v56 =	vld [tilespmem:s24+$0x7B40]  }
0x281: {  	v58 =	vbroadcast v35, $0xC;
	v57 =	vor.u32 v14, v26  }
0x282: {  	v59 =	vor.u32 v14, v36;
	v60 =	vbroadcast v41, $0xC;
	v2 =	vmul.f32 v2, v54  }
0x283: {  	v62 =	vbroadcast v44, $0xC;
	v61 =	vor.u32 v14, v42;
	v55 =	vmul.f32 v55, v58  }
0x284: {  	v63 =	vor.u32 v14, v43;
	v2 =	vadd.f32 v2, v24;
	v1 =	vmul.f32 v1, v60  }
0x285: {  	v55 =	vadd.f32 v55, v33;
	v56 =	vmul.f32 v56, v62  }
0x286: {  	[tilespmem:v57+s21+$0x0] =	vst.idx.msk $0xffff, v2;
	v1 =	vadd.f32 v1, v39  }
0x287: {  	v2 =	vld [tilespmem:s24+$0x7A90];
	[tilespmem:v59+s21+$0x0] =	vst.idx.msk $0xffff, v55;
	v55 =	vadd.f32 v56, v40  }
0x288: {  	v56 =	vld [tilespmem:s24+$0x7AD0];
	[tilespmem:v61+s21+$0x0] =	vst.idx.msk $0xffff, v1  }
0x289: {  	v1 =	vld [tilespmem:s24+$0x7B10];
	[tilespmem:v63+s21+$0x0] =	vst.idx.msk $0xffff, v55  }
0x28a: {  	v55 =	vld [tilespmem:s24+$0x7B50]  }
0x28b: {  	v57 =	vadd.s32 v14, v23  }
0x28c: {  	v59 =	vadd.s32 v14, v45;
	v2 =	vmul.f32 v2, v54  }
0x28d: {  	v61 =	vadd.s32 v14, v47;
	v56 =	vmul.f32 v56, v58  }
0x28e: {  	v63 =	vadd.s32 v14, v46;
	v2 =	vadd.f32 v2, v21;
	v1 =	vmul.f32 v1, v60  }
0x28f: {  	v56 =	vadd.f32 v56, v30;
	v55 =	vmul.f32 v55, v62  }
0x290: {  	[tilespmem:v57+s21+$0x0] =	vst.idx.msk $0xffff, v2;
	v1 =	vadd.f32 v1, v37  }
0x291: {  	v2 =	vld [tilespmem:s24+$0x7AA0];
	[tilespmem:v59+s21+$0x0] =	vst.idx.msk $0xffff, v56;
	v55 =	vadd.f32 v55, v38  }
0x292: {  	v56 =	vld [tilespmem:s24+$0x7AE0];
	[tilespmem:v61+s21+$0x0] =	vst.idx.msk $0xffff, v1  }
0x293: {  	v1 =	vld [tilespmem:s24+$0x7B20];
	[tilespmem:v63+s21+$0x0] =	vst.idx.msk $0xffff, v55  }
0x294: {  	v55 =	vld [tilespmem:s24+$0x7B60]  }
0x295: {  	v57 =	vadd.s32 v14, v22  }
0x296: {  	v59 =	vadd.s32 v14, v48;
	v2 =	vmul.f32 v2, v54  }
0x297: {  	v61 =	vadd.s32 v14, v50;
	v56 =	vmul.f32 v56, v58  }
0x298: {  	v63 =	vadd.s32 v14, v49;
	v2 =	vadd.f32 v2, v19;
	v1 =	vmul.f32 v1, v60  }
0x299: {  	v56 =	vadd.f32 v56, v28;
	v55 =	vmul.f32 v55, v62  }
0x29a: {  	[tilespmem:v57+s21+$0x0] =	vst.idx.msk $0xffff, v2;
	v1 =	vadd.f32 v1, v32  }
0x29b: {  	v2 =	vld [tilespmem:s24+$0x7AB0];
	[tilespmem:v59+s21+$0x0] =	vst.idx.msk $0xffff, v56;
	v55 =	vadd.f32 v55, v34  }
0x29c: {  	v56 =	vld [tilespmem:s24+$0x7AF0];
	[tilespmem:v61+s21+$0x0] =	vst.idx.msk $0xffff, v1  }
0x29d: {  	v1 =	vld [tilespmem:s24+$0x7B30];
	[tilespmem:v63+s21+$0x0] =	vst.idx.msk $0xffff, v55  }
0x29e: {  	v55 =	vld [tilespmem:s24+$0x7B70]  }
0x29f: {  	v57 =	vadd.s32 v14, v20  }
0x2a0: {  	v2 =	vmul.f32 v2, v54;
	v54 =	vadd.s32 v14, v51  }
0x2a1: {  	v61 =	vadd.s32 v14, v53;
	v56 =	vmul.f32 v56, v58  }
0x2a2: {  	v63 =	vadd.s32 v14, v52;
	v2 =	vadd.f32 v2, v18;
	v1 =	vmul.f32 v1, v60  }
0x2a3: {  	v56 =	vadd.f32 v56, v27;
	v55 =	vmul.f32 v55, v62  }
0x2a4: {  	[tilespmem:v57+s21+$0x0] =	vst.idx.msk $0xffff, v2;
	v1 =	vadd.f32 v1, v29  }
0x2a5: {  	v2 =	vld [tilespmem:s24+$0x8480];
	[tilespmem:v54+s21+$0x0] =	vst.idx.msk $0xffff, v56;
	v60 =	vadd.f32 v55, v31  }
0x2a6: {  	v55 =	vld [tilespmem:s24+$0x84C0];
	[tilespmem:v61+s21+$0x0] =	vst.idx.msk $0xffff, v1  }
0x2a7: {  	v1 =	vld [tilespmem:s24+$0x8500];
	[tilespmem:v63+s21+$0x0] =	vst.idx.msk $0xffff, v60  }
0x2a8: {  	v54 =	vbroadcast v25, $0xD;
	v56 =	vld [tilespmem:s24+$0x8540]  }
0x2a9: {  	v58 =	vbroadcast v35, $0xD;
	v57 =	vor.u32 v15, v26  }
0x2aa: {  	v59 =	vor.u32 v15, v36;
	v60 =	vbroadcast v41, $0xD;
	v2 =	vmul.f32 v2, v54  }
0x2ab: {  	v62 =	vbroadcast v44, $0xD;
	v61 =	vor.u32 v15, v42;
	v55 =	vmul.f32 v55, v58  }
0x2ac: {  	v63 =	vor.u32 v15, v43;
	v2 =	vadd.f32 v2, v24;
	v1 =	vmul.f32 v1, v60  }
0x2ad: {  	v55 =	vadd.f32 v55, v33;
	v56 =	vmul.f32 v56, v62  }
0x2ae: {  	[tilespmem:v57+s21+$0x0] =	vst.idx.msk $0xffff, v2;
	v1 =	vadd.f32 v1, v39  }
0x2af: {  	v2 =	vld [tilespmem:s24+$0x8490];
	[tilespmem:v59+s21+$0x0] =	vst.idx.msk $0xffff, v55;
	v55 =	vadd.f32 v56, v40  }
0x2b0: {  	v56 =	vld [tilespmem:s24+$0x84D0];
	[tilespmem:v61+s21+$0x0] =	vst.idx.msk $0xffff, v1  }
0x2b1: {  	v1 =	vld [tilespmem:s24+$0x8510];
	[tilespmem:v63+s21+$0x0] =	vst.idx.msk $0xffff, v55  }
0x2b2: {  	v55 =	vld [tilespmem:s24+$0x8550]  }
0x2b3: {  	v57 =	vadd.s32 v15, v23  }
0x2b4: {  	v59 =	vadd.s32 v15, v45;
	v2 =	vmul.f32 v2, v54  }
0x2b5: {  	v61 =	vadd.s32 v15, v47;
	v56 =	vmul.f32 v56, v58  }
0x2b6: {  	v63 =	vadd.s32 v15, v46;
	v2 =	vadd.f32 v2, v21;
	v1 =	vmul.f32 v1, v60  }
0x2b7: {  	v56 =	vadd.f32 v56, v30;
	v55 =	vmul.f32 v55, v62  }
0x2b8: {  	[tilespmem:v57+s21+$0x0] =	vst.idx.msk $0xffff, v2;
	v1 =	vadd.f32 v1, v37  }
0x2b9: {  	v2 =	vld [tilespmem:s24+$0x84A0];
	[tilespmem:v59+s21+$0x0] =	vst.idx.msk $0xffff, v56;
	v55 =	vadd.f32 v55, v38  }
0x2ba: {  	v56 =	vld [tilespmem:s24+$0x84E0];
	[tilespmem:v61+s21+$0x0] =	vst.idx.msk $0xffff, v1  }
0x2bb: {  	v1 =	vld [tilespmem:s24+$0x8520];
	[tilespmem:v63+s21+$0x0] =	vst.idx.msk $0xffff, v55  }
0x2bc: {  	v55 =	vld [tilespmem:s24+$0x8560]  }
0x2bd: {  	v57 =	vadd.s32 v15, v22  }
0x2be: {  	v59 =	vadd.s32 v15, v48;
	v2 =	vmul.f32 v2, v54  }
0x2bf: {  	v61 =	vadd.s32 v15, v50;
	v56 =	vmul.f32 v56, v58  }
0x2c0: {  	v63 =	vadd.s32 v15, v49;
	v2 =	vadd.f32 v2, v19;
	v1 =	vmul.f32 v1, v60  }
0x2c1: {  	v56 =	vadd.f32 v56, v28;
	v55 =	vmul.f32 v55, v62  }
0x2c2: {  	[tilespmem:v57+s21+$0x0] =	vst.idx.msk $0xffff, v2;
	v1 =	vadd.f32 v1, v32  }
0x2c3: {  	v2 =	vld [tilespmem:s24+$0x84B0];
	[tilespmem:v59+s21+$0x0] =	vst.idx.msk $0xffff, v56;
	v55 =	vadd.f32 v55, v34  }
0x2c4: {  	v56 =	vld [tilespmem:s24+$0x84F0];
	[tilespmem:v61+s21+$0x0] =	vst.idx.msk $0xffff, v1  }
0x2c5: {  	v1 =	vld [tilespmem:s24+$0x8530];
	[tilespmem:v63+s21+$0x0] =	vst.idx.msk $0xffff, v55  }
0x2c6: {  	v55 =	vld [tilespmem:s24+$0x8570]  }
0x2c7: {  	v57 =	vadd.s32 v15, v20  }
0x2c8: {  	v2 =	vmul.f32 v2, v54;
	v54 =	vadd.s32 v15, v51  }
0x2c9: {  	v61 =	vadd.s32 v15, v53;
	v56 =	vmul.f32 v56, v58  }
0x2ca: {  	v63 =	vadd.s32 v15, v52;
	v2 =	vadd.f32 v2, v18;
	v1 =	vmul.f32 v1, v60  }
0x2cb: {  	v56 =	vadd.f32 v56, v27;
	v55 =	vmul.f32 v55, v62  }
0x2cc: {  	[tilespmem:v57+s21+$0x0] =	vst.idx.msk $0xffff, v2;
	v1 =	vadd.f32 v1, v29  }
0x2cd: {  	v2 =	vld [tilespmem:s24+$0x8E80];
	[tilespmem:v54+s21+$0x0] =	vst.idx.msk $0xffff, v56;
	v60 =	vadd.f32 v55, v31  }
0x2ce: {  	v55 =	vld [tilespmem:s24+$0x8EC0];
	[tilespmem:v61+s21+$0x0] =	vst.idx.msk $0xffff, v1  }
0x2cf: {  	v1 =	vld [tilespmem:s24+$0x8F00];
	[tilespmem:v63+s21+$0x0] =	vst.idx.msk $0xffff, v60  }
0x2d0: {  	v54 =	vbroadcast v25, $0xE;
	v56 =	vld [tilespmem:s24+$0x8F40]  }
0x2d1: {  	v58 =	vbroadcast v35, $0xE;
	v57 =	vor.u32 v16, v26  }
0x2d2: {  	v59 =	vor.u32 v16, v36;
	v60 =	vbroadcast v41, $0xE;
	v2 =	vmul.f32 v2, v54  }
0x2d3: {  	v62 =	vbroadcast v44, $0xE;
	v61 =	vor.u32 v16, v42;
	v55 =	vmul.f32 v55, v58  }
0x2d4: {  	v63 =	vor.u32 v16, v43;
	v2 =	vadd.f32 v2, v24;
	v1 =	vmul.f32 v1, v60  }
0x2d5: {  	v55 =	vadd.f32 v55, v33;
	v56 =	vmul.f32 v56, v62  }
0x2d6: {  	[tilespmem:v57+s21+$0x0] =	vst.idx.msk $0xffff, v2;
	v1 =	vadd.f32 v1, v39  }
0x2d7: {  	v2 =	vld [tilespmem:s24+$0x8E90];
	[tilespmem:v59+s21+$0x0] =	vst.idx.msk $0xffff, v55;
	v55 =	vadd.f32 v56, v40  }
0x2d8: {  	v56 =	vld [tilespmem:s24+$0x8ED0];
	[tilespmem:v61+s21+$0x0] =	vst.idx.msk $0xffff, v1  }
0x2d9: {  	v1 =	vld [tilespmem:s24+$0x8F10];
	[tilespmem:v63+s21+$0x0] =	vst.idx.msk $0xffff, v55  }
0x2da: {  	v55 =	vld [tilespmem:s24+$0x8F50]  }
0x2db: {  	v57 =	vadd.s32 v16, v23  }
0x2dc: {  	v59 =	vadd.s32 v16, v45;
	v2 =	vmul.f32 v2, v54  }
0x2dd: {  	v61 =	vadd.s32 v16, v47;
	v56 =	vmul.f32 v56, v58  }
0x2de: {  	v63 =	vadd.s32 v16, v46;
	v2 =	vadd.f32 v2, v21;
	v1 =	vmul.f32 v1, v60  }
0x2df: {  	v56 =	vadd.f32 v56, v30;
	v55 =	vmul.f32 v55, v62  }
0x2e0: {  	[tilespmem:v57+s21+$0x0] =	vst.idx.msk $0xffff, v2;
	v1 =	vadd.f32 v1, v37  }
0x2e1: {  	v2 =	vld [tilespmem:s24+$0x8EA0];
	[tilespmem:v59+s21+$0x0] =	vst.idx.msk $0xffff, v56;
	v55 =	vadd.f32 v55, v38  }
0x2e2: {  	v56 =	vld [tilespmem:s24+$0x8EE0];
	[tilespmem:v61+s21+$0x0] =	vst.idx.msk $0xffff, v1  }
0x2e3: {  	v1 =	vld [tilespmem:s24+$0x8F20];
	[tilespmem:v63+s21+$0x0] =	vst.idx.msk $0xffff, v55  }
0x2e4: {  	v55 =	vld [tilespmem:s24+$0x8F60]  }
0x2e5: {  	v57 =	vadd.s32 v16, v22  }
0x2e6: {  	v59 =	vadd.s32 v16, v48;
	v2 =	vmul.f32 v2, v54  }
0x2e7: {  	v61 =	vadd.s32 v16, v50;
	v56 =	vmul.f32 v56, v58  }
0x2e8: {  	v63 =	vadd.s32 v16, v49;
	v2 =	vadd.f32 v2, v19;
	v1 =	vmul.f32 v1, v60  }
0x2e9: {  	v56 =	vadd.f32 v56, v28;
	v55 =	vmul.f32 v55, v62  }
0x2ea: {  	[tilespmem:v57+s21+$0x0] =	vst.idx.msk $0xffff, v2;
	v1 =	vadd.f32 v1, v32  }
0x2eb: {  	[tilespmem:v59+s21+$0x0] =	vst.idx.msk $0xffff, v56;
	v2 =	vld [tilespmem:s24+$0x8EB0];
	v55 =	vadd.f32 v55, v34  }
0x2ec: {  	[tilespmem:v61+s21+$0x0] =	vst.idx.msk $0xffff, v1;
	v1 =	vld [tilespmem:s24+$0x8EF0]  }
0x2ed: {  	v56 =	vld [tilespmem:s24+$0x8F30];
	[tilespmem:v63+s21+$0x0] =	vst.idx.msk $0xffff, v55  }
0x2ee: {  	v55 =	vld [tilespmem:s24+$0x8F70]  }
0x2ef: {  	v57 =	vadd.s32 v16, v20  }
0x2f0: {  	v2 =	vmul.f32 v2, v54;
	v54 =	vadd.s32 v16, v51  }
0x2f1: {  	v61 =	vadd.s32 v16, v53;
	v1 =	vmul.f32 v1, v58  }
0x2f2: {  	v63 =	vadd.s32 v16, v52;
	v2 =	vadd.f32 v2, v18;
	v56 =	vmul.f32 v56, v60  }
0x2f3: {  	v1 =	vadd.f32 v1, v27;
	v55 =	vmul.f32 v55, v62  }
0x2f4: {  	[tilespmem:v57+s21+$0x0] =	vst.idx.msk $0xffff, v2;
	v2 =	vadd.f32 v56, v29  }
0x2f5: {  	[tilespmem:v54+s21+$0x0] =	vst.idx.msk $0xffff, v1;
	v1 =	vld [tilespmem:s24+$0x9880];
	v57 =	vadd.f32 v55, v31  }
0x2f6: {  	[tilespmem:v61+s21+$0x0] =	vst.idx.msk $0xffff, v2;
	v2 =	vld [tilespmem:s24+$0x98C0]  }
0x2f7: {  	v60 =	vld [tilespmem:s24+$0x9900];
	[tilespmem:v63+s21+$0x0] =	vst.idx.msk $0xffff, v57  }
0x2f8: {  	v25 =	vbroadcast v25, $0xF;
	v61 =	vld [tilespmem:s24+$0x9940]  }
0x2f9: {  	v35 =	vbroadcast v35, $0xF;
	v26 =	vor.u32 v17, v26  }
0x2fa: {  	v36 =	vor.u32 v17, v36;
	v41 =	vbroadcast v41, $0xF;
	v1 =	vmul.f32 v1, v25  }
0x2fb: {  	v44 =	vbroadcast v44, $0xF;
	v42 =	vor.u32 v17, v42;
	v2 =	vmul.f32 v2, v35  }
0x2fc: {  	v43 =	vor.u32 v17, v43;
	v1 =	vadd.f32 v1, v24;
	v62 =	vmul.f32 v60, v41  }
0x2fd: {  	v2 =	vadd.f32 v2, v33;
	v63 =	vmul.f32 v61, v44  }
0x2fe: {  	[tilespmem:v26+s21+$0x0] =	vst.idx.msk $0xffff, v1;
	v1 =	vadd.f32 v62, v39  }
0x2ff: {  	[tilespmem:v36+s21+$0x0] =	vst.idx.msk $0xffff, v2;
	v39 =	vld [tilespmem:s24+$0x9890];
	v2 =	vadd.f32 v63, v40  }
0x300: {  	[tilespmem:v42+s21+$0x0] =	vst.idx.msk $0xffff, v1;
	v1 =	vld [tilespmem:s24+$0x98D0]  }
0x301: {  	[tilespmem:v43+s21+$0x0] =	vst.idx.msk $0xffff, v2;
	v2 =	vld [tilespmem:s24+$0x9910]  }
0x302: {  	v54 =	vld [tilespmem:s24+$0x9950]  }
0x303: {  	v23 =	vadd.s32 v17, v23  }
0x304: {  	v55 =	vadd.s32 v17, v45;
	v24 =	vmul.f32 v39, v25  }
0x305: {  	v56 =	vadd.s32 v17, v47;
	v1 =	vmul.f32 v1, v35  }
0x306: {  	v57 =	vadd.s32 v17, v46;
	v21 =	vadd.f32 v24, v21;
	v2 =	vmul.f32 v2, v41  }
0x307: {  	v1 =	vadd.f32 v1, v30;
	v26 =	vmul.f32 v54, v44  }
0x308: {  	[tilespmem:v23+s21+$0x0] =	vst.idx.msk $0xffff, v21;
	v2 =	vadd.f32 v2, v37  }
0x309: {  	[tilespmem:v55+s21+$0x0] =	vst.idx.msk $0xffff, v1;
	v21 =	vld [tilespmem:s24+$0x98A0];
	v1 =	vadd.f32 v26, v38  }
0x30a: {  	[tilespmem:v56+s21+$0x0] =	vst.idx.msk $0xffff, v2;
	v2 =	vld [tilespmem:s24+$0x98E0]  }
0x30b: {  	[tilespmem:v57+s21+$0x0] =	vst.idx.msk $0xffff, v1;
	v1 =	vld [tilespmem:s24+$0x9920]  }
0x30c: {  	v58 =	vld [tilespmem:s24+$0x9960]  }
0x30d: {  	v22 =	vadd.s32 v17, v22  }
0x30e: {  	v59 =	vadd.s32 v17, v48;
	v21 =	vmul.f32 v21, v25  }
0x30f: {  	v60 =	vadd.s32 v17, v50;
	v2 =	vmul.f32 v2, v35  }
0x310: {  	v61 =	vadd.s32 v17, v49;
	v19 =	vadd.f32 v21, v19;
	v1 =	vmul.f32 v1, v41  }
0x311: {  	v2 =	vadd.f32 v2, v28;
	v23 =	vmul.f32 v58, v44  }
0x312: {  	[tilespmem:v22+s21+$0x0] =	vst.idx.msk $0xffff, v19;
	v1 =	vadd.f32 v1, v32  }
0x313: {  	v19 =	vld [tilespmem:s24+$0x98B0];
	[tilespmem:v59+s21+$0x0] =	vst.idx.msk $0xffff, v2;
	v2 =	vadd.f32 v23, v34  }
0x314: {  	[tilespmem:v60+s21+$0x0] =	vst.idx.msk $0xffff, v1;
	v1 =	vld [tilespmem:s24+$0x98F0]  }
0x315: {  	[tilespmem:v61+s21+$0x0] =	vst.idx.msk $0xffff, v2;
	v2 =	vld [tilespmem:s24+$0x9930]  }
0x316: {  	v21 =	vld [tilespmem:s24+$0x9970]  }
0x317: {  	v20 =	vadd.s32 v17, v20  }
0x318: {  	v62 =	vadd.s32 v17, v51;
	v19 =	vmul.f32 v19, v25  }
0x319: {  	v63 =	vadd.s32 v17, v53;
	v1 =	vmul.f32 v1, v35  }
0x31a: {  	p0 =	slt.u32 s23, $0x24;
	v18 =	vadd.f32 v19, v18;
	v19 =	vadd.s32 v17, v52;
	v2 =	vmul.f32 v2, v41  }
.Ltmp0:
0x31b: {  	v1 =	vadd.f32 v1, v27;
	v21 =	vmul.f32 v21, v44;
	(pc) =	sbr.rel @p0 .LBB2_2-.Ltmp0, $4  }
0x31c: {  	[tilespmem:v20+s21+$0x0] =	vst.idx.msk $0xffff, v18;
	v2 =	vadd.f32 v2, v29  }
0x31d: {  	[tilespmem:v62+s21+$0x0] =	vst.idx.msk $0xffff, v1;
	v1 =	vadd.f32 v21, v31  }
0x31e: {  	s31 =	sadd.s32 $0x4, s23;
	[tilespmem:v63+s21+$0x0] =	vst.idx.msk $0xffff, v2  }
0x31f: {  	s23 =	smov.u32 s31;
	v40 =	vimm.f32 $1.000000000e+00;
	v31 =	vld [tilespmem:$0x1FFF0];
	[tilespmem:v19+s21+$0x0] =	vst.idx.msk $0xffff, v1  }
0x320: {  	s23 =	simm.s32 $0x0;
	s0 =	simm.s32 $0xA280;
	s24 =	rddreg [dreg:$0x5]  }
0x321: {  	[hbm4b:s24+s23] =	stream.linear.scatter [tilespmem:s0], [sflag:$0x2], $0x10, $0x38;
	[tilespmem:$0x1D280] =	vst v63  }
0x322: {  	s0 =	simm.s32 $0x60  }
.LBB2_4:
0x323: {  	p0 =	seq.s32 s0, $0x3BFA0  }
.Ltmp1:
0x324: {  	_ = 	snop;
	(pc) =	sbr.rel @!p0 .LBB2_4-.Ltmp1, $4  }
0x325: {  	_ = 	snop  }
0x326: {  	s25 =	sshra.s32 s0, $0x2;
	s0 =	sadd.s32 $0x60, s0  }
0x327: {  	s24 =	sadd.s32 $0x200, s24;
	s25 =	sadd.s32 $0xA280, s25  }
0x328: {  	[hbm4b:s24+s23] =	stream.linear.scatter [tilespmem:s25], [sflag:$0x2], $0x10, $0x38;
	[tilespmem:$0x1D280] =	vst v63  }
.LBB2_6:
0x329: {  	s23 =	sadd.s32 $0x1, s23  }
0x32a: {  	s0 =	smul.u32 $0xCD, s23;
	_ =	sdelay $0x1  }
0x32b: {  	s24 =	sshrl.u32 s0, $0xA  }
0x32c: {  	s24 =	sand.u32 $0x3F, s24  }
0x32d: {  	s0 =	sshrl.u32 s0, $0x6;
	s24 =	smul.u32 $0x5, s24  }
0x32e: {  	s0 =	sand.u32 $0x3F0, s0  }
0x32f: {  	s25 =	sadd.s32 s4, s0;
	s24 =	ssub.s32 s23, s24  }
0x330: {  	s0 =	smul.u32 $0xC8, s25;
	s24 =	sand.u32 $0xFF, s24  }
0x331: {  	s26 =	smul.u32 $0x28, s24;
	_ =	sdelay $0x1  }
0x332: {  	s0 =	sadd.s32 s26, s0  }
0x333: {  	s2 =	rddreg [dreg:$0x0];
	s0 =	sshrl.u32 s0, $0x3  }
0x334: {  	s28 =	simm.s32 $0x0;
	s0 =	sadd.s32 s2, s0  }
0x335: {  	[tilespmem:s28], [sflag:$0x3] =	stream.strided.gather [hbm4b:s0+s13], $0x280, s14, s13, $0x38;
	[tilespmem:$0x1D280] =	vst v63  }
0x336: {  	_ =	swait.ge [sflag:s12], $0x280  }
0x337: {  	[sflag:s12] =	ssyncset.done $0x0  }
0x338: {  	s31 =	simm.s32 $0x280;
	[sflag:s12] =	ssyncadd.s32 $0xFFFFFD80  }
0x339: {  	[tilespmem:s31], [sflag:$0x1] =	stream.indirect.gather [hbm4b:s5+s13], $0x40, s28, s13, $0xb8;
	[tilespmem:$0x1D280] =	vst v63  }
0x33a: {  	s2 =	simm.s32 $0xC80  }
0x33b: {  	[tilespmem:s2], [sflag:$0x1] =	stream.indirect.gather [hbm4b:s5+s13], $0x40, s13, s13, $0xb8;
	[tilespmem:$0x1D280] =	vst v63  }
0x33c: {  	s11 =	simm.s32 $0x50;
	s29 =	simm.s32 $0x1680  }
0x33d: {  	[tilespmem:s29], [sflag:$0x1] =	stream.indirect.gather [hbm4b:s5+s13], $0x40, s11, s13, $0xb8;
	[tilespmem:$0x1D280] =	vst v63  }
0x33e: {  	s30 =	simm.s32 $0x78;
	s31 =	simm.s32 $0x2080  }
0x33f: {  	[tilespmem:s31], [sflag:$0x1] =	stream.indirect.gather [hbm4b:s5+s13], $0x40, s30, s13, $0xb8;
	[tilespmem:$0x1D280] =	vst v63  }
0x340: {  	s2 =	simm.s32 $0xA0;
	s11 =	simm.s32 $0x2A80  }
0x341: {  	[tilespmem:s11], [sflag:$0x1] =	stream.indirect.gather [hbm4b:s5+s13], $0x40, s2, s13, $0xb8;
	[tilespmem:$0x1D280] =	vst v63  }
0x342: {  	s29 =	simm.s32 $0x3480  }
0x343: {  	[tilespmem:s29], [sflag:$0x1] =	stream.indirect.gather [hbm4b:s5+s13], $0x40, s14, s13, $0xb8;
	[tilespmem:$0x1D280] =	vst v63  }
0x344: {  	s30 =	simm.s32 $0xF0;
	s31 =	simm.s32 $0x3E80  }
0x345: {  	[tilespmem:s31], [sflag:$0x1] =	stream.indirect.gather [hbm4b:s5+s13], $0x40, s30, s13, $0xb8;
	[tilespmem:$0x1D280] =	vst v63  }
0x346: {  	s11 =	simm.s32 $0x118;
	s29 =	simm.s32 $0x4880  }
0x347: {  	[tilespmem:s29], [sflag:$0x1] =	stream.indirect.gather [hbm4b:s5+s13], $0x40, s11, s13, $0xb8;
	[tilespmem:$0x1D280] =	vst v63  }
0x348: {  	s30 =	simm.s32 $0x140;
	s31 =	simm.s32 $0x5280  }
0x349: {  	[tilespmem:s31], [sflag:$0x1] =	stream.indirect.gather [hbm4b:s5+s13], $0x40, s30, s13, $0xb8;
	[tilespmem:$0x1D280] =	vst v63  }
0x34a: {  	s11 =	simm.s32 $0x168;
	s29 =	simm.s32 $0x5C80  }
0x34b: {  	[tilespmem:s29], [sflag:$0x1] =	stream.indirect.gather [hbm4b:s5+s13], $0x40, s11, s13, $0xb8;
	[tilespmem:$0x1D280] =	vst v63  }
0x34c: {  	s30 =	simm.s32 $0x190;
	s31 =	simm.s32 $0x6680  }
0x34d: {  	[tilespmem:s31], [sflag:$0x1] =	stream.indirect.gather [hbm4b:s5+s13], $0x40, s30, s13, $0xb8;
	[tilespmem:$0x1D280] =	vst v63  }
0x34e: {  	_ = 	snop  }
0x34f: {  	[tilespmem:s8], [sflag:$0x1] =	stream.indirect.gather [hbm4b:s5+s13], $0x40, s6, s13, $0xb8;
	[tilespmem:$0x1D280] =	vst v63  }
0x350: {  	_ = 	snop  }
0x351: {  	[tilespmem:s9], [sflag:$0x1] =	stream.indirect.gather [hbm4b:s5+s13], $0x40, s10, s13, $0xb8;
	[tilespmem:$0x1D280] =	vst v63  }
0x352: {  	_ = 	snop  }
0x353: {  	[tilespmem:s15], [sflag:$0x1] =	stream.indirect.gather [hbm4b:s5+s13], $0x40, s1, s13, $0xb8;
	[tilespmem:$0x1D280] =	vst v63  }
0x354: {  	_ = 	snop  }
0x355: {  	[tilespmem:s17], [sflag:$0x1] =	stream.indirect.gather [hbm4b:s5+s13], $0x40, s16, s13, $0xb8;
	[tilespmem:$0x1D280] =	vst v63  }
0x356: {  	_ = 	snop  }
0x357: {  	[tilespmem:s19], [sflag:$0x1] =	stream.indirect.gather [hbm4b:s5+s13], $0x40, s18, s13, $0xb8;
	[tilespmem:$0x1D280] =	vst v63  }
0x358: {  	_ =	swait.ge [sflag:s22], $0xA000  }
0x359: {  	[sflag:s22] =	ssyncset.done $0x0  }
0x35a: {  	[sflag:s22] =	ssyncadd.s32 $0xFFFF6000  }
0x35b: {  	_ =	swait.ge [sflag:s20], $0xA000  }
0x35c: {  	[sflag:s20] =	ssyncset.done $0x0  }
0x35d: {  	[sflag:s20] =	ssyncadd.s32 $0xFFFF6000  }
.LBB2_7:
0x35e: {  	_ =	sdelay $0x1  }
0x35f: {  	v1 =	vmov s28  }
0x360: {  	v1 =	vand.u32 $0x3C, v1  }
0x361: {  	v1 =	vadd.s32 v31, v1;
	_ =	sdelay $0x4  }
0x362: {  	v1 =	vld.idx.msk [tilespmem:v1+s3+$0x0], $0xffff;
	_ =	sdelay $0x1  }
0x363: {  	s29 =	sshll.u32 s28, $0x6  }
0x364: {  	s0 =	sadd.s32 s26, s28;
	v2 =	vmov s29  }
0x365: {  	s0 =	sshll.u32 s0, $0x6;
	v18 =	vld [tilespmem:s29+$0x280];
	v2 =	vmul.u32 $0x18, v2  }
0x366: {  	s0 =	sand.u32 $0x3FFFFFC0, s0;
	vm0 =	veq.s32 v1, $0x0  }
0x367: {  	v24 =	vld [tilespmem:s0+$0x19280];
	v26 =	vbroadcast v2, $0x0;
	v25 =	vsel vm0, $0x0, v40  }
0x368: {  	v1 =	vbroadcast v25, $0x0  }
0x369: {  	v2 =	vor.u32 v0, v26  }
0x36a: {  	v18 =	vmul.f32 v18, v1;
	_ =	sdelay $0x1  }
0x36b: {  	v21 =	vld [tilespmem:s0+$0x19290];
	v20 =	vadd.f32 v18, v24  }
0x36c: {  	s11 =	sor.u32 $0x10, s29;
	v19 =	vld [tilespmem:s0+$0x192A0]  }
0x36d: {  	v22 =	vmov s11;
	v18 =	vld [tilespmem:s0+$0x192B0];
	[tilespmem:v2+s21+$0x0] =	vst.idx.msk $0xffff, v20  }
0x36e: {  	v42 =	vmul.u32 $0x18, v22;
	v2 =	vld [tilespmem:s29+$0x290];
	_ =	sdelay $0x1  }
0x36f: {  	v23 =	vbroadcast v42, $0x0;
	_ =	sdelay $0x1  }
0x370: {  	v20 =	vadd.s32 v0, v23  }
0x371: {  	v2 =	vmul.f32 v2, v1;
	_ =	sdelay $0x1  }
0x372: {  	v2 =	vadd.f32 v2, v21  }
0x373: {  	s30 =	sor.u32 $0x20, s29  }
0x374: {  	v43 =	vmov s30;
	[tilespmem:v20+s21+$0x0] =	vst.idx.msk $0xffff, v2  }
0x375: {  	v44 =	vmul.u32 $0x18, v43;
	v2 =	vld [tilespmem:s29+$0x2A0];
	_ =	sdelay $0x1  }
0x376: {  	v22 =	vbroadcast v44, $0x0;
	_ =	sdelay $0x1  }
0x377: {  	v20 =	vadd.s32 v0, v22  }
0x378: {  	v2 =	vmul.f32 v2, v1;
	_ =	sdelay $0x1  }
0x379: {  	v2 =	vadd.f32 v2, v19  }
0x37a: {  	s31 =	sor.u32 $0x30, s29  }
0x37b: {  	v27 =	vmov s31;
	[tilespmem:v20+s21+$0x0] =	vst.idx.msk $0xffff, v2  }
0x37c: {  	v45 =	vmul.u32 $0x18, v27;
	v2 =	vld [tilespmem:s29+$0x2B0];
	_ =	sdelay $0x1  }
0x37d: {  	v20 =	vbroadcast v45, $0x0;
	_ =	sdelay $0x1  }
0x37e: {  	v46 =	vadd.s32 v0, v20  }
0x37f: {  	v1 =	vmul.f32 v2, v1;
	_ =	sdelay $0x1  }
0x380: {  	v1 =	vadd.f32 v1, v18;
	_ =	sdelay $0x1  }
0x381: {  	[tilespmem:v46+s21+$0x0] =	vst.idx.msk $0xffff, v1  }
0x382: {  	v1 =	vld [tilespmem:s29+$0xC80];
	_ =	sdelay $0x2  }
0x383: {  	v2 =	vbroadcast v25, $0x1  }
0x384: {  	v47 =	vor.u32 v3, v26  }
0x385: {  	v1 =	vmul.f32 v1, v2;
	_ =	sdelay $0x1  }
0x386: {  	v1 =	vadd.f32 v1, v24;
	_ =	sdelay $0x1  }
0x387: {  	[tilespmem:v47+s21+$0x0] =	vst.idx.msk $0xffff, v1  }
0x388: {  	v1 =	vld [tilespmem:s29+$0xC90];
	_ =	sdelay $0x3  }
0x389: {  	v48 =	vadd.s32 v3, v23  }
0x38a: {  	v1 =	vmul.f32 v1, v2;
	_ =	sdelay $0x1  }
0x38b: {  	v1 =	vadd.f32 v1, v21;
	_ =	sdelay $0x1  }
0x38c: {  	[tilespmem:v48+s21+$0x0] =	vst.idx.msk $0xffff, v1  }
0x38d: {  	v1 =	vld [tilespmem:s29+$0xCA0];
	_ =	sdelay $0x3  }
0x38e: {  	v49 =	vadd.s32 v3, v22  }
0x38f: {  	v1 =	vmul.f32 v1, v2;
	_ =	sdelay $0x1  }
0x390: {  	v1 =	vadd.f32 v1, v19;
	_ =	sdelay $0x1  }
0x391: {  	[tilespmem:v49+s21+$0x0] =	vst.idx.msk $0xffff, v1  }
0x392: {  	v1 =	vld [tilespmem:s29+$0xCB0];
	_ =	sdelay $0x3  }
0x393: {  	v50 =	vadd.s32 v3, v20  }
0x394: {  	v1 =	vmul.f32 v1, v2;
	_ =	sdelay $0x1  }
0x395: {  	v1 =	vadd.f32 v1, v18;
	_ =	sdelay $0x1  }
0x396: {  	[tilespmem:v50+s21+$0x0] =	vst.idx.msk $0xffff, v1  }
0x397: {  	v1 =	vld [tilespmem:s29+$0x1680];
	_ =	sdelay $0x2  }
0x398: {  	v2 =	vbroadcast v25, $0x2  }
0x399: {  	v51 =	vor.u32 v4, v26  }
0x39a: {  	v1 =	vmul.f32 v1, v2;
	_ =	sdelay $0x1  }
0x39b: {  	v1 =	vadd.f32 v1, v24;
	_ =	sdelay $0x1  }
0x39c: {  	[tilespmem:v51+s21+$0x0] =	vst.idx.msk $0xffff, v1  }
0x39d: {  	v1 =	vld [tilespmem:s29+$0x1690];
	_ =	sdelay $0x3  }
0x39e: {  	v52 =	vadd.s32 v4, v23  }
0x39f: {  	v1 =	vmul.f32 v1, v2;
	_ =	sdelay $0x1  }
0x3a0: {  	v1 =	vadd.f32 v1, v21;
	_ =	sdelay $0x1  }
0x3a1: {  	[tilespmem:v52+s21+$0x0] =	vst.idx.msk $0xffff, v1  }
0x3a2: {  	v1 =	vld [tilespmem:s29+$0x16A0];
	_ =	sdelay $0x3  }
0x3a3: {  	v53 =	vadd.s32 v4, v22  }
0x3a4: {  	v1 =	vmul.f32 v1, v2;
	_ =	sdelay $0x1  }
0x3a5: {  	v1 =	vadd.f32 v1, v19;
	_ =	sdelay $0x1  }
0x3a6: {  	[tilespmem:v53+s21+$0x0] =	vst.idx.msk $0xffff, v1  }
0x3a7: {  	v1 =	vld [tilespmem:s29+$0x16B0];
	_ =	sdelay $0x3  }
0x3a8: {  	v54 =	vadd.s32 v4, v20  }
0x3a9: {  	v1 =	vmul.f32 v1, v2;
	_ =	sdelay $0x1  }
0x3aa: {  	v1 =	vadd.f32 v1, v18;
	_ =	sdelay $0x1  }
0x3ab: {  	[tilespmem:v54+s21+$0x0] =	vst.idx.msk $0xffff, v1  }
0x3ac: {  	v1 =	vld [tilespmem:s29+$0x2080];
	_ =	sdelay $0x2  }
0x3ad: {  	v54 =	vbroadcast v25, $0x3  }
0x3ae: {  	v2 =	vor.u32 v5, v26  }
0x3af: {  	v1 =	vmul.f32 v1, v54;
	_ =	sdelay $0x1  }
0x3b0: {  	v1 =	vadd.f32 v1, v24;
	_ =	sdelay $0x1  }
0x3b1: {  	[tilespmem:v2+s21+$0x0] =	vst.idx.msk $0xffff, v1  }
0x3b2: {  	v1 =	vld [tilespmem:s29+$0x2090];
	_ =	sdelay $0x1  }
0x3b3: {  	s2 =	sor.u32 $0x1, s28  }
0x3b4: {  	v2 =	vmov s2  }
0x3b5: {  	v55 =	vadd.s32 v5, v23;
	v2 =	vand.u32 $0x3D, v2  }
0x3b6: {  	v2 =	vadd.s32 v31, v2;
	v1 =	vmul.f32 v1, v54;
	_ =	sdelay $0x1  }
0x3b7: {  	v1 =	vadd.f32 v1, v21;
	_ =	sdelay $0x1  }
0x3b8: {  	[tilespmem:v55+s21+$0x0] =	vst.idx.msk $0xffff, v1  }
0x3b9: {  	v1 =	vld.idx.msk [tilespmem:v2+s3+$0x0], $0xffff;
	_ =	sdelay $0x1  }
0x3ba: {  	s30 =	sshll.u32 s2, $0x6  }
0x3bb: {  	s31 =	sor.u32 $0x2, s28;
	v2 =	vmov s30  }
0x3bc: {  	v56 =	vmov s31;
	s0 =	sadd.s32 s26, s2;
	s2 =	sor.u32 $0x3, s28;
	v2 =	vmul.u32 $0x18, v2  }
0x3bd: {  	v27 =	vand.u32 $0x3E, v56;
	s0 =	sshll.u32 s0, $0x6;
	v28 =	vmov s2;
	vm13 =	veq.s32 v1, $0x0;
	v1 =	vld [tilespmem:s30+$0x280]  }
0x3be: {  	s0 =	sand.u32 $0x3FFFFFC0, s0;
	v57 =	vand.u32 $0x3F, v28;
	v36 =	vbroadcast v2, $0x0;
	v2 =	vadd.s32 v31, v27  }
0x3bf: {  	v29 =	vadd.s32 v31, v57;
	v33 =	vld [tilespmem:s0+$0x19280];
	v34 =	vsel vm13, $0x0, v40  }
0x3c0: {  	v55 =	vbroadcast v34, $0x0  }
0x3c1: {  	v30 =	vld [tilespmem:s0+$0x19290];
	v31 =	vor.u32 v0, v36  }
0x3c2: {  	v28 =	vld [tilespmem:s0+$0x192A0];
	v1 =	vmul.f32 v1, v55  }
0x3c3: {  	s11 =	sadd.s32 s26, s31;
	v2 =	vld.idx.msk [tilespmem:v2+s3+$0x0], $0xffff  }
0x3c4: {  	s11 =	sshll.u32 s11, $0x6;
	v29 =	vld.idx.msk [tilespmem:v29+s3+$0x0], $0xffff;
	v1 =	vadd.f32 v1, v33  }
0x3c5: {  	s11 =	sand.u32 $0x3FFFFFC0, s11;
	v27 =	vld [tilespmem:s0+$0x192B0];
	s0 =	sshll.u32 s31, $0x6  }
0x3c6: {  	v39 =	vld [tilespmem:s11+$0x19280];
	s31 =	sshll.u32 s2, $0x6;
	[tilespmem:v31+s21+$0x0] =	vst.idx.msk $0xffff, v1;
	v31 =	vmov s0  }
0x3c7: {  	s2 =	sadd.s32 s26, s2;
	v35 =	vld [tilespmem:s0+$0x280];
	v32 =	vmov s31;
	v31 =	vmul.u32 $0x18, v31  }
0x3c8: {  	s2 =	sshll.u32 s2, $0x6;
	v32 =	vmul.u32 $0x18, v32;
	vm14 =	veq.s32 v2, $0x0;
	v2 =	vld [tilespmem:s31+$0x280]  }
0x3c9: {  	v37 =	vld [tilespmem:s11+$0x19290];
	vm15 =	veq.s32 v29, $0x0;
	s2 =	sand.u32 $0x3FFFFFC0, s2;
	v41 =	vsel vm14, $0x0, v40;
	v42 =	vbroadcast v31, $0x0  }
0x3ca: {  	v44 =	vsel vm15, $0x0, v40;
	v43 =	vbroadcast v32, $0x0;
	v40 =	vld [tilespmem:s2+$0x19280];
	v56 =	vbroadcast v41, $0x0  }
0x3cb: {  	v29 =	vld [tilespmem:s11+$0x192B0];
	v57 =	vbroadcast v44, $0x0;
	v31 =	vor.u32 v0, v42  }
0x3cc: {  	v38 =	vld [tilespmem:s2+$0x19290];
	v45 =	vor.u32 v0, v43;
	v35 =	vmul.f32 v35, v56  }
0x3cd: {  	v32 =	vld [tilespmem:s11+$0x192A0];
	v2 =	vmul.f32 v2, v57  }
0x3ce: {  	s11 =	sor.u32 $0x10, s30;
	v1 =	vld [tilespmem:s30+$0x290];
	v46 =	vadd.f32 v35, v39  }
0x3cf: {  	v47 =	vmov s11;
	s11 =	sor.u32 $0x10, s0;
	v35 =	vld [tilespmem:s2+$0x192A0];
	v2 =	vadd.f32 v2, v40  }
0x3d0: {  	v48 =	vmov s11;
	v47 =	vmul.u32 $0x18, v47;
	s11 =	sor.u32 $0x10, s31;
	[tilespmem:v31+s21+$0x0] =	vst.idx.msk $0xffff, v46;
	v31 =	vld [tilespmem:s2+$0x192B0]  }
0x3d1: {  	v58 =	vmul.u32 $0x18, v48;
	v59 =	vmov s11;
	[tilespmem:v45+s21+$0x0] =	vst.idx.msk $0xffff, v2;
	v49 =	vld [tilespmem:s0+$0x290]  }
0x3d2: {  	v48 =	vmul.u32 $0x18, v59;
	v45 =	vbroadcast v47, $0x0;
	v2 =	vld [tilespmem:s31+$0x290]  }
0x3d3: {  	v47 =	vbroadcast v58, $0x0  }
0x3d4: {  	v46 =	vbroadcast v48, $0x0;
	v50 =	vadd.s32 v0, v45  }
0x3d5: {  	v1 =	vmul.f32 v1, v55;
	v60 =	vadd.s32 v0, v47  }
0x3d6: {  	v51 =	vadd.s32 v0, v46;
	v49 =	vmul.f32 v49, v56  }
0x3d7: {  	v1 =	vadd.f32 v1, v30;
	v2 =	vmul.f32 v2, v57  }
0x3d8: {  	s11 =	sor.u32 $0x20, s30;
	v49 =	vadd.f32 v49, v37  }
0x3d9: {  	v52 =	vmov s11;
	s11 =	sor.u32 $0x20, s0;
	[tilespmem:v50+s21+$0x0] =	vst.idx.msk $0xffff, v1;
	v1 =	vadd.f32 v2, v38  }
0x3da: {  	v61 =	vmul.u32 $0x18, v52;
	v62 =	vmov s11;
	s11 =	sor.u32 $0x20, s31;
	v2 =	vld [tilespmem:s30+$0x2A0];
	[tilespmem:v60+s21+$0x0] =	vst.idx.msk $0xffff, v49  }
0x3db: {  	v63 =	vmul.u32 $0x18, v62;
	v58 =	vmov s11;
	[tilespmem:v51+s21+$0x0] =	vst.idx.msk $0xffff, v1;
	v53 =	vld [tilespmem:s0+$0x2A0]  }
0x3dc: {  	v48 =	vbroadcast v61, $0x0;
	v59 =	vmul.u32 $0x18, v58;
	v1 =	vld [tilespmem:s31+$0x2A0]  }
0x3dd: {  	v50 =	vbroadcast v63, $0x0  }
0x3de: {  	v60 =	vadd.s32 v0, v48;
	v49 =	vbroadcast v59, $0x0  }
0x3df: {  	v61 =	vadd.s32 v0, v50;
	v2 =	vmul.f32 v2, v55  }
0x3e0: {  	v58 =	vadd.s32 v0, v49;
	v53 =	vmul.f32 v53, v56  }
0x3e1: {  	v2 =	vadd.f32 v2, v28;
	v1 =	vmul.f32 v1, v57  }
0x3e2: {  	s11 =	sor.u32 $0x30, s30;
	v53 =	vadd.f32 v53, v32  }
0x3e3: {  	v59 =	vmov s11;
	s11 =	sor.u32 $0x30, s0;
	[tilespmem:v60+s21+$0x0] =	vst.idx.msk $0xffff, v2;
	v1 =	vadd.f32 v1, v35  }
0x3e4: {  	v52 =	vmul.u32 $0x18, v59;
	v59 =	vmov s11;
	v2 =	vld [tilespmem:s30+$0x2B0];
	s30 =	sor.u32 $0x30, s31;
	[tilespmem:v61+s21+$0x0] =	vst.idx.msk $0xffff, v53  }
0x3e5: {  	v62 =	vmul.u32 $0x18, v59;
	v63 =	vmov s30;
	[tilespmem:v58+s21+$0x0] =	vst.idx.msk $0xffff, v1;
	v60 =	vld [tilespmem:s0+$0x2B0]  }
0x3e6: {  	v51 =	vbroadcast v52, $0x0;
	v61 =	vmul.u32 $0x18, v63;
	v1 =	vld [tilespmem:s31+$0x2B0]  }
0x3e7: {  	v53 =	vbroadcast v62, $0x0  }
0x3e8: {  	v62 =	vadd.s32 v0, v51;
	v52 =	vbroadcast v61, $0x0  }
0x3e9: {  	v63 =	vadd.s32 v0, v53;
	v2 =	vmul.f32 v2, v55  }
0x3ea: {  	v56 =	vmul.f32 v60, v56;
	v60 =	vadd.s32 v0, v52  }
0x3eb: {  	v2 =	vadd.f32 v2, v27;
	v1 =	vmul.f32 v1, v57  }
0x3ec: {  	v56 =	vadd.f32 v56, v29  }
0x3ed: {  	[tilespmem:v62+s21+$0x0] =	vst.idx.msk $0xffff, v2;
	v1 =	vadd.f32 v1, v31  }
0x3ee: {  	v2 =	vld [tilespmem:s29+$0xCC0];
	[tilespmem:v63+s21+$0x0] =	vst.idx.msk $0xffff, v56  }
0x3ef: {  	v55 =	vld [tilespmem:s29+$0xD00];
	[tilespmem:v60+s21+$0x0] =	vst.idx.msk $0xffff, v1  }
0x3f0: {  	v1 =	vld [tilespmem:s29+$0xD40]  }
0x3f1: {  	v56 =	vbroadcast v34, $0x1  }
0x3f2: {  	v58 =	vbroadcast v41, $0x1;
	v57 =	vor.u32 v3, v36  }
0x3f3: {  	v59 =	vor.u32 v3, v42;
	v60 =	vbroadcast v44, $0x1;
	v2 =	vmul.f32 v2, v56  }
0x3f4: {  	v61 =	vor.u32 v3, v43;
	v55 =	vmul.f32 v55, v58  }
0x3f5: {  	v2 =	vadd.f32 v2, v33;
	v1 =	vmul.f32 v1, v60  }
0x3f6: {  	v55 =	vadd.f32 v55, v39  }
0x3f7: {  	[tilespmem:v57+s21+$0x0] =	vst.idx.msk $0xffff, v2;
	v1 =	vadd.f32 v1, v40  }
0x3f8: {  	v2 =	vld [tilespmem:s29+$0xCD0];
	[tilespmem:v59+s21+$0x0] =	vst.idx.msk $0xffff, v55  }
0x3f9: {  	v55 =	vld [tilespmem:s29+$0xD10];
	[tilespmem:v61+s21+$0x0] =	vst.idx.msk $0xffff, v1  }
0x3fa: {  	v1 =	vld [tilespmem:s29+$0xD50];
	_ =	sdelay $0x1  }
0x3fb: {  	v57 =	vadd.s32 v3, v45  }
0x3fc: {  	v59 =	vadd.s32 v3, v47;
	v2 =	vmul.f32 v2, v56  }
0x3fd: {  	v61 =	vadd.s32 v3, v46;
	v55 =	vmul.f32 v55, v58  }
0x3fe: {  	v2 =	vadd.f32 v2, v30;
	v1 =	vmul.f32 v1, v60  }
0x3ff: {  	v55 =	vadd.f32 v55, v37  }
0x400: {  	[tilespmem:v57+s21+$0x0] =	vst.idx.msk $0xffff, v2;
	v1 =	vadd.f32 v1, v38  }
0x401: {  	v2 =	vld [tilespmem:s29+$0xCE0];
	[tilespmem:v59+s21+$0x0] =	vst.idx.msk $0xffff, v55  }
0x402: {  	v55 =	vld [tilespmem:s29+$0xD20];
	[tilespmem:v61+s21+$0x0] =	vst.idx.msk $0xffff, v1  }
0x403: {  	v1 =	vld [tilespmem:s29+$0xD60];
	_ =	sdelay $0x1  }
0x404: {  	v57 =	vadd.s32 v3, v48  }
0x405: {  	v59 =	vadd.s32 v3, v50;
	v2 =	vmul.f32 v2, v56  }
0x406: {  	v61 =	vadd.s32 v3, v49;
	v55 =	vmul.f32 v55, v58  }
0x407: {  	v2 =	vadd.f32 v2, v28;
	v1 =	vmul.f32 v1, v60  }
0x408: {  	v55 =	vadd.f32 v55, v32  }
0x409: {  	[tilespmem:v57+s21+$0x0] =	vst.idx.msk $0xffff, v2;
	v1 =	vadd.f32 v1, v35  }
0x40a: {  	v2 =	vld [tilespmem:s29+$0xCF0];
	[tilespmem:v59+s21+$0x0] =	vst.idx.msk $0xffff, v55  }
0x40b: {  	v55 =	vld [tilespmem:s29+$0xD30];
	[tilespmem:v61+s21+$0x0] =	vst.idx.msk $0xffff, v1  }
0x40c: {  	v1 =	vld [tilespmem:s29+$0xD70];
	_ =	sdelay $0x1  }
0x40d: {  	v61 =	vadd.s32 v3, v51  }
0x40e: {  	v62 =	vadd.s32 v3, v53;
	v2 =	vmul.f32 v2, v56  }
0x40f: {  	v63 =	vadd.s32 v3, v52;
	v55 =	vmul.f32 v55, v58  }
0x410: {  	v2 =	vadd.f32 v2, v27;
	v1 =	vmul.f32 v1, v60  }
0x411: {  	v55 =	vadd.f32 v55, v29  }
0x412: {  	[tilespmem:v61+s21+$0x0] =	vst.idx.msk $0xffff, v2;
	v1 =	vadd.f32 v1, v31  }
0x413: {  	v2 =	vld [tilespmem:s29+$0x16C0];
	[tilespmem:v62+s21+$0x0] =	vst.idx.msk $0xffff, v55  }
0x414: {  	v55 =	vld [tilespmem:s29+$0x1700];
	[tilespmem:v63+s21+$0x0] =	vst.idx.msk $0xffff, v1  }
0x415: {  	v1 =	vld [tilespmem:s29+$0x1740]  }
0x416: {  	v56 =	vbroadcast v34, $0x2  }
0x417: {  	v57 =	vor.u32 v4, v36;
	v58 =	vbroadcast v41, $0x2  }
0x418: {  	v59 =	vor.u32 v4, v42;
	v60 =	vbroadcast v44, $0x2;
	v2 =	vmul.f32 v2, v56  }
0x419: {  	v61 =	vor.u32 v4, v43;
	v55 =	vmul.f32 v55, v58  }
0x41a: {  	v2 =	vadd.f32 v2, v33;
	v1 =	vmul.f32 v1, v60  }
0x41b: {  	v55 =	vadd.f32 v55, v39  }
0x41c: {  	[tilespmem:v57+s21+$0x0] =	vst.idx.msk $0xffff, v2;
	v1 =	vadd.f32 v1, v40  }
0x41d: {  	v2 =	vld [tilespmem:s29+$0x16D0];
	[tilespmem:v59+s21+$0x0] =	vst.idx.msk $0xffff, v55  }
0x41e: {  	v55 =	vld [tilespmem:s29+$0x1710];
	[tilespmem:v61+s21+$0x0] =	vst.idx.msk $0xffff, v1  }
0x41f: {  	v1 =	vld [tilespmem:s29+$0x1750];
	_ =	sdelay $0x1  }
0x420: {  	v57 =	vadd.s32 v4, v45  }
0x421: {  	v59 =	vadd.s32 v4, v47;
	v2 =	vmul.f32 v2, v56  }
0x422: {  	v61 =	vadd.s32 v4, v46;
	v55 =	vmul.f32 v55, v58  }
0x423: {  	v2 =	vadd.f32 v2, v30;
	v1 =	vmul.f32 v1, v60  }
0x424: {  	v55 =	vadd.f32 v55, v37  }
0x425: {  	[tilespmem:v57+s21+$0x0] =	vst.idx.msk $0xffff, v2;
	v1 =	vadd.f32 v1, v38  }
0x426: {  	v2 =	vld [tilespmem:s29+$0x16E0];
	[tilespmem:v59+s21+$0x0] =	vst.idx.msk $0xffff, v55  }
0x427: {  	v55 =	vld [tilespmem:s29+$0x1720];
	[tilespmem:v61+s21+$0x0] =	vst.idx.msk $0xffff, v1  }
0x428: {  	v1 =	vld [tilespmem:s29+$0x1760];
	_ =	sdelay $0x1  }
0x429: {  	v57 =	vadd.s32 v4, v48  }
0x42a: {  	v59 =	vadd.s32 v4, v50;
	v2 =	vmul.f32 v2, v56  }
0x42b: {  	v61 =	vadd.s32 v4, v49;
	v55 =	vmul.f32 v55, v58  }
0x42c: {  	v2 =	vadd.f32 v2, v28;
	v1 =	vmul.f32 v1, v60  }
0x42d: {  	v55 =	vadd.f32 v55, v32  }
0x42e: {  	[tilespmem:v57+s21+$0x0] =	vst.idx.msk $0xffff, v2;
	v1 =	vadd.f32 v1, v35  }
0x42f: {  	v2 =	vld [tilespmem:s29+$0x16F0];
	[tilespmem:v59+s21+$0x0] =	vst.idx.msk $0xffff, v55  }
0x430: {  	v55 =	vld [tilespmem:s29+$0x1730];
	[tilespmem:v61+s21+$0x0] =	vst.idx.msk $0xffff, v1  }
0x431: {  	v1 =	vld [tilespmem:s29+$0x1770];
	_ =	sdelay $0x1  }
0x432: {  	v61 =	vadd.s32 v4, v51  }
0x433: {  	v62 =	vadd.s32 v4, v53;
	v2 =	vmul.f32 v2, v56  }
0x434: {  	v63 =	vadd.s32 v4, v52;
	v55 =	vmul.f32 v55, v58  }
0x435: {  	v2 =	vadd.f32 v2, v27;
	v1 =	vmul.f32 v1, v60  }
0x436: {  	v55 =	vadd.f32 v55, v29  }
0x437: {  	[tilespmem:v61+s21+$0x0] =	vst.idx.msk $0xffff, v2;
	v1 =	vadd.f32 v1, v31  }
0x438: {  	v2 =	vld [tilespmem:s29+$0x20C0];
	[tilespmem:v62+s21+$0x0] =	vst.idx.msk $0xffff, v55  }
0x439: {  	v55 =	vld [tilespmem:s29+$0x2100];
	[tilespmem:v63+s21+$0x0] =	vst.idx.msk $0xffff, v1  }
0x43a: {  	v1 =	vld [tilespmem:s29+$0x2140]  }
0x43b: {  	v56 =	vbroadcast v34, $0x3  }
0x43c: {  	v57 =	vor.u32 v5, v36;
	v58 =	vbroadcast v41, $0x3  }
0x43d: {  	v59 =	vor.u32 v5, v42;
	v60 =	vbroadcast v44, $0x3;
	v2 =	vmul.f32 v2, v56  }
0x43e: {  	v61 =	vor.u32 v5, v43;
	v55 =	vmul.f32 v55, v58  }
0x43f: {  	v2 =	vadd.f32 v2, v33;
	v1 =	vmul.f32 v1, v60  }
0x440: {  	v55 =	vadd.f32 v55, v39  }
0x441: {  	[tilespmem:v57+s21+$0x0] =	vst.idx.msk $0xffff, v2;
	v1 =	vadd.f32 v1, v40  }
0x442: {  	v2 =	vld [tilespmem:s29+$0x20D0];
	[tilespmem:v59+s21+$0x0] =	vst.idx.msk $0xffff, v55  }
0x443: {  	v55 =	vld [tilespmem:s29+$0x2110];
	[tilespmem:v61+s21+$0x0] =	vst.idx.msk $0xffff, v1  }
0x444: {  	v1 =	vld [tilespmem:s29+$0x2150];
	_ =	sdelay $0x1  }
0x445: {  	v57 =	vadd.s32 v5, v45  }
0x446: {  	v59 =	vadd.s32 v5, v47;
	v2 =	vmul.f32 v2, v56  }
0x447: {  	v61 =	vadd.s32 v5, v46;
	v55 =	vmul.f32 v55, v58  }
0x448: {  	v2 =	vadd.f32 v2, v30;
	v1 =	vmul.f32 v1, v60  }
0x449: {  	v55 =	vadd.f32 v55, v37  }
0x44a: {  	v62 =	vld [tilespmem:s29+$0x20A0];
	[tilespmem:v57+s21+$0x0] =	vst.idx.msk $0xffff, v2;
	v1 =	vadd.f32 v1, v38  }
0x44b: {  	v2 =	vld [tilespmem:s29+$0x20E0];
	[tilespmem:v59+s21+$0x0] =	vst.idx.msk $0xffff, v55  }
0x44c: {  	v55 =	vld [tilespmem:s29+$0x2120];
	[tilespmem:v61+s21+$0x0] =	vst.idx.msk $0xffff, v1  }
0x44d: {  	v1 =	vld [tilespmem:s29+$0x2160]  }
0x44e: {  	v57 =	vadd.s32 v5, v22  }
0x44f: {  	v59 =	vmul.f32 v62, v54;
	v61 =	vadd.s32 v5, v48  }
0x450: {  	v62 =	vadd.s32 v5, v50;
	v2 =	vmul.f32 v2, v56  }
0x451: {  	v63 =	vadd.s32 v5, v49;
	v59 =	vadd.f32 v59, v19;
	v55 =	vmul.f32 v55, v58  }
0x452: {  	v2 =	vadd.f32 v2, v28;
	v1 =	vmul.f32 v1, v60  }
0x453: {  	[tilespmem:v57+s21+$0x0] =	vst.idx.msk $0xffff, v59;
	v55 =	vadd.f32 v55, v32  }
0x454: {  	v57 =	vld [tilespmem:s29+$0x20B0];
	[tilespmem:v61+s21+$0x0] =	vst.idx.msk $0xffff, v2;
	v1 =	vadd.f32 v1, v35  }
0x455: {  	v2 =	vld [tilespmem:s29+$0x20F0];
	[tilespmem:v62+s21+$0x0] =	vst.idx.msk $0xffff, v55  }
0x456: {  	v55 =	vld [tilespmem:s29+$0x2130];
	[tilespmem:v63+s21+$0x0] =	vst.idx.msk $0xffff, v1  }
0x457: {  	v1 =	vld [tilespmem:s29+$0x2170]  }
0x458: {  	v59 =	vadd.s32 v5, v20  }
0x459: {  	v61 =	vadd.s32 v5, v51;
	v54 =	vmul.f32 v57, v54  }
0x45a: {  	v62 =	vadd.s32 v5, v53;
	v2 =	vmul.f32 v2, v56  }
0x45b: {  	v63 =	vadd.s32 v5, v52;
	v54 =	vadd.f32 v54, v18;
	v55 =	vmul.f32 v55, v58  }
0x45c: {  	v2 =	vadd.f32 v2, v27;
	v1 =	vmul.f32 v1, v60  }
0x45d: {  	[tilespmem:v59+s21+$0x0] =	vst.idx.msk $0xffff, v54;
	v59 =	vadd.f32 v55, v29  }
0x45e: {  	v60 =	vld [tilespmem:s29+$0x2A80];
	[tilespmem:v61+s21+$0x0] =	vst.idx.msk $0xffff, v2;
	v1 =	vadd.f32 v1, v31  }
0x45f: {  	v2 =	vld [tilespmem:s29+$0x2AC0];
	[tilespmem:v62+s21+$0x0] =	vst.idx.msk $0xffff, v59  }
0x460: {  	v54 =	vld [tilespmem:s29+$0x2B00];
	[tilespmem:v63+s21+$0x0] =	vst.idx.msk $0xffff, v1  }
0x461: {  	v1 =	vbroadcast v25, $0x4;
	v56 =	vld [tilespmem:s29+$0x2B40]  }
0x462: {  	v57 =	vor.u32 v6, v26;
	v58 =	vbroadcast v34, $0x4  }
0x463: {  	v59 =	vor.u32 v6, v36;
	v55 =	vmul.f32 v60, v1;
	v60 =	vbroadcast v41, $0x4  }
0x464: {  	v61 =	vor.u32 v6, v42;
	v62 =	vbroadcast v44, $0x4;
	v2 =	vmul.f32 v2, v58  }
0x465: {  	v63 =	vor.u32 v6, v43;
	v55 =	vadd.f32 v55, v24;
	v54 =	vmul.f32 v54, v60  }
0x466: {  	v2 =	vadd.f32 v2, v33;
	v56 =	vmul.f32 v56, v62  }
0x467: {  	[tilespmem:v57+s21+$0x0] =	vst.idx.msk $0xffff, v55;
	v54 =	vadd.f32 v54, v39  }
0x468: {  	[tilespmem:v59+s21+$0x0] =	vst.idx.msk $0xffff, v2;
	v55 =	vld [tilespmem:s29+$0x2A90];
	v2 =	vadd.f32 v56, v40  }
0x469: {  	v56 =	vld [tilespmem:s29+$0x2AD0];
	[tilespmem:v61+s21+$0x0] =	vst.idx.msk $0xffff, v54  }
0x46a: {  	v54 =	vld [tilespmem:s29+$0x2B10];
	[tilespmem:v63+s21+$0x0] =	vst.idx.msk $0xffff, v2  }
0x46b: {  	v2 =	vld [tilespmem:s29+$0x2B50]  }
0x46c: {  	v57 =	vadd.s32 v6, v23  }
0x46d: {  	v59 =	vadd.s32 v6, v45;
	v55 =	vmul.f32 v55, v1  }
0x46e: {  	v61 =	vadd.s32 v6, v47;
	v56 =	vmul.f32 v56, v58  }
0x46f: {  	v63 =	vadd.s32 v6, v46;
	v55 =	vadd.f32 v55, v21;
	v54 =	vmul.f32 v54, v60  }
0x470: {  	v56 =	vadd.f32 v56, v30;
	v2 =	vmul.f32 v2, v62  }
0x471: {  	[tilespmem:v57+s21+$0x0] =	vst.idx.msk $0xffff, v55;
	v54 =	vadd.f32 v54, v37  }
0x472: {  	v55 =	vld [tilespmem:s29+$0x2AA0];
	[tilespmem:v59+s21+$0x0] =	vst.idx.msk $0xffff, v56;
	v2 =	vadd.f32 v2, v38  }
0x473: {  	v56 =	vld [tilespmem:s29+$0x2AE0];
	[tilespmem:v61+s21+$0x0] =	vst.idx.msk $0xffff, v54  }
0x474: {  	v54 =	vld [tilespmem:s29+$0x2B20];
	[tilespmem:v63+s21+$0x0] =	vst.idx.msk $0xffff, v2  }
0x475: {  	v2 =	vld [tilespmem:s29+$0x2B60]  }
0x476: {  	v57 =	vadd.s32 v6, v22  }
0x477: {  	v59 =	vadd.s32 v6, v48;
	v55 =	vmul.f32 v55, v1  }
0x478: {  	v61 =	vadd.s32 v6, v50;
	v56 =	vmul.f32 v56, v58  }
0x479: {  	v63 =	vadd.s32 v6, v49;
	v55 =	vadd.f32 v55, v19;
	v54 =	vmul.f32 v54, v60  }
0x47a: {  	v56 =	vadd.f32 v56, v28;
	v2 =	vmul.f32 v2, v62  }
0x47b: {  	[tilespmem:v57+s21+$0x0] =	vst.idx.msk $0xffff, v55;
	v54 =	vadd.f32 v54, v32  }
0x47c: {  	v55 =	vld [tilespmem:s29+$0x2AB0];
	[tilespmem:v59+s21+$0x0] =	vst.idx.msk $0xffff, v56;
	v2 =	vadd.f32 v2, v35  }
0x47d: {  	v56 =	vld [tilespmem:s29+$0x2AF0];
	[tilespmem:v61+s21+$0x0] =	vst.idx.msk $0xffff, v54  }
0x47e: {  	v54 =	vld [tilespmem:s29+$0x2B30];
	[tilespmem:v63+s21+$0x0] =	vst.idx.msk $0xffff, v2  }
0x47f: {  	v2 =	vld [tilespmem:s29+$0x2B70]  }
0x480: {  	v57 =	vadd.s32 v6, v20  }
0x481: {  	v1 =	vmul.f32 v55, v1;
	v55 =	vadd.s32 v6, v51  }
0x482: {  	v61 =	vadd.s32 v6, v53;
	v56 =	vmul.f32 v56, v58  }
0x483: {  	v63 =	vadd.s32 v6, v52;
	v1 =	vadd.f32 v1, v18;
	v54 =	vmul.f32 v54, v60  }
0x484: {  	v56 =	vadd.f32 v56, v27;
	v2 =	vmul.f32 v2, v62  }
0x485: {  	[tilespmem:v57+s21+$0x0] =	vst.idx.msk $0xffff, v1;
	v1 =	vadd.f32 v54, v29  }
0x486: {  	v60 =	vld [tilespmem:s29+$0x3480];
	[tilespmem:v55+s21+$0x0] =	vst.idx.msk $0xffff, v56;
	v2 =	vadd.f32 v2, v31  }
0x487: {  	v55 =	vld [tilespmem:s29+$0x34C0];
	[tilespmem:v61+s21+$0x0] =	vst.idx.msk $0xffff, v1  }
0x488: {  	v1 =	vld [tilespmem:s29+$0x3500];
	[tilespmem:v63+s21+$0x0] =	vst.idx.msk $0xffff, v2  }
0x489: {  	v2 =	vbroadcast v25, $0x5;
	v56 =	vld [tilespmem:s29+$0x3540]  }
0x48a: {  	v58 =	vbroadcast v34, $0x5;
	v57 =	vor.u32 v7, v26  }
0x48b: {  	v59 =	vor.u32 v7, v36;
	v54 =	vmul.f32 v60, v2;
	v60 =	vbroadcast v41, $0x5  }
0x48c: {  	v62 =	vbroadcast v44, $0x5;
	v61 =	vor.u32 v7, v42;
	v55 =	vmul.f32 v55, v58  }
0x48d: {  	v63 =	vor.u32 v7, v43;
	v54 =	vadd.f32 v54, v24;
	v1 =	vmul.f32 v1, v60  }
0x48e: {  	v55 =	vadd.f32 v55, v33;
	v56 =	vmul.f32 v56, v62  }
0x48f: {  	[tilespmem:v57+s21+$0x0] =	vst.idx.msk $0xffff, v54;
	v1 =	vadd.f32 v1, v39  }
0x490: {  	v54 =	vld [tilespmem:s29+$0x3490];
	[tilespmem:v59+s21+$0x0] =	vst.idx.msk $0xffff, v55;
	v55 =	vadd.f32 v56, v40  }
0x491: {  	v56 =	vld [tilespmem:s29+$0x34D0];
	[tilespmem:v61+s21+$0x0] =	vst.idx.msk $0xffff, v1  }
0x492: {  	v1 =	vld [tilespmem:s29+$0x3510];
	[tilespmem:v63+s21+$0x0] =	vst.idx.msk $0xffff, v55  }
0x493: {  	v55 =	vld [tilespmem:s29+$0x3550]  }
0x494: {  	v57 =	vadd.s32 v7, v23  }
0x495: {  	v59 =	vadd.s32 v7, v45;
	v54 =	vmul.f32 v54, v2  }
0x496: {  	v61 =	vadd.s32 v7, v47;
	v56 =	vmul.f32 v56, v58  }
0x497: {  	v63 =	vadd.s32 v7, v46;
	v54 =	vadd.f32 v54, v21;
	v1 =	vmul.f32 v1, v60  }
0x498: {  	v56 =	vadd.f32 v56, v30;
	v55 =	vmul.f32 v55, v62  }
0x499: {  	[tilespmem:v57+s21+$0x0] =	vst.idx.msk $0xffff, v54;
	v1 =	vadd.f32 v1, v37  }
0x49a: {  	v54 =	vld [tilespmem:s29+$0x34A0];
	[tilespmem:v59+s21+$0x0] =	vst.idx.msk $0xffff, v56;
	v55 =	vadd.f32 v55, v38  }
0x49b: {  	v56 =	vld [tilespmem:s29+$0x34E0];
	[tilespmem:v61+s21+$0x0] =	vst.idx.msk $0xffff, v1  }
0x49c: {  	v1 =	vld [tilespmem:s29+$0x3520];
	[tilespmem:v63+s21+$0x0] =	vst.idx.msk $0xffff, v55  }
0x49d: {  	v55 =	vld [tilespmem:s29+$0x3560]  }
0x49e: {  	v57 =	vadd.s32 v7, v22  }
0x49f: {  	v59 =	vadd.s32 v7, v48;
	v54 =	vmul.f32 v54, v2  }
0x4a0: {  	v61 =	vadd.s32 v7, v50;
	v56 =	vmul.f32 v56, v58  }
0x4a1: {  	v63 =	vadd.s32 v7, v49;
	v54 =	vadd.f32 v54, v19;
	v1 =	vmul.f32 v1, v60  }
0x4a2: {  	v56 =	vadd.f32 v56, v28;
	v55 =	vmul.f32 v55, v62  }
0x4a3: {  	[tilespmem:v57+s21+$0x0] =	vst.idx.msk $0xffff, v54;
	v1 =	vadd.f32 v1, v32  }
0x4a4: {  	v54 =	vld [tilespmem:s29+$0x34B0];
	[tilespmem:v59+s21+$0x0] =	vst.idx.msk $0xffff, v56;
	v55 =	vadd.f32 v55, v35  }
0x4a5: {  	v56 =	vld [tilespmem:s29+$0x34F0];
	[tilespmem:v61+s21+$0x0] =	vst.idx.msk $0xffff, v1  }
0x4a6: {  	v1 =	vld [tilespmem:s29+$0x3530];
	[tilespmem:v63+s21+$0x0] =	vst.idx.msk $0xffff, v55  }
0x4a7: {  	v55 =	vld [tilespmem:s29+$0x3570]  }
0x4a8: {  	v57 =	vadd.s32 v7, v20  }
0x4a9: {  	v2 =	vmul.f32 v54, v2;
	v54 =	vadd.s32 v7, v51  }
0x4aa: {  	v61 =	vadd.s32 v7, v53;
	v56 =	vmul.f32 v56, v58  }
0x4ab: {  	v63 =	vadd.s32 v7, v52;
	v2 =	vadd.f32 v2, v18;
	v1 =	vmul.f32 v1, v60  }
0x4ac: {  	v56 =	vadd.f32 v56, v27;
	v55 =	vmul.f32 v55, v62  }
0x4ad: {  	[tilespmem:v57+s21+$0x0] =	vst.idx.msk $0xffff, v2;
	v1 =	vadd.f32 v1, v29  }
0x4ae: {  	v2 =	vld [tilespmem:s29+$0x3E80];
	[tilespmem:v54+s21+$0x0] =	vst.idx.msk $0xffff, v56;
	v60 =	vadd.f32 v55, v31  }
0x4af: {  	v55 =	vld [tilespmem:s29+$0x3EC0];
	[tilespmem:v61+s21+$0x0] =	vst.idx.msk $0xffff, v1  }
0x4b0: {  	v1 =	vld [tilespmem:s29+$0x3F00];
	[tilespmem:v63+s21+$0x0] =	vst.idx.msk $0xffff, v60  }
0x4b1: {  	v54 =	vbroadcast v25, $0x6;
	v56 =	vld [tilespmem:s29+$0x3F40]  }
0x4b2: {  	v58 =	vbroadcast v34, $0x6;
	v57 =	vor.u32 v8, v26  }
0x4b3: {  	v59 =	vor.u32 v8, v36;
	v60 =	vbroadcast v41, $0x6;
	v2 =	vmul.f32 v2, v54  }
0x4b4: {  	v62 =	vbroadcast v44, $0x6;
	v61 =	vor.u32 v8, v42;
	v55 =	vmul.f32 v55, v58  }
0x4b5: {  	v63 =	vor.u32 v8, v43;
	v2 =	vadd.f32 v2, v24;
	v1 =	vmul.f32 v1, v60  }
0x4b6: {  	v55 =	vadd.f32 v55, v33;
	v56 =	vmul.f32 v56, v62  }
0x4b7: {  	[tilespmem:v57+s21+$0x0] =	vst.idx.msk $0xffff, v2;
	v1 =	vadd.f32 v1, v39  }
0x4b8: {  	v2 =	vld [tilespmem:s29+$0x3E90];
	[tilespmem:v59+s21+$0x0] =	vst.idx.msk $0xffff, v55;
	v55 =	vadd.f32 v56, v40  }
0x4b9: {  	v56 =	vld [tilespmem:s29+$0x3ED0];
	[tilespmem:v61+s21+$0x0] =	vst.idx.msk $0xffff, v1  }
0x4ba: {  	v1 =	vld [tilespmem:s29+$0x3F10];
	[tilespmem:v63+s21+$0x0] =	vst.idx.msk $0xffff, v55  }
0x4bb: {  	v55 =	vld [tilespmem:s29+$0x3F50]  }
0x4bc: {  	v57 =	vadd.s32 v8, v23  }
0x4bd: {  	v59 =	vadd.s32 v8, v45;
	v2 =	vmul.f32 v2, v54  }
0x4be: {  	v61 =	vadd.s32 v8, v47;
	v56 =	vmul.f32 v56, v58  }
0x4bf: {  	v63 =	vadd.s32 v8, v46;
	v2 =	vadd.f32 v2, v21;
	v1 =	vmul.f32 v1, v60  }
0x4c0: {  	v56 =	vadd.f32 v56, v30;
	v55 =	vmul.f32 v55, v62  }
0x4c1: {  	[tilespmem:v57+s21+$0x0] =	vst.idx.msk $0xffff, v2;
	v1 =	vadd.f32 v1, v37  }
0x4c2: {  	v2 =	vld [tilespmem:s29+$0x3EA0];
	[tilespmem:v59+s21+$0x0] =	vst.idx.msk $0xffff, v56;
	v55 =	vadd.f32 v55, v38  }
0x4c3: {  	v56 =	vld [tilespmem:s29+$0x3EE0];
	[tilespmem:v61+s21+$0x0] =	vst.idx.msk $0xffff, v1  }
0x4c4: {  	v1 =	vld [tilespmem:s29+$0x3F20];
	[tilespmem:v63+s21+$0x0] =	vst.idx.msk $0xffff, v55  }
0x4c5: {  	v55 =	vld [tilespmem:s29+$0x3F60]  }
0x4c6: {  	v57 =	vadd.s32 v8, v22  }
0x4c7: {  	v59 =	vadd.s32 v8, v48;
	v2 =	vmul.f32 v2, v54  }
0x4c8: {  	v61 =	vadd.s32 v8, v50;
	v56 =	vmul.f32 v56, v58  }
0x4c9: {  	v63 =	vadd.s32 v8, v49;
	v2 =	vadd.f32 v2, v19;
	v1 =	vmul.f32 v1, v60  }
0x4ca: {  	v56 =	vadd.f32 v56, v28;
	v55 =	vmul.f32 v55, v62  }
0x4cb: {  	[tilespmem:v57+s21+$0x0] =	vst.idx.msk $0xffff, v2;
	v1 =	vadd.f32 v1, v32  }
0x4cc: {  	v2 =	vld [tilespmem:s29+$0x3EB0];
	[tilespmem:v59+s21+$0x0] =	vst.idx.msk $0xffff, v56;
	v55 =	vadd.f32 v55, v35  }
0x4cd: {  	v56 =	vld [tilespmem:s29+$0x3EF0];
	[tilespmem:v61+s21+$0x0] =	vst.idx.msk $0xffff, v1  }
0x4ce: {  	v1 =	vld [tilespmem:s29+$0x3F30];
	[tilespmem:v63+s21+$0x0] =	vst.idx.msk $0xffff, v55  }
0x4cf: {  	v55 =	vld [tilespmem:s29+$0x3F70]  }
0x4d0: {  	v57 =	vadd.s32 v8, v20  }
0x4d1: {  	v2 =	vmul.f32 v2, v54;
	v54 =	vadd.s32 v8, v51  }
0x4d2: {  	v61 =	vadd.s32 v8, v53;
	v56 =	vmul.f32 v56, v58  }
0x4d3: {  	v63 =	vadd.s32 v8, v52;
	v2 =	vadd.f32 v2, v18;
	v1 =	vmul.f32 v1, v60  }
0x4d4: {  	v56 =	vadd.f32 v56, v27;
	v55 =	vmul.f32 v55, v62  }
0x4d5: {  	[tilespmem:v57+s21+$0x0] =	vst.idx.msk $0xffff, v2;
	v1 =	vadd.f32 v1, v29  }
0x4d6: {  	v2 =	vld [tilespmem:s29+$0x4880];
	[tilespmem:v54+s21+$0x0] =	vst.idx.msk $0xffff, v56;
	v60 =	vadd.f32 v55, v31  }
0x4d7: {  	v55 =	vld [tilespmem:s29+$0x48C0];
	[tilespmem:v61+s21+$0x0] =	vst.idx.msk $0xffff, v1  }
0x4d8: {  	v1 =	vld [tilespmem:s29+$0x4900];
	[tilespmem:v63+s21+$0x0] =	vst.idx.msk $0xffff, v60  }
0x4d9: {  	v54 =	vbroadcast v25, $0x7;
	v56 =	vld [tilespmem:s29+$0x4940]  }
0x4da: {  	v58 =	vbroadcast v34, $0x7;
	v57 =	vor.u32 v9, v26  }
0x4db: {  	v59 =	vor.u32 v9, v36;
	v60 =	vbroadcast v41, $0x7;
	v2 =	vmul.f32 v2, v54  }
0x4dc: {  	v62 =	vbroadcast v44, $0x7;
	v61 =	vor.u32 v9, v42;
	v55 =	vmul.f32 v55, v58  }
0x4dd: {  	v63 =	vor.u32 v9, v43;
	v2 =	vadd.f32 v2, v24;
	v1 =	vmul.f32 v1, v60  }
0x4de: {  	v55 =	vadd.f32 v55, v33;
	v56 =	vmul.f32 v56, v62  }
0x4df: {  	[tilespmem:v57+s21+$0x0] =	vst.idx.msk $0xffff, v2;
	v1 =	vadd.f32 v1, v39  }
0x4e0: {  	v2 =	vld [tilespmem:s29+$0x4890];
	[tilespmem:v59+s21+$0x0] =	vst.idx.msk $0xffff, v55;
	v55 =	vadd.f32 v56, v40  }
0x4e1: {  	v56 =	vld [tilespmem:s29+$0x48D0];
	[tilespmem:v61+s21+$0x0] =	vst.idx.msk $0xffff, v1  }
0x4e2: {  	v1 =	vld [tilespmem:s29+$0x4910];
	[tilespmem:v63+s21+$0x0] =	vst.idx.msk $0xffff, v55  }
0x4e3: {  	v55 =	vld [tilespmem:s29+$0x4950]  }
0x4e4: {  	v57 =	vadd.s32 v9, v23  }
0x4e5: {  	v59 =	vadd.s32 v9, v45;
	v2 =	vmul.f32 v2, v54  }
0x4e6: {  	v61 =	vadd.s32 v9, v47;
	v56 =	vmul.f32 v56, v58  }
0x4e7: {  	v63 =	vadd.s32 v9, v46;
	v2 =	vadd.f32 v2, v21;
	v1 =	vmul.f32 v1, v60  }
0x4e8: {  	v56 =	vadd.f32 v56, v30;
	v55 =	vmul.f32 v55, v62  }
0x4e9: {  	[tilespmem:v57+s21+$0x0] =	vst.idx.msk $0xffff, v2;
	v1 =	vadd.f32 v1, v37  }
0x4ea: {  	v2 =	vld [tilespmem:s29+$0x48A0];
	[tilespmem:v59+s21+$0x0] =	vst.idx.msk $0xffff, v56;
	v55 =	vadd.f32 v55, v38  }
0x4eb: {  	v56 =	vld [tilespmem:s29+$0x48E0];
	[tilespmem:v61+s21+$0x0] =	vst.idx.msk $0xffff, v1  }
0x4ec: {  	v1 =	vld [tilespmem:s29+$0x4920];
	[tilespmem:v63+s21+$0x0] =	vst.idx.msk $0xffff, v55  }
0x4ed: {  	v55 =	vld [tilespmem:s29+$0x4960]  }
0x4ee: {  	v57 =	vadd.s32 v9, v22  }
0x4ef: {  	v59 =	vadd.s32 v9, v48;
	v2 =	vmul.f32 v2, v54  }
0x4f0: {  	v61 =	vadd.s32 v9, v50;
	v56 =	vmul.f32 v56, v58  }
0x4f1: {  	v63 =	vadd.s32 v9, v49;
	v2 =	vadd.f32 v2, v19;
	v1 =	vmul.f32 v1, v60  }
0x4f2: {  	v56 =	vadd.f32 v56, v28;
	v55 =	vmul.f32 v55, v62  }
0x4f3: {  	[tilespmem:v57+s21+$0x0] =	vst.idx.msk $0xffff, v2;
	v1 =	vadd.f32 v1, v32  }
0x4f4: {  	v2 =	vld [tilespmem:s29+$0x48B0];
	[tilespmem:v59+s21+$0x0] =	vst.idx.msk $0xffff, v56;
	v55 =	vadd.f32 v55, v35  }
0x4f5: {  	v56 =	vld [tilespmem:s29+$0x48F0];
	[tilespmem:v61+s21+$0x0] =	vst.idx.msk $0xffff, v1  }
0x4f6: {  	v1 =	vld [tilespmem:s29+$0x4930];
	[tilespmem:v63+s21+$0x0] =	vst.idx.msk $0xffff, v55  }
0x4f7: {  	v55 =	vld [tilespmem:s29+$0x4970]  }
0x4f8: {  	v57 =	vadd.s32 v9, v20  }
0x4f9: {  	v2 =	vmul.f32 v2, v54;
	v54 =	vadd.s32 v9, v51  }
0x4fa: {  	v61 =	vadd.s32 v9, v53;
	v56 =	vmul.f32 v56, v58  }
0x4fb: {  	v63 =	vadd.s32 v9, v52;
	v2 =	vadd.f32 v2, v18;
	v1 =	vmul.f32 v1, v60  }
0x4fc: {  	v56 =	vadd.f32 v56, v27;
	v55 =	vmul.f32 v55, v62  }
0x4fd: {  	[tilespmem:v57+s21+$0x0] =	vst.idx.msk $0xffff, v2;
	v1 =	vadd.f32 v1, v29  }
0x4fe: {  	v2 =	vld [tilespmem:s29+$0x5280];
	[tilespmem:v54+s21+$0x0] =	vst.idx.msk $0xffff, v56;
	v60 =	vadd.f32 v55, v31  }
0x4ff: {  	v55 =	vld [tilespmem:s29+$0x52C0];
	[tilespmem:v61+s21+$0x0] =	vst.idx.msk $0xffff, v1  }
0x500: {  	v1 =	vld [tilespmem:s29+$0x5300];
	[tilespmem:v63+s21+$0x0] =	vst.idx.msk $0xffff, v60  }
0x501: {  	v54 =	vbroadcast v25, $0x8;
	v56 =	vld [tilespmem:s29+$0x5340]  }
0x502: {  	v58 =	vbroadcast v34, $0x8;
	v57 =	vor.u32 v10, v26  }
0x503: {  	v59 =	vor.u32 v10, v36;
	v60 =	vbroadcast v41, $0x8;
	v2 =	vmul.f32 v2, v54  }
0x504: {  	v62 =	vbroadcast v44, $0x8;
	v61 =	vor.u32 v10, v42;
	v55 =	vmul.f32 v55, v58  }
0x505: {  	v63 =	vor.u32 v10, v43;
	v2 =	vadd.f32 v2, v24;
	v1 =	vmul.f32 v1, v60  }
0x506: {  	v55 =	vadd.f32 v55, v33;
	v56 =	vmul.f32 v56, v62  }
0x507: {  	[tilespmem:v57+s21+$0x0] =	vst.idx.msk $0xffff, v2;
	v1 =	vadd.f32 v1, v39  }
0x508: {  	v2 =	vld [tilespmem:s29+$0x5290];
	[tilespmem:v59+s21+$0x0] =	vst.idx.msk $0xffff, v55;
	v55 =	vadd.f32 v56, v40  }
0x509: {  	v56 =	vld [tilespmem:s29+$0x52D0];
	[tilespmem:v61+s21+$0x0] =	vst.idx.msk $0xffff, v1  }
0x50a: {  	v1 =	vld [tilespmem:s29+$0x5310];
	[tilespmem:v63+s21+$0x0] =	vst.idx.msk $0xffff, v55  }
0x50b: {  	v55 =	vld [tilespmem:s29+$0x5350]  }
0x50c: {  	v57 =	vadd.s32 v10, v23  }
0x50d: {  	v59 =	vadd.s32 v10, v45;
	v2 =	vmul.f32 v2, v54  }
0x50e: {  	v61 =	vadd.s32 v10, v47;
	v56 =	vmul.f32 v56, v58  }
0x50f: {  	v63 =	vadd.s32 v10, v46;
	v2 =	vadd.f32 v2, v21;
	v1 =	vmul.f32 v1, v60  }
0x510: {  	v56 =	vadd.f32 v56, v30;
	v55 =	vmul.f32 v55, v62  }
0x511: {  	[tilespmem:v57+s21+$0x0] =	vst.idx.msk $0xffff, v2;
	v1 =	vadd.f32 v1, v37  }
0x512: {  	v2 =	vld [tilespmem:s29+$0x52A0];
	[tilespmem:v59+s21+$0x0] =	vst.idx.msk $0xffff, v56;
	v55 =	vadd.f32 v55, v38  }
0x513: {  	v56 =	vld [tilespmem:s29+$0x52E0];
	[tilespmem:v61+s21+$0x0] =	vst.idx.msk $0xffff, v1  }
0x514: {  	v1 =	vld [tilespmem:s29+$0x5320];
	[tilespmem:v63+s21+$0x0] =	vst.idx.msk $0xffff, v55  }
0x515: {  	v55 =	vld [tilespmem:s29+$0x5360]  }
0x516: {  	v57 =	vadd.s32 v10, v22  }
0x517: {  	v59 =	vadd.s32 v10, v48;
	v2 =	vmul.f32 v2, v54  }
0x518: {  	v61 =	vadd.s32 v10, v50;
	v56 =	vmul.f32 v56, v58  }
0x519: {  	v63 =	vadd.s32 v10, v49;
	v2 =	vadd.f32 v2, v19;
	v1 =	vmul.f32 v1, v60  }
0x51a: {  	v56 =	vadd.f32 v56, v28;
	v55 =	vmul.f32 v55, v62  }
0x51b: {  	[tilespmem:v57+s21+$0x0] =	vst.idx.msk $0xffff, v2;
	v1 =	vadd.f32 v1, v32  }
0x51c: {  	v2 =	vld [tilespmem:s29+$0x52B0];
	[tilespmem:v59+s21+$0x0] =	vst.idx.msk $0xffff, v56;
	v55 =	vadd.f32 v55, v35  }
0x51d: {  	v56 =	vld [tilespmem:s29+$0x52F0];
	[tilespmem:v61+s21+$0x0] =	vst.idx.msk $0xffff, v1  }
0x51e: {  	v1 =	vld [tilespmem:s29+$0x5330];
	[tilespmem:v63+s21+$0x0] =	vst.idx.msk $0xffff, v55  }
0x51f: {  	v55 =	vld [tilespmem:s29+$0x5370]  }
0x520: {  	v57 =	vadd.s32 v10, v20  }
0x521: {  	v2 =	vmul.f32 v2, v54;
	v54 =	vadd.s32 v10, v51  }
0x522: {  	v61 =	vadd.s32 v10, v53;
	v56 =	vmul.f32 v56, v58  }
0x523: {  	v63 =	vadd.s32 v10, v52;
	v2 =	vadd.f32 v2, v18;
	v1 =	vmul.f32 v1, v60  }
0x524: {  	v56 =	vadd.f32 v56, v27;
	v55 =	vmul.f32 v55, v62  }
0x525: {  	[tilespmem:v57+s21+$0x0] =	vst.idx.msk $0xffff, v2;
	v1 =	vadd.f32 v1, v29  }
0x526: {  	v2 =	vld [tilespmem:s29+$0x5C80];
	[tilespmem:v54+s21+$0x0] =	vst.idx.msk $0xffff, v56;
	v60 =	vadd.f32 v55, v31  }
0x527: {  	v55 =	vld [tilespmem:s29+$0x5CC0];
	[tilespmem:v61+s21+$0x0] =	vst.idx.msk $0xffff, v1  }
0x528: {  	v1 =	vld [tilespmem:s29+$0x5D00];
	[tilespmem:v63+s21+$0x0] =	vst.idx.msk $0xffff, v60  }
0x529: {  	v54 =	vbroadcast v25, $0x9;
	v56 =	vld [tilespmem:s29+$0x5D40]  }
0x52a: {  	v58 =	vbroadcast v34, $0x9;
	v57 =	vor.u32 v11, v26  }
0x52b: {  	v59 =	vor.u32 v11, v36;
	v60 =	vbroadcast v41, $0x9;
	v2 =	vmul.f32 v2, v54  }
0x52c: {  	v62 =	vbroadcast v44, $0x9;
	v61 =	vor.u32 v11, v42;
	v55 =	vmul.f32 v55, v58  }
0x52d: {  	v63 =	vor.u32 v11, v43;
	v2 =	vadd.f32 v2, v24;
	v1 =	vmul.f32 v1, v60  }
0x52e: {  	v55 =	vadd.f32 v55, v33;
	v56 =	vmul.f32 v56, v62  }
0x52f: {  	[tilespmem:v57+s21+$0x0] =	vst.idx.msk $0xffff, v2;
	v1 =	vadd.f32 v1, v39  }
0x530: {  	v2 =	vld [tilespmem:s29+$0x5C90];
	[tilespmem:v59+s21+$0x0] =	vst.idx.msk $0xffff, v55;
	v55 =	vadd.f32 v56, v40  }
0x531: {  	v56 =	vld [tilespmem:s29+$0x5CD0];
	[tilespmem:v61+s21+$0x0] =	vst.idx.msk $0xffff, v1  }
0x532: {  	v1 =	vld [tilespmem:s29+$0x5D10];
	[tilespmem:v63+s21+$0x0] =	vst.idx.msk $0xffff, v55  }
0x533: {  	v55 =	vld [tilespmem:s29+$0x5D50]  }
0x534: {  	v57 =	vadd.s32 v11, v23  }
0x535: {  	v59 =	vadd.s32 v11, v45;
	v2 =	vmul.f32 v2, v54  }
0x536: {  	v61 =	vadd.s32 v11, v47;
	v56 =	vmul.f32 v56, v58  }
0x537: {  	v63 =	vadd.s32 v11, v46;
	v2 =	vadd.f32 v2, v21;
	v1 =	vmul.f32 v1, v60  }
0x538: {  	v56 =	vadd.f32 v56, v30;
	v55 =	vmul.f32 v55, v62  }
0x539: {  	[tilespmem:v57+s21+$0x0] =	vst.idx.msk $0xffff, v2;
	v1 =	vadd.f32 v1, v37  }
0x53a: {  	v2 =	vld [tilespmem:s29+$0x5CA0];
	[tilespmem:v59+s21+$0x0] =	vst.idx.msk $0xffff, v56;
	v55 =	vadd.f32 v55, v38  }
0x53b: {  	v56 =	vld [tilespmem:s29+$0x5CE0];
	[tilespmem:v61+s21+$0x0] =	vst.idx.msk $0xffff, v1  }
0x53c: {  	v1 =	vld [tilespmem:s29+$0x5D20];
	[tilespmem:v63+s21+$0x0] =	vst.idx.msk $0xffff, v55  }
0x53d: {  	v55 =	vld [tilespmem:s29+$0x5D60]  }
0x53e: {  	v57 =	vadd.s32 v11, v22  }
0x53f: {  	v59 =	vadd.s32 v11, v48;
	v2 =	vmul.f32 v2, v54  }
0x540: {  	v61 =	vadd.s32 v11, v50;
	v56 =	vmul.f32 v56, v58  }
0x541: {  	v63 =	vadd.s32 v11, v49;
	v2 =	vadd.f32 v2, v19;
	v1 =	vmul.f32 v1, v60  }
0x542: {  	v56 =	vadd.f32 v56, v28;
	v55 =	vmul.f32 v55, v62  }
0x543: {  	[tilespmem:v57+s21+$0x0] =	vst.idx.msk $0xffff, v2;
	v1 =	vadd.f32 v1, v32  }
0x544: {  	v2 =	vld [tilespmem:s29+$0x5CB0];
	[tilespmem:v59+s21+$0x0] =	vst.idx.msk $0xffff, v56;
	v55 =	vadd.f32 v55, v35  }
0x545: {  	v56 =	vld [tilespmem:s29+$0x5CF0];
	[tilespmem:v61+s21+$0x0] =	vst.idx.msk $0xffff, v1  }
0x546: {  	v1 =	vld [tilespmem:s29+$0x5D30];
	[tilespmem:v63+s21+$0x0] =	vst.idx.msk $0xffff, v55  }
0x547: {  	v55 =	vld [tilespmem:s29+$0x5D70]  }
0x548: {  	v57 =	vadd.s32 v11, v20  }
0x549: {  	v2 =	vmul.f32 v2, v54;
	v54 =	vadd.s32 v11, v51  }
0x54a: {  	v61 =	vadd.s32 v11, v53;
	v56 =	vmul.f32 v56, v58  }
0x54b: {  	v63 =	vadd.s32 v11, v52;
	v2 =	vadd.f32 v2, v18;
	v1 =	vmul.f32 v1, v60  }
0x54c: {  	v56 =	vadd.f32 v56, v27;
	v55 =	vmul.f32 v55, v62  }
0x54d: {  	[tilespmem:v57+s21+$0x0] =	vst.idx.msk $0xffff, v2;
	v1 =	vadd.f32 v1, v29  }
0x54e: {  	v2 =	vld [tilespmem:s29+$0x6680];
	[tilespmem:v54+s21+$0x0] =	vst.idx.msk $0xffff, v56;
	v60 =	vadd.f32 v55, v31  }
0x54f: {  	v55 =	vld [tilespmem:s29+$0x66C0];
	[tilespmem:v61+s21+$0x0] =	vst.idx.msk $0xffff, v1  }
0x550: {  	v1 =	vld [tilespmem:s29+$0x6700];
	[tilespmem:v63+s21+$0x0] =	vst.idx.msk $0xffff, v60  }
0x551: {  	v54 =	vbroadcast v25, $0xA;
	v56 =	vld [tilespmem:s29+$0x6740]  }
0x552: {  	v58 =	vbroadcast v34, $0xA;
	v57 =	vor.u32 v12, v26  }
0x553: {  	v59 =	vor.u32 v12, v36;
	v60 =	vbroadcast v41, $0xA;
	v2 =	vmul.f32 v2, v54  }
0x554: {  	v62 =	vbroadcast v44, $0xA;
	v61 =	vor.u32 v12, v42;
	v55 =	vmul.f32 v55, v58  }
0x555: {  	v63 =	vor.u32 v12, v43;
	v2 =	vadd.f32 v2, v24;
	v1 =	vmul.f32 v1, v60  }
0x556: {  	v55 =	vadd.f32 v55, v33;
	v56 =	vmul.f32 v56, v62  }
0x557: {  	[tilespmem:v57+s21+$0x0] =	vst.idx.msk $0xffff, v2;
	v1 =	vadd.f32 v1, v39  }
0x558: {  	v2 =	vld [tilespmem:s29+$0x6690];
	[tilespmem:v59+s21+$0x0] =	vst.idx.msk $0xffff, v55;
	v55 =	vadd.f32 v56, v40  }
0x559: {  	v56 =	vld [tilespmem:s29+$0x66D0];
	[tilespmem:v61+s21+$0x0] =	vst.idx.msk $0xffff, v1  }
0x55a: {  	v1 =	vld [tilespmem:s29+$0x6710];
	[tilespmem:v63+s21+$0x0] =	vst.idx.msk $0xffff, v55  }
0x55b: {  	v55 =	vld [tilespmem:s29+$0x6750]  }
0x55c: {  	v57 =	vadd.s32 v12, v23  }
0x55d: {  	v59 =	vadd.s32 v12, v45;
	v2 =	vmul.f32 v2, v54  }
0x55e: {  	v61 =	vadd.s32 v12, v47;
	v56 =	vmul.f32 v56, v58  }
0x55f: {  	v63 =	vadd.s32 v12, v46;
	v2 =	vadd.f32 v2, v21;
	v1 =	vmul.f32 v1, v60  }
0x560: {  	v56 =	vadd.f32 v56, v30;
	v55 =	vmul.f32 v55, v62  }
0x561: {  	[tilespmem:v57+s21+$0x0] =	vst.idx.msk $0xffff, v2;
	v1 =	vadd.f32 v1, v37  }
0x562: {  	v2 =	vld [tilespmem:s29+$0x66A0];
	[tilespmem:v59+s21+$0x0] =	vst.idx.msk $0xffff, v56;
	v55 =	vadd.f32 v55, v38  }
0x563: {  	v56 =	vld [tilespmem:s29+$0x66E0];
	[tilespmem:v61+s21+$0x0] =	vst.idx.msk $0xffff, v1  }
0x564: {  	v1 =	vld [tilespmem:s29+$0x6720];
	[tilespmem:v63+s21+$0x0] =	vst.idx.msk $0xffff, v55  }
0x565: {  	v55 =	vld [tilespmem:s29+$0x6760]  }
0x566: {  	v57 =	vadd.s32 v12, v22  }
0x567: {  	v59 =	vadd.s32 v12, v48;
	v2 =	vmul.f32 v2, v54  }
0x568: {  	v61 =	vadd.s32 v12, v50;
	v56 =	vmul.f32 v56, v58  }
0x569: {  	v63 =	vadd.s32 v12, v49;
	v2 =	vadd.f32 v2, v19;
	v1 =	vmul.f32 v1, v60  }
0x56a: {  	v56 =	vadd.f32 v56, v28;
	v55 =	vmul.f32 v55, v62  }
0x56b: {  	[tilespmem:v57+s21+$0x0] =	vst.idx.msk $0xffff, v2;
	v1 =	vadd.f32 v1, v32  }
0x56c: {  	v2 =	vld [tilespmem:s29+$0x66B0];
	[tilespmem:v59+s21+$0x0] =	vst.idx.msk $0xffff, v56;
	v55 =	vadd.f32 v55, v35  }
0x56d: {  	v56 =	vld [tilespmem:s29+$0x66F0];
	[tilespmem:v61+s21+$0x0] =	vst.idx.msk $0xffff, v1  }
0x56e: {  	v1 =	vld [tilespmem:s29+$0x6730];
	[tilespmem:v63+s21+$0x0] =	vst.idx.msk $0xffff, v55  }
0x56f: {  	v55 =	vld [tilespmem:s29+$0x6770]  }
0x570: {  	v57 =	vadd.s32 v12, v20  }
0x571: {  	v2 =	vmul.f32 v2, v54;
	v54 =	vadd.s32 v12, v51  }
0x572: {  	v61 =	vadd.s32 v12, v53;
	v56 =	vmul.f32 v56, v58  }
0x573: {  	v63 =	vadd.s32 v12, v52;
	v2 =	vadd.f32 v2, v18;
	v1 =	vmul.f32 v1, v60  }
0x574: {  	v56 =	vadd.f32 v56, v27;
	v55 =	vmul.f32 v55, v62  }
0x575: {  	[tilespmem:v57+s21+$0x0] =	vst.idx.msk $0xffff, v2;
	v1 =	vadd.f32 v1, v29  }
0x576: {  	v2 =	vld [tilespmem:s29+$0x7080];
	[tilespmem:v54+s21+$0x0] =	vst.idx.msk $0xffff, v56;
	v60 =	vadd.f32 v55, v31  }
0x577: {  	v55 =	vld [tilespmem:s29+$0x70C0];
	[tilespmem:v61+s21+$0x0] =	vst.idx.msk $0xffff, v1  }
0x578: {  	v1 =	vld [tilespmem:s29+$0x7100];
	[tilespmem:v63+s21+$0x0] =	vst.idx.msk $0xffff, v60  }
0x579: {  	v54 =	vbroadcast v25, $0xB;
	v56 =	vld [tilespmem:s29+$0x7140]  }
0x57a: {  	v58 =	vbroadcast v34, $0xB;
	v57 =	vor.u32 v13, v26  }
0x57b: {  	v59 =	vor.u32 v13, v36;
	v60 =	vbroadcast v41, $0xB;
	v2 =	vmul.f32 v2, v54  }
0x57c: {  	v62 =	vbroadcast v44, $0xB;
	v61 =	vor.u32 v13, v42;
	v55 =	vmul.f32 v55, v58  }
0x57d: {  	v63 =	vor.u32 v13, v43;
	v2 =	vadd.f32 v2, v24;
	v1 =	vmul.f32 v1, v60  }
0x57e: {  	v55 =	vadd.f32 v55, v33;
	v56 =	vmul.f32 v56, v62  }
0x57f: {  	[tilespmem:v57+s21+$0x0] =	vst.idx.msk $0xffff, v2;
	v1 =	vadd.f32 v1, v39  }
0x580: {  	v2 =	vld [tilespmem:s29+$0x7090];
	[tilespmem:v59+s21+$0x0] =	vst.idx.msk $0xffff, v55;
	v55 =	vadd.f32 v56, v40  }
0x581: {  	v56 =	vld [tilespmem:s29+$0x70D0];
	[tilespmem:v61+s21+$0x0] =	vst.idx.msk $0xffff, v1  }
0x582: {  	v1 =	vld [tilespmem:s29+$0x7110];
	[tilespmem:v63+s21+$0x0] =	vst.idx.msk $0xffff, v55  }
0x583: {  	v55 =	vld [tilespmem:s29+$0x7150]  }
0x584: {  	v57 =	vadd.s32 v13, v23  }
0x585: {  	v59 =	vadd.s32 v13, v45;
	v2 =	vmul.f32 v2, v54  }
0x586: {  	v61 =	vadd.s32 v13, v47;
	v56 =	vmul.f32 v56, v58  }
0x587: {  	v63 =	vadd.s32 v13, v46;
	v2 =	vadd.f32 v2, v21;
	v1 =	vmul.f32 v1, v60  }
0x588: {  	v56 =	vadd.f32 v56, v30;
	v55 =	vmul.f32 v55, v62  }
0x589: {  	[tilespmem:v57+s21+$0x0] =	vst.idx.msk $0xffff, v2;
	v1 =	vadd.f32 v1, v37  }
0x58a: {  	v2 =	vld [tilespmem:s29+$0x70A0];
	[tilespmem:v59+s21+$0x0] =	vst.idx.msk $0xffff, v56;
	v55 =	vadd.f32 v55, v38  }
0x58b: {  	v56 =	vld [tilespmem:s29+$0x70E0];
	[tilespmem:v61+s21+$0x0] =	vst.idx.msk $0xffff, v1  }
0x58c: {  	v1 =	vld [tilespmem:s29+$0x7120];
	[tilespmem:v63+s21+$0x0] =	vst.idx.msk $0xffff, v55  }
0x58d: {  	v55 =	vld [tilespmem:s29+$0x7160]  }
0x58e: {  	v57 =	vadd.s32 v13, v22  }
0x58f: {  	v59 =	vadd.s32 v13, v48;
	v2 =	vmul.f32 v2, v54  }
0x590: {  	v61 =	vadd.s32 v13, v50;
	v56 =	vmul.f32 v56, v58  }
0x591: {  	v63 =	vadd.s32 v13, v49;
	v2 =	vadd.f32 v2, v19;
	v1 =	vmul.f32 v1, v60  }
0x592: {  	v56 =	vadd.f32 v56, v28;
	v55 =	vmul.f32 v55, v62  }
0x593: {  	[tilespmem:v57+s21+$0x0] =	vst.idx.msk $0xffff, v2;
	v1 =	vadd.f32 v1, v32  }
0x594: {  	v2 =	vld [tilespmem:s29+$0x70B0];
	[tilespmem:v59+s21+$0x0] =	vst.idx.msk $0xffff, v56;
	v55 =	vadd.f32 v55, v35  }
0x595: {  	v56 =	vld [tilespmem:s29+$0x70F0];
	[tilespmem:v61+s21+$0x0] =	vst.idx.msk $0xffff, v1  }
0x596: {  	v1 =	vld [tilespmem:s29+$0x7130];
	[tilespmem:v63+s21+$0x0] =	vst.idx.msk $0xffff, v55  }
0x597: {  	v55 =	vld [tilespmem:s29+$0x7170]  }
0x598: {  	v57 =	vadd.s32 v13, v20  }
0x599: {  	v2 =	vmul.f32 v2, v54;
	v54 =	vadd.s32 v13, v51  }
0x59a: {  	v61 =	vadd.s32 v13, v53;
	v56 =	vmul.f32 v56, v58  }
0x59b: {  	v63 =	vadd.s32 v13, v52;
	v2 =	vadd.f32 v2, v18;
	v1 =	vmul.f32 v1, v60  }
0x59c: {  	v56 =	vadd.f32 v56, v27;
	v55 =	vmul.f32 v55, v62  }
0x59d: {  	[tilespmem:v57+s21+$0x0] =	vst.idx.msk $0xffff, v2;
	v1 =	vadd.f32 v1, v29  }
0x59e: {  	v2 =	vld [tilespmem:s29+$0x7A80];
	[tilespmem:v54+s21+$0x0] =	vst.idx.msk $0xffff, v56;
	v60 =	vadd.f32 v55, v31  }
0x59f: {  	v55 =	vld [tilespmem:s29+$0x7AC0];
	[tilespmem:v61+s21+$0x0] =	vst.idx.msk $0xffff, v1  }
0x5a0: {  	v1 =	vld [tilespmem:s29+$0x7B00];
	[tilespmem:v63+s21+$0x0] =	vst.idx.msk $0xffff, v60  }
0x5a1: {  	v54 =	vbroadcast v25, $0xC;
	v56 =	vld [tilespmem:s29+$0x7B40]  }
0x5a2: {  	v58 =	vbroadcast v34, $0xC;
	v57 =	vor.u32 v14, v26  }
0x5a3: {  	v59 =	vor.u32 v14, v36;
	v60 =	vbroadcast v41, $0xC;
	v2 =	vmul.f32 v2, v54  }
0x5a4: {  	v62 =	vbroadcast v44, $0xC;
	v61 =	vor.u32 v14, v42;
	v55 =	vmul.f32 v55, v58  }
0x5a5: {  	v63 =	vor.u32 v14, v43;
	v2 =	vadd.f32 v2, v24;
	v1 =	vmul.f32 v1, v60  }
0x5a6: {  	v55 =	vadd.f32 v55, v33;
	v56 =	vmul.f32 v56, v62  }
0x5a7: {  	[tilespmem:v57+s21+$0x0] =	vst.idx.msk $0xffff, v2;
	v1 =	vadd.f32 v1, v39  }
0x5a8: {  	v2 =	vld [tilespmem:s29+$0x7A90];
	[tilespmem:v59+s21+$0x0] =	vst.idx.msk $0xffff, v55;
	v55 =	vadd.f32 v56, v40  }
0x5a9: {  	v56 =	vld [tilespmem:s29+$0x7AD0];
	[tilespmem:v61+s21+$0x0] =	vst.idx.msk $0xffff, v1  }
0x5aa: {  	v1 =	vld [tilespmem:s29+$0x7B10];
	[tilespmem:v63+s21+$0x0] =	vst.idx.msk $0xffff, v55  }
0x5ab: {  	v55 =	vld [tilespmem:s29+$0x7B50]  }
0x5ac: {  	v57 =	vadd.s32 v14, v23  }
0x5ad: {  	v59 =	vadd.s32 v14, v45;
	v2 =	vmul.f32 v2, v54  }
0x5ae: {  	v61 =	vadd.s32 v14, v47;
	v56 =	vmul.f32 v56, v58  }
0x5af: {  	v63 =	vadd.s32 v14, v46;
	v2 =	vadd.f32 v2, v21;
	v1 =	vmul.f32 v1, v60  }
0x5b0: {  	v56 =	vadd.f32 v56, v30;
	v55 =	vmul.f32 v55, v62  }
0x5b1: {  	[tilespmem:v57+s21+$0x0] =	vst.idx.msk $0xffff, v2;
	v1 =	vadd.f32 v1, v37  }
0x5b2: {  	v2 =	vld [tilespmem:s29+$0x7AA0];
	[tilespmem:v59+s21+$0x0] =	vst.idx.msk $0xffff, v56;
	v55 =	vadd.f32 v55, v38  }
0x5b3: {  	v56 =	vld [tilespmem:s29+$0x7AE0];
	[tilespmem:v61+s21+$0x0] =	vst.idx.msk $0xffff, v1  }
0x5b4: {  	v1 =	vld [tilespmem:s29+$0x7B20];
	[tilespmem:v63+s21+$0x0] =	vst.idx.msk $0xffff, v55  }
0x5b5: {  	v55 =	vld [tilespmem:s29+$0x7B60]  }
0x5b6: {  	v57 =	vadd.s32 v14, v22  }
0x5b7: {  	v59 =	vadd.s32 v14, v48;
	v2 =	vmul.f32 v2, v54  }
0x5b8: {  	v61 =	vadd.s32 v14, v50;
	v56 =	vmul.f32 v56, v58  }
0x5b9: {  	v63 =	vadd.s32 v14, v49;
	v2 =	vadd.f32 v2, v19;
	v1 =	vmul.f32 v1, v60  }
0x5ba: {  	v56 =	vadd.f32 v56, v28;
	v55 =	vmul.f32 v55, v62  }
0x5bb: {  	[tilespmem:v57+s21+$0x0] =	vst.idx.msk $0xffff, v2;
	v1 =	vadd.f32 v1, v32  }
0x5bc: {  	v2 =	vld [tilespmem:s29+$0x7AB0];
	[tilespmem:v59+s21+$0x0] =	vst.idx.msk $0xffff, v56;
	v55 =	vadd.f32 v55, v35  }
0x5bd: {  	v56 =	vld [tilespmem:s29+$0x7AF0];
	[tilespmem:v61+s21+$0x0] =	vst.idx.msk $0xffff, v1  }
0x5be: {  	v1 =	vld [tilespmem:s29+$0x7B30];
	[tilespmem:v63+s21+$0x0] =	vst.idx.msk $0xffff, v55  }
0x5bf: {  	v55 =	vld [tilespmem:s29+$0x7B70]  }
0x5c0: {  	v57 =	vadd.s32 v14, v20  }
0x5c1: {  	v2 =	vmul.f32 v2, v54;
	v54 =	vadd.s32 v14, v51  }
0x5c2: {  	v61 =	vadd.s32 v14, v53;
	v56 =	vmul.f32 v56, v58  }
0x5c3: {  	v63 =	vadd.s32 v14, v52;
	v2 =	vadd.f32 v2, v18;
	v1 =	vmul.f32 v1, v60  }
0x5c4: {  	v56 =	vadd.f32 v56, v27;
	v55 =	vmul.f32 v55, v62  }
0x5c5: {  	[tilespmem:v57+s21+$0x0] =	vst.idx.msk $0xffff, v2;
	v1 =	vadd.f32 v1, v29  }
0x5c6: {  	v2 =	vld [tilespmem:s29+$0x8480];
	[tilespmem:v54+s21+$0x0] =	vst.idx.msk $0xffff, v56;
	v60 =	vadd.f32 v55, v31  }
0x5c7: {  	v55 =	vld [tilespmem:s29+$0x84C0];
	[tilespmem:v61+s21+$0x0] =	vst.idx.msk $0xffff, v1  }
0x5c8: {  	v1 =	vld [tilespmem:s29+$0x8500];
	[tilespmem:v63+s21+$0x0] =	vst.idx.msk $0xffff, v60  }
0x5c9: {  	v54 =	vbroadcast v25, $0xD;
	v56 =	vld [tilespmem:s29+$0x8540]  }
0x5ca: {  	v58 =	vbroadcast v34, $0xD;
	v57 =	vor.u32 v15, v26  }
0x5cb: {  	v59 =	vor.u32 v15, v36;
	v60 =	vbroadcast v41, $0xD;
	v2 =	vmul.f32 v2, v54  }
0x5cc: {  	v62 =	vbroadcast v44, $0xD;
	v61 =	vor.u32 v15, v42;
	v55 =	vmul.f32 v55, v58  }
0x5cd: {  	v63 =	vor.u32 v15, v43;
	v2 =	vadd.f32 v2, v24;
	v1 =	vmul.f32 v1, v60  }
0x5ce: {  	v55 =	vadd.f32 v55, v33;
	v56 =	vmul.f32 v56, v62  }
0x5cf: {  	[tilespmem:v57+s21+$0x0] =	vst.idx.msk $0xffff, v2;
	v1 =	vadd.f32 v1, v39  }
0x5d0: {  	v2 =	vld [tilespmem:s29+$0x8490];
	[tilespmem:v59+s21+$0x0] =	vst.idx.msk $0xffff, v55;
	v55 =	vadd.f32 v56, v40  }
0x5d1: {  	v56 =	vld [tilespmem:s29+$0x84D0];
	[tilespmem:v61+s21+$0x0] =	vst.idx.msk $0xffff, v1  }
0x5d2: {  	v1 =	vld [tilespmem:s29+$0x8510];
	[tilespmem:v63+s21+$0x0] =	vst.idx.msk $0xffff, v55  }
0x5d3: {  	v55 =	vld [tilespmem:s29+$0x8550]  }
0x5d4: {  	v57 =	vadd.s32 v15, v23  }
0x5d5: {  	v59 =	vadd.s32 v15, v45;
	v2 =	vmul.f32 v2, v54  }
0x5d6: {  	v61 =	vadd.s32 v15, v47;
	v56 =	vmul.f32 v56, v58  }
0x5d7: {  	v63 =	vadd.s32 v15, v46;
	v2 =	vadd.f32 v2, v21;
	v1 =	vmul.f32 v1, v60  }
0x5d8: {  	v56 =	vadd.f32 v56, v30;
	v55 =	vmul.f32 v55, v62  }
0x5d9: {  	[tilespmem:v57+s21+$0x0] =	vst.idx.msk $0xffff, v2;
	v1 =	vadd.f32 v1, v37  }
0x5da: {  	v2 =	vld [tilespmem:s29+$0x84A0];
	[tilespmem:v59+s21+$0x0] =	vst.idx.msk $0xffff, v56;
	v55 =	vadd.f32 v55, v38  }
0x5db: {  	v56 =	vld [tilespmem:s29+$0x84E0];
	[tilespmem:v61+s21+$0x0] =	vst.idx.msk $0xffff, v1  }
0x5dc: {  	v1 =	vld [tilespmem:s29+$0x8520];
	[tilespmem:v63+s21+$0x0] =	vst.idx.msk $0xffff, v55  }
0x5dd: {  	v55 =	vld [tilespmem:s29+$0x8560]  }
0x5de: {  	v57 =	vadd.s32 v15, v22  }
0x5df: {  	v59 =	vadd.s32 v15, v48;
	v2 =	vmul.f32 v2, v54  }
0x5e0: {  	v61 =	vadd.s32 v15, v50;
	v56 =	vmul.f32 v56, v58  }
0x5e1: {  	v63 =	vadd.s32 v15, v49;
	v2 =	vadd.f32 v2, v19;
	v1 =	vmul.f32 v1, v60  }
0x5e2: {  	v56 =	vadd.f32 v56, v28;
	v55 =	vmul.f32 v55, v62  }
0x5e3: {  	[tilespmem:v57+s21+$0x0] =	vst.idx.msk $0xffff, v2;
	v1 =	vadd.f32 v1, v32  }
0x5e4: {  	v2 =	vld [tilespmem:s29+$0x84B0];
	[tilespmem:v59+s21+$0x0] =	vst.idx.msk $0xffff, v56;
	v55 =	vadd.f32 v55, v35  }
0x5e5: {  	v56 =	vld [tilespmem:s29+$0x84F0];
	[tilespmem:v61+s21+$0x0] =	vst.idx.msk $0xffff, v1  }
0x5e6: {  	v1 =	vld [tilespmem:s29+$0x8530];
	[tilespmem:v63+s21+$0x0] =	vst.idx.msk $0xffff, v55  }
0x5e7: {  	v55 =	vld [tilespmem:s29+$0x8570]  }
0x5e8: {  	v57 =	vadd.s32 v15, v20  }
0x5e9: {  	v2 =	vmul.f32 v2, v54;
	v54 =	vadd.s32 v15, v51  }
0x5ea: {  	v61 =	vadd.s32 v15, v53;
	v56 =	vmul.f32 v56, v58  }
0x5eb: {  	v63 =	vadd.s32 v15, v52;
	v2 =	vadd.f32 v2, v18;
	v1 =	vmul.f32 v1, v60  }
0x5ec: {  	v56 =	vadd.f32 v56, v27;
	v55 =	vmul.f32 v55, v62  }
0x5ed: {  	[tilespmem:v57+s21+$0x0] =	vst.idx.msk $0xffff, v2;
	v1 =	vadd.f32 v1, v29  }
0x5ee: {  	v2 =	vld [tilespmem:s29+$0x8E80];
	[tilespmem:v54+s21+$0x0] =	vst.idx.msk $0xffff, v56;
	v60 =	vadd.f32 v55, v31  }
0x5ef: {  	v55 =	vld [tilespmem:s29+$0x8EC0];
	[tilespmem:v61+s21+$0x0] =	vst.idx.msk $0xffff, v1  }
0x5f0: {  	v1 =	vld [tilespmem:s29+$0x8F00];
	[tilespmem:v63+s21+$0x0] =	vst.idx.msk $0xffff, v60  }
0x5f1: {  	v54 =	vbroadcast v25, $0xE;
	v56 =	vld [tilespmem:s29+$0x8F40]  }
0x5f2: {  	v58 =	vbroadcast v34, $0xE;
	v57 =	vor.u32 v16, v26  }
0x5f3: {  	v59 =	vor.u32 v16, v36;
	v60 =	vbroadcast v41, $0xE;
	v2 =	vmul.f32 v2, v54  }
0x5f4: {  	v62 =	vbroadcast v44, $0xE;
	v61 =	vor.u32 v16, v42;
	v55 =	vmul.f32 v55, v58  }
0x5f5: {  	v63 =	vor.u32 v16, v43;
	v2 =	vadd.f32 v2, v24;
	v1 =	vmul.f32 v1, v60  }
0x5f6: {  	v55 =	vadd.f32 v55, v33;
	v56 =	vmul.f32 v56, v62  }
0x5f7: {  	[tilespmem:v57+s21+$0x0] =	vst.idx.msk $0xffff, v2;
	v1 =	vadd.f32 v1, v39  }
0x5f8: {  	v2 =	vld [tilespmem:s29+$0x8E90];
	[tilespmem:v59+s21+$0x0] =	vst.idx.msk $0xffff, v55;
	v55 =	vadd.f32 v56, v40  }
0x5f9: {  	v56 =	vld [tilespmem:s29+$0x8ED0];
	[tilespmem:v61+s21+$0x0] =	vst.idx.msk $0xffff, v1  }
0x5fa: {  	v1 =	vld [tilespmem:s29+$0x8F10];
	[tilespmem:v63+s21+$0x0] =	vst.idx.msk $0xffff, v55  }
0x5fb: {  	v55 =	vld [tilespmem:s29+$0x8F50]  }
0x5fc: {  	v57 =	vadd.s32 v16, v23  }
0x5fd: {  	v59 =	vadd.s32 v16, v45;
	v2 =	vmul.f32 v2, v54  }
0x5fe: {  	v61 =	vadd.s32 v16, v47;
	v56 =	vmul.f32 v56, v58  }
0x5ff: {  	v63 =	vadd.s32 v16, v46;
	v2 =	vadd.f32 v2, v21;
	v1 =	vmul.f32 v1, v60  }
0x600: {  	v56 =	vadd.f32 v56, v30;
	v55 =	vmul.f32 v55, v62  }
0x601: {  	[tilespmem:v57+s21+$0x0] =	vst.idx.msk $0xffff, v2;
	v1 =	vadd.f32 v1, v37  }
0x602: {  	v2 =	vld [tilespmem:s29+$0x8EA0];
	[tilespmem:v59+s21+$0x0] =	vst.idx.msk $0xffff, v56;
	v55 =	vadd.f32 v55, v38  }
0x603: {  	v56 =	vld [tilespmem:s29+$0x8EE0];
	[tilespmem:v61+s21+$0x0] =	vst.idx.msk $0xffff, v1  }
0x604: {  	v1 =	vld [tilespmem:s29+$0x8F20];
	[tilespmem:v63+s21+$0x0] =	vst.idx.msk $0xffff, v55  }
0x605: {  	v55 =	vld [tilespmem:s29+$0x8F60]  }
0x606: {  	v57 =	vadd.s32 v16, v22  }
0x607: {  	v59 =	vadd.s32 v16, v48;
	v2 =	vmul.f32 v2, v54  }
0x608: {  	v61 =	vadd.s32 v16, v50;
	v56 =	vmul.f32 v56, v58  }
0x609: {  	v63 =	vadd.s32 v16, v49;
	v2 =	vadd.f32 v2, v19;
	v1 =	vmul.f32 v1, v60  }
0x60a: {  	v56 =	vadd.f32 v56, v28;
	v55 =	vmul.f32 v55, v62  }
0x60b: {  	[tilespmem:v57+s21+$0x0] =	vst.idx.msk $0xffff, v2;
	v1 =	vadd.f32 v1, v32  }
0x60c: {  	[tilespmem:v59+s21+$0x0] =	vst.idx.msk $0xffff, v56;
	v2 =	vld [tilespmem:s29+$0x8EB0];
	v55 =	vadd.f32 v55, v35  }
0x60d: {  	[tilespmem:v61+s21+$0x0] =	vst.idx.msk $0xffff, v1;
	v1 =	vld [tilespmem:s29+$0x8EF0]  }
0x60e: {  	v56 =	vld [tilespmem:s29+$0x8F30];
	[tilespmem:v63+s21+$0x0] =	vst.idx.msk $0xffff, v55  }
0x60f: {  	v55 =	vld [tilespmem:s29+$0x8F70]  }
0x610: {  	v57 =	vadd.s32 v16, v20  }
0x611: {  	v2 =	vmul.f32 v2, v54;
	v54 =	vadd.s32 v16, v51  }
0x612: {  	v61 =	vadd.s32 v16, v53;
	v1 =	vmul.f32 v1, v58  }
0x613: {  	v63 =	vadd.s32 v16, v52;
	v2 =	vadd.f32 v2, v18;
	v56 =	vmul.f32 v56, v60  }
0x614: {  	v55 =	vmul.f32 v55, v62;
	v1 =	vadd.f32 v1, v27  }
0x615: {  	[tilespmem:v57+s21+$0x0] =	vst.idx.msk $0xffff, v2;
	v2 =	vadd.f32 v56, v29  }
0x616: {  	[tilespmem:v54+s21+$0x0] =	vst.idx.msk $0xffff, v1;
	v1 =	vld [tilespmem:s29+$0x9880];
	v57 =	vadd.f32 v55, v31  }
0x617: {  	[tilespmem:v61+s21+$0x0] =	vst.idx.msk $0xffff, v2;
	v2 =	vld [tilespmem:s29+$0x98C0]  }
0x618: {  	[tilespmem:v63+s21+$0x0] =	vst.idx.msk $0xffff, v57;
	v60 =	vld [tilespmem:s29+$0x9900]  }
0x619: {  	v25 =	vbroadcast v25, $0xF;
	v61 =	vld [tilespmem:s29+$0x9940]  }
0x61a: {  	v34 =	vbroadcast v34, $0xF;
	v26 =	vor.u32 v17, v26  }
0x61b: {  	v36 =	vor.u32 v17, v36;
	v41 =	vbroadcast v41, $0xF;
	v1 =	vmul.f32 v1, v25  }
0x61c: {  	v44 =	vbroadcast v44, $0xF;
	v42 =	vor.u32 v17, v42;
	v2 =	vmul.f32 v2, v34  }
0x61d: {  	v43 =	vor.u32 v17, v43;
	v1 =	vadd.f32 v1, v24;
	v62 =	vmul.f32 v60, v41  }
0x61e: {  	v2 =	vadd.f32 v2, v33;
	v63 =	vmul.f32 v61, v44  }
0x61f: {  	[tilespmem:v26+s21+$0x0] =	vst.idx.msk $0xffff, v1;
	v1 =	vadd.f32 v62, v39  }
0x620: {  	[tilespmem:v36+s21+$0x0] =	vst.idx.msk $0xffff, v2;
	v2 =	vadd.f32 v63, v40;
	v39 =	vld [tilespmem:s29+$0x9890]  }
0x621: {  	[tilespmem:v42+s21+$0x0] =	vst.idx.msk $0xffff, v1;
	v1 =	vld [tilespmem:s29+$0x98D0]  }
0x622: {  	[tilespmem:v43+s21+$0x0] =	vst.idx.msk $0xffff, v2;
	v2 =	vld [tilespmem:s29+$0x9910]  }
0x623: {  	v54 =	vld [tilespmem:s29+$0x9950]  }
0x624: {  	v23 =	vadd.s32 v17, v23  }
0x625: {  	v55 =	vadd.s32 v17, v45;
	v24 =	vmul.f32 v39, v25  }
0x626: {  	v56 =	vadd.s32 v17, v47;
	v1 =	vmul.f32 v1, v34  }
0x627: {  	v57 =	vadd.s32 v17, v46;
	v21 =	vadd.f32 v24, v21;
	v2 =	vmul.f32 v2, v41  }
0x628: {  	v1 =	vadd.f32 v1, v30;
	v26 =	vmul.f32 v54, v44  }
0x629: {  	[tilespmem:v23+s21+$0x0] =	vst.idx.msk $0xffff, v21;
	v2 =	vadd.f32 v2, v37  }
0x62a: {  	[tilespmem:v55+s21+$0x0] =	vst.idx.msk $0xffff, v1;
	v1 =	vadd.f32 v26, v38;
	v21 =	vld [tilespmem:s29+$0x98A0]  }
0x62b: {  	[tilespmem:v56+s21+$0x0] =	vst.idx.msk $0xffff, v2;
	v2 =	vld [tilespmem:s29+$0x98E0]  }
0x62c: {  	[tilespmem:v57+s21+$0x0] =	vst.idx.msk $0xffff, v1;
	v1 =	vld [tilespmem:s29+$0x9920]  }
0x62d: {  	v58 =	vld [tilespmem:s29+$0x9960]  }
0x62e: {  	v22 =	vadd.s32 v17, v22  }
0x62f: {  	v59 =	vadd.s32 v17, v48;
	v21 =	vmul.f32 v21, v25  }
0x630: {  	v60 =	vadd.s32 v17, v50;
	v2 =	vmul.f32 v2, v34  }
0x631: {  	v61 =	vadd.s32 v17, v49;
	v19 =	vadd.f32 v21, v19;
	v1 =	vmul.f32 v1, v41  }
0x632: {  	v2 =	vadd.f32 v2, v28;
	v23 =	vmul.f32 v58, v44  }
0x633: {  	[tilespmem:v22+s21+$0x0] =	vst.idx.msk $0xffff, v19;
	v1 =	vadd.f32 v1, v32  }
0x634: {  	[tilespmem:v59+s21+$0x0] =	vst.idx.msk $0xffff, v2;
	v2 =	vadd.f32 v23, v35;
	v19 =	vld [tilespmem:s29+$0x98B0]  }
0x635: {  	[tilespmem:v60+s21+$0x0] =	vst.idx.msk $0xffff, v1;
	v1 =	vld [tilespmem:s29+$0x98F0]  }
0x636: {  	[tilespmem:v61+s21+$0x0] =	vst.idx.msk $0xffff, v2;
	v2 =	vld [tilespmem:s29+$0x9930]  }
0x637: {  	v21 =	vld [tilespmem:s29+$0x9970]  }
0x638: {  	v20 =	vadd.s32 v17, v20  }
0x639: {  	v62 =	vadd.s32 v17, v51;
	v19 =	vmul.f32 v19, v25  }
0x63a: {  	v63 =	vadd.s32 v17, v53;
	v1 =	vmul.f32 v1, v34  }
0x63b: {  	p0 =	slt.u32 s28, $0x24;
	v18 =	vadd.f32 v19, v18;
	v2 =	vmul.f32 v2, v41;
	v19 =	vadd.s32 v17, v52  }
.Ltmp2:
0x63c: {  	v1 =	vadd.f32 v1, v27;
	v21 =	vmul.f32 v21, v44;
	(pc) =	sbr.rel @p0 .LBB2_7-.Ltmp2, $4  }
0x63d: {  	[tilespmem:v20+s21+$0x0] =	vst.idx.msk $0xffff, v18;
	v2 =	vadd.f32 v2, v29  }
0x63e: {  	[tilespmem:v62+s21+$0x0] =	vst.idx.msk $0xffff, v1;
	v1 =	vadd.f32 v21, v31  }
0x63f: {  	s31 =	sadd.s32 $0x4, s28;
	[tilespmem:v63+s21+$0x0] =	vst.idx.msk $0xffff, v2  }
0x640: {  	s28 =	smov.u32 s31;
	v40 =	vimm.f32 $1.000000000e+00;
	v31 =	vld [tilespmem:$0x1FFF0];
	[tilespmem:v19+s21+$0x0] =	vst.idx.msk $0xffff, v1  }
0x641: {  	s0 =	smul.u32 $0xA00000, s24;
	_ =	sdelay $0x1  }
0x642: {  	s0 =	sor.u32 s0, s25  }
0x643: {  	s0 =	sshrl.u32 s0, $0x3  }
0x644: {  	s2 =	simm.s32 $0xA280;
	s24 =	simm.s32 $0x60;
	s0 =	sadd.s32 s7, s0  }
0x645: {  	[hbm4b:s0+s3] =	stream.linear.scatter [tilespmem:s2], [sflag:$0x2], $0x10, $0x38;
	[tilespmem:$0x1D280] =	vst v63  }
.LBB2_9:
0x646: {  	p0 =	seq.s32 s24, $0x3BFA0  }
.Ltmp3:
0x647: {  	_ = 	snop;
	(pc) =	sbr.rel @!p0 .LBB2_9-.Ltmp3, $4  }
0x648: {  	_ = 	snop  }
0x649: {  	s2 =	sshra.s32 s24, $0x2;
	s24 =	sadd.s32 $0x60, s24  }
0x64a: {  	s0 =	sadd.s32 $0x200, s0;
	s2 =	sadd.s32 $0xA280, s2  }
0x64b: {  	[hbm4b:s0+s3] =	stream.linear.scatter [tilespmem:s2], [sflag:$0x2], $0x10, $0x38;
	[tilespmem:$0x1D280] =	vst v63  }
0x64c: {  	p0 =	seq.s32 s23, $0x27  }
.Ltmp4:
0x64d: {  	_ = 	snop;
	(pc) =	sbr.rel @!p0 .LBB2_6-.Ltmp4, $1  }
0x64e: {  	_ =	sdelay $0x3  }
0x64f: {  	_ =	swait.ge [sflag:s22], $0xA000  }
0x650: {  	s2 =	rddreg [dreg:$0x7]  }
0x651: {  	s0 =	rddreg [dreg:$0x6];
	s2 =	sadd.s32 $0x1, s2  }
0x652: {  	p0 =	sne.s32 s2, s0  }
.Ltmp5:
0x653: {  	_ = 	snop;
	(pc) =	sbr.rel @p0 .LBB2_1-.Ltmp5, $3  }
0x654: {  	_ =	sdelay $0x1  }
0x655: {  	[sflag:s22] =	ssyncset.done $0x0  }
0x656: {  	[sflag:s22] =	ssyncadd.s32 $0xFFFF6000  }
0x657: {  	_ =	sfence.sel $0x180000  }
0x658: {  	[bflag:$0x0] =	sbarrier.arrive $0xFFFF  }
0x659: {  	_ =	strace $0x90000047  }
0x65a: {  	s0 =	stileid.u32;
	[bflag:$0x2] =	sbarrier.arrive $0xFFFF  }
0x65b: {  	p0 =	sne.s32 s0, $0x0;
	s0 =	rddreg [dreg:$0x2]  }
0x65c: {  	s0 =	sadd.s32 @!p0 $0x100000, s0  }
0x65d: {  	[sflag:s0] =	ssyncadd.tile.s32 @!p0 $0x1;
	_ =	shalt  }
.Lfunc_end2:
_tile_overlayer_lowered:
.L_overlay_start_2:
0x65e: {  	(tag) =	ssettag $0x2  }
0x65f: {  	s0 =	rddreg [dreg:$0x0];
	s2 =	stileid.u32  }
0x660: {  	s1 =	rddreg [dreg:$0x1];
	p0 =	sne.s32 s2, $0x0  }
0x661: {  	s3 =	rddreg [dreg:$0x2];
	[bflag:$0x3] =	sbarrier.arrive $0xFFFF;
	s2 =	simm.s32 @!p0 $0x1C03  }
0x662: {  	[timem:s3], [sflag:s2] =	dma.local @!p0 [hbm:s0], s1  }
0x663: {  	s0 =	simm.s32 @!p0 $0x3  }
0x664: {  	_ =	swait.ge @!p0 [sflag:s0], s1  }
0x665: {  	s1 =	ssub.s32 @!p0 $0x0, s1;
	[sflag:s0] =	ssyncset.done @!p0 $0x0  }
0x666: {  	[sflag:s0] =	ssyncadd.s32 @!p0 s1  }
0x667: {  	[bflag:$0x3] =	sbarrier.arrive $0xFFFF  }
0x668: {  	_ =	shalt  }

</sc_bundles>
